<compile_context>
chip_gen: v7x
topology: tpu7x:2x2x1
jax: 0.10.2.dev20260603
libtpu: 0.0.44.dev20260713+nightly
codegen_flags: <defaults>
</compile_context>

<pallas_src>
import jax
import jax.numpy as jnp
from jax import lax
from jax.experimental import pallas as pl
from jax.experimental.pallas import tpu as pltpu, tpu_sc as plsc

B, N, M, C, K = 8, 65536, 4096, 64, 32
MK = M * K
CH = C + 3
NT = B * CH

NC, NS, L = 2, 16, 16
NW = NC * NS
TASKS_PER_W = (NT + NW - 1) // NW

CE = 8192
NCHUNK = MK // CE
NV = CE // L
KV = K // L


def _qag_kernel(xyz_t, nxyz_t, feat, idx3, nf, gx,
                table_v, idx_v0, idx_v1, outa_v0, outa_v1,
                outb_v0, outb_v1, cen_v,
                sem_t, sem_c, sem_i0, sem_i1, sem_o0, sem_o1, sem_b0, sem_b1):
    cid = lax.axis_index("c")
    sid = lax.axis_index("s")
    wid = sid * NC + cid

    idx_v = (idx_v0, idx_v1)
    outa_v = (outa_v0, outa_v1)
    outb_v = (outb_v0, outb_v1)
    sem_i = (sem_i0, sem_i1)
    sem_o = (sem_o0, sem_o1)
    sem_b = (sem_b0, sem_b1)

    def gather_chunk(iv_ref, oa_ref):
        @plsc.parallel_loop(0, NV, 1, unroll=8)
        def _(i):
            iv = iv_ref[pl.ds(i * L, L)]
            oa_ref[pl.ds(i * L, L)] = plsc.load_gather(table_v, [iv])

    def gather_diff_chunk(iv_ref, oa_ref, ob_ref, h):
        m_base = h * (CE // K)

        def _body(r, carry):
            mi = lax.broadcast(m_base + r, (L,))
            cen = plsc.load_gather(cen_v, [mi])
            for j in range(KV):
                e = (r * KV + j) * L
                iv = iv_ref[pl.ds(e, L)]
                raw = plsc.load_gather(table_v, [iv])
                oa_ref[pl.ds(e, L)] = raw
                ob_ref[pl.ds(e, L)] = raw - cen
            return carry
        lax.fori_loop(0, CE // K, _body, 0, unroll=False)

    def run_task(ti, carry):
        t = wid + ti * NW

        @pl.when(t < NT)
        def _():
            b = t // CH
            ch = t - b * CH
            is_xyz = ch < 3

            def idx_src(h):
                return idx3.at[b, pl.ds(h * CE, CE)]

            @pl.when(jnp.logical_not(is_xyz))
            def _feat():
                tc = pltpu.async_copy(feat.at[b, ch - 3], table_v, sem_t)
                pltpu.async_copy(idx_src(0), idx_v[0], sem_i[0])
                tc.wait()
                for h in range(NCHUNK):
                    p = h % 2
                    if h + 1 < NCHUNK:
                        pltpu.async_copy(idx_src(h + 1), idx_v[(h + 1) % 2],
                                         sem_i[(h + 1) % 2])
                    pltpu.make_async_copy(idx_src(h), idx_v[p], sem_i[p]).wait()
                    if h >= 2:
                        pltpu.make_async_copy(
                            outa_v[p],
                            nf.at[b, ch, pl.ds((h - 2) * CE, CE)],
                            sem_o[p]).wait()
                    gather_chunk(idx_v[p], outa_v[p])
                    pltpu.async_copy(
                        outa_v[p], nf.at[b, ch, pl.ds(h * CE, CE)],
                        sem_o[p])
                for h in (NCHUNK - 2, NCHUNK - 1):
                    p = h % 2
                    pltpu.make_async_copy(
                        outa_v[p], nf.at[b, ch, pl.ds(h * CE, CE)],
                        sem_o[p]).wait()

            @pl.when(is_xyz)
            def _xyz():
                tc = pltpu.async_copy(xyz_t.at[b, ch], table_v, sem_t)
                cc = pltpu.async_copy(nxyz_t.at[b, ch], cen_v, sem_c)
                pltpu.async_copy(idx_src(0), idx_v[0], sem_i[0])
                tc.wait()
                cc.wait()
                for h in range(NCHUNK):
                    p = h % 2
                    if h + 1 < NCHUNK:
                        pltpu.async_copy(idx_src(h + 1), idx_v[(h + 1) % 2],
                                         sem_i[(h + 1) % 2])
                    pltpu.make_async_copy(idx_src(h), idx_v[p], sem_i[p]).wait()
                    if h >= 2:
                        pltpu.make_async_copy(
                            outa_v[p],
                            gx.at[b, ch, pl.ds((h - 2) * CE, CE)],
                            sem_o[p]).wait()
                        pltpu.make_async_copy(
                            outb_v[p],
                            nf.at[b, ch, pl.ds((h - 2) * CE, CE)],
                            sem_b[p]).wait()
                    gather_diff_chunk(idx_v[p], outa_v[p], outb_v[p], h)
                    pltpu.async_copy(
                        outa_v[p], gx.at[b, ch, pl.ds(h * CE, CE)],
                        sem_o[p])
                    pltpu.async_copy(
                        outb_v[p], nf.at[b, ch, pl.ds(h * CE, CE)],
                        sem_b[p])
                for h in (NCHUNK - 2, NCHUNK - 1):
                    p = h % 2
                    pltpu.make_async_copy(
                        outa_v[p], gx.at[b, ch, pl.ds(h * CE, CE)],
                        sem_o[p]).wait()
                    pltpu.make_async_copy(
                        outb_v[p], nf.at[b, ch, pl.ds(h * CE, CE)],
                        sem_b[p]).wait()

        return carry

    lax.fori_loop(0, TASKS_PER_W, run_task, 0, unroll=False)


@jax.jit
def kernel(xyz, new_xyz, features, idx):
    xyz_t = jnp.transpose(xyz, (0, 2, 1))
    nxyz_t = jnp.transpose(new_xyz, (0, 2, 1))
    idx3 = idx.astype(jnp.int32).reshape(B, MK)

    mesh = plsc.VectorSubcoreMesh(core_axis_name="c", subcore_axis_name="s")
    nf, gx = pl.kernel(
        _qag_kernel,
        out_type=(
            jax.ShapeDtypeStruct((B, CH, MK), jnp.float32),
            jax.ShapeDtypeStruct((B, 3, MK), jnp.float32),
        ),
        mesh=mesh,
        scratch_types=[
            pltpu.VMEM((N,), jnp.float32),
            pltpu.VMEM((CE,), jnp.int32),
            pltpu.VMEM((CE,), jnp.int32),
            pltpu.VMEM((CE,), jnp.float32),
            pltpu.VMEM((CE,), jnp.float32),
            pltpu.VMEM((CE,), jnp.float32),
            pltpu.VMEM((CE,), jnp.float32),
            pltpu.VMEM((M,), jnp.float32),
            pltpu.SemaphoreType.DMA,
            pltpu.SemaphoreType.DMA,
            pltpu.SemaphoreType.DMA,
            pltpu.SemaphoreType.DMA,
            pltpu.SemaphoreType.DMA,
            pltpu.SemaphoreType.DMA,
            pltpu.SemaphoreType.DMA,
            pltpu.SemaphoreType.DMA,
        ],
        compiler_params=pltpu.CompilerParams(needs_layout_passes=False),
    )(xyz_t, nxyz_t, features, idx3)

    new_features = nf.reshape(B, CH, M, K)
    grouped_xyz = gx.reshape(B, 3, M, K)
    return new_features, grouped_xyz

# --- scband reference (transcript-rebuilt; emitter-appended) ---
"""Pipeline reference for scband-query-and-group-87101936763058 (READ-ONLY COPY).

The authoritative reference and input builder live on the scoring server;
editing this copy changes nothing except your own understanding.
"""

import jax, jax.numpy as jnp
import numpy as np


def grouping_operation(features, idx):
    # features: (b, c, n), idx: (b, m, k) -> (b, c, m, k)
    b, c, n = features.shape
    _, m, k = idx.shape
    idx_flat = idx.reshape(b, 1, m * k)
    idx_b = jnp.broadcast_to(idx_flat, (b, c, m * k))
    out = jnp.take_along_axis(features, idx_b, axis=2)
    return out.reshape(b, c, m, k)


def setup_inputs(seed: int = 0) -> dict:
    key = jax.random.key(seed)
    k1, k2, k3, k4 = jax.random.split(key, 4)
    b, n, m, c, k = 8, 65536, 4096, 64, 32
    xyz = jax.random.normal(k1, (b, n, 3), dtype=jnp.float32)
    new_xyz = jax.random.normal(k2, (b, m, 3), dtype=jnp.float32)
    features = jax.random.normal(k3, (b, c, n), dtype=jnp.float32)
    idx = jax.random.randint(k4, (b, m, k), 0, n, dtype=jnp.int64)
    return {"xyz": xyz, "new_xyz": new_xyz, "features": features, "idx": idx}


def reference(xyz, new_xyz, features, idx):
    # QueryAndGroup.forward with idx precomputed (radius=None path skipped),
    # use_xyz=True, return_idx=False
    grouped_xyz = grouping_operation(jnp.transpose(xyz, (0, 2, 1)), idx)  # (b,3,m,k)
    grouped_xyz_diff = grouped_xyz - jnp.transpose(new_xyz, (0, 2, 1))[..., None]
    grouped_features = grouping_operation(features, idx)  # (b,c,m,k)
    new_features = jnp.concatenate([grouped_xyz_diff, grouped_features], axis=1)  # (b,c+3,m,k)
    return (new_features, grouped_xyz)

if __name__ == "__main__":
    import jax
    _d = setup_inputs()
    print(jax.jit(kernel)(*tuple(_d.values())))

</pallas_src>

<mosaic_0001>
#map = affine_map<(d0, d1) -> (0, 0, 0)>
#map1 = affine_map<(d0, d1) -> (0, 0)>
module attributes {stable_mosaic.version = 14 : i64} {
  func.func @_qag_kernel(%arg0: i32, %arg1: i32, %arg2: memref<8x3x65536xf32, #tpu.memory_space<hbm>>, %arg3: memref<8x3x4096xf32, #tpu.memory_space<hbm>>, %arg4: memref<8x64x65536xf32, #tpu.memory_space<hbm>>, %arg5: memref<8x131072xi32, #tpu.memory_space<hbm>>, %arg6: memref<8x67x131072xf32, #tpu.memory_space<hbm>>, %arg7: memref<8x3x131072xf32, #tpu.memory_space<hbm>>, %arg8: memref<65536xf32, #tpu.memory_space<vmem>>, %arg9: memref<8192xi32, #tpu.memory_space<vmem>>, %arg10: memref<8192xi32, #tpu.memory_space<vmem>>, %arg11: memref<8192xf32, #tpu.memory_space<vmem>>, %arg12: memref<8192xf32, #tpu.memory_space<vmem>>, %arg13: memref<8192xf32, #tpu.memory_space<vmem>>, %arg14: memref<8192xf32, #tpu.memory_space<vmem>>, %arg15: memref<4096xf32, #tpu.memory_space<vmem>>, %arg16: memref<!tpu.dma_semaphore, #tpu.memory_space<semaphore_mem>>, %arg17: memref<!tpu.dma_semaphore, #tpu.memory_space<semaphore_mem>>, %arg18: memref<!tpu.dma_semaphore, #tpu.memory_space<semaphore_mem>>, %arg19: memref<!tpu.dma_semaphore, #tpu.memory_space<semaphore_mem>>, %arg20: memref<!tpu.dma_semaphore, #tpu.memory_space<semaphore_mem>>, %arg21: memref<!tpu.dma_semaphore, #tpu.memory_space<semaphore_mem>>, %arg22: memref<!tpu.dma_semaphore, #tpu.memory_space<semaphore_mem>>, %arg23: memref<!tpu.dma_semaphore, #tpu.memory_space<semaphore_mem>>) attributes {dimension_semantics = [#tpu.dimension_semantics<core_parallel>, #tpu.dimension_semantics<subcore_parallel>], iteration_bounds = array<i64: 2, 16>, scalar_prefetch = 0 : i64, scratch_operands = 16 : i64, tpu.core_type = #tpu.core_type<sc_vector_subcore>, window_params = [{transform_indices = #map}, {transform_indices = #map}, {transform_indices = #map}, {transform_indices = #map1}, {transform_indices = #map}, {transform_indices = #map}]} {
    %mul3A = arith.constant 2 : i32
    %mul3A_0 = arith.muli %arg1, %mul3A : i32
    %add3A = arith.addi %mul3A_0, %arg0 : i32
    %scan3A = arith.constant 0 : i32
    %scan3A_1 = arith.constant 0 : i32
    %scan3A_2 = arith.constant 17 : i32
    %scan3A_3 = arith.addi %scan3A_1, %scan3A_2 : i32
    %scan3A_4 = arith.constant 1 : i32
    scf.for %scan3A_6 = %scan3A_1 to %scan3A_3 step %scan3A_4  : i32 {
      %mul3A_7 = arith.constant 32 : i32
      %mul3A_8 = arith.muli %scan3A_6, %mul3A_7 : i32
      %add3A_9 = arith.addi %add3A, %mul3A_8 : i32
      %lt3A = arith.constant 536 : i32
      %lt3A_10 = arith.cmpi slt, %add3A_9, %lt3A : i32
      %convert_element_type3A = arith.extui %lt3A_10 : i1 to i32
      %cond3A = arith.constant 0 : i32
      %cond3A_11 = arith.cmpi ne, %convert_element_type3A, %cond3A : i32
      scf.if %cond3A_11 {
        %jit3A = arith.constant 67 : i32
        %div3A = arith.divsi %add3A_9, %jit3A : i32
        %sign3A = arith.constant 0 : i32
        %sign3A_12 = arith.cmpi sgt, %add3A_9, %sign3A : i32
        %sign3A_13 = arith.extui %sign3A_12 : i1 to i32
        %sign3A_14 = arith.constant 0 : i32
        %sign3A_15 = arith.cmpi slt, %add3A_9, %sign3A_14 : i32
        %sign3A_16 = arith.extui %sign3A_15 : i1 to i32
        %sign3A_17 = arith.subi %sign3A_13, %sign3A_16 : i32
        %sign3A_18 = arith.constant 0 : i32
        %sign3A_19 = arith.cmpi sgt, %jit3A, %sign3A_18 : i32
        %sign3A_20 = arith.extui %sign3A_19 : i1 to i32
        %sign3A_21 = arith.constant 0 : i32
        %sign3A_22 = arith.cmpi slt, %jit3A, %sign3A_21 : i32
        %sign3A_23 = arith.extui %sign3A_22 : i1 to i32
        %sign3A_24 = arith.subi %sign3A_20, %sign3A_23 : i32
        %ne3A = arith.cmpi ne, %sign3A_17, %sign3A_24 : i32
        %rem3A = arith.remsi %add3A_9, %jit3A : i32
        %ne3A_25 = arith.constant 0 : i32
        %ne3A_26 = arith.cmpi ne, %rem3A, %ne3A_25 : i32
        %and3A = arith.andi %ne3A, %ne3A_26 : i1
        %sub3A = arith.constant 1 : i32
        %sub3A_27 = arith.subi %div3A, %sub3A : i32
        %select_n3A = arith.select %and3A, %sub3A_27, %div3A : i32
        %mul3A_28 = arith.constant 67 : i32
        %mul3A_29 = arith.muli %select_n3A, %mul3A_28 : i32
        %sub3A_30 = arith.subi %add3A_9, %mul3A_29 : i32
        %lt3A_31 = arith.constant 3 : i32
        %lt3A_32 = arith.cmpi slt, %sub3A_30, %lt3A_31 : i32
        %not3A = arith.constant true
        %not3A_33 = arith.xori %lt3A_32, %not3A : i1
        %convert_element_type3A_34 = arith.extui %not3A_33 : i1 to i32
        %cond3A_35 = arith.constant 0 : i32
        %cond3A_36 = arith.cmpi ne, %convert_element_type3A_34, %cond3A_35 : i32
        scf.if %cond3A_36 {
          %sub3A_40 = arith.constant 3 : i32
          %sub3A_41 = arith.subi %sub3A_30, %sub3A_40 : i32
          %dma_start3A = arith.constant 0 : i32
          %dma_start3A_42 = tpu.memref_slice %arg4[%select_n3A, %sub3A_41, %dma_start3A] : memref<8x64x65536xf32, #tpu.memory_space<hbm>> -> memref<1x1x65536xf32, #tpu.memory_space<hbm>>
          %dma_start3A_43 = tpu.memref_squeeze %dma_start3A_42 : memref<1x1x65536xf32, #tpu.memory_space<hbm>> -> memref<65536xf32, #tpu.memory_space<hbm>>
          %dma_start3A_44 = arith.constant 0 : i32
          %dma_start3A_45 = tpu.memref_slice %arg4[%select_n3A, %sub3A_41, %dma_start3A_44] : memref<8x64x65536xf32, #tpu.memory_space<hbm>> -> memref<1x1x65536xf32, #tpu.memory_space<hbm>>
          %dma_start3A_46 = tpu.memref_squeeze %dma_start3A_45 : memref<1x1x65536xf32, #tpu.memory_space<hbm>> -> memref<65536xf32, #tpu.memory_space<hbm>>
          tpu.enqueue_dma source(%dma_start3A_46 : memref<65536xf32, #tpu.memory_space<hbm>>) target(%arg8 : memref<65536xf32, #tpu.memory_space<vmem>>) target_semaphore(%arg16 : memref<!tpu.dma_semaphore, #tpu.memory_space<semaphore_mem>>)
          %dma_start3A_47 = arith.constant 0 : i32
          %dma_start3A_48 = tpu.memref_slice %arg5[%select_n3A, %dma_start3A_47] : memref<8x131072xi32, #tpu.memory_space<hbm>> -> memref<1x8192xi32, #tpu.memory_space<hbm>>
          %dma_start3A_49 = tpu.memref_squeeze %dma_start3A_48 : memref<1x8192xi32, #tpu.memory_space<hbm>> -> memref<8192xi32, #tpu.memory_space<hbm>>
          %dma_start3A_50 = arith.constant 0 : i32
          %dma_start3A_51 = tpu.memref_slice %arg5[%select_n3A, %dma_start3A_50] : memref<8x131072xi32, #tpu.memory_space<hbm>> -> memref<1x8192xi32, #tpu.memory_space<hbm>>
          %dma_start3A_52 = tpu.memref_squeeze %dma_start3A_51 : memref<1x8192xi32, #tpu.memory_space<hbm>> -> memref<8192xi32, #tpu.memory_space<hbm>>
          tpu.enqueue_dma source(%dma_start3A_52 : memref<8192xi32, #tpu.memory_space<hbm>>) target(%arg9 : memref<8192xi32, #tpu.memory_space<vmem>>) target_semaphore(%arg18 : memref<!tpu.dma_semaphore, #tpu.memory_space<semaphore_mem>>)
          %dma_wait3A = arith.constant 0 : i32
          %dma_wait3A_53 = tpu.memref_slice %arg4[%select_n3A, %sub3A_41, %dma_wait3A] : memref<8x64x65536xf32, #tpu.memory_space<hbm>> -> memref<1x1x65536xf32, #tpu.memory_space<hbm>>
          %dma_wait3A_54 = tpu.memref_squeeze %dma_wait3A_53 : memref<1x1x65536xf32, #tpu.memory_space<hbm>> -> memref<65536xf32, #tpu.memory_space<hbm>>
          %dma_wait3A_55 = arith.constant 0 : i32
          %dma_wait3A_56 = tpu.memref_slice %arg4[%select_n3A, %sub3A_41, %dma_wait3A_55] : memref<8x64x65536xf32, #tpu.memory_space<hbm>> -> memref<1x1x65536xf32, #tpu.memory_space<hbm>>
          %dma_wait3A_57 = tpu.memref_squeeze %dma_wait3A_56 : memref<1x1x65536xf32, #tpu.memory_space<hbm>> -> memref<65536xf32, #tpu.memory_space<hbm>>
          tpu.wait_dma2 semaphore(%arg16 : memref<!tpu.dma_semaphore, #tpu.memory_space<semaphore_mem>>) src(%dma_wait3A_57 : memref<65536xf32, #tpu.memory_space<hbm>>) dst(%arg8 : memref<65536xf32, #tpu.memory_space<vmem>>)
          %dma_start3A_58 = arith.constant 8192 : i32
          %dma_start3A_59 = tpu.memref_slice %arg5[%select_n3A, %dma_start3A_58] : memref<8x131072xi32, #tpu.memory_space<hbm>> -> memref<1x8192xi32, #tpu.memory_space<hbm>>
          %dma_start3A_60 = tpu.memref_squeeze %dma_start3A_59 : memref<1x8192xi32, #tpu.memory_space<hbm>> -> memref<8192xi32, #tpu.memory_space<hbm>>
          %dma_start3A_61 = arith.constant 8192 : i32
          %dma_start3A_62 = tpu.memref_slice %arg5[%select_n3A, %dma_start3A_61] : memref<8x131072xi32, #tpu.memory_space<hbm>> -> memref<1x8192xi32, #tpu.memory_space<hbm>>
          %dma_start3A_63 = tpu.memref_squeeze %dma_start3A_62 : memref<1x8192xi32, #tpu.memory_space<hbm>> -> memref<8192xi32, #tpu.memory_space<hbm>>
          tpu.enqueue_dma source(%dma_start3A_63 : memref<8192xi32, #tpu.memory_space<hbm>>) target(%arg10 : memref<8192xi32, #tpu.memory_space<vmem>>) target_semaphore(%arg19 : memref<!tpu.dma_semaphore, #tpu.memory_space<semaphore_mem>>)
          %dma_wait3A_64 = arith.constant 0 : i32
          %dma_wait3A_65 = tpu.memref_slice %arg5[%select_n3A, %dma_wait3A_64] : memref<8x131072xi32, #tpu.memory_space<hbm>> -> memref<1x8192xi32, #tpu.memory_space<hbm>>
          %dma_wait3A_66 = tpu.memref_squeeze %dma_wait3A_65 : memref<1x8192xi32, #tpu.memory_space<hbm>> -> memref<8192xi32, #tpu.memory_space<hbm>>
          %dma_wait3A_67 = arith.constant 0 : i32
          %dma_wait3A_68 = tpu.memref_slice %arg5[%select_n3A, %dma_wait3A_67] : memref<8x131072xi32, #tpu.memory_space<hbm>> -> memref<1x8192xi32, #tpu.memory_space<hbm>>
          %dma_wait3A_69 = tpu.memref_squeeze %dma_wait3A_68 : memref<1x8192xi32, #tpu.memory_space<hbm>> -> memref<8192xi32, #tpu.memory_space<hbm>>
          tpu.wait_dma2 semaphore(%arg18 : memref<!tpu.dma_semaphore, #tpu.memory_space<semaphore_mem>>) src(%dma_wait3A_69 : memref<8192xi32, #tpu.memory_space<hbm>>) dst(%arg9 : memref<8192xi32, #tpu.memory_space<vmem>>)
          %parallel_loop3A = arith.constant 0 : i32
          %parallel_loop3A_70 = arith.constant 512 : i32
          %parallel_loop3A_71 = arith.constant 1 : i32
          scf.for %parallel_loop3A_483 = %parallel_loop3A to %parallel_loop3A_70 step %parallel_loop3A_71  : i32 {
            %parallel_loop3A_484 = arith.constant 16 : i32
            %parallel_loop3A_485 = arith.muli %parallel_loop3A_483, %parallel_loop3A_484 : i32
            %parallel_loop3A_486 = arith.index_cast %parallel_loop3A_485 : i32 to index
            %parallel_loop3A_487 = tpu.vector_load %arg9[%parallel_loop3A_486] {strides = array<i32>} : memref<8192xi32, #tpu.memory_space<vmem>>, vector<16xi32>,
            %parallel_loop3A_488 = tpu.vector_load_idx %arg8[%parallel_loop3A_487] : memref<65536xf32, #tpu.memory_space<vmem>>[vector<16xi32>], vector<16xf32>,
            %parallel_loop3A_489 = arith.constant 16 : i32
            %parallel_loop3A_490 = arith.muli %parallel_loop3A_483, %parallel_loop3A_489 : i32
            %parallel_loop3A_491 = arith.index_cast %parallel_loop3A_490 : i32 to index
            %parallel_loop3A_492 = tpu.vector_load %arg11[%parallel_loop3A_491] {strides = array<i32>} : memref<8192xf32, #tpu.memory_space<vmem>>, vector<16xf32>,
            tpu.vector_store %arg11[%parallel_loop3A_491], %parallel_loop3A_488 {strides = array<i32>} : memref<8192xf32, #tpu.memory_space<vmem>>, vector<16xf32>,
          } {sc.loop_unroll_factor = 8 : i64, sc.parallel_access}
          %dma_start3A_72 = arith.constant 0 : i32
          %dma_start3A_73 = tpu.memref_slice %arg6[%select_n3A, %sub3A_30, %dma_start3A_72] : memref<8x67x131072xf32, #tpu.memory_space<hbm>> -> memref<1x1x8192xf32, #tpu.memory_space<hbm>>
          %dma_start3A_74 = tpu.memref_squeeze %dma_start3A_73 : memref<1x1x8192xf32, #tpu.memory_space<hbm>> -> memref<8192xf32, #tpu.memory_space<hbm>>
          %dma_start3A_75 = arith.constant 0 : i32
          %dma_start3A_76 = tpu.memref_slice %arg6[%select_n3A, %sub3A_30, %dma_start3A_75] : memref<8x67x131072xf32, #tpu.memory_space<hbm>> -> memref<1x1x8192xf32, #tpu.memory_space<hbm>>
          %dma_start3A_77 = tpu.memref_squeeze %dma_start3A_76 : memref<1x1x8192xf32, #tpu.memory_space<hbm>> -> memref<8192xf32, #tpu.memory_space<hbm>>
          tpu.enqueue_dma source(%arg11 : memref<8192xf32, #tpu.memory_space<vmem>>) target(%dma_start3A_77 : memref<8192xf32, #tpu.memory_space<hbm>>) target_semaphore(%arg20 : memref<!tpu.dma_semaphore, #tpu.memory_space<semaphore_mem>>)
          %dma_start3A_78 = arith.constant 16384 : i32
          %dma_start3A_79 = tpu.memref_slice %arg5[%select_n3A, %dma_start3A_78] : memref<8x131072xi32, #tpu.memory_space<hbm>> -> memref<1x8192xi32, #tpu.memory_space<hbm>>
          %dma_start3A_80 = tpu.memref_squeeze %dma_start3A_79 : memref<1x8192xi32, #tpu.memory_space<hbm>> -> memref<8192xi32, #tpu.memory_space<hbm>>
          %dma_start3A_81 = arith.constant 16384 : i32
          %dma_start3A_82 = tpu.memref_slice %arg5[%select_n3A, %dma_start3A_81] : memref<8x131072xi32, #tpu.memory_space<hbm>> -> memref<1x8192xi32, #tpu.memory_space<hbm>>
          %dma_start3A_83 = tpu.memref_squeeze %dma_start3A_82 : memref<1x8192xi32, #tpu.memory_space<hbm>> -> memref<8192xi32, #tpu.memory_space<hbm>>
          tpu.enqueue_dma source(%dma_start3A_83 : memref<8192xi32, #tpu.memory_space<hbm>>) target(%arg9 : memref<8192xi32, #tpu.memory_space<vmem>>) target_semaphore(%arg18 : memref<!tpu.dma_semaphore, #tpu.memory_space<semaphore_mem>>)
          %dma_wait3A_84 = arith.constant 8192 : i32
          %dma_wait3A_85 = tpu.memref_slice %arg5[%select_n3A, %dma_wait3A_84] : memref<8x131072xi32, #tpu.memory_space<hbm>> -> memref<1x8192xi32, #tpu.memory_space<hbm>>
          %dma_wait3A_86 = tpu.memref_squeeze %dma_wait3A_85 : memref<1x8192xi32, #tpu.memory_space<hbm>> -> memref<8192xi32, #tpu.memory_space<hbm>>
          %dma_wait3A_87 = arith.constant 8192 : i32
          %dma_wait3A_88 = tpu.memref_slice %arg5[%select_n3A, %dma_wait3A_87] : memref<8x131072xi32, #tpu.memory_space<hbm>> -> memref<1x8192xi32, #tpu.memory_space<hbm>>
          %dma_wait3A_89 = tpu.memref_squeeze %dma_wait3A_88 : memref<1x8192xi32, #tpu.memory_space<hbm>> -> memref<8192xi32, #tpu.memory_space<hbm>>
          tpu.wait_dma2 semaphore(%arg19 : memref<!tpu.dma_semaphore, #tpu.memory_space<semaphore_mem>>) src(%dma_wait3A_89 : memref<8192xi32, #tpu.memory_space<hbm>>) dst(%arg10 : memref<8192xi32, #tpu.memory_space<vmem>>)
          %parallel_loop3A_90 = arith.constant 0 : i32
          %parallel_loop3A_91 = arith.constant 512 : i32
          %parallel_loop3A_92 = arith.constant 1 : i32
          scf.for %parallel_loop3A_483 = %parallel_loop3A_90 to %parallel_loop3A_91 step %parallel_loop3A_92  : i32 {
            %parallel_loop3A_484 = arith.constant 16 : i32
            %parallel_loop3A_485 = arith.muli %parallel_loop3A_483, %parallel_loop3A_484 : i32
            %parallel_loop3A_486 = arith.index_cast %parallel_loop3A_485 : i32 to index
            %parallel_loop3A_487 = tpu.vector_load %arg10[%parallel_loop3A_486] {strides = array<i32>} : memref<8192xi32, #tpu.memory_space<vmem>>, vector<16xi32>,
            %parallel_loop3A_488 = tpu.vector_load_idx %arg8[%parallel_loop3A_487] : memref<65536xf32, #tpu.memory_space<vmem>>[vector<16xi32>], vector<16xf32>,
            %parallel_loop3A_489 = arith.constant 16 : i32
            %parallel_loop3A_490 = arith.muli %parallel_loop3A_483, %parallel_loop3A_489 : i32
            %parallel_loop3A_491 = arith.index_cast %parallel_loop3A_490 : i32 to index
            %parallel_loop3A_492 = tpu.vector_load %arg12[%parallel_loop3A_491] {strides = array<i32>} : memref<8192xf32, #tpu.memory_space<vmem>>, vector<16xf32>,
            tpu.vector_store %arg12[%parallel_loop3A_491], %parallel_loop3A_488 {strides = array<i32>} : memref<8192xf32, #tpu.memory_space<vmem>>, vector<16xf32>,
          } {sc.loop_unroll_factor = 8 : i64, sc.parallel_access}
          %dma_start3A_93 = arith.constant 8192 : i32
          %dma_start3A_94 = tpu.memref_slice %arg6[%select_n3A, %sub3A_30, %dma_start3A_93] : memref<8x67x131072xf32, #tpu.memory_space<hbm>> -> memref<1x1x8192xf32, #tpu.memory_space<hbm>>
          %dma_start3A_95 = tpu.memref_squeeze %dma_start3A_94 : memref<1x1x8192xf32, #tpu.memory_space<hbm>> -> memref<8192xf32, #tpu.memory_space<hbm>>
          %dma_start3A_96 = arith.constant 8192 : i32
          %dma_start3A_97 = tpu.memref_slice %arg6[%select_n3A, %sub3A_30, %dma_start3A_96] : memref<8x67x131072xf32, #tpu.memory_space<hbm>> -> memref<1x1x8192xf32, #tpu.memory_space<hbm>>
          %dma_start3A_98 = tpu.memref_squeeze %dma_start3A_97 : memref<1x1x8192xf32, #tpu.memory_space<hbm>> -> memref<8192xf32, #tpu.memory_space<hbm>>
          tpu.enqueue_dma source(%arg12 : memref<8192xf32, #tpu.memory_space<vmem>>) target(%dma_start3A_98 : memref<8192xf32, #tpu.memory_space<hbm>>) target_semaphore(%arg21 : memref<!tpu.dma_semaphore, #tpu.memory_space<semaphore_mem>>)
          %dma_start3A_99 = arith.constant 24576 : i32
          %dma_start3A_100 = tpu.memref_slice %arg5[%select_n3A, %dma_start3A_99] : memref<8x131072xi32, #tpu.memory_space<hbm>> -> memref<1x8192xi32, #tpu.memory_space<hbm>>
          %dma_start3A_101 = tpu.memref_squeeze %dma_start3A_100 : memref<1x8192xi32, #tpu.memory_space<hbm>> -> memref<8192xi32, #tpu.memory_space<hbm>>
          %dma_start3A_102 = arith.constant 24576 : i32
          %dma_start3A_103 = tpu.memref_slice %arg5[%select_n3A, %dma_start3A_102] : memref<8x131072xi32, #tpu.memory_space<hbm>> -> memref<1x8192xi32, #tpu.memory_space<hbm>>
          %dma_start3A_104 = tpu.memref_squeeze %dma_start3A_103 : memref<1x8192xi32, #tpu.memory_space<hbm>> -> memref<8192xi32, #tpu.memory_space<hbm>>
          tpu.enqueue_dma source(%dma_start3A_104 : memref<8192xi32, #tpu.memory_space<hbm>>) target(%arg10 : memref<8192xi32, #tpu.memory_space<vmem>>) target_semaphore(%arg19 : memref<!tpu.dma_semaphore, #tpu.memory_space<semaphore_mem>>)
          %dma_wait3A_105 = arith.constant 16384 : i32
          %dma_wait3A_106 = tpu.memref_slice %arg5[%select_n3A, %dma_wait3A_105] : memref<8x131072xi32, #tpu.memory_space<hbm>> -> memref<1x8192xi32, #tpu.memory_space<hbm>>
          %dma_wait3A_107 = tpu.memref_squeeze %dma_wait3A_106 : memref<1x8192xi32, #tpu.memory_space<hbm>> -> memref<8192xi32, #tpu.memory_space<hbm>>
          %dma_wait3A_108 = arith.constant 16384 : i32
          %dma_wait3A_109 = tpu.memref_slice %arg5[%select_n3A, %dma_wait3A_108] : memref<8x131072xi32, #tpu.memory_space<hbm>> -> memref<1x8192xi32, #tpu.memory_space<hbm>>
          %dma_wait3A_110 = tpu.memref_squeeze %dma_wait3A_109 : memref<1x8192xi32, #tpu.memory_space<hbm>> -> memref<8192xi32, #tpu.memory_space<hbm>>
          tpu.wait_dma2 semaphore(%arg18 : memref<!tpu.dma_semaphore, #tpu.memory_space<semaphore_mem>>) src(%dma_wait3A_110 : memref<8192xi32, #tpu.memory_space<hbm>>) dst(%arg9 : memref<8192xi32, #tpu.memory_space<vmem>>)
          %dma_wait3A_111 = arith.constant 0 : i32
          %dma_wait3A_112 = tpu.memref_slice %arg6[%select_n3A, %sub3A_30, %dma_wait3A_111] : memref<8x67x131072xf32, #tpu.memory_space<hbm>> -> memref<1x1x8192xf32, #tpu.memory_space<hbm>>
          %dma_wait3A_113 = tpu.memref_squeeze %dma_wait3A_112 : memref<1x1x8192xf32, #tpu.memory_space<hbm>> -> memref<8192xf32, #tpu.memory_space<hbm>>
          %dma_wait3A_114 = arith.constant 0 : i32
          %dma_wait3A_115 = tpu.memref_slice %arg6[%select_n3A, %sub3A_30, %dma_wait3A_114] : memref<8x67x131072xf32, #tpu.memory_space<hbm>> -> memref<1x1x8192xf32, #tpu.memory_space<hbm>>
          %dma_wait3A_116 = tpu.memref_squeeze %dma_wait3A_115 : memref<1x1x8192xf32, #tpu.memory_space<hbm>> -> memref<8192xf32, #tpu.memory_space<hbm>>
          tpu.wait_dma2 semaphore(%arg20 : memref<!tpu.dma_semaphore, #tpu.memory_space<semaphore_mem>>) src(%arg11 : memref<8192xf32, #tpu.memory_space<vmem>>) dst(%dma_wait3A_116 : memref<8192xf32, #tpu.memory_space<hbm>>)
          %parallel_loop3A_117 = arith.constant 0 : i32
          %parallel_loop3A_118 = arith.constant 512 : i32
          %parallel_loop3A_119 = arith.constant 1 : i32
          scf.for %parallel_loop3A_483 = %parallel_loop3A_117 to %parallel_loop3A_118 step %parallel_loop3A_119  : i32 {
            %parallel_loop3A_484 = arith.constant 16 : i32
            %parallel_loop3A_485 = arith.muli %parallel_loop3A_483, %parallel_loop3A_484 : i32
            %parallel_loop3A_486 = arith.index_cast %parallel_loop3A_485 : i32 to index
            %parallel_loop3A_487 = tpu.vector_load %arg9[%parallel_loop3A_486] {strides = array<i32>} : memref<8192xi32, #tpu.memory_space<vmem>>, vector<16xi32>,
            %parallel_loop3A_488 = tpu.vector_load_idx %arg8[%parallel_loop3A_487] : memref<65536xf32, #tpu.memory_space<vmem>>[vector<16xi32>], vector<16xf32>,
            %parallel_loop3A_489 = arith.constant 16 : i32
            %parallel_loop3A_490 = arith.muli %parallel_loop3A_483, %parallel_loop3A_489 : i32
            %parallel_loop3A_491 = arith.index_cast %parallel_loop3A_490 : i32 to index
            %parallel_loop3A_492 = tpu.vector_load %arg11[%parallel_loop3A_491] {strides = array<i32>} : memref<8192xf32, #tpu.memory_space<vmem>>, vector<16xf32>,
            tpu.vector_store %arg11[%parallel_loop3A_491], %parallel_loop3A_488 {strides = array<i32>} : memref<8192xf32, #tpu.memory_space<vmem>>, vector<16xf32>,
          } {sc.loop_unroll_factor = 8 : i64, sc.parallel_access}
          %dma_start3A_120 = arith.constant 16384 : i32
          %dma_start3A_121 = tpu.memref_slice %arg6[%select_n3A, %sub3A_30, %dma_start3A_120] : memref<8x67x131072xf32, #tpu.memory_space<hbm>> -> memref<1x1x8192xf32, #tpu.memory_space<hbm>>
          %dma_start3A_122 = tpu.memref_squeeze %dma_start3A_121 : memref<1x1x8192xf32, #tpu.memory_space<hbm>> -> memref<8192xf32, #tpu.memory_space<hbm>>
          %dma_start3A_123 = arith.constant 16384 : i32
          %dma_start3A_124 = tpu.memref_slice %arg6[%select_n3A, %sub3A_30, %dma_start3A_123] : memref<8x67x131072xf32, #tpu.memory_space<hbm>> -> memref<1x1x8192xf32, #tpu.memory_space<hbm>>
          %dma_start3A_125 = tpu.memref_squeeze %dma_start3A_124 : memref<1x1x8192xf32, #tpu.memory_space<hbm>> -> memref<8192xf32, #tpu.memory_space<hbm>>
          tpu.enqueue_dma source(%arg11 : memref<8192xf32, #tpu.memory_space<vmem>>) target(%dma_start3A_125 : memref<8192xf32, #tpu.memory_space<hbm>>) target_semaphore(%arg20 : memref<!tpu.dma_semaphore, #tpu.memory_space<semaphore_mem>>)
          %dma_start3A_126 = arith.constant 32768 : i32
          %dma_start3A_127 = tpu.memref_slice %arg5[%select_n3A, %dma_start3A_126] : memref<8x131072xi32, #tpu.memory_space<hbm>> -> memref<1x8192xi32, #tpu.memory_space<hbm>>
          %dma_start3A_128 = tpu.memref_squeeze %dma_start3A_127 : memref<1x8192xi32, #tpu.memory_space<hbm>> -> memref<8192xi32, #tpu.memory_space<hbm>>
          %dma_start3A_129 = arith.constant 32768 : i32
          %dma_start3A_130 = tpu.memref_slice %arg5[%select_n3A, %dma_start3A_129] : memref<8x131072xi32, #tpu.memory_space<hbm>> -> memref<1x8192xi32, #tpu.memory_space<hbm>>
          %dma_start3A_131 = tpu.memref_squeeze %dma_start3A_130 : memref<1x8192xi32, #tpu.memory_space<hbm>> -> memref<8192xi32, #tpu.memory_space<hbm>>
          tpu.enqueue_dma source(%dma_start3A_131 : memref<8192xi32, #tpu.memory_space<hbm>>) target(%arg9 : memref<8192xi32, #tpu.memory_space<vmem>>) target_semaphore(%arg18 : memref<!tpu.dma_semaphore, #tpu.memory_space<semaphore_mem>>)
          %dma_wait3A_132 = arith.constant 24576 : i32
          %dma_wait3A_133 = tpu.memref_slice %arg5[%select_n3A, %dma_wait3A_132] : memref<8x131072xi32, #tpu.memory_space<hbm>> -> memref<1x8192xi32, #tpu.memory_space<hbm>>
          %dma_wait3A_134 = tpu.memref_squeeze %dma_wait3A_133 : memref<1x8192xi32, #tpu.memory_space<hbm>> -> memref<8192xi32, #tpu.memory_space<hbm>>
          %dma_wait3A_135 = arith.constant 24576 : i32
          %dma_wait3A_136 = tpu.memref_slice %arg5[%select_n3A, %dma_wait3A_135] : memref<8x131072xi32, #tpu.memory_space<hbm>> -> memref<1x8192xi32, #tpu.memory_space<hbm>>
          %dma_wait3A_137 = tpu.memref_squeeze %dma_wait3A_136 : memref<1x8192xi32, #tpu.memory_space<hbm>> -> memref<8192xi32, #tpu.memory_space<hbm>>
          tpu.wait_dma2 semaphore(%arg19 : memref<!tpu.dma_semaphore, #tpu.memory_space<semaphore_mem>>) src(%dma_wait3A_137 : memref<8192xi32, #tpu.memory_space<hbm>>) dst(%arg10 : memref<8192xi32, #tpu.memory_space<vmem>>)
          %dma_wait3A_138 = arith.constant 8192 : i32
          %dma_wait3A_139 = tpu.memref_slice %arg6[%select_n3A, %sub3A_30, %dma_wait3A_138] : memref<8x67x131072xf32, #tpu.memory_space<hbm>> -> memref<1x1x8192xf32, #tpu.memory_space<hbm>>
          %dma_wait3A_140 = tpu.memref_squeeze %dma_wait3A_139 : memref<1x1x8192xf32, #tpu.memory_space<hbm>> -> memref<8192xf32, #tpu.memory_space<hbm>>
          %dma_wait3A_141 = arith.constant 8192 : i32
          %dma_wait3A_142 = tpu.memref_slice %arg6[%select_n3A, %sub3A_30, %dma_wait3A_141] : memref<8x67x131072xf32, #tpu.memory_space<hbm>> -> memref<1x1x8192xf32, #tpu.memory_space<hbm>>
          %dma_wait3A_143 = tpu.memref_squeeze %dma_wait3A_142 : memref<1x1x8192xf32, #tpu.memory_space<hbm>> -> memref<8192xf32, #tpu.memory_space<hbm>>
          tpu.wait_dma2 semaphore(%arg21 : memref<!tpu.dma_semaphore, #tpu.memory_space<semaphore_mem>>) src(%arg12 : memref<8192xf32, #tpu.memory_space<vmem>>) dst(%dma_wait3A_143 : memref<8192xf32, #tpu.memory_space<hbm>>)
          %parallel_loop3A_144 = arith.constant 0 : i32
          %parallel_loop3A_145 = arith.constant 512 : i32
          %parallel_loop3A_146 = arith.constant 1 : i32
          scf.for %parallel_loop3A_483 = %parallel_loop3A_144 to %parallel_loop3A_145 step %parallel_loop3A_146  : i32 {
            %parallel_loop3A_484 = arith.constant 16 : i32
            %parallel_loop3A_485 = arith.muli %parallel_loop3A_483, %parallel_loop3A_484 : i32
            %parallel_loop3A_486 = arith.index_cast %parallel_loop3A_485 : i32 to index
            %parallel_loop3A_487 = tpu.vector_load %arg10[%parallel_loop3A_486] {strides = array<i32>} : memref<8192xi32, #tpu.memory_space<vmem>>, vector<16xi32>,
            %parallel_loop3A_488 = tpu.vector_load_idx %arg8[%parallel_loop3A_487] : memref<65536xf32, #tpu.memory_space<vmem>>[vector<16xi32>], vector<16xf32>,
            %parallel_loop3A_489 = arith.constant 16 : i32
            %parallel_loop3A_490 = arith.muli %parallel_loop3A_483, %parallel_loop3A_489 : i32
            %parallel_loop3A_491 = arith.index_cast %parallel_loop3A_490 : i32 to index
            %parallel_loop3A_492 = tpu.vector_load %arg12[%parallel_loop3A_491] {strides = array<i32>} : memref<8192xf32, #tpu.memory_space<vmem>>, vector<16xf32>,
            tpu.vector_store %arg12[%parallel_loop3A_491], %parallel_loop3A_488 {strides = array<i32>} : memref<8192xf32, #tpu.memory_space<vmem>>, vector<16xf32>,
          } {sc.loop_unroll_factor = 8 : i64, sc.parallel_access}
          %dma_start3A_147 = arith.constant 24576 : i32
          %dma_start3A_148 = tpu.memref_slice %arg6[%select_n3A, %sub3A_30, %dma_start3A_147] : memref<8x67x131072xf32, #tpu.memory_space<hbm>> -> memref<1x1x8192xf32, #tpu.memory_space<hbm>>
          %dma_start3A_149 = tpu.memref_squeeze %dma_start3A_148 : memref<1x1x8192xf32, #tpu.memory_space<hbm>> -> memref<8192xf32, #tpu.memory_space<hbm>>
          %dma_start3A_150 = arith.constant 24576 : i32
          %dma_start3A_151 = tpu.memref_slice %arg6[%select_n3A, %sub3A_30, %dma_start3A_150] : memref<8x67x131072xf32, #tpu.memory_space<hbm>> -> memref<1x1x8192xf32, #tpu.memory_space<hbm>>
          %dma_start3A_152 = tpu.memref_squeeze %dma_start3A_151 : memref<1x1x8192xf32, #tpu.memory_space<hbm>> -> memref<8192xf32, #tpu.memory_space<hbm>>
          tpu.enqueue_dma source(%arg12 : memref<8192xf32, #tpu.memory_space<vmem>>) target(%dma_start3A_152 : memref<8192xf32, #tpu.memory_space<hbm>>) target_semaphore(%arg21 : memref<!tpu.dma_semaphore, #tpu.memory_space<semaphore_mem>>)
          %dma_start3A_153 = arith.constant 40960 : i32
          %dma_start3A_154 = tpu.memref_slice %arg5[%select_n3A, %dma_start3A_153] : memref<8x131072xi32, #tpu.memory_space<hbm>> -> memref<1x8192xi32, #tpu.memory_space<hbm>>
          %dma_start3A_155 = tpu.memref_squeeze %dma_start3A_154 : memref<1x8192xi32, #tpu.memory_space<hbm>> -> memref<8192xi32, #tpu.memory_space<hbm>>
          %dma_start3A_156 = arith.constant 40960 : i32
          %dma_start3A_157 = tpu.memref_slice %arg5[%select_n3A, %dma_start3A_156] : memref<8x131072xi32, #tpu.memory_space<hbm>> -> memref<1x8192xi32, #tpu.memory_space<hbm>>
          %dma_start3A_158 = tpu.memref_squeeze %dma_start3A_157 : memref<1x8192xi32, #tpu.memory_space<hbm>> -> memref<8192xi32, #tpu.memory_space<hbm>>
          tpu.enqueue_dma source(%dma_start3A_158 : memref<8192xi32, #tpu.memory_space<hbm>>) target(%arg10 : memref<8192xi32, #tpu.memory_space<vmem>>) target_semaphore(%arg19 : memref<!tpu.dma_semaphore, #tpu.memory_space<semaphore_mem>>)
          %dma_wait3A_159 = arith.constant 32768 : i32
          %dma_wait3A_160 = tpu.memref_slice %arg5[%select_n3A, %dma_wait3A_159] : memref<8x131072xi32, #tpu.memory_space<hbm>> -> memref<1x8192xi32, #tpu.memory_space<hbm>>
          %dma_wait3A_161 = tpu.memref_squeeze %dma_wait3A_160 : memref<1x8192xi32, #tpu.memory_space<hbm>> -> memref<8192xi32, #tpu.memory_space<hbm>>
          %dma_wait3A_162 = arith.constant 32768 : i32
          %dma_wait3A_163 = tpu.memref_slice %arg5[%select_n3A, %dma_wait3A_162] : memref<8x131072xi32, #tpu.memory_space<hbm>> -> memref<1x8192xi32, #tpu.memory_space<hbm>>
          %dma_wait3A_164 = tpu.memref_squeeze %dma_wait3A_163 : memref<1x8192xi32, #tpu.memory_space<hbm>> -> memref<8192xi32, #tpu.memory_space<hbm>>
          tpu.wait_dma2 semaphore(%arg18 : memref<!tpu.dma_semaphore, #tpu.memory_space<semaphore_mem>>) src(%dma_wait3A_164 : memref<8192xi32, #tpu.memory_space<hbm>>) dst(%arg9 : memref<8192xi32, #tpu.memory_space<vmem>>)
          %dma_wait3A_165 = arith.constant 16384 : i32
          %dma_wait3A_166 = tpu.memref_slice %arg6[%select_n3A, %sub3A_30, %dma_wait3A_165] : memref<8x67x131072xf32, #tpu.memory_space<hbm>> -> memref<1x1x8192xf32, #tpu.memory_space<hbm>>
          %dma_wait3A_167 = tpu.memref_squeeze %dma_wait3A_166 : memref<1x1x8192xf32, #tpu.memory_space<hbm>> -> memref<8192xf32, #tpu.memory_space<hbm>>
          %dma_wait3A_168 = arith.constant 16384 : i32
          %dma_wait3A_169 = tpu.memref_slice %arg6[%select_n3A, %sub3A_30, %dma_wait3A_168] : memref<8x67x131072xf32, #tpu.memory_space<hbm>> -> memref<1x1x8192xf32, #tpu.memory_space<hbm>>
          %dma_wait3A_170 = tpu.memref_squeeze %dma_wait3A_169 : memref<1x1x8192xf32, #tpu.memory_space<hbm>> -> memref<8192xf32, #tpu.memory_space<hbm>>
          tpu.wait_dma2 semaphore(%arg20 : memref<!tpu.dma_semaphore, #tpu.memory_space<semaphore_mem>>) src(%arg11 : memref<8192xf32, #tpu.memory_space<vmem>>) dst(%dma_wait3A_170 : memref<8192xf32, #tpu.memory_space<hbm>>)
          %parallel_loop3A_171 = arith.constant 0 : i32
          %parallel_loop3A_172 = arith.constant 512 : i32
          %parallel_loop3A_173 = arith.constant 1 : i32
          scf.for %parallel_loop3A_483 = %parallel_loop3A_171 to %parallel_loop3A_172 step %parallel_loop3A_173  : i32 {
            %parallel_loop3A_484 = arith.constant 16 : i32
            %parallel_loop3A_485 = arith.muli %parallel_loop3A_483, %parallel_loop3A_484 : i32
            %parallel_loop3A_486 = arith.index_cast %parallel_loop3A_485 : i32 to index
            %parallel_loop3A_487 = tpu.vector_load %arg9[%parallel_loop3A_486] {strides = array<i32>} : memref<8192xi32, #tpu.memory_space<vmem>>, vector<16xi32>,
            %parallel_loop3A_488 = tpu.vector_load_idx %arg8[%parallel_loop3A_487] : memref<65536xf32, #tpu.memory_space<vmem>>[vector<16xi32>], vector<16xf32>,
            %parallel_loop3A_489 = arith.constant 16 : i32
            %parallel_loop3A_490 = arith.muli %parallel_loop3A_483, %parallel_loop3A_489 : i32
            %parallel_loop3A_491 = arith.index_cast %parallel_loop3A_490 : i32 to index
            %parallel_loop3A_492 = tpu.vector_load %arg11[%parallel_loop3A_491] {strides = array<i32>} : memref<8192xf32, #tpu.memory_space<vmem>>, vector<16xf32>,
            tpu.vector_store %arg11[%parallel_loop3A_491], %parallel_loop3A_488 {strides = array<i32>} : memref<8192xf32, #tpu.memory_space<vmem>>, vector<16xf32>,
          } {sc.loop_unroll_factor = 8 : i64, sc.parallel_access}
          %dma_start3A_174 = arith.constant 32768 : i32
          %dma_start3A_175 = tpu.memref_slice %arg6[%select_n3A, %sub3A_30, %dma_start3A_174] : memref<8x67x131072xf32, #tpu.memory_space<hbm>> -> memref<1x1x8192xf32, #tpu.memory_space<hbm>>
          %dma_start3A_176 = tpu.memref_squeeze %dma_start3A_175 : memref<1x1x8192xf32, #tpu.memory_space<hbm>> -> memref<8192xf32, #tpu.memory_space<hbm>>
          %dma_start3A_177 = arith.constant 32768 : i32
          %dma_start3A_178 = tpu.memref_slice %arg6[%select_n3A, %sub3A_30, %dma_start3A_177] : memref<8x67x131072xf32, #tpu.memory_space<hbm>> -> memref<1x1x8192xf32, #tpu.memory_space<hbm>>
          %dma_start3A_179 = tpu.memref_squeeze %dma_start3A_178 : memref<1x1x8192xf32, #tpu.memory_space<hbm>> -> memref<8192xf32, #tpu.memory_space<hbm>>
          tpu.enqueue_dma source(%arg11 : memref<8192xf32, #tpu.memory_space<vmem>>) target(%dma_start3A_179 : memref<8192xf32, #tpu.memory_space<hbm>>) target_semaphore(%arg20 : memref<!tpu.dma_semaphore, #tpu.memory_space<semaphore_mem>>)
          %dma_start3A_180 = arith.constant 49152 : i32
          %dma_start3A_181 = tpu.memref_slice %arg5[%select_n3A, %dma_start3A_180] : memref<8x131072xi32, #tpu.memory_space<hbm>> -> memref<1x8192xi32, #tpu.memory_space<hbm>>
          %dma_start3A_182 = tpu.memref_squeeze %dma_start3A_181 : memref<1x8192xi32, #tpu.memory_space<hbm>> -> memref<8192xi32, #tpu.memory_space<hbm>>
          %dma_start3A_183 = arith.constant 49152 : i32
          %dma_start3A_184 = tpu.memref_slice %arg5[%select_n3A, %dma_start3A_183] : memref<8x131072xi32, #tpu.memory_space<hbm>> -> memref<1x8192xi32, #tpu.memory_space<hbm>>
          %dma_start3A_185 = tpu.memref_squeeze %dma_start3A_184 : memref<1x8192xi32, #tpu.memory_space<hbm>> -> memref<8192xi32, #tpu.memory_space<hbm>>
          tpu.enqueue_dma source(%dma_start3A_185 : memref<8192xi32, #tpu.memory_space<hbm>>) target(%arg9 : memref<8192xi32, #tpu.memory_space<vmem>>) target_semaphore(%arg18 : memref<!tpu.dma_semaphore, #tpu.memory_space<semaphore_mem>>)
          %dma_wait3A_186 = arith.constant 40960 : i32
          %dma_wait3A_187 = tpu.memref_slice %arg5[%select_n3A, %dma_wait3A_186] : memref<8x131072xi32, #tpu.memory_space<hbm>> -> memref<1x8192xi32, #tpu.memory_space<hbm>>
          %dma_wait3A_188 = tpu.memref_squeeze %dma_wait3A_187 : memref<1x8192xi32, #tpu.memory_space<hbm>> -> memref<8192xi32, #tpu.memory_space<hbm>>
          %dma_wait3A_189 = arith.constant 40960 : i32
          %dma_wait3A_190 = tpu.memref_slice %arg5[%select_n3A, %dma_wait3A_189] : memref<8x131072xi32, #tpu.memory_space<hbm>> -> memref<1x8192xi32, #tpu.memory_space<hbm>>
          %dma_wait3A_191 = tpu.memref_squeeze %dma_wait3A_190 : memref<1x8192xi32, #tpu.memory_space<hbm>> -> memref<8192xi32, #tpu.memory_space<hbm>>
          tpu.wait_dma2 semaphore(%arg19 : memref<!tpu.dma_semaphore, #tpu.memory_space<semaphore_mem>>) src(%dma_wait3A_191 : memref<8192xi32, #tpu.memory_space<hbm>>) dst(%arg10 : memref<8192xi32, #tpu.memory_space<vmem>>)
          %dma_wait3A_192 = arith.constant 24576 : i32
          %dma_wait3A_193 = tpu.memref_slice %arg6[%select_n3A, %sub3A_30, %dma_wait3A_192] : memref<8x67x131072xf32, #tpu.memory_space<hbm>> -> memref<1x1x8192xf32, #tpu.memory_space<hbm>>
          %dma_wait3A_194 = tpu.memref_squeeze %dma_wait3A_193 : memref<1x1x8192xf32, #tpu.memory_space<hbm>> -> memref<8192xf32, #tpu.memory_space<hbm>>
          %dma_wait3A_195 = arith.constant 24576 : i32
          %dma_wait3A_196 = tpu.memref_slice %arg6[%select_n3A, %sub3A_30, %dma_wait3A_195] : memref<8x67x131072xf32, #tpu.memory_space<hbm>> -> memref<1x1x8192xf32, #tpu.memory_space<hbm>>
          %dma_wait3A_197 = tpu.memref_squeeze %dma_wait3A_196 : memref<1x1x8192xf32, #tpu.memory_space<hbm>> -> memref<8192xf32, #tpu.memory_space<hbm>>
          tpu.wait_dma2 semaphore(%arg21 : memref<!tpu.dma_semaphore, #tpu.memory_space<semaphore_mem>>) src(%arg12 : memref<8192xf32, #tpu.memory_space<vmem>>) dst(%dma_wait3A_197 : memref<8192xf32, #tpu.memory_space<hbm>>)
          %parallel_loop3A_198 = arith.constant 0 : i32
          %parallel_loop3A_199 = arith.constant 512 : i32
          %parallel_loop3A_200 = arith.constant 1 : i32
          scf.for %parallel_loop3A_483 = %parallel_loop3A_198 to %parallel_loop3A_199 step %parallel_loop3A_200  : i32 {
            %parallel_loop3A_484 = arith.constant 16 : i32
            %parallel_loop3A_485 = arith.muli %parallel_loop3A_483, %parallel_loop3A_484 : i32
            %parallel_loop3A_486 = arith.index_cast %parallel_loop3A_485 : i32 to index
            %parallel_loop3A_487 = tpu.vector_load %arg10[%parallel_loop3A_486] {strides = array<i32>} : memref<8192xi32, #tpu.memory_space<vmem>>, vector<16xi32>,
            %parallel_loop3A_488 = tpu.vector_load_idx %arg8[%parallel_loop3A_487] : memref<65536xf32, #tpu.memory_space<vmem>>[vector<16xi32>], vector<16xf32>,
            %parallel_loop3A_489 = arith.constant 16 : i32
            %parallel_loop3A_490 = arith.muli %parallel_loop3A_483, %parallel_loop3A_489 : i32
            %parallel_loop3A_491 = arith.index_cast %parallel_loop3A_490 : i32 to index
            %parallel_loop3A_492 = tpu.vector_load %arg12[%parallel_loop3A_491] {strides = array<i32>} : memref<8192xf32, #tpu.memory_space<vmem>>, vector<16xf32>,
            tpu.vector_store %arg12[%parallel_loop3A_491], %parallel_loop3A_488 {strides = array<i32>} : memref<8192xf32, #tpu.memory_space<vmem>>, vector<16xf32>,
          } {sc.loop_unroll_factor = 8 : i64, sc.parallel_access}
          %dma_start3A_201 = arith.constant 40960 : i32
          %dma_start3A_202 = tpu.memref_slice %arg6[%select_n3A, %sub3A_30, %dma_start3A_201] : memref<8x67x131072xf32, #tpu.memory_space<hbm>> -> memref<1x1x8192xf32, #tpu.memory_space<hbm>>
          %dma_start3A_203 = tpu.memref_squeeze %dma_start3A_202 : memref<1x1x8192xf32, #tpu.memory_space<hbm>> -> memref<8192xf32, #tpu.memory_space<hbm>>
          %dma_start3A_204 = arith.constant 40960 : i32
          %dma_start3A_205 = tpu.memref_slice %arg6[%select_n3A, %sub3A_30, %dma_start3A_204] : memref<8x67x131072xf32, #tpu.memory_space<hbm>> -> memref<1x1x8192xf32, #tpu.memory_space<hbm>>
          %dma_start3A_206 = tpu.memref_squeeze %dma_start3A_205 : memref<1x1x8192xf32, #tpu.memory_space<hbm>> -> memref<8192xf32, #tpu.memory_space<hbm>>
          tpu.enqueue_dma source(%arg12 : memref<8192xf32, #tpu.memory_space<vmem>>) target(%dma_start3A_206 : memref<8192xf32, #tpu.memory_space<hbm>>) target_semaphore(%arg21 : memref<!tpu.dma_semaphore, #tpu.memory_space<semaphore_mem>>)
          %dma_start3A_207 = arith.constant 57344 : i32
          %dma_start3A_208 = tpu.memref_slice %arg5[%select_n3A, %dma_start3A_207] : memref<8x131072xi32, #tpu.memory_space<hbm>> -> memref<1x8192xi32, #tpu.memory_space<hbm>>
          %dma_start3A_209 = tpu.memref_squeeze %dma_start3A_208 : memref<1x8192xi32, #tpu.memory_space<hbm>> -> memref<8192xi32, #tpu.memory_space<hbm>>
          %dma_start3A_210 = arith.constant 57344 : i32
          %dma_start3A_211 = tpu.memref_slice %arg5[%select_n3A, %dma_start3A_210] : memref<8x131072xi32, #tpu.memory_space<hbm>> -> memref<1x8192xi32, #tpu.memory_space<hbm>>
          %dma_start3A_212 = tpu.memref_squeeze %dma_start3A_211 : memref<1x8192xi32, #tpu.memory_space<hbm>> -> memref<8192xi32, #tpu.memory_space<hbm>>
          tpu.enqueue_dma source(%dma_start3A_212 : memref<8192xi32, #tpu.memory_space<hbm>>) target(%arg10 : memref<8192xi32, #tpu.memory_space<vmem>>) target_semaphore(%arg19 : memref<!tpu.dma_semaphore, #tpu.memory_space<semaphore_mem>>)
          %dma_wait3A_213 = arith.constant 49152 : i32
          %dma_wait3A_214 = tpu.memref_slice %arg5[%select_n3A, %dma_wait3A_213] : memref<8x131072xi32, #tpu.memory_space<hbm>> -> memref<1x8192xi32, #tpu.memory_space<hbm>>
          %dma_wait3A_215 = tpu.memref_squeeze %dma_wait3A_214 : memref<1x8192xi32, #tpu.memory_space<hbm>> -> memref<8192xi32, #tpu.memory_space<hbm>>
          %dma_wait3A_216 = arith.constant 49152 : i32
          %dma_wait3A_217 = tpu.memref_slice %arg5[%select_n3A, %dma_wait3A_216] : memref<8x131072xi32, #tpu.memory_space<hbm>> -> memref<1x8192xi32, #tpu.memory_space<hbm>>
          %dma_wait3A_218 = tpu.memref_squeeze %dma_wait3A_217 : memref<1x8192xi32, #tpu.memory_space<hbm>> -> memref<8192xi32, #tpu.memory_space<hbm>>
          tpu.wait_dma2 semaphore(%arg18 : memref<!tpu.dma_semaphore, #tpu.memory_space<semaphore_mem>>) src(%dma_wait3A_218 : memref<8192xi32, #tpu.memory_space<hbm>>) dst(%arg9 : memref<8192xi32, #tpu.memory_space<vmem>>)
          %dma_wait3A_219 = arith.constant 32768 : i32
          %dma_wait3A_220 = tpu.memref_slice %arg6[%select_n3A, %sub3A_30, %dma_wait3A_219] : memref<8x67x131072xf32, #tpu.memory_space<hbm>> -> memref<1x1x8192xf32, #tpu.memory_space<hbm>>
          %dma_wait3A_221 = tpu.memref_squeeze %dma_wait3A_220 : memref<1x1x8192xf32, #tpu.memory_space<hbm>> -> memref<8192xf32, #tpu.memory_space<hbm>>
          %dma_wait3A_222 = arith.constant 32768 : i32
          %dma_wait3A_223 = tpu.memref_slice %arg6[%select_n3A, %sub3A_30, %dma_wait3A_222] : memref<8x67x131072xf32, #tpu.memory_space<hbm>> -> memref<1x1x8192xf32, #tpu.memory_space<hbm>>
          %dma_wait3A_224 = tpu.memref_squeeze %dma_wait3A_223 : memref<1x1x8192xf32, #tpu.memory_space<hbm>> -> memref<8192xf32, #tpu.memory_space<hbm>>
          tpu.wait_dma2 semaphore(%arg20 : memref<!tpu.dma_semaphore, #tpu.memory_space<semaphore_mem>>) src(%arg11 : memref<8192xf32, #tpu.memory_space<vmem>>) dst(%dma_wait3A_224 : memref<8192xf32, #tpu.memory_space<hbm>>)
          %parallel_loop3A_225 = arith.constant 0 : i32
          %parallel_loop3A_226 = arith.constant 512 : i32
          %parallel_loop3A_227 = arith.constant 1 : i32
          scf.for %parallel_loop3A_483 = %parallel_loop3A_225 to %parallel_loop3A_226 step %parallel_loop3A_227  : i32 {
            %parallel_loop3A_484 = arith.constant 16 : i32
            %parallel_loop3A_485 = arith.muli %parallel_loop3A_483, %parallel_loop3A_484 : i32
            %parallel_loop3A_486 = arith.index_cast %parallel_loop3A_485 : i32 to index
            %parallel_loop3A_487 = tpu.vector_load %arg9[%parallel_loop3A_486] {strides = array<i32>} : memref<8192xi32, #tpu.memory_space<vmem>>, vector<16xi32>,
            %parallel_loop3A_488 = tpu.vector_load_idx %arg8[%parallel_loop3A_487] : memref<65536xf32, #tpu.memory_space<vmem>>[vector<16xi32>], vector<16xf32>,
            %parallel_loop3A_489 = arith.constant 16 : i32
            %parallel_loop3A_490 = arith.muli %parallel_loop3A_483, %parallel_loop3A_489 : i32
            %parallel_loop3A_491 = arith.index_cast %parallel_loop3A_490 : i32 to index
            %parallel_loop3A_492 = tpu.vector_load %arg11[%parallel_loop3A_491] {strides = array<i32>} : memref<8192xf32, #tpu.memory_space<vmem>>, vector<16xf32>,
            tpu.vector_store %arg11[%parallel_loop3A_491], %parallel_loop3A_488 {strides = array<i32>} : memref<8192xf32, #tpu.memory_space<vmem>>, vector<16xf32>,
          } {sc.loop_unroll_factor = 8 : i64, sc.parallel_access}
          %dma_start3A_228 = arith.constant 49152 : i32
          %dma_start3A_229 = tpu.memref_slice %arg6[%select_n3A, %sub3A_30, %dma_start3A_228] : memref<8x67x131072xf32, #tpu.memory_space<hbm>> -> memref<1x1x8192xf32, #tpu.memory_space<hbm>>
          %dma_start3A_230 = tpu.memref_squeeze %dma_start3A_229 : memref<1x1x8192xf32, #tpu.memory_space<hbm>> -> memref<8192xf32, #tpu.memory_space<hbm>>
          %dma_start3A_231 = arith.constant 49152 : i32
          %dma_start3A_232 = tpu.memref_slice %arg6[%select_n3A, %sub3A_30, %dma_start3A_231] : memref<8x67x131072xf32, #tpu.memory_space<hbm>> -> memref<1x1x8192xf32, #tpu.memory_space<hbm>>
          %dma_start3A_233 = tpu.memref_squeeze %dma_start3A_232 : memref<1x1x8192xf32, #tpu.memory_space<hbm>> -> memref<8192xf32, #tpu.memory_space<hbm>>
          tpu.enqueue_dma source(%arg11 : memref<8192xf32, #tpu.memory_space<vmem>>) target(%dma_start3A_233 : memref<8192xf32, #tpu.memory_space<hbm>>) target_semaphore(%arg20 : memref<!tpu.dma_semaphore, #tpu.memory_space<semaphore_mem>>)
          %dma_start3A_234 = arith.constant 65536 : i32
          %dma_start3A_235 = tpu.memref_slice %arg5[%select_n3A, %dma_start3A_234] : memref<8x131072xi32, #tpu.memory_space<hbm>> -> memref<1x8192xi32, #tpu.memory_space<hbm>>
          %dma_start3A_236 = tpu.memref_squeeze %dma_start3A_235 : memref<1x8192xi32, #tpu.memory_space<hbm>> -> memref<8192xi32, #tpu.memory_space<hbm>>
          %dma_start3A_237 = arith.constant 65536 : i32
          %dma_start3A_238 = tpu.memref_slice %arg5[%select_n3A, %dma_start3A_237] : memref<8x131072xi32, #tpu.memory_space<hbm>> -> memref<1x8192xi32, #tpu.memory_space<hbm>>
          %dma_start3A_239 = tpu.memref_squeeze %dma_start3A_238 : memref<1x8192xi32, #tpu.memory_space<hbm>> -> memref<8192xi32, #tpu.memory_space<hbm>>
          tpu.enqueue_dma source(%dma_start3A_239 : memref<8192xi32, #tpu.memory_space<hbm>>) target(%arg9 : memref<8192xi32, #tpu.memory_space<vmem>>) target_semaphore(%arg18 : memref<!tpu.dma_semaphore, #tpu.memory_space<semaphore_mem>>)
          %dma_wait3A_240 = arith.constant 57344 : i32
          %dma_wait3A_241 = tpu.memref_slice %arg5[%select_n3A, %dma_wait3A_240] : memref<8x131072xi32, #tpu.memory_space<hbm>> -> memref<1x8192xi32, #tpu.memory_space<hbm>>
          %dma_wait3A_242 = tpu.memref_squeeze %dma_wait3A_241 : memref<1x8192xi32, #tpu.memory_space<hbm>> -> memref<8192xi32, #tpu.memory_space<hbm>>
          %dma_wait3A_243 = arith.constant 57344 : i32
          %dma_wait3A_244 = tpu.memref_slice %arg5[%select_n3A, %dma_wait3A_243] : memref<8x131072xi32, #tpu.memory_space<hbm>> -> memref<1x8192xi32, #tpu.memory_space<hbm>>
          %dma_wait3A_245 = tpu.memref_squeeze %dma_wait3A_244 : memref<1x8192xi32, #tpu.memory_space<hbm>> -> memref<8192xi32, #tpu.memory_space<hbm>>
          tpu.wait_dma2 semaphore(%arg19 : memref<!tpu.dma_semaphore, #tpu.memory_space<semaphore_mem>>) src(%dma_wait3A_245 : memref<8192xi32, #tpu.memory_space<hbm>>) dst(%arg10 : memref<8192xi32, #tpu.memory_space<vmem>>)
          %dma_wait3A_246 = arith.constant 40960 : i32
          %dma_wait3A_247 = tpu.memref_slice %arg6[%select_n3A, %sub3A_30, %dma_wait3A_246] : memref<8x67x131072xf32, #tpu.memory_space<hbm>> -> memref<1x1x8192xf32, #tpu.memory_space<hbm>>
          %dma_wait3A_248 = tpu.memref_squeeze %dma_wait3A_247 : memref<1x1x8192xf32, #tpu.memory_space<hbm>> -> memref<8192xf32, #tpu.memory_space<hbm>>
          %dma_wait3A_249 = arith.constant 40960 : i32
          %dma_wait3A_250 = tpu.memref_slice %arg6[%select_n3A, %sub3A_30, %dma_wait3A_249] : memref<8x67x131072xf32, #tpu.memory_space<hbm>> -> memref<1x1x8192xf32, #tpu.memory_space<hbm>>
          %dma_wait3A_251 = tpu.memref_squeeze %dma_wait3A_250 : memref<1x1x8192xf32, #tpu.memory_space<hbm>> -> memref<8192xf32, #tpu.memory_space<hbm>>
          tpu.wait_dma2 semaphore(%arg21 : memref<!tpu.dma_semaphore, #tpu.memory_space<semaphore_mem>>) src(%arg12 : memref<8192xf32, #tpu.memory_space<vmem>>) dst(%dma_wait3A_251 : memref<8192xf32, #tpu.memory_space<hbm>>)
          %parallel_loop3A_252 = arith.constant 0 : i32
          %parallel_loop3A_253 = arith.constant 512 : i32
          %parallel_loop3A_254 = arith.constant 1 : i32
          scf.for %parallel_loop3A_483 = %parallel_loop3A_252 to %parallel_loop3A_253 step %parallel_loop3A_254  : i32 {
            %parallel_loop3A_484 = arith.constant 16 : i32
            %parallel_loop3A_485 = arith.muli %parallel_loop3A_483, %parallel_loop3A_484 : i32
            %parallel_loop3A_486 = arith.index_cast %parallel_loop3A_485 : i32 to index
            %parallel_loop3A_487 = tpu.vector_load %arg10[%parallel_loop3A_486] {strides = array<i32>} : memref<8192xi32, #tpu.memory_space<vmem>>, vector<16xi32>,
            %parallel_loop3A_488 = tpu.vector_load_idx %arg8[%parallel_loop3A_487] : memref<65536xf32, #tpu.memory_space<vmem>>[vector<16xi32>], vector<16xf32>,
            %parallel_loop3A_489 = arith.constant 16 : i32
            %parallel_loop3A_490 = arith.muli %parallel_loop3A_483, %parallel_loop3A_489 : i32
            %parallel_loop3A_491 = arith.index_cast %parallel_loop3A_490 : i32 to index
            %parallel_loop3A_492 = tpu.vector_load %arg12[%parallel_loop3A_491] {strides = array<i32>} : memref<8192xf32, #tpu.memory_space<vmem>>, vector<16xf32>,
            tpu.vector_store %arg12[%parallel_loop3A_491], %parallel_loop3A_488 {strides = array<i32>} : memref<8192xf32, #tpu.memory_space<vmem>>, vector<16xf32>,
          } {sc.loop_unroll_factor = 8 : i64, sc.parallel_access}
          %dma_start3A_255 = arith.constant 57344 : i32
          %dma_start3A_256 = tpu.memref_slice %arg6[%select_n3A, %sub3A_30, %dma_start3A_255] : memref<8x67x131072xf32, #tpu.memory_space<hbm>> -> memref<1x1x8192xf32, #tpu.memory_space<hbm>>
          %dma_start3A_257 = tpu.memref_squeeze %dma_start3A_256 : memref<1x1x8192xf32, #tpu.memory_space<hbm>> -> memref<8192xf32, #tpu.memory_space<hbm>>
          %dma_start3A_258 = arith.constant 57344 : i32
          %dma_start3A_259 = tpu.memref_slice %arg6[%select_n3A, %sub3A_30, %dma_start3A_258] : memref<8x67x131072xf32, #tpu.memory_space<hbm>> -> memref<1x1x8192xf32, #tpu.memory_space<hbm>>
          %dma_start3A_260 = tpu.memref_squeeze %dma_start3A_259 : memref<1x1x8192xf32, #tpu.memory_space<hbm>> -> memref<8192xf32, #tpu.memory_space<hbm>>
          tpu.enqueue_dma source(%arg12 : memref<8192xf32, #tpu.memory_space<vmem>>) target(%dma_start3A_260 : memref<8192xf32, #tpu.memory_space<hbm>>) target_semaphore(%arg21 : memref<!tpu.dma_semaphore, #tpu.memory_space<semaphore_mem>>)
          %dma_start3A_261 = arith.constant 73728 : i32
          %dma_start3A_262 = tpu.memref_slice %arg5[%select_n3A, %dma_start3A_261] : memref<8x131072xi32, #tpu.memory_space<hbm>> -> memref<1x8192xi32, #tpu.memory_space<hbm>>
          %dma_start3A_263 = tpu.memref_squeeze %dma_start3A_262 : memref<1x8192xi32, #tpu.memory_space<hbm>> -> memref<8192xi32, #tpu.memory_space<hbm>>
          %dma_start3A_264 = arith.constant 73728 : i32
          %dma_start3A_265 = tpu.memref_slice %arg5[%select_n3A, %dma_start3A_264] : memref<8x131072xi32, #tpu.memory_space<hbm>> -> memref<1x8192xi32, #tpu.memory_space<hbm>>
          %dma_start3A_266 = tpu.memref_squeeze %dma_start3A_265 : memref<1x8192xi32, #tpu.memory_space<hbm>> -> memref<8192xi32, #tpu.memory_space<hbm>>
          tpu.enqueue_dma source(%dma_start3A_266 : memref<8192xi32, #tpu.memory_space<hbm>>) target(%arg10 : memref<8192xi32, #tpu.memory_space<vmem>>) target_semaphore(%arg19 : memref<!tpu.dma_semaphore, #tpu.memory_space<semaphore_mem>>)
          %dma_wait3A_267 = arith.constant 65536 : i32
          %dma_wait3A_268 = tpu.memref_slice %arg5[%select_n3A, %dma_wait3A_267] : memref<8x131072xi32, #tpu.memory_space<hbm>> -> memref<1x8192xi32, #tpu.memory_space<hbm>>
          %dma_wait3A_269 = tpu.memref_squeeze %dma_wait3A_268 : memref<1x8192xi32, #tpu.memory_space<hbm>> -> memref<8192xi32, #tpu.memory_space<hbm>>
          %dma_wait3A_270 = arith.constant 65536 : i32
          %dma_wait3A_271 = tpu.memref_slice %arg5[%select_n3A, %dma_wait3A_270] : memref<8x131072xi32, #tpu.memory_space<hbm>> -> memref<1x8192xi32, #tpu.memory_space<hbm>>
          %dma_wait3A_272 = tpu.memref_squeeze %dma_wait3A_271 : memref<1x8192xi32, #tpu.memory_space<hbm>> -> memref<8192xi32, #tpu.memory_space<hbm>>
          tpu.wait_dma2 semaphore(%arg18 : memref<!tpu.dma_semaphore, #tpu.memory_space<semaphore_mem>>) src(%dma_wait3A_272 : memref<8192xi32, #tpu.memory_space<hbm>>) dst(%arg9 : memref<8192xi32, #tpu.memory_space<vmem>>)
          %dma_wait3A_273 = arith.constant 49152 : i32
          %dma_wait3A_274 = tpu.memref_slice %arg6[%select_n3A, %sub3A_30, %dma_wait3A_273] : memref<8x67x131072xf32, #tpu.memory_space<hbm>> -> memref<1x1x8192xf32, #tpu.memory_space<hbm>>
          %dma_wait3A_275 = tpu.memref_squeeze %dma_wait3A_274 : memref<1x1x8192xf32, #tpu.memory_space<hbm>> -> memref<8192xf32, #tpu.memory_space<hbm>>
          %dma_wait3A_276 = arith.constant 49152 : i32
          %dma_wait3A_277 = tpu.memref_slice %arg6[%select_n3A, %sub3A_30, %dma_wait3A_276] : memref<8x67x131072xf32, #tpu.memory_space<hbm>> -> memref<1x1x8192xf32, #tpu.memory_space<hbm>>
          %dma_wait3A_278 = tpu.memref_squeeze %dma_wait3A_277 : memref<1x1x8192xf32, #tpu.memory_space<hbm>> -> memref<8192xf32, #tpu.memory_space<hbm>>
          tpu.wait_dma2 semaphore(%arg20 : memref<!tpu.dma_semaphore, #tpu.memory_space<semaphore_mem>>) src(%arg11 : memref<8192xf32, #tpu.memory_space<vmem>>) dst(%dma_wait3A_278 : memref<8192xf32, #tpu.memory_space<hbm>>)
          %parallel_loop3A_279 = arith.constant 0 : i32
          %parallel_loop3A_280 = arith.constant 512 : i32
          %parallel_loop3A_281 = arith.constant 1 : i32
          scf.for %parallel_loop3A_483 = %parallel_loop3A_279 to %parallel_loop3A_280 step %parallel_loop3A_281  : i32 {
            %parallel_loop3A_484 = arith.constant 16 : i32
            %parallel_loop3A_485 = arith.muli %parallel_loop3A_483, %parallel_loop3A_484 : i32
            %parallel_loop3A_486 = arith.index_cast %parallel_loop3A_485 : i32 to index
            %parallel_loop3A_487 = tpu.vector_load %arg9[%parallel_loop3A_486] {strides = array<i32>} : memref<8192xi32, #tpu.memory_space<vmem>>, vector<16xi32>,
            %parallel_loop3A_488 = tpu.vector_load_idx %arg8[%parallel_loop3A_487] : memref<65536xf32, #tpu.memory_space<vmem>>[vector<16xi32>], vector<16xf32>,
            %parallel_loop3A_489 = arith.constant 16 : i32
            %parallel_loop3A_490 = arith.muli %parallel_loop3A_483, %parallel_loop3A_489 : i32
            %parallel_loop3A_491 = arith.index_cast %parallel_loop3A_490 : i32 to index
            %parallel_loop3A_492 = tpu.vector_load %arg11[%parallel_loop3A_491] {strides = array<i32>} : memref<8192xf32, #tpu.memory_space<vmem>>, vector<16xf32>,
            tpu.vector_store %arg11[%parallel_loop3A_491], %parallel_loop3A_488 {strides = array<i32>} : memref<8192xf32, #tpu.memory_space<vmem>>, vector<16xf32>,
          } {sc.loop_unroll_factor = 8 : i64, sc.parallel_access}
          %dma_start3A_282 = arith.constant 65536 : i32
          %dma_start3A_283 = tpu.memref_slice %arg6[%select_n3A, %sub3A_30, %dma_start3A_282] : memref<8x67x131072xf32, #tpu.memory_space<hbm>> -> memref<1x1x8192xf32, #tpu.memory_space<hbm>>
          %dma_start3A_284 = tpu.memref_squeeze %dma_start3A_283 : memref<1x1x8192xf32, #tpu.memory_space<hbm>> -> memref<8192xf32, #tpu.memory_space<hbm>>
          %dma_start3A_285 = arith.constant 65536 : i32
          %dma_start3A_286 = tpu.memref_slice %arg6[%select_n3A, %sub3A_30, %dma_start3A_285] : memref<8x67x131072xf32, #tpu.memory_space<hbm>> -> memref<1x1x8192xf32, #tpu.memory_space<hbm>>
          %dma_start3A_287 = tpu.memref_squeeze %dma_start3A_286 : memref<1x1x8192xf32, #tpu.memory_space<hbm>> -> memref<8192xf32, #tpu.memory_space<hbm>>
          tpu.enqueue_dma source(%arg11 : memref<8192xf32, #tpu.memory_space<vmem>>) target(%dma_start3A_287 : memref<8192xf32, #tpu.memory_space<hbm>>) target_semaphore(%arg20 : memref<!tpu.dma_semaphore, #tpu.memory_space<semaphore_mem>>)
          %dma_start3A_288 = arith.constant 81920 : i32
          %dma_start3A_289 = tpu.memref_slice %arg5[%select_n3A, %dma_start3A_288] : memref<8x131072xi32, #tpu.memory_space<hbm>> -> memref<1x8192xi32, #tpu.memory_space<hbm>>
          %dma_start3A_290 = tpu.memref_squeeze %dma_start3A_289 : memref<1x8192xi32, #tpu.memory_space<hbm>> -> memref<8192xi32, #tpu.memory_space<hbm>>
          %dma_start3A_291 = arith.constant 81920 : i32
          %dma_start3A_292 = tpu.memref_slice %arg5[%select_n3A, %dma_start3A_291] : memref<8x131072xi32, #tpu.memory_space<hbm>> -> memref<1x8192xi32, #tpu.memory_space<hbm>>
          %dma_start3A_293 = tpu.memref_squeeze %dma_start3A_292 : memref<1x8192xi32, #tpu.memory_space<hbm>> -> memref<8192xi32, #tpu.memory_space<hbm>>
          tpu.enqueue_dma source(%dma_start3A_293 : memref<8192xi32, #tpu.memory_space<hbm>>) target(%arg9 : memref<8192xi32, #tpu.memory_space<vmem>>) target_semaphore(%arg18 : memref<!tpu.dma_semaphore, #tpu.memory_space<semaphore_mem>>)
          %dma_wait3A_294 = arith.constant 73728 : i32
          %dma_wait3A_295 = tpu.memref_slice %arg5[%select_n3A, %dma_wait3A_294] : memref<8x131072xi32, #tpu.memory_space<hbm>> -> memref<1x8192xi32, #tpu.memory_space<hbm>>
          %dma_wait3A_296 = tpu.memref_squeeze %dma_wait3A_295 : memref<1x8192xi32, #tpu.memory_space<hbm>> -> memref<8192xi32, #tpu.memory_space<hbm>>
          %dma_wait3A_297 = arith.constant 73728 : i32
          %dma_wait3A_298 = tpu.memref_slice %arg5[%select_n3A, %dma_wait3A_297] : memref<8x131072xi32, #tpu.memory_space<hbm>> -> memref<1x8192xi32, #tpu.memory_space<hbm>>
          %dma_wait3A_299 = tpu.memref_squeeze %dma_wait3A_298 : memref<1x8192xi32, #tpu.memory_space<hbm>> -> memref<8192xi32, #tpu.memory_space<hbm>>
          tpu.wait_dma2 semaphore(%arg19 : memref<!tpu.dma_semaphore, #tpu.memory_space<semaphore_mem>>) src(%dma_wait3A_299 : memref<8192xi32, #tpu.memory_space<hbm>>) dst(%arg10 : memref<8192xi32, #tpu.memory_space<vmem>>)
          %dma_wait3A_300 = arith.constant 57344 : i32
          %dma_wait3A_301 = tpu.memref_slice %arg6[%select_n3A, %sub3A_30, %dma_wait3A_300] : memref<8x67x131072xf32, #tpu.memory_space<hbm>> -> memref<1x1x8192xf32, #tpu.memory_space<hbm>>
          %dma_wait3A_302 = tpu.memref_squeeze %dma_wait3A_301 : memref<1x1x8192xf32, #tpu.memory_space<hbm>> -> memref<8192xf32, #tpu.memory_space<hbm>>
          %dma_wait3A_303 = arith.constant 57344 : i32
          %dma_wait3A_304 = tpu.memref_slice %arg6[%select_n3A, %sub3A_30, %dma_wait3A_303] : memref<8x67x131072xf32, #tpu.memory_space<hbm>> -> memref<1x1x8192xf32, #tpu.memory_space<hbm>>
          %dma_wait3A_305 = tpu.memref_squeeze %dma_wait3A_304 : memref<1x1x8192xf32, #tpu.memory_space<hbm>> -> memref<8192xf32, #tpu.memory_space<hbm>>
          tpu.wait_dma2 semaphore(%arg21 : memref<!tpu.dma_semaphore, #tpu.memory_space<semaphore_mem>>) src(%arg12 : memref<8192xf32, #tpu.memory_space<vmem>>) dst(%dma_wait3A_305 : memref<8192xf32, #tpu.memory_space<hbm>>)
          %parallel_loop3A_306 = arith.constant 0 : i32
          %parallel_loop3A_307 = arith.constant 512 : i32
          %parallel_loop3A_308 = arith.constant 1 : i32
          scf.for %parallel_loop3A_483 = %parallel_loop3A_306 to %parallel_loop3A_307 step %parallel_loop3A_308  : i32 {
            %parallel_loop3A_484 = arith.constant 16 : i32
            %parallel_loop3A_485 = arith.muli %parallel_loop3A_483, %parallel_loop3A_484 : i32
            %parallel_loop3A_486 = arith.index_cast %parallel_loop3A_485 : i32 to index
            %parallel_loop3A_487 = tpu.vector_load %arg10[%parallel_loop3A_486] {strides = array<i32>} : memref<8192xi32, #tpu.memory_space<vmem>>, vector<16xi32>,
            %parallel_loop3A_488 = tpu.vector_load_idx %arg8[%parallel_loop3A_487] : memref<65536xf32, #tpu.memory_space<vmem>>[vector<16xi32>], vector<16xf32>,
            %parallel_loop3A_489 = arith.constant 16 : i32
            %parallel_loop3A_490 = arith.muli %parallel_loop3A_483, %parallel_loop3A_489 : i32
            %parallel_loop3A_491 = arith.index_cast %parallel_loop3A_490 : i32 to index
            %parallel_loop3A_492 = tpu.vector_load %arg12[%parallel_loop3A_491] {strides = array<i32>} : memref<8192xf32, #tpu.memory_space<vmem>>, vector<16xf32>,
            tpu.vector_store %arg12[%parallel_loop3A_491], %parallel_loop3A_488 {strides = array<i32>} : memref<8192xf32, #tpu.memory_space<vmem>>, vector<16xf32>,
          } {sc.loop_unroll_factor = 8 : i64, sc.parallel_access}
          %dma_start3A_309 = arith.constant 73728 : i32
          %dma_start3A_310 = tpu.memref_slice %arg6[%select_n3A, %sub3A_30, %dma_start3A_309] : memref<8x67x131072xf32, #tpu.memory_space<hbm>> -> memref<1x1x8192xf32, #tpu.memory_space<hbm>>
          %dma_start3A_311 = tpu.memref_squeeze %dma_start3A_310 : memref<1x1x8192xf32, #tpu.memory_space<hbm>> -> memref<8192xf32, #tpu.memory_space<hbm>>
          %dma_start3A_312 = arith.constant 73728 : i32
          %dma_start3A_313 = tpu.memref_slice %arg6[%select_n3A, %sub3A_30, %dma_start3A_312] : memref<8x67x131072xf32, #tpu.memory_space<hbm>> -> memref<1x1x8192xf32, #tpu.memory_space<hbm>>
          %dma_start3A_314 = tpu.memref_squeeze %dma_start3A_313 : memref<1x1x8192xf32, #tpu.memory_space<hbm>> -> memref<8192xf32, #tpu.memory_space<hbm>>
          tpu.enqueue_dma source(%arg12 : memref<8192xf32, #tpu.memory_space<vmem>>) target(%dma_start3A_314 : memref<8192xf32, #tpu.memory_space<hbm>>) target_semaphore(%arg21 : memref<!tpu.dma_semaphore, #tpu.memory_space<semaphore_mem>>)
          %dma_start3A_315 = arith.constant 90112 : i32
          %dma_start3A_316 = tpu.memref_slice %arg5[%select_n3A, %dma_start3A_315] : memref<8x131072xi32, #tpu.memory_space<hbm>> -> memref<1x8192xi32, #tpu.memory_space<hbm>>
          %dma_start3A_317 = tpu.memref_squeeze %dma_start3A_316 : memref<1x8192xi32, #tpu.memory_space<hbm>> -> memref<8192xi32, #tpu.memory_space<hbm>>
          %dma_start3A_318 = arith.constant 90112 : i32
          %dma_start3A_319 = tpu.memref_slice %arg5[%select_n3A, %dma_start3A_318] : memref<8x131072xi32, #tpu.memory_space<hbm>> -> memref<1x8192xi32, #tpu.memory_space<hbm>>
          %dma_start3A_320 = tpu.memref_squeeze %dma_start3A_319 : memref<1x8192xi32, #tpu.memory_space<hbm>> -> memref<8192xi32, #tpu.memory_space<hbm>>
          tpu.enqueue_dma source(%dma_start3A_320 : memref<8192xi32, #tpu.memory_space<hbm>>) target(%arg10 : memref<8192xi32, #tpu.memory_space<vmem>>) target_semaphore(%arg19 : memref<!tpu.dma_semaphore, #tpu.memory_space<semaphore_mem>>)
          %dma_wait3A_321 = arith.constant 81920 : i32
          %dma_wait3A_322 = tpu.memref_slice %arg5[%select_n3A, %dma_wait3A_321] : memref<8x131072xi32, #tpu.memory_space<hbm>> -> memref<1x8192xi32, #tpu.memory_space<hbm>>
          %dma_wait3A_323 = tpu.memref_squeeze %dma_wait3A_322 : memref<1x8192xi32, #tpu.memory_space<hbm>> -> memref<8192xi32, #tpu.memory_space<hbm>>
          %dma_wait3A_324 = arith.constant 81920 : i32
          %dma_wait3A_325 = tpu.memref_slice %arg5[%select_n3A, %dma_wait3A_324] : memref<8x131072xi32, #tpu.memory_space<hbm>> -> memref<1x8192xi32, #tpu.memory_space<hbm>>
          %dma_wait3A_326 = tpu.memref_squeeze %dma_wait3A_325 : memref<1x8192xi32, #tpu.memory_space<hbm>> -> memref<8192xi32, #tpu.memory_space<hbm>>
          tpu.wait_dma2 semaphore(%arg18 : memref<!tpu.dma_semaphore, #tpu.memory_space<semaphore_mem>>) src(%dma_wait3A_326 : memref<8192xi32, #tpu.memory_space<hbm>>) dst(%arg9 : memref<8192xi32, #tpu.memory_space<vmem>>)
          %dma_wait3A_327 = arith.constant 65536 : i32
          %dma_wait3A_328 = tpu.memref_slice %arg6[%select_n3A, %sub3A_30, %dma_wait3A_327] : memref<8x67x131072xf32, #tpu.memory_space<hbm>> -> memref<1x1x8192xf32, #tpu.memory_space<hbm>>
          %dma_wait3A_329 = tpu.memref_squeeze %dma_wait3A_328 : memref<1x1x8192xf32, #tpu.memory_space<hbm>> -> memref<8192xf32, #tpu.memory_space<hbm>>
          %dma_wait3A_330 = arith.constant 65536 : i32
          %dma_wait3A_331 = tpu.memref_slice %arg6[%select_n3A, %sub3A_30, %dma_wait3A_330] : memref<8x67x131072xf32, #tpu.memory_space<hbm>> -> memref<1x1x8192xf32, #tpu.memory_space<hbm>>
          %dma_wait3A_332 = tpu.memref_squeeze %dma_wait3A_331 : memref<1x1x8192xf32, #tpu.memory_space<hbm>> -> memref<8192xf32, #tpu.memory_space<hbm>>
          tpu.wait_dma2 semaphore(%arg20 : memref<!tpu.dma_semaphore, #tpu.memory_space<semaphore_mem>>) src(%arg11 : memref<8192xf32, #tpu.memory_space<vmem>>) dst(%dma_wait3A_332 : memref<8192xf32, #tpu.memory_space<hbm>>)
          %parallel_loop3A_333 = arith.constant 0 : i32
          %parallel_loop3A_334 = arith.constant 512 : i32
          %parallel_loop3A_335 = arith.constant 1 : i32
          scf.for %parallel_loop3A_483 = %parallel_loop3A_333 to %parallel_loop3A_334 step %parallel_loop3A_335  : i32 {
            %parallel_loop3A_484 = arith.constant 16 : i32
            %parallel_loop3A_485 = arith.muli %parallel_loop3A_483, %parallel_loop3A_484 : i32
            %parallel_loop3A_486 = arith.index_cast %parallel_loop3A_485 : i32 to index
            %parallel_loop3A_487 = tpu.vector_load %arg9[%parallel_loop3A_486] {strides = array<i32>} : memref<8192xi32, #tpu.memory_space<vmem>>, vector<16xi32>,
            %parallel_loop3A_488 = tpu.vector_load_idx %arg8[%parallel_loop3A_487] : memref<65536xf32, #tpu.memory_space<vmem>>[vector<16xi32>], vector<16xf32>,
            %parallel_loop3A_489 = arith.constant 16 : i32
            %parallel_loop3A_490 = arith.muli %parallel_loop3A_483, %parallel_loop3A_489 : i32
            %parallel_loop3A_491 = arith.index_cast %parallel_loop3A_490 : i32 to index
            %parallel_loop3A_492 = tpu.vector_load %arg11[%parallel_loop3A_491] {strides = array<i32>} : memref<8192xf32, #tpu.memory_space<vmem>>, vector<16xf32>,
            tpu.vector_store %arg11[%parallel_loop3A_491], %parallel_loop3A_488 {strides = array<i32>} : memref<8192xf32, #tpu.memory_space<vmem>>, vector<16xf32>,
          } {sc.loop_unroll_factor = 8 : i64, sc.parallel_access}
          %dma_start3A_336 = arith.constant 81920 : i32
          %dma_start3A_337 = tpu.memref_slice %arg6[%select_n3A, %sub3A_30, %dma_start3A_336] : memref<8x67x131072xf32, #tpu.memory_space<hbm>> -> memref<1x1x8192xf32, #tpu.memory_space<hbm>>
          %dma_start3A_338 = tpu.memref_squeeze %dma_start3A_337 : memref<1x1x8192xf32, #tpu.memory_space<hbm>> -> memref<8192xf32, #tpu.memory_space<hbm>>
          %dma_start3A_339 = arith.constant 81920 : i32
          %dma_start3A_340 = tpu.memref_slice %arg6[%select_n3A, %sub3A_30, %dma_start3A_339] : memref<8x67x131072xf32, #tpu.memory_space<hbm>> -> memref<1x1x8192xf32, #tpu.memory_space<hbm>>
          %dma_start3A_341 = tpu.memref_squeeze %dma_start3A_340 : memref<1x1x8192xf32, #tpu.memory_space<hbm>> -> memref<8192xf32, #tpu.memory_space<hbm>>
          tpu.enqueue_dma source(%arg11 : memref<8192xf32, #tpu.memory_space<vmem>>) target(%dma_start3A_341 : memref<8192xf32, #tpu.memory_space<hbm>>) target_semaphore(%arg20 : memref<!tpu.dma_semaphore, #tpu.memory_space<semaphore_mem>>)
          %dma_start3A_342 = arith.constant 98304 : i32
          %dma_start3A_343 = tpu.memref_slice %arg5[%select_n3A, %dma_start3A_342] : memref<8x131072xi32, #tpu.memory_space<hbm>> -> memref<1x8192xi32, #tpu.memory_space<hbm>>
          %dma_start3A_344 = tpu.memref_squeeze %dma_start3A_343 : memref<1x8192xi32, #tpu.memory_space<hbm>> -> memref<8192xi32, #tpu.memory_space<hbm>>
          %dma_start3A_345 = arith.constant 98304 : i32
          %dma_start3A_346 = tpu.memref_slice %arg5[%select_n3A, %dma_start3A_345] : memref<8x131072xi32, #tpu.memory_space<hbm>> -> memref<1x8192xi32, #tpu.memory_space<hbm>>
          %dma_start3A_347 = tpu.memref_squeeze %dma_start3A_346 : memref<1x8192xi32, #tpu.memory_space<hbm>> -> memref<8192xi32, #tpu.memory_space<hbm>>
          tpu.enqueue_dma source(%dma_start3A_347 : memref<8192xi32, #tpu.memory_space<hbm>>) target(%arg9 : memref<8192xi32, #tpu.memory_space<vmem>>) target_semaphore(%arg18 : memref<!tpu.dma_semaphore, #tpu.memory_space<semaphore_mem>>)
          %dma_wait3A_348 = arith.constant 90112 : i32
          %dma_wait3A_349 = tpu.memref_slice %arg5[%select_n3A, %dma_wait3A_348] : memref<8x131072xi32, #tpu.memory_space<hbm>> -> memref<1x8192xi32, #tpu.memory_space<hbm>>
          %dma_wait3A_350 = tpu.memref_squeeze %dma_wait3A_349 : memref<1x8192xi32, #tpu.memory_space<hbm>> -> memref<8192xi32, #tpu.memory_space<hbm>>
          %dma_wait3A_351 = arith.constant 90112 : i32
          %dma_wait3A_352 = tpu.memref_slice %arg5[%select_n3A, %dma_wait3A_351] : memref<8x131072xi32, #tpu.memory_space<hbm>> -> memref<1x8192xi32, #tpu.memory_space<hbm>>
          %dma_wait3A_353 = tpu.memref_squeeze %dma_wait3A_352 : memref<1x8192xi32, #tpu.memory_space<hbm>> -> memref<8192xi32, #tpu.memory_space<hbm>>
          tpu.wait_dma2 semaphore(%arg19 : memref<!tpu.dma_semaphore, #tpu.memory_space<semaphore_mem>>) src(%dma_wait3A_353 : memref<8192xi32, #tpu.memory_space<hbm>>) dst(%arg10 : memref<8192xi32, #tpu.memory_space<vmem>>)
          %dma_wait3A_354 = arith.constant 73728 : i32
          %dma_wait3A_355 = tpu.memref_slice %arg6[%select_n3A, %sub3A_30, %dma_wait3A_354] : memref<8x67x131072xf32, #tpu.memory_space<hbm>> -> memref<1x1x8192xf32, #tpu.memory_space<hbm>>
          %dma_wait3A_356 = tpu.memref_squeeze %dma_wait3A_355 : memref<1x1x8192xf32, #tpu.memory_space<hbm>> -> memref<8192xf32, #tpu.memory_space<hbm>>
          %dma_wait3A_357 = arith.constant 73728 : i32
          %dma_wait3A_358 = tpu.memref_slice %arg6[%select_n3A, %sub3A_30, %dma_wait3A_357] : memref<8x67x131072xf32, #tpu.memory_space<hbm>> -> memref<1x1x8192xf32, #tpu.memory_space<hbm>>
          %dma_wait3A_359 = tpu.memref_squeeze %dma_wait3A_358 : memref<1x1x8192xf32, #tpu.memory_space<hbm>> -> memref<8192xf32, #tpu.memory_space<hbm>>
          tpu.wait_dma2 semaphore(%arg21 : memref<!tpu.dma_semaphore, #tpu.memory_space<semaphore_mem>>) src(%arg12 : memref<8192xf32, #tpu.memory_space<vmem>>) dst(%dma_wait3A_359 : memref<8192xf32, #tpu.memory_space<hbm>>)
          %parallel_loop3A_360 = arith.constant 0 : i32
          %parallel_loop3A_361 = arith.constant 512 : i32
          %parallel_loop3A_362 = arith.constant 1 : i32
          scf.for %parallel_loop3A_483 = %parallel_loop3A_360 to %parallel_loop3A_361 step %parallel_loop3A_362  : i32 {
            %parallel_loop3A_484 = arith.constant 16 : i32
            %parallel_loop3A_485 = arith.muli %parallel_loop3A_483, %parallel_loop3A_484 : i32
            %parallel_loop3A_486 = arith.index_cast %parallel_loop3A_485 : i32 to index
            %parallel_loop3A_487 = tpu.vector_load %arg10[%parallel_loop3A_486] {strides = array<i32>} : memref<8192xi32, #tpu.memory_space<vmem>>, vector<16xi32>,
            %parallel_loop3A_488 = tpu.vector_load_idx %arg8[%parallel_loop3A_487] : memref<65536xf32, #tpu.memory_space<vmem>>[vector<16xi32>], vector<16xf32>,
            %parallel_loop3A_489 = arith.constant 16 : i32
            %parallel_loop3A_490 = arith.muli %parallel_loop3A_483, %parallel_loop3A_489 : i32
            %parallel_loop3A_491 = arith.index_cast %parallel_loop3A_490 : i32 to index
            %parallel_loop3A_492 = tpu.vector_load %arg12[%parallel_loop3A_491] {strides = array<i32>} : memref<8192xf32, #tpu.memory_space<vmem>>, vector<16xf32>,
            tpu.vector_store %arg12[%parallel_loop3A_491], %parallel_loop3A_488 {strides = array<i32>} : memref<8192xf32, #tpu.memory_space<vmem>>, vector<16xf32>,
          } {sc.loop_unroll_factor = 8 : i64, sc.parallel_access}
          %dma_start3A_363 = arith.constant 90112 : i32
          %dma_start3A_364 = tpu.memref_slice %arg6[%select_n3A, %sub3A_30, %dma_start3A_363] : memref<8x67x131072xf32, #tpu.memory_space<hbm>> -> memref<1x1x8192xf32, #tpu.memory_space<hbm>>
          %dma_start3A_365 = tpu.memref_squeeze %dma_start3A_364 : memref<1x1x8192xf32, #tpu.memory_space<hbm>> -> memref<8192xf32, #tpu.memory_space<hbm>>
          %dma_start3A_366 = arith.constant 90112 : i32
          %dma_start3A_367 = tpu.memref_slice %arg6[%select_n3A, %sub3A_30, %dma_start3A_366] : memref<8x67x131072xf32, #tpu.memory_space<hbm>> -> memref<1x1x8192xf32, #tpu.memory_space<hbm>>
          %dma_start3A_368 = tpu.memref_squeeze %dma_start3A_367 : memref<1x1x8192xf32, #tpu.memory_space<hbm>> -> memref<8192xf32, #tpu.memory_space<hbm>>
          tpu.enqueue_dma source(%arg12 : memref<8192xf32, #tpu.memory_space<vmem>>) target(%dma_start3A_368 : memref<8192xf32, #tpu.memory_space<hbm>>) target_semaphore(%arg21 : memref<!tpu.dma_semaphore, #tpu.memory_space<semaphore_mem>>)
          %dma_start3A_369 = arith.constant 106496 : i32
          %dma_start3A_370 = tpu.memref_slice %arg5[%select_n3A, %dma_start3A_369] : memref<8x131072xi32, #tpu.memory_space<hbm>> -> memref<1x8192xi32, #tpu.memory_space<hbm>>
          %dma_start3A_371 = tpu.memref_squeeze %dma_start3A_370 : memref<1x8192xi32, #tpu.memory_space<hbm>> -> memref<8192xi32, #tpu.memory_space<hbm>>
          %dma_start3A_372 = arith.constant 106496 : i32
          %dma_start3A_373 = tpu.memref_slice %arg5[%select_n3A, %dma_start3A_372] : memref<8x131072xi32, #tpu.memory_space<hbm>> -> memref<1x8192xi32, #tpu.memory_space<hbm>>
          %dma_start3A_374 = tpu.memref_squeeze %dma_start3A_373 : memref<1x8192xi32, #tpu.memory_space<hbm>> -> memref<8192xi32, #tpu.memory_space<hbm>>
          tpu.enqueue_dma source(%dma_start3A_374 : memref<8192xi32, #tpu.memory_space<hbm>>) target(%arg10 : memref<8192xi32, #tpu.memory_space<vmem>>) target_semaphore(%arg19 : memref<!tpu.dma_semaphore, #tpu.memory_space<semaphore_mem>>)
          %dma_wait3A_375 = arith.constant 98304 : i32
          %dma_wait3A_376 = tpu.memref_slice %arg5[%select_n3A, %dma_wait3A_375] : memref<8x131072xi32, #tpu.memory_space<hbm>> -> memref<1x8192xi32, #tpu.memory_space<hbm>>
          %dma_wait3A_377 = tpu.memref_squeeze %dma_wait3A_376 : memref<1x8192xi32, #tpu.memory_space<hbm>> -> memref<8192xi32, #tpu.memory_space<hbm>>
          %dma_wait3A_378 = arith.constant 98304 : i32
          %dma_wait3A_379 = tpu.memref_slice %arg5[%select_n3A, %dma_wait3A_378] : memref<8x131072xi32, #tpu.memory_space<hbm>> -> memref<1x8192xi32, #tpu.memory_space<hbm>>
          %dma_wait3A_380 = tpu.memref_squeeze %dma_wait3A_379 : memref<1x8192xi32, #tpu.memory_space<hbm>> -> memref<8192xi32, #tpu.memory_space<hbm>>
          tpu.wait_dma2 semaphore(%arg18 : memref<!tpu.dma_semaphore, #tpu.memory_space<semaphore_mem>>) src(%dma_wait3A_380 : memref<8192xi32, #tpu.memory_space<hbm>>) dst(%arg9 : memref<8192xi32, #tpu.memory_space<vmem>>)
          %dma_wait3A_381 = arith.constant 81920 : i32
          %dma_wait3A_382 = tpu.memref_slice %arg6[%select_n3A, %sub3A_30, %dma_wait3A_381] : memref<8x67x131072xf32, #tpu.memory_space<hbm>> -> memref<1x1x8192xf32, #tpu.memory_space<hbm>>
          %dma_wait3A_383 = tpu.memref_squeeze %dma_wait3A_382 : memref<1x1x8192xf32, #tpu.memory_space<hbm>> -> memref<8192xf32, #tpu.memory_space<hbm>>
          %dma_wait3A_384 = arith.constant 81920 : i32
          %dma_wait3A_385 = tpu.memref_slice %arg6[%select_n3A, %sub3A_30, %dma_wait3A_384] : memref<8x67x131072xf32, #tpu.memory_space<hbm>> -> memref<1x1x8192xf32, #tpu.memory_space<hbm>>
          %dma_wait3A_386 = tpu.memref_squeeze %dma_wait3A_385 : memref<1x1x8192xf32, #tpu.memory_space<hbm>> -> memref<8192xf32, #tpu.memory_space<hbm>>
          tpu.wait_dma2 semaphore(%arg20 : memref<!tpu.dma_semaphore, #tpu.memory_space<semaphore_mem>>) src(%arg11 : memref<8192xf32, #tpu.memory_space<vmem>>) dst(%dma_wait3A_386 : memref<8192xf32, #tpu.memory_space<hbm>>)
          %parallel_loop3A_387 = arith.constant 0 : i32
          %parallel_loop3A_388 = arith.constant 512 : i32
          %parallel_loop3A_389 = arith.constant 1 : i32
          scf.for %parallel_loop3A_483 = %parallel_loop3A_387 to %parallel_loop3A_388 step %parallel_loop3A_389  : i32 {
            %parallel_loop3A_484 = arith.constant 16 : i32
            %parallel_loop3A_485 = arith.muli %parallel_loop3A_483, %parallel_loop3A_484 : i32
            %parallel_loop3A_486 = arith.index_cast %parallel_loop3A_485 : i32 to index
            %parallel_loop3A_487 = tpu.vector_load %arg9[%parallel_loop3A_486] {strides = array<i32>} : memref<8192xi32, #tpu.memory_space<vmem>>, vector<16xi32>,
            %parallel_loop3A_488 = tpu.vector_load_idx %arg8[%parallel_loop3A_487] : memref<65536xf32, #tpu.memory_space<vmem>>[vector<16xi32>], vector<16xf32>,
            %parallel_loop3A_489 = arith.constant 16 : i32
            %parallel_loop3A_490 = arith.muli %parallel_loop3A_483, %parallel_loop3A_489 : i32
            %parallel_loop3A_491 = arith.index_cast %parallel_loop3A_490 : i32 to index
            %parallel_loop3A_492 = tpu.vector_load %arg11[%parallel_loop3A_491] {strides = array<i32>} : memref<8192xf32, #tpu.memory_space<vmem>>, vector<16xf32>,
            tpu.vector_store %arg11[%parallel_loop3A_491], %parallel_loop3A_488 {strides = array<i32>} : memref<8192xf32, #tpu.memory_space<vmem>>, vector<16xf32>,
          } {sc.loop_unroll_factor = 8 : i64, sc.parallel_access}
          %dma_start3A_390 = arith.constant 98304 : i32
          %dma_start3A_391 = tpu.memref_slice %arg6[%select_n3A, %sub3A_30, %dma_start3A_390] : memref<8x67x131072xf32, #tpu.memory_space<hbm>> -> memref<1x1x8192xf32, #tpu.memory_space<hbm>>
          %dma_start3A_392 = tpu.memref_squeeze %dma_start3A_391 : memref<1x1x8192xf32, #tpu.memory_space<hbm>> -> memref<8192xf32, #tpu.memory_space<hbm>>
          %dma_start3A_393 = arith.constant 98304 : i32
          %dma_start3A_394 = tpu.memref_slice %arg6[%select_n3A, %sub3A_30, %dma_start3A_393] : memref<8x67x131072xf32, #tpu.memory_space<hbm>> -> memref<1x1x8192xf32, #tpu.memory_space<hbm>>
          %dma_start3A_395 = tpu.memref_squeeze %dma_start3A_394 : memref<1x1x8192xf32, #tpu.memory_space<hbm>> -> memref<8192xf32, #tpu.memory_space<hbm>>
          tpu.enqueue_dma source(%arg11 : memref<8192xf32, #tpu.memory_space<vmem>>) target(%dma_start3A_395 : memref<8192xf32, #tpu.memory_space<hbm>>) target_semaphore(%arg20 : memref<!tpu.dma_semaphore, #tpu.memory_space<semaphore_mem>>)
          %dma_start3A_396 = arith.constant 114688 : i32
          %dma_start3A_397 = tpu.memref_slice %arg5[%select_n3A, %dma_start3A_396] : memref<8x131072xi32, #tpu.memory_space<hbm>> -> memref<1x8192xi32, #tpu.memory_space<hbm>>
          %dma_start3A_398 = tpu.memref_squeeze %dma_start3A_397 : memref<1x8192xi32, #tpu.memory_space<hbm>> -> memref<8192xi32, #tpu.memory_space<hbm>>
          %dma_start3A_399 = arith.constant 114688 : i32
          %dma_start3A_400 = tpu.memref_slice %arg5[%select_n3A, %dma_start3A_399] : memref<8x131072xi32, #tpu.memory_space<hbm>> -> memref<1x8192xi32, #tpu.memory_space<hbm>>
          %dma_start3A_401 = tpu.memref_squeeze %dma_start3A_400 : memref<1x8192xi32, #tpu.memory_space<hbm>> -> memref<8192xi32, #tpu.memory_space<hbm>>
          tpu.enqueue_dma source(%dma_start3A_401 : memref<8192xi32, #tpu.memory_space<hbm>>) target(%arg9 : memref<8192xi32, #tpu.memory_space<vmem>>) target_semaphore(%arg18 : memref<!tpu.dma_semaphore, #tpu.memory_space<semaphore_mem>>)
          %dma_wait3A_402 = arith.constant 106496 : i32
          %dma_wait3A_403 = tpu.memref_slice %arg5[%select_n3A, %dma_wait3A_402] : memref<8x131072xi32, #tpu.memory_space<hbm>> -> memref<1x8192xi32, #tpu.memory_space<hbm>>
          %dma_wait3A_404 = tpu.memref_squeeze %dma_wait3A_403 : memref<1x8192xi32, #tpu.memory_space<hbm>> -> memref<8192xi32, #tpu.memory_space<hbm>>
          %dma_wait3A_405 = arith.constant 106496 : i32
          %dma_wait3A_406 = tpu.memref_slice %arg5[%select_n3A, %dma_wait3A_405] : memref<8x131072xi32, #tpu.memory_space<hbm>> -> memref<1x8192xi32, #tpu.memory_space<hbm>>
          %dma_wait3A_407 = tpu.memref_squeeze %dma_wait3A_406 : memref<1x8192xi32, #tpu.memory_space<hbm>> -> memref<8192xi32, #tpu.memory_space<hbm>>
          tpu.wait_dma2 semaphore(%arg19 : memref<!tpu.dma_semaphore, #tpu.memory_space<semaphore_mem>>) src(%dma_wait3A_407 : memref<8192xi32, #tpu.memory_space<hbm>>) dst(%arg10 : memref<8192xi32, #tpu.memory_space<vmem>>)
          %dma_wait3A_408 = arith.constant 90112 : i32
          %dma_wait3A_409 = tpu.memref_slice %arg6[%select_n3A, %sub3A_30, %dma_wait3A_408] : memref<8x67x131072xf32, #tpu.memory_space<hbm>> -> memref<1x1x8192xf32, #tpu.memory_space<hbm>>
          %dma_wait3A_410 = tpu.memref_squeeze %dma_wait3A_409 : memref<1x1x8192xf32, #tpu.memory_space<hbm>> -> memref<8192xf32, #tpu.memory_space<hbm>>
          %dma_wait3A_411 = arith.constant 90112 : i32
          %dma_wait3A_412 = tpu.memref_slice %arg6[%select_n3A, %sub3A_30, %dma_wait3A_411] : memref<8x67x131072xf32, #tpu.memory_space<hbm>> -> memref<1x1x8192xf32, #tpu.memory_space<hbm>>
          %dma_wait3A_413 = tpu.memref_squeeze %dma_wait3A_412 : memref<1x1x8192xf32, #tpu.memory_space<hbm>> -> memref<8192xf32, #tpu.memory_space<hbm>>
          tpu.wait_dma2 semaphore(%arg21 : memref<!tpu.dma_semaphore, #tpu.memory_space<semaphore_mem>>) src(%arg12 : memref<8192xf32, #tpu.memory_space<vmem>>) dst(%dma_wait3A_413 : memref<8192xf32, #tpu.memory_space<hbm>>)
          %parallel_loop3A_414 = arith.constant 0 : i32
          %parallel_loop3A_415 = arith.constant 512 : i32
          %parallel_loop3A_416 = arith.constant 1 : i32
          scf.for %parallel_loop3A_483 = %parallel_loop3A_414 to %parallel_loop3A_415 step %parallel_loop3A_416  : i32 {
            %parallel_loop3A_484 = arith.constant 16 : i32
            %parallel_loop3A_485 = arith.muli %parallel_loop3A_483, %parallel_loop3A_484 : i32
            %parallel_loop3A_486 = arith.index_cast %parallel_loop3A_485 : i32 to index
            %parallel_loop3A_487 = tpu.vector_load %arg10[%parallel_loop3A_486] {strides = array<i32>} : memref<8192xi32, #tpu.memory_space<vmem>>, vector<16xi32>,
            %parallel_loop3A_488 = tpu.vector_load_idx %arg8[%parallel_loop3A_487] : memref<65536xf32, #tpu.memory_space<vmem>>[vector<16xi32>], vector<16xf32>,
            %parallel_loop3A_489 = arith.constant 16 : i32
            %parallel_loop3A_490 = arith.muli %parallel_loop3A_483, %parallel_loop3A_489 : i32
            %parallel_loop3A_491 = arith.index_cast %parallel_loop3A_490 : i32 to index
            %parallel_loop3A_492 = tpu.vector_load %arg12[%parallel_loop3A_491] {strides = array<i32>} : memref<8192xf32, #tpu.memory_space<vmem>>, vector<16xf32>,
            tpu.vector_store %arg12[%parallel_loop3A_491], %parallel_loop3A_488 {strides = array<i32>} : memref<8192xf32, #tpu.memory_space<vmem>>, vector<16xf32>,
          } {sc.loop_unroll_factor = 8 : i64, sc.parallel_access}
          %dma_start3A_417 = arith.constant 106496 : i32
          %dma_start3A_418 = tpu.memref_slice %arg6[%select_n3A, %sub3A_30, %dma_start3A_417] : memref<8x67x131072xf32, #tpu.memory_space<hbm>> -> memref<1x1x8192xf32, #tpu.memory_space<hbm>>
          %dma_start3A_419 = tpu.memref_squeeze %dma_start3A_418 : memref<1x1x8192xf32, #tpu.memory_space<hbm>> -> memref<8192xf32, #tpu.memory_space<hbm>>
          %dma_start3A_420 = arith.constant 106496 : i32
          %dma_start3A_421 = tpu.memref_slice %arg6[%select_n3A, %sub3A_30, %dma_start3A_420] : memref<8x67x131072xf32, #tpu.memory_space<hbm>> -> memref<1x1x8192xf32, #tpu.memory_space<hbm>>
          %dma_start3A_422 = tpu.memref_squeeze %dma_start3A_421 : memref<1x1x8192xf32, #tpu.memory_space<hbm>> -> memref<8192xf32, #tpu.memory_space<hbm>>
          tpu.enqueue_dma source(%arg12 : memref<8192xf32, #tpu.memory_space<vmem>>) target(%dma_start3A_422 : memref<8192xf32, #tpu.memory_space<hbm>>) target_semaphore(%arg21 : memref<!tpu.dma_semaphore, #tpu.memory_space<semaphore_mem>>)
          %dma_start3A_423 = arith.constant 122880 : i32
          %dma_start3A_424 = tpu.memref_slice %arg5[%select_n3A, %dma_start3A_423] : memref<8x131072xi32, #tpu.memory_space<hbm>> -> memref<1x8192xi32, #tpu.memory_space<hbm>>
          %dma_start3A_425 = tpu.memref_squeeze %dma_start3A_424 : memref<1x8192xi32, #tpu.memory_space<hbm>> -> memref<8192xi32, #tpu.memory_space<hbm>>
          %dma_start3A_426 = arith.constant 122880 : i32
          %dma_start3A_427 = tpu.memref_slice %arg5[%select_n3A, %dma_start3A_426] : memref<8x131072xi32, #tpu.memory_space<hbm>> -> memref<1x8192xi32, #tpu.memory_space<hbm>>
          %dma_start3A_428 = tpu.memref_squeeze %dma_start3A_427 : memref<1x8192xi32, #tpu.memory_space<hbm>> -> memref<8192xi32, #tpu.memory_space<hbm>>
          tpu.enqueue_dma source(%dma_start3A_428 : memref<8192xi32, #tpu.memory_space<hbm>>) target(%arg10 : memref<8192xi32, #tpu.memory_space<vmem>>) target_semaphore(%arg19 : memref<!tpu.dma_semaphore, #tpu.memory_space<semaphore_mem>>)
          %dma_wait3A_429 = arith.constant 114688 : i32
          %dma_wait3A_430 = tpu.memref_slice %arg5[%select_n3A, %dma_wait3A_429] : memref<8x131072xi32, #tpu.memory_space<hbm>> -> memref<1x8192xi32, #tpu.memory_space<hbm>>
          %dma_wait3A_431 = tpu.memref_squeeze %dma_wait3A_430 : memref<1x8192xi32, #tpu.memory_space<hbm>> -> memref<8192xi32, #tpu.memory_space<hbm>>
          %dma_wait3A_432 = arith.constant 114688 : i32
          %dma_wait3A_433 = tpu.memref_slice %arg5[%select_n3A, %dma_wait3A_432] : memref<8x131072xi32, #tpu.memory_space<hbm>> -> memref<1x8192xi32, #tpu.memory_space<hbm>>
          %dma_wait3A_434 = tpu.memref_squeeze %dma_wait3A_433 : memref<1x8192xi32, #tpu.memory_space<hbm>> -> memref<8192xi32, #tpu.memory_space<hbm>>
          tpu.wait_dma2 semaphore(%arg18 : memref<!tpu.dma_semaphore, #tpu.memory_space<semaphore_mem>>) src(%dma_wait3A_434 : memref<8192xi32, #tpu.memory_space<hbm>>) dst(%arg9 : memref<8192xi32, #tpu.memory_space<vmem>>)
          %dma_wait3A_435 = arith.constant 98304 : i32
          %dma_wait3A_436 = tpu.memref_slice %arg6[%select_n3A, %sub3A_30, %dma_wait3A_435] : memref<8x67x131072xf32, #tpu.memory_space<hbm>> -> memref<1x1x8192xf32, #tpu.memory_space<hbm>>
          %dma_wait3A_437 = tpu.memref_squeeze %dma_wait3A_436 : memref<1x1x8192xf32, #tpu.memory_space<hbm>> -> memref<8192xf32, #tpu.memory_space<hbm>>
          %dma_wait3A_438 = arith.constant 98304 : i32
          %dma_wait3A_439 = tpu.memref_slice %arg6[%select_n3A, %sub3A_30, %dma_wait3A_438] : memref<8x67x131072xf32, #tpu.memory_space<hbm>> -> memref<1x1x8192xf32, #tpu.memory_space<hbm>>
          %dma_wait3A_440 = tpu.memref_squeeze %dma_wait3A_439 : memref<1x1x8192xf32, #tpu.memory_space<hbm>> -> memref<8192xf32, #tpu.memory_space<hbm>>
          tpu.wait_dma2 semaphore(%arg20 : memref<!tpu.dma_semaphore, #tpu.memory_space<semaphore_mem>>) src(%arg11 : memref<8192xf32, #tpu.memory_space<vmem>>) dst(%dma_wait3A_440 : memref<8192xf32, #tpu.memory_space<hbm>>)
          %parallel_loop3A_441 = arith.constant 0 : i32
          %parallel_loop3A_442 = arith.constant 512 : i32
          %parallel_loop3A_443 = arith.constant 1 : i32
          scf.for %parallel_loop3A_483 = %parallel_loop3A_441 to %parallel_loop3A_442 step %parallel_loop3A_443  : i32 {
            %parallel_loop3A_484 = arith.constant 16 : i32
            %parallel_loop3A_485 = arith.muli %parallel_loop3A_483, %parallel_loop3A_484 : i32
            %parallel_loop3A_486 = arith.index_cast %parallel_loop3A_485 : i32 to index
            %parallel_loop3A_487 = tpu.vector_load %arg9[%parallel_loop3A_486] {strides = array<i32>} : memref<8192xi32, #tpu.memory_space<vmem>>, vector<16xi32>,
            %parallel_loop3A_488 = tpu.vector_load_idx %arg8[%parallel_loop3A_487] : memref<65536xf32, #tpu.memory_space<vmem>>[vector<16xi32>], vector<16xf32>,
            %parallel_loop3A_489 = arith.constant 16 : i32
            %parallel_loop3A_490 = arith.muli %parallel_loop3A_483, %parallel_loop3A_489 : i32
            %parallel_loop3A_491 = arith.index_cast %parallel_loop3A_490 : i32 to index
            %parallel_loop3A_492 = tpu.vector_load %arg11[%parallel_loop3A_491] {strides = array<i32>} : memref<8192xf32, #tpu.memory_space<vmem>>, vector<16xf32>,
            tpu.vector_store %arg11[%parallel_loop3A_491], %parallel_loop3A_488 {strides = array<i32>} : memref<8192xf32, #tpu.memory_space<vmem>>, vector<16xf32>,
          } {sc.loop_unroll_factor = 8 : i64, sc.parallel_access}
          %dma_start3A_444 = arith.constant 114688 : i32
          %dma_start3A_445 = tpu.memref_slice %arg6[%select_n3A, %sub3A_30, %dma_start3A_444] : memref<8x67x131072xf32, #tpu.memory_space<hbm>> -> memref<1x1x8192xf32, #tpu.memory_space<hbm>>
          %dma_start3A_446 = tpu.memref_squeeze %dma_start3A_445 : memref<1x1x8192xf32, #tpu.memory_space<hbm>> -> memref<8192xf32, #tpu.memory_space<hbm>>
          %dma_start3A_447 = arith.constant 114688 : i32
          %dma_start3A_448 = tpu.memref_slice %arg6[%select_n3A, %sub3A_30, %dma_start3A_447] : memref<8x67x131072xf32, #tpu.memory_space<hbm>> -> memref<1x1x8192xf32, #tpu.memory_space<hbm>>
          %dma_start3A_449 = tpu.memref_squeeze %dma_start3A_448 : memref<1x1x8192xf32, #tpu.memory_space<hbm>> -> memref<8192xf32, #tpu.memory_space<hbm>>
          tpu.enqueue_dma source(%arg11 : memref<8192xf32, #tpu.memory_space<vmem>>) target(%dma_start3A_449 : memref<8192xf32, #tpu.memory_space<hbm>>) target_semaphore(%arg20 : memref<!tpu.dma_semaphore, #tpu.memory_space<semaphore_mem>>)
          %dma_wait3A_450 = arith.constant 122880 : i32
          %dma_wait3A_451 = tpu.memref_slice %arg5[%select_n3A, %dma_wait3A_450] : memref<8x131072xi32, #tpu.memory_space<hbm>> -> memref<1x8192xi32, #tpu.memory_space<hbm>>
          %dma_wait3A_452 = tpu.memref_squeeze %dma_wait3A_451 : memref<1x8192xi32, #tpu.memory_space<hbm>> -> memref<8192xi32, #tpu.memory_space<hbm>>
          %dma_wait3A_453 = arith.constant 122880 : i32
          %dma_wait3A_454 = tpu.memref_slice %arg5[%select_n3A, %dma_wait3A_453] : memref<8x131072xi32, #tpu.memory_space<hbm>> -> memref<1x8192xi32, #tpu.memory_space<hbm>>
          %dma_wait3A_455 = tpu.memref_squeeze %dma_wait3A_454 : memref<1x8192xi32, #tpu.memory_space<hbm>> -> memref<8192xi32, #tpu.memory_space<hbm>>
          tpu.wait_dma2 semaphore(%arg19 : memref<!tpu.dma_semaphore, #tpu.memory_space<semaphore_mem>>) src(%dma_wait3A_455 : memref<8192xi32, #tpu.memory_space<hbm>>) dst(%arg10 : memref<8192xi32, #tpu.memory_space<vmem>>)
          %dma_wait3A_456 = arith.constant 106496 : i32
          %dma_wait3A_457 = tpu.memref_slice %arg6[%select_n3A, %sub3A_30, %dma_wait3A_456] : memref<8x67x131072xf32, #tpu.memory_space<hbm>> -> memref<1x1x8192xf32, #tpu.memory_space<hbm>>
          %dma_wait3A_458 = tpu.memref_squeeze %dma_wait3A_457 : memref<1x1x8192xf32, #tpu.memory_space<hbm>> -> memref<8192xf32, #tpu.memory_space<hbm>>
          %dma_wait3A_459 = arith.constant 106496 : i32
          %dma_wait3A_460 = tpu.memref_slice %arg6[%select_n3A, %sub3A_30, %dma_wait3A_459] : memref<8x67x131072xf32, #tpu.memory_space<hbm>> -> memref<1x1x8192xf32, #tpu.memory_space<hbm>>
          %dma_wait3A_461 = tpu.memref_squeeze %dma_wait3A_460 : memref<1x1x8192xf32, #tpu.memory_space<hbm>> -> memref<8192xf32, #tpu.memory_space<hbm>>
          tpu.wait_dma2 semaphore(%arg21 : memref<!tpu.dma_semaphore, #tpu.memory_space<semaphore_mem>>) src(%arg12 : memref<8192xf32, #tpu.memory_space<vmem>>) dst(%dma_wait3A_461 : memref<8192xf32, #tpu.memory_space<hbm>>)
          %parallel_loop3A_462 = arith.constant 0 : i32
          %parallel_loop3A_463 = arith.constant 512 : i32
          %parallel_loop3A_464 = arith.constant 1 : i32
          scf.for %parallel_loop3A_483 = %parallel_loop3A_462 to %parallel_loop3A_463 step %parallel_loop3A_464  : i32 {
            %parallel_loop3A_484 = arith.constant 16 : i32
            %parallel_loop3A_485 = arith.muli %parallel_loop3A_483, %parallel_loop3A_484 : i32
            %parallel_loop3A_486 = arith.index_cast %parallel_loop3A_485 : i32 to index
            %parallel_loop3A_487 = tpu.vector_load %arg10[%parallel_loop3A_486] {strides = array<i32>} : memref<8192xi32, #tpu.memory_space<vmem>>, vector<16xi32>,
            %parallel_loop3A_488 = tpu.vector_load_idx %arg8[%parallel_loop3A_487] : memref<65536xf32, #tpu.memory_space<vmem>>[vector<16xi32>], vector<16xf32>,
            %parallel_loop3A_489 = arith.constant 16 : i32
            %parallel_loop3A_490 = arith.muli %parallel_loop3A_483, %parallel_loop3A_489 : i32
            %parallel_loop3A_491 = arith.index_cast %parallel_loop3A_490 : i32 to index
            %parallel_loop3A_492 = tpu.vector_load %arg12[%parallel_loop3A_491] {strides = array<i32>} : memref<8192xf32, #tpu.memory_space<vmem>>, vector<16xf32>,
            tpu.vector_store %arg12[%parallel_loop3A_491], %parallel_loop3A_488 {strides = array<i32>} : memref<8192xf32, #tpu.memory_space<vmem>>, vector<16xf32>,
          } {sc.loop_unroll_factor = 8 : i64, sc.parallel_access}
          %dma_start3A_465 = arith.constant 122880 : i32
          %dma_start3A_466 = tpu.memref_slice %arg6[%select_n3A, %sub3A_30, %dma_start3A_465] : memref<8x67x131072xf32, #tpu.memory_space<hbm>> -> memref<1x1x8192xf32, #tpu.memory_space<hbm>>
          %dma_start3A_467 = tpu.memref_squeeze %dma_start3A_466 : memref<1x1x8192xf32, #tpu.memory_space<hbm>> -> memref<8192xf32, #tpu.memory_space<hbm>>
          %dma_start3A_468 = arith.constant 122880 : i32
          %dma_start3A_469 = tpu.memref_slice %arg6[%select_n3A, %sub3A_30, %dma_start3A_468] : memref<8x67x131072xf32, #tpu.memory_space<hbm>> -> memref<1x1x8192xf32, #tpu.memory_space<hbm>>
          %dma_start3A_470 = tpu.memref_squeeze %dma_start3A_469 : memref<1x1x8192xf32, #tpu.memory_space<hbm>> -> memref<8192xf32, #tpu.memory_space<hbm>>
          tpu.enqueue_dma source(%arg12 : memref<8192xf32, #tpu.memory_space<vmem>>) target(%dma_start3A_470 : memref<8192xf32, #tpu.memory_space<hbm>>) target_semaphore(%arg21 : memref<!tpu.dma_semaphore, #tpu.memory_space<semaphore_mem>>)
          %dma_wait3A_471 = arith.constant 114688 : i32
          %dma_wait3A_472 = tpu.memref_slice %arg6[%select_n3A, %sub3A_30, %dma_wait3A_471] : memref<8x67x131072xf32, #tpu.memory_space<hbm>> -> memref<1x1x8192xf32, #tpu.memory_space<hbm>>
          %dma_wait3A_473 = tpu.memref_squeeze %dma_wait3A_472 : memref<1x1x8192xf32, #tpu.memory_space<hbm>> -> memref<8192xf32, #tpu.memory_space<hbm>>
          %dma_wait3A_474 = arith.constant 114688 : i32
          %dma_wait3A_475 = tpu.memref_slice %arg6[%select_n3A, %sub3A_30, %dma_wait3A_474] : memref<8x67x131072xf32, #tpu.memory_space<hbm>> -> memref<1x1x8192xf32, #tpu.memory_space<hbm>>
          %dma_wait3A_476 = tpu.memref_squeeze %dma_wait3A_475 : memref<1x1x8192xf32, #tpu.memory_space<hbm>> -> memref<8192xf32, #tpu.memory_space<hbm>>
          tpu.wait_dma2 semaphore(%arg20 : memref<!tpu.dma_semaphore, #tpu.memory_space<semaphore_mem>>) src(%arg11 : memref<8192xf32, #tpu.memory_space<vmem>>) dst(%dma_wait3A_476 : memref<8192xf32, #tpu.memory_space<hbm>>)
          %dma_wait3A_477 = arith.constant 122880 : i32
          %dma_wait3A_478 = tpu.memref_slice %arg6[%select_n3A, %sub3A_30, %dma_wait3A_477] : memref<8x67x131072xf32, #tpu.memory_space<hbm>> -> memref<1x1x8192xf32, #tpu.memory_space<hbm>>
          %dma_wait3A_479 = tpu.memref_squeeze %dma_wait3A_478 : memref<1x1x8192xf32, #tpu.memory_space<hbm>> -> memref<8192xf32, #tpu.memory_space<hbm>>
          %dma_wait3A_480 = arith.constant 122880 : i32
          %dma_wait3A_481 = tpu.memref_slice %arg6[%select_n3A, %sub3A_30, %dma_wait3A_480] : memref<8x67x131072xf32, #tpu.memory_space<hbm>> -> memref<1x1x8192xf32, #tpu.memory_space<hbm>>
          %dma_wait3A_482 = tpu.memref_squeeze %dma_wait3A_481 : memref<1x1x8192xf32, #tpu.memory_space<hbm>> -> memref<8192xf32, #tpu.memory_space<hbm>>
          tpu.wait_dma2 semaphore(%arg21 : memref<!tpu.dma_semaphore, #tpu.memory_space<semaphore_mem>>) src(%arg12 : memref<8192xf32, #tpu.memory_space<vmem>>) dst(%dma_wait3A_482 : memref<8192xf32, #tpu.memory_space<hbm>>)
        } else {
        }
        %convert_element_type3A_37 = arith.extui %lt3A_32 : i1 to i32
        %cond3A_38 = arith.constant 0 : i32
        %cond3A_39 = arith.cmpi ne, %convert_element_type3A_37, %cond3A_38 : i32
        scf.if %cond3A_39 {
          %dma_start3A = arith.constant 0 : i32
          %dma_start3A_40 = tpu.memref_slice %arg2[%select_n3A, %sub3A_30, %dma_start3A] : memref<8x3x65536xf32, #tpu.memory_space<hbm>> -> memref<1x1x65536xf32, #tpu.memory_space<hbm>>
          %dma_start3A_41 = tpu.memref_squeeze %dma_start3A_40 : memref<1x1x65536xf32, #tpu.memory_space<hbm>> -> memref<65536xf32, #tpu.memory_space<hbm>>
          %dma_start3A_42 = arith.constant 0 : i32
          %dma_start3A_43 = tpu.memref_slice %arg2[%select_n3A, %sub3A_30, %dma_start3A_42] : memref<8x3x65536xf32, #tpu.memory_space<hbm>> -> memref<1x1x65536xf32, #tpu.memory_space<hbm>>
          %dma_start3A_44 = tpu.memref_squeeze %dma_start3A_43 : memref<1x1x65536xf32, #tpu.memory_space<hbm>> -> memref<65536xf32, #tpu.memory_space<hbm>>
          tpu.enqueue_dma source(%dma_start3A_44 : memref<65536xf32, #tpu.memory_space<hbm>>) target(%arg8 : memref<65536xf32, #tpu.memory_space<vmem>>) target_semaphore(%arg16 : memref<!tpu.dma_semaphore, #tpu.memory_space<semaphore_mem>>)
          %dma_start3A_45 = arith.constant 0 : i32
          %dma_start3A_46 = tpu.memref_slice %arg3[%select_n3A, %sub3A_30, %dma_start3A_45] : memref<8x3x4096xf32, #tpu.memory_space<hbm>> -> memref<1x1x4096xf32, #tpu.memory_space<hbm>>
          %dma_start3A_47 = tpu.memref_squeeze %dma_start3A_46 : memref<1x1x4096xf32, #tpu.memory_space<hbm>> -> memref<4096xf32, #tpu.memory_space<hbm>>
          %dma_start3A_48 = arith.constant 0 : i32
          %dma_start3A_49 = tpu.memref_slice %arg3[%select_n3A, %sub3A_30, %dma_start3A_48] : memref<8x3x4096xf32, #tpu.memory_space<hbm>> -> memref<1x1x4096xf32, #tpu.memory_space<hbm>>
          %dma_start3A_50 = tpu.memref_squeeze %dma_start3A_49 : memref<1x1x4096xf32, #tpu.memory_space<hbm>> -> memref<4096xf32, #tpu.memory_space<hbm>>
          tpu.enqueue_dma source(%dma_start3A_50 : memref<4096xf32, #tpu.memory_space<hbm>>) target(%arg15 : memref<4096xf32, #tpu.memory_space<vmem>>) target_semaphore(%arg17 : memref<!tpu.dma_semaphore, #tpu.memory_space<semaphore_mem>>)
          %dma_start3A_51 = arith.constant 0 : i32
          %dma_start3A_52 = tpu.memref_slice %arg5[%select_n3A, %dma_start3A_51] : memref<8x131072xi32, #tpu.memory_space<hbm>> -> memref<1x8192xi32, #tpu.memory_space<hbm>>
          %dma_start3A_53 = tpu.memref_squeeze %dma_start3A_52 : memref<1x8192xi32, #tpu.memory_space<hbm>> -> memref<8192xi32, #tpu.memory_space<hbm>>
          %dma_start3A_54 = arith.constant 0 : i32
          %dma_start3A_55 = tpu.memref_slice %arg5[%select_n3A, %dma_start3A_54] : memref<8x131072xi32, #tpu.memory_space<hbm>> -> memref<1x8192xi32, #tpu.memory_space<hbm>>
          %dma_start3A_56 = tpu.memref_squeeze %dma_start3A_55 : memref<1x8192xi32, #tpu.memory_space<hbm>> -> memref<8192xi32, #tpu.memory_space<hbm>>
          tpu.enqueue_dma source(%dma_start3A_56 : memref<8192xi32, #tpu.memory_space<hbm>>) target(%arg9 : memref<8192xi32, #tpu.memory_space<vmem>>) target_semaphore(%arg18 : memref<!tpu.dma_semaphore, #tpu.memory_space<semaphore_mem>>)
          %dma_wait3A = arith.constant 0 : i32
          %dma_wait3A_57 = tpu.memref_slice %arg2[%select_n3A, %sub3A_30, %dma_wait3A] : memref<8x3x65536xf32, #tpu.memory_space<hbm>> -> memref<1x1x65536xf32, #tpu.memory_space<hbm>>
          %dma_wait3A_58 = tpu.memref_squeeze %dma_wait3A_57 : memref<1x1x65536xf32, #tpu.memory_space<hbm>> -> memref<65536xf32, #tpu.memory_space<hbm>>
          %dma_wait3A_59 = arith.constant 0 : i32
          %dma_wait3A_60 = tpu.memref_slice %arg2[%select_n3A, %sub3A_30, %dma_wait3A_59] : memref<8x3x65536xf32, #tpu.memory_space<hbm>> -> memref<1x1x65536xf32, #tpu.memory_space<hbm>>
          %dma_wait3A_61 = tpu.memref_squeeze %dma_wait3A_60 : memref<1x1x65536xf32, #tpu.memory_space<hbm>> -> memref<65536xf32, #tpu.memory_space<hbm>>
          tpu.wait_dma2 semaphore(%arg16 : memref<!tpu.dma_semaphore, #tpu.memory_space<semaphore_mem>>) src(%dma_wait3A_61 : memref<65536xf32, #tpu.memory_space<hbm>>) dst(%arg8 : memref<65536xf32, #tpu.memory_space<vmem>>)
          %dma_wait3A_62 = arith.constant 0 : i32
          %dma_wait3A_63 = tpu.memref_slice %arg3[%select_n3A, %sub3A_30, %dma_wait3A_62] : memref<8x3x4096xf32, #tpu.memory_space<hbm>> -> memref<1x1x4096xf32, #tpu.memory_space<hbm>>
          %dma_wait3A_64 = tpu.memref_squeeze %dma_wait3A_63 : memref<1x1x4096xf32, #tpu.memory_space<hbm>> -> memref<4096xf32, #tpu.memory_space<hbm>>
          %dma_wait3A_65 = arith.constant 0 : i32
          %dma_wait3A_66 = tpu.memref_slice %arg3[%select_n3A, %sub3A_30, %dma_wait3A_65] : memref<8x3x4096xf32, #tpu.memory_space<hbm>> -> memref<1x1x4096xf32, #tpu.memory_space<hbm>>
          %dma_wait3A_67 = tpu.memref_squeeze %dma_wait3A_66 : memref<1x1x4096xf32, #tpu.memory_space<hbm>> -> memref<4096xf32, #tpu.memory_space<hbm>>
          tpu.wait_dma2 semaphore(%arg17 : memref<!tpu.dma_semaphore, #tpu.memory_space<semaphore_mem>>) src(%dma_wait3A_67 : memref<4096xf32, #tpu.memory_space<hbm>>) dst(%arg15 : memref<4096xf32, #tpu.memory_space<vmem>>)
          %dma_start3A_68 = arith.constant 8192 : i32
          %dma_start3A_69 = tpu.memref_slice %arg5[%select_n3A, %dma_start3A_68] : memref<8x131072xi32, #tpu.memory_space<hbm>> -> memref<1x8192xi32, #tpu.memory_space<hbm>>
          %dma_start3A_70 = tpu.memref_squeeze %dma_start3A_69 : memref<1x8192xi32, #tpu.memory_space<hbm>> -> memref<8192xi32, #tpu.memory_space<hbm>>
          %dma_start3A_71 = arith.constant 8192 : i32
          %dma_start3A_72 = tpu.memref_slice %arg5[%select_n3A, %dma_start3A_71] : memref<8x131072xi32, #tpu.memory_space<hbm>> -> memref<1x8192xi32, #tpu.memory_space<hbm>>
          %dma_start3A_73 = tpu.memref_squeeze %dma_start3A_72 : memref<1x8192xi32, #tpu.memory_space<hbm>> -> memref<8192xi32, #tpu.memory_space<hbm>>
          tpu.enqueue_dma source(%dma_start3A_73 : memref<8192xi32, #tpu.memory_space<hbm>>) target(%arg10 : memref<8192xi32, #tpu.memory_space<vmem>>) target_semaphore(%arg19 : memref<!tpu.dma_semaphore, #tpu.memory_space<semaphore_mem>>)
          %dma_wait3A_74 = arith.constant 0 : i32
          %dma_wait3A_75 = tpu.memref_slice %arg5[%select_n3A, %dma_wait3A_74] : memref<8x131072xi32, #tpu.memory_space<hbm>> -> memref<1x8192xi32, #tpu.memory_space<hbm>>
          %dma_wait3A_76 = tpu.memref_squeeze %dma_wait3A_75 : memref<1x8192xi32, #tpu.memory_space<hbm>> -> memref<8192xi32, #tpu.memory_space<hbm>>
          %dma_wait3A_77 = arith.constant 0 : i32
          %dma_wait3A_78 = tpu.memref_slice %arg5[%select_n3A, %dma_wait3A_77] : memref<8x131072xi32, #tpu.memory_space<hbm>> -> memref<1x8192xi32, #tpu.memory_space<hbm>>
          %dma_wait3A_79 = tpu.memref_squeeze %dma_wait3A_78 : memref<1x8192xi32, #tpu.memory_space<hbm>> -> memref<8192xi32, #tpu.memory_space<hbm>>
          tpu.wait_dma2 semaphore(%arg18 : memref<!tpu.dma_semaphore, #tpu.memory_space<semaphore_mem>>) src(%dma_wait3A_79 : memref<8192xi32, #tpu.memory_space<hbm>>) dst(%arg9 : memref<8192xi32, #tpu.memory_space<vmem>>)
          %scan3A_80 = arith.constant 0 : i32
          %scan3A_81 = arith.constant 0 : i32
          %scan3A_82 = arith.constant 256 : i32
          %scan3A_83 = arith.addi %scan3A_81, %scan3A_82 : i32
          %scan3A_84 = arith.constant 1 : i32
          scf.for %scan3A_734 = %scan3A_81 to %scan3A_83 step %scan3A_84  : i32 {
            %add3A_735 = arith.constant 0 : i32
            %add3A_736 = arith.addi %add3A_735, %scan3A_734 : i32
            %broadcast_in_dim3A = vector.broadcast %add3A_736 : i32 to vector<16xi32>
            %gather3A = tpu.vector_load_idx %arg15[%broadcast_in_dim3A] : memref<4096xf32, #tpu.memory_space<vmem>>[vector<16xi32>], vector<16xf32>,
            %mul3A_737 = arith.constant 2 : i32
            %mul3A_738 = arith.muli %scan3A_734, %mul3A_737 : i32
            %add3A_739 = arith.constant 0 : i32
            %add3A_740 = arith.addi %mul3A_738, %add3A_739 : i32
            %mul3A_741 = arith.constant 16 : i32
            %mul3A_742 = arith.muli %add3A_740, %mul3A_741 : i32
            %get3A = arith.index_cast %mul3A_742 : i32 to index
            %get3A_743 = tpu.vector_load %arg9[%get3A] {strides = array<i32>} : memref<8192xi32, #tpu.memory_space<vmem>>, vector<16xi32>,
            %gather3A_744 = tpu.vector_load_idx %arg8[%get3A_743] : memref<65536xf32, #tpu.memory_space<vmem>>[vector<16xi32>], vector<16xf32>,
            %swap3A = arith.index_cast %mul3A_742 : i32 to index
            %swap3A_745 = tpu.vector_load %arg11[%swap3A] {strides = array<i32>} : memref<8192xf32, #tpu.memory_space<vmem>>, vector<16xf32>,
            tpu.vector_store %arg11[%swap3A], %gather3A_744 {strides = array<i32>} : memref<8192xf32, #tpu.memory_space<vmem>>, vector<16xf32>,
            %sub3A_746 = arith.subf %gather3A_744, %gather3A : vector<16xf32>
            %swap3A_747 = arith.index_cast %mul3A_742 : i32 to index
            %swap3A_748 = tpu.vector_load %arg13[%swap3A_747] {strides = array<i32>} : memref<8192xf32, #tpu.memory_space<vmem>>, vector<16xf32>,
            tpu.vector_store %arg13[%swap3A_747], %sub3A_746 {strides = array<i32>} : memref<8192xf32, #tpu.memory_space<vmem>>, vector<16xf32>,
            %mul3A_749 = arith.constant 2 : i32
            %mul3A_750 = arith.muli %scan3A_734, %mul3A_749 : i32
            %add3A_751 = arith.constant 1 : i32
            %add3A_752 = arith.addi %mul3A_750, %add3A_751 : i32
            %mul3A_753 = arith.constant 16 : i32
            %mul3A_754 = arith.muli %add3A_752, %mul3A_753 : i32
            %get3A_755 = arith.index_cast %mul3A_754 : i32 to index
            %get3A_756 = tpu.vector_load %arg9[%get3A_755] {strides = array<i32>} : memref<8192xi32, #tpu.memory_space<vmem>>, vector<16xi32>,
            %gather3A_757 = tpu.vector_load_idx %arg8[%get3A_756] : memref<65536xf32, #tpu.memory_space<vmem>>[vector<16xi32>], vector<16xf32>,
            %swap3A_758 = arith.index_cast %mul3A_754 : i32 to index
            %swap3A_759 = tpu.vector_load %arg11[%swap3A_758] {strides = array<i32>} : memref<8192xf32, #tpu.memory_space<vmem>>, vector<16xf32>,
            tpu.vector_store %arg11[%swap3A_758], %gather3A_757 {strides = array<i32>} : memref<8192xf32, #tpu.memory_space<vmem>>, vector<16xf32>,
            %sub3A_760 = arith.subf %gather3A_757, %gather3A : vector<16xf32>
            %swap3A_761 = arith.index_cast %mul3A_754 : i32 to index
            %swap3A_762 = tpu.vector_load %arg13[%swap3A_761] {strides = array<i32>} : memref<8192xf32, #tpu.memory_space<vmem>>, vector<16xf32>,
            tpu.vector_store %arg13[%swap3A_761], %sub3A_760 {strides = array<i32>} : memref<8192xf32, #tpu.memory_space<vmem>>, vector<16xf32>,
          }
          %scan3A_85 = arith.constant 256 : i32
          %dma_start3A_86 = arith.constant 0 : i32
          %dma_start3A_87 = tpu.memref_slice %arg7[%select_n3A, %sub3A_30, %dma_start3A_86] : memref<8x3x131072xf32, #tpu.memory_space<hbm>> -> memref<1x1x8192xf32, #tpu.memory_space<hbm>>
          %dma_start3A_88 = tpu.memref_squeeze %dma_start3A_87 : memref<1x1x8192xf32, #tpu.memory_space<hbm>> -> memref<8192xf32, #tpu.memory_space<hbm>>
          %dma_start3A_89 = arith.constant 0 : i32
          %dma_start3A_90 = tpu.memref_slice %arg7[%select_n3A, %sub3A_30, %dma_start3A_89] : memref<8x3x131072xf32, #tpu.memory_space<hbm>> -> memref<1x1x8192xf32, #tpu.memory_space<hbm>>
          %dma_start3A_91 = tpu.memref_squeeze %dma_start3A_90 : memref<1x1x8192xf32, #tpu.memory_space<hbm>> -> memref<8192xf32, #tpu.memory_space<hbm>>
          tpu.enqueue_dma source(%arg11 : memref<8192xf32, #tpu.memory_space<vmem>>) target(%dma_start3A_91 : memref<8192xf32, #tpu.memory_space<hbm>>) target_semaphore(%arg20 : memref<!tpu.dma_semaphore, #tpu.memory_space<semaphore_mem>>)
          %dma_start3A_92 = arith.constant 0 : i32
          %dma_start3A_93 = tpu.memref_slice %arg6[%select_n3A, %sub3A_30, %dma_start3A_92] : memref<8x67x131072xf32, #tpu.memory_space<hbm>> -> memref<1x1x8192xf32, #tpu.memory_space<hbm>>
          %dma_start3A_94 = tpu.memref_squeeze %dma_start3A_93 : memref<1x1x8192xf32, #tpu.memory_space<hbm>> -> memref<8192xf32, #tpu.memory_space<hbm>>
          %dma_start3A_95 = arith.constant 0 : i32
          %dma_start3A_96 = tpu.memref_slice %arg6[%select_n3A, %sub3A_30, %dma_start3A_95] : memref<8x67x131072xf32, #tpu.memory_space<hbm>> -> memref<1x1x8192xf32, #tpu.memory_space<hbm>>
          %dma_start3A_97 = tpu.memref_squeeze %dma_start3A_96 : memref<1x1x8192xf32, #tpu.memory_space<hbm>> -> memref<8192xf32, #tpu.memory_space<hbm>>
          tpu.enqueue_dma source(%arg13 : memref<8192xf32, #tpu.memory_space<vmem>>) target(%dma_start3A_97 : memref<8192xf32, #tpu.memory_space<hbm>>) target_semaphore(%arg22 : memref<!tpu.dma_semaphore, #tpu.memory_space<semaphore_mem>>)
          %dma_start3A_98 = arith.constant 16384 : i32
          %dma_start3A_99 = tpu.memref_slice %arg5[%select_n3A, %dma_start3A_98] : memref<8x131072xi32, #tpu.memory_space<hbm>> -> memref<1x8192xi32, #tpu.memory_space<hbm>>
          %dma_start3A_100 = tpu.memref_squeeze %dma_start3A_99 : memref<1x8192xi32, #tpu.memory_space<hbm>> -> memref<8192xi32, #tpu.memory_space<hbm>>
          %dma_start3A_101 = arith.constant 16384 : i32
          %dma_start3A_102 = tpu.memref_slice %arg5[%select_n3A, %dma_start3A_101] : memref<8x131072xi32, #tpu.memory_space<hbm>> -> memref<1x8192xi32, #tpu.memory_space<hbm>>
          %dma_start3A_103 = tpu.memref_squeeze %dma_start3A_102 : memref<1x8192xi32, #tpu.memory_space<hbm>> -> memref<8192xi32, #tpu.memory_space<hbm>>
          tpu.enqueue_dma source(%dma_start3A_103 : memref<8192xi32, #tpu.memory_space<hbm>>) target(%arg9 : memref<8192xi32, #tpu.memory_space<vmem>>) target_semaphore(%arg18 : memref<!tpu.dma_semaphore, #tpu.memory_space<semaphore_mem>>)
          %dma_wait3A_104 = arith.constant 8192 : i32
          %dma_wait3A_105 = tpu.memref_slice %arg5[%select_n3A, %dma_wait3A_104] : memref<8x131072xi32, #tpu.memory_space<hbm>> -> memref<1x8192xi32, #tpu.memory_space<hbm>>
          %dma_wait3A_106 = tpu.memref_squeeze %dma_wait3A_105 : memref<1x8192xi32, #tpu.memory_space<hbm>> -> memref<8192xi32, #tpu.memory_space<hbm>>
          %dma_wait3A_107 = arith.constant 8192 : i32
          %dma_wait3A_108 = tpu.memref_slice %arg5[%select_n3A, %dma_wait3A_107] : memref<8x131072xi32, #tpu.memory_space<hbm>> -> memref<1x8192xi32, #tpu.memory_space<hbm>>
          %dma_wait3A_109 = tpu.memref_squeeze %dma_wait3A_108 : memref<1x8192xi32, #tpu.memory_space<hbm>> -> memref<8192xi32, #tpu.memory_space<hbm>>
          tpu.wait_dma2 semaphore(%arg19 : memref<!tpu.dma_semaphore, #tpu.memory_space<semaphore_mem>>) src(%dma_wait3A_109 : memref<8192xi32, #tpu.memory_space<hbm>>) dst(%arg10 : memref<8192xi32, #tpu.memory_space<vmem>>)
          %scan3A_110 = arith.constant 0 : i32
          %scan3A_111 = arith.constant 0 : i32
          %scan3A_112 = arith.constant 256 : i32
          %scan3A_113 = arith.addi %scan3A_111, %scan3A_112 : i32
          %scan3A_114 = arith.constant 1 : i32
          scf.for %scan3A_734 = %scan3A_111 to %scan3A_113 step %scan3A_114  : i32 {
            %add3A_735 = arith.constant 256 : i32
            %add3A_736 = arith.addi %add3A_735, %scan3A_734 : i32
            %broadcast_in_dim3A = vector.broadcast %add3A_736 : i32 to vector<16xi32>
            %gather3A = tpu.vector_load_idx %arg15[%broadcast_in_dim3A] : memref<4096xf32, #tpu.memory_space<vmem>>[vector<16xi32>], vector<16xf32>,
            %mul3A_737 = arith.constant 2 : i32
            %mul3A_738 = arith.muli %scan3A_734, %mul3A_737 : i32
            %add3A_739 = arith.constant 0 : i32
            %add3A_740 = arith.addi %mul3A_738, %add3A_739 : i32
            %mul3A_741 = arith.constant 16 : i32
            %mul3A_742 = arith.muli %add3A_740, %mul3A_741 : i32
            %get3A = arith.index_cast %mul3A_742 : i32 to index
            %get3A_743 = tpu.vector_load %arg10[%get3A] {strides = array<i32>} : memref<8192xi32, #tpu.memory_space<vmem>>, vector<16xi32>,
            %gather3A_744 = tpu.vector_load_idx %arg8[%get3A_743] : memref<65536xf32, #tpu.memory_space<vmem>>[vector<16xi32>], vector<16xf32>,
            %swap3A = arith.index_cast %mul3A_742 : i32 to index
            %swap3A_745 = tpu.vector_load %arg12[%swap3A] {strides = array<i32>} : memref<8192xf32, #tpu.memory_space<vmem>>, vector<16xf32>,
            tpu.vector_store %arg12[%swap3A], %gather3A_744 {strides = array<i32>} : memref<8192xf32, #tpu.memory_space<vmem>>, vector<16xf32>,
            %sub3A_746 = arith.subf %gather3A_744, %gather3A : vector<16xf32>
            %swap3A_747 = arith.index_cast %mul3A_742 : i32 to index
            %swap3A_748 = tpu.vector_load %arg14[%swap3A_747] {strides = array<i32>} : memref<8192xf32, #tpu.memory_space<vmem>>, vector<16xf32>,
            tpu.vector_store %arg14[%swap3A_747], %sub3A_746 {strides = array<i32>} : memref<8192xf32, #tpu.memory_space<vmem>>, vector<16xf32>,
            %mul3A_749 = arith.constant 2 : i32
            %mul3A_750 = arith.muli %scan3A_734, %mul3A_749 : i32
            %add3A_751 = arith.constant 1 : i32
            %add3A_752 = arith.addi %mul3A_750, %add3A_751 : i32
            %mul3A_753 = arith.constant 16 : i32
            %mul3A_754 = arith.muli %add3A_752, %mul3A_753 : i32
            %get3A_755 = arith.index_cast %mul3A_754 : i32 to index
            %get3A_756 = tpu.vector_load %arg10[%get3A_755] {strides = array<i32>} : memref<8192xi32, #tpu.memory_space<vmem>>, vector<16xi32>,
            %gather3A_757 = tpu.vector_load_idx %arg8[%get3A_756] : memref<65536xf32, #tpu.memory_space<vmem>>[vector<16xi32>], vector<16xf32>,
            %swap3A_758 = arith.index_cast %mul3A_754 : i32 to index
            %swap3A_759 = tpu.vector_load %arg12[%swap3A_758] {strides = array<i32>} : memref<8192xf32, #tpu.memory_space<vmem>>, vector<16xf32>,
            tpu.vector_store %arg12[%swap3A_758], %gather3A_757 {strides = array<i32>} : memref<8192xf32, #tpu.memory_space<vmem>>, vector<16xf32>,
            %sub3A_760 = arith.subf %gather3A_757, %gather3A : vector<16xf32>
            %swap3A_761 = arith.index_cast %mul3A_754 : i32 to index
            %swap3A_762 = tpu.vector_load %arg14[%swap3A_761] {strides = array<i32>} : memref<8192xf32, #tpu.memory_space<vmem>>, vector<16xf32>,
            tpu.vector_store %arg14[%swap3A_761], %sub3A_760 {strides = array<i32>} : memref<8192xf32, #tpu.memory_space<vmem>>, vector<16xf32>,
          }
          %scan3A_115 = arith.constant 256 : i32
          %dma_start3A_116 = arith.constant 8192 : i32
          %dma_start3A_117 = tpu.memref_slice %arg7[%select_n3A, %sub3A_30, %dma_start3A_116] : memref<8x3x131072xf32, #tpu.memory_space<hbm>> -> memref<1x1x8192xf32, #tpu.memory_space<hbm>>
          %dma_start3A_118 = tpu.memref_squeeze %dma_start3A_117 : memref<1x1x8192xf32, #tpu.memory_space<hbm>> -> memref<8192xf32, #tpu.memory_space<hbm>>
          %dma_start3A_119 = arith.constant 8192 : i32
          %dma_start3A_120 = tpu.memref_slice %arg7[%select_n3A, %sub3A_30, %dma_start3A_119] : memref<8x3x131072xf32, #tpu.memory_space<hbm>> -> memref<1x1x8192xf32, #tpu.memory_space<hbm>>
          %dma_start3A_121 = tpu.memref_squeeze %dma_start3A_120 : memref<1x1x8192xf32, #tpu.memory_space<hbm>> -> memref<8192xf32, #tpu.memory_space<hbm>>
          tpu.enqueue_dma source(%arg12 : memref<8192xf32, #tpu.memory_space<vmem>>) target(%dma_start3A_121 : memref<8192xf32, #tpu.memory_space<hbm>>) target_semaphore(%arg21 : memref<!tpu.dma_semaphore, #tpu.memory_space<semaphore_mem>>)
          %dma_start3A_122 = arith.constant 8192 : i32
          %dma_start3A_123 = tpu.memref_slice %arg6[%select_n3A, %sub3A_30, %dma_start3A_122] : memref<8x67x131072xf32, #tpu.memory_space<hbm>> -> memref<1x1x8192xf32, #tpu.memory_space<hbm>>
          %dma_start3A_124 = tpu.memref_squeeze %dma_start3A_123 : memref<1x1x8192xf32, #tpu.memory_space<hbm>> -> memref<8192xf32, #tpu.memory_space<hbm>>
          %dma_start3A_125 = arith.constant 8192 : i32
          %dma_start3A_126 = tpu.memref_slice %arg6[%select_n3A, %sub3A_30, %dma_start3A_125] : memref<8x67x131072xf32, #tpu.memory_space<hbm>> -> memref<1x1x8192xf32, #tpu.memory_space<hbm>>
          %dma_start3A_127 = tpu.memref_squeeze %dma_start3A_126 : memref<1x1x8192xf32, #tpu.memory_space<hbm>> -> memref<8192xf32, #tpu.memory_space<hbm>>
          tpu.enqueue_dma source(%arg14 : memref<8192xf32, #tpu.memory_space<vmem>>) target(%dma_start3A_127 : memref<8192xf32, #tpu.memory_space<hbm>>) target_semaphore(%arg23 : memref<!tpu.dma_semaphore, #tpu.memory_space<semaphore_mem>>)
          %dma_start3A_128 = arith.constant 24576 : i32
          %dma_start3A_129 = tpu.memref_slice %arg5[%select_n3A, %dma_start3A_128] : memref<8x131072xi32, #tpu.memory_space<hbm>> -> memref<1x8192xi32, #tpu.memory_space<hbm>>
          %dma_start3A_130 = tpu.memref_squeeze %dma_start3A_129 : memref<1x8192xi32, #tpu.memory_space<hbm>> -> memref<8192xi32, #tpu.memory_space<hbm>>
          %dma_start3A_131 = arith.constant 24576 : i32
          %dma_start3A_132 = tpu.memref_slice %arg5[%select_n3A, %dma_start3A_131] : memref<8x131072xi32, #tpu.memory_space<hbm>> -> memref<1x8192xi32, #tpu.memory_space<hbm>>
          %dma_start3A_133 = tpu.memref_squeeze %dma_start3A_132 : memref<1x8192xi32, #tpu.memory_space<hbm>> -> memref<8192xi32, #tpu.memory_space<hbm>>
          tpu.enqueue_dma source(%dma_start3A_133 : memref<8192xi32, #tpu.memory_space<hbm>>) target(%arg10 : memref<8192xi32, #tpu.memory_space<vmem>>) target_semaphore(%arg19 : memref<!tpu.dma_semaphore, #tpu.memory_space<semaphore_mem>>)
          %dma_wait3A_134 = arith.constant 16384 : i32
          %dma_wait3A_135 = tpu.memref_slice %arg5[%select_n3A, %dma_wait3A_134] : memref<8x131072xi32, #tpu.memory_space<hbm>> -> memref<1x8192xi32, #tpu.memory_space<hbm>>
          %dma_wait3A_136 = tpu.memref_squeeze %dma_wait3A_135 : memref<1x8192xi32, #tpu.memory_space<hbm>> -> memref<8192xi32, #tpu.memory_space<hbm>>
          %dma_wait3A_137 = arith.constant 16384 : i32
          %dma_wait3A_138 = tpu.memref_slice %arg5[%select_n3A, %dma_wait3A_137] : memref<8x131072xi32, #tpu.memory_space<hbm>> -> memref<1x8192xi32, #tpu.memory_space<hbm>>
          %dma_wait3A_139 = tpu.memref_squeeze %dma_wait3A_138 : memref<1x8192xi32, #tpu.memory_space<hbm>> -> memref<8192xi32, #tpu.memory_space<hbm>>
          tpu.wait_dma2 semaphore(%arg18 : memref<!tpu.dma_semaphore, #tpu.memory_space<semaphore_mem>>) src(%dma_wait3A_139 : memref<8192xi32, #tpu.memory_space<hbm>>) dst(%arg9 : memref<8192xi32, #tpu.memory_space<vmem>>)
          %dma_wait3A_140 = arith.constant 0 : i32
          %dma_wait3A_141 = tpu.memref_slice %arg7[%select_n3A, %sub3A_30, %dma_wait3A_140] : memref<8x3x131072xf32, #tpu.memory_space<hbm>> -> memref<1x1x8192xf32, #tpu.memory_space<hbm>>
          %dma_wait3A_142 = tpu.memref_squeeze %dma_wait3A_141 : memref<1x1x8192xf32, #tpu.memory_space<hbm>> -> memref<8192xf32, #tpu.memory_space<hbm>>
          %dma_wait3A_143 = arith.constant 0 : i32
          %dma_wait3A_144 = tpu.memref_slice %arg7[%select_n3A, %sub3A_30, %dma_wait3A_143] : memref<8x3x131072xf32, #tpu.memory_space<hbm>> -> memref<1x1x8192xf32, #tpu.memory_space<hbm>>
          %dma_wait3A_145 = tpu.memref_squeeze %dma_wait3A_144 : memref<1x1x8192xf32, #tpu.memory_space<hbm>> -> memref<8192xf32, #tpu.memory_space<hbm>>
          tpu.wait_dma2 semaphore(%arg20 : memref<!tpu.dma_semaphore, #tpu.memory_space<semaphore_mem>>) src(%arg11 : memref<8192xf32, #tpu.memory_space<vmem>>) dst(%dma_wait3A_145 : memref<8192xf32, #tpu.memory_space<hbm>>)
          %dma_wait3A_146 = arith.constant 0 : i32
          %dma_wait3A_147 = tpu.memref_slice %arg6[%select_n3A, %sub3A_30, %dma_wait3A_146] : memref<8x67x131072xf32, #tpu.memory_space<hbm>> -> memref<1x1x8192xf32, #tpu.memory_space<hbm>>
          %dma_wait3A_148 = tpu.memref_squeeze %dma_wait3A_147 : memref<1x1x8192xf32, #tpu.memory_space<hbm>> -> memref<8192xf32, #tpu.memory_space<hbm>>
          %dma_wait3A_149 = arith.constant 0 : i32
          %dma_wait3A_150 = tpu.memref_slice %arg6[%select_n3A, %sub3A_30, %dma_wait3A_149] : memref<8x67x131072xf32, #tpu.memory_space<hbm>> -> memref<1x1x8192xf32, #tpu.memory_space<hbm>>
          %dma_wait3A_151 = tpu.memref_squeeze %dma_wait3A_150 : memref<1x1x8192xf32, #tpu.memory_space<hbm>> -> memref<8192xf32, #tpu.memory_space<hbm>>
          tpu.wait_dma2 semaphore(%arg22 : memref<!tpu.dma_semaphore, #tpu.memory_space<semaphore_mem>>) src(%arg13 : memref<8192xf32, #tpu.memory_space<vmem>>) dst(%dma_wait3A_151 : memref<8192xf32, #tpu.memory_space<hbm>>)
          %scan3A_152 = arith.constant 0 : i32
          %scan3A_153 = arith.constant 0 : i32
          %scan3A_154 = arith.constant 256 : i32
          %scan3A_155 = arith.addi %scan3A_153, %scan3A_154 : i32
          %scan3A_156 = arith.constant 1 : i32
          scf.for %scan3A_734 = %scan3A_153 to %scan3A_155 step %scan3A_156  : i32 {
            %add3A_735 = arith.constant 512 : i32
            %add3A_736 = arith.addi %add3A_735, %scan3A_734 : i32
            %broadcast_in_dim3A = vector.broadcast %add3A_736 : i32 to vector<16xi32>
            %gather3A = tpu.vector_load_idx %arg15[%broadcast_in_dim3A] : memref<4096xf32, #tpu.memory_space<vmem>>[vector<16xi32>], vector<16xf32>,
            %mul3A_737 = arith.constant 2 : i32
            %mul3A_738 = arith.muli %scan3A_734, %mul3A_737 : i32
            %add3A_739 = arith.constant 0 : i32
            %add3A_740 = arith.addi %mul3A_738, %add3A_739 : i32
            %mul3A_741 = arith.constant 16 : i32
            %mul3A_742 = arith.muli %add3A_740, %mul3A_741 : i32
            %get3A = arith.index_cast %mul3A_742 : i32 to index
            %get3A_743 = tpu.vector_load %arg9[%get3A] {strides = array<i32>} : memref<8192xi32, #tpu.memory_space<vmem>>, vector<16xi32>,
            %gather3A_744 = tpu.vector_load_idx %arg8[%get3A_743] : memref<65536xf32, #tpu.memory_space<vmem>>[vector<16xi32>], vector<16xf32>,
            %swap3A = arith.index_cast %mul3A_742 : i32 to index
            %swap3A_745 = tpu.vector_load %arg11[%swap3A] {strides = array<i32>} : memref<8192xf32, #tpu.memory_space<vmem>>, vector<16xf32>,
            tpu.vector_store %arg11[%swap3A], %gather3A_744 {strides = array<i32>} : memref<8192xf32, #tpu.memory_space<vmem>>, vector<16xf32>,
            %sub3A_746 = arith.subf %gather3A_744, %gather3A : vector<16xf32>
            %swap3A_747 = arith.index_cast %mul3A_742 : i32 to index
            %swap3A_748 = tpu.vector_load %arg13[%swap3A_747] {strides = array<i32>} : memref<8192xf32, #tpu.memory_space<vmem>>, vector<16xf32>,
            tpu.vector_store %arg13[%swap3A_747], %sub3A_746 {strides = array<i32>} : memref<8192xf32, #tpu.memory_space<vmem>>, vector<16xf32>,
            %mul3A_749 = arith.constant 2 : i32
            %mul3A_750 = arith.muli %scan3A_734, %mul3A_749 : i32
            %add3A_751 = arith.constant 1 : i32
            %add3A_752 = arith.addi %mul3A_750, %add3A_751 : i32
            %mul3A_753 = arith.constant 16 : i32
            %mul3A_754 = arith.muli %add3A_752, %mul3A_753 : i32
            %get3A_755 = arith.index_cast %mul3A_754 : i32 to index
            %get3A_756 = tpu.vector_load %arg9[%get3A_755] {strides = array<i32>} : memref<8192xi32, #tpu.memory_space<vmem>>, vector<16xi32>,
            %gather3A_757 = tpu.vector_load_idx %arg8[%get3A_756] : memref<65536xf32, #tpu.memory_space<vmem>>[vector<16xi32>], vector<16xf32>,
            %swap3A_758 = arith.index_cast %mul3A_754 : i32 to index
            %swap3A_759 = tpu.vector_load %arg11[%swap3A_758] {strides = array<i32>} : memref<8192xf32, #tpu.memory_space<vmem>>, vector<16xf32>,
            tpu.vector_store %arg11[%swap3A_758], %gather3A_757 {strides = array<i32>} : memref<8192xf32, #tpu.memory_space<vmem>>, vector<16xf32>,
            %sub3A_760 = arith.subf %gather3A_757, %gather3A : vector<16xf32>
            %swap3A_761 = arith.index_cast %mul3A_754 : i32 to index
            %swap3A_762 = tpu.vector_load %arg13[%swap3A_761] {strides = array<i32>} : memref<8192xf32, #tpu.memory_space<vmem>>, vector<16xf32>,
            tpu.vector_store %arg13[%swap3A_761], %sub3A_760 {strides = array<i32>} : memref<8192xf32, #tpu.memory_space<vmem>>, vector<16xf32>,
          }
          %scan3A_157 = arith.constant 256 : i32
          %dma_start3A_158 = arith.constant 16384 : i32
          %dma_start3A_159 = tpu.memref_slice %arg7[%select_n3A, %sub3A_30, %dma_start3A_158] : memref<8x3x131072xf32, #tpu.memory_space<hbm>> -> memref<1x1x8192xf32, #tpu.memory_space<hbm>>
          %dma_start3A_160 = tpu.memref_squeeze %dma_start3A_159 : memref<1x1x8192xf32, #tpu.memory_space<hbm>> -> memref<8192xf32, #tpu.memory_space<hbm>>
          %dma_start3A_161 = arith.constant 16384 : i32
          %dma_start3A_162 = tpu.memref_slice %arg7[%select_n3A, %sub3A_30, %dma_start3A_161] : memref<8x3x131072xf32, #tpu.memory_space<hbm>> -> memref<1x1x8192xf32, #tpu.memory_space<hbm>>
          %dma_start3A_163 = tpu.memref_squeeze %dma_start3A_162 : memref<1x1x8192xf32, #tpu.memory_space<hbm>> -> memref<8192xf32, #tpu.memory_space<hbm>>
          tpu.enqueue_dma source(%arg11 : memref<8192xf32, #tpu.memory_space<vmem>>) target(%dma_start3A_163 : memref<8192xf32, #tpu.memory_space<hbm>>) target_semaphore(%arg20 : memref<!tpu.dma_semaphore, #tpu.memory_space<semaphore_mem>>)
          %dma_start3A_164 = arith.constant 16384 : i32
          %dma_start3A_165 = tpu.memref_slice %arg6[%select_n3A, %sub3A_30, %dma_start3A_164] : memref<8x67x131072xf32, #tpu.memory_space<hbm>> -> memref<1x1x8192xf32, #tpu.memory_space<hbm>>
          %dma_start3A_166 = tpu.memref_squeeze %dma_start3A_165 : memref<1x1x8192xf32, #tpu.memory_space<hbm>> -> memref<8192xf32, #tpu.memory_space<hbm>>
          %dma_start3A_167 = arith.constant 16384 : i32
          %dma_start3A_168 = tpu.memref_slice %arg6[%select_n3A, %sub3A_30, %dma_start3A_167] : memref<8x67x131072xf32, #tpu.memory_space<hbm>> -> memref<1x1x8192xf32, #tpu.memory_space<hbm>>
          %dma_start3A_169 = tpu.memref_squeeze %dma_start3A_168 : memref<1x1x8192xf32, #tpu.memory_space<hbm>> -> memref<8192xf32, #tpu.memory_space<hbm>>
          tpu.enqueue_dma source(%arg13 : memref<8192xf32, #tpu.memory_space<vmem>>) target(%dma_start3A_169 : memref<8192xf32, #tpu.memory_space<hbm>>) target_semaphore(%arg22 : memref<!tpu.dma_semaphore, #tpu.memory_space<semaphore_mem>>)
          %dma_start3A_170 = arith.constant 32768 : i32
          %dma_start3A_171 = tpu.memref_slice %arg5[%select_n3A, %dma_start3A_170] : memref<8x131072xi32, #tpu.memory_space<hbm>> -> memref<1x8192xi32, #tpu.memory_space<hbm>>
          %dma_start3A_172 = tpu.memref_squeeze %dma_start3A_171 : memref<1x8192xi32, #tpu.memory_space<hbm>> -> memref<8192xi32, #tpu.memory_space<hbm>>
          %dma_start3A_173 = arith.constant 32768 : i32
          %dma_start3A_174 = tpu.memref_slice %arg5[%select_n3A, %dma_start3A_173] : memref<8x131072xi32, #tpu.memory_space<hbm>> -> memref<1x8192xi32, #tpu.memory_space<hbm>>
          %dma_start3A_175 = tpu.memref_squeeze %dma_start3A_174 : memref<1x8192xi32, #tpu.memory_space<hbm>> -> memref<8192xi32, #tpu.memory_space<hbm>>
          tpu.enqueue_dma source(%dma_start3A_175 : memref<8192xi32, #tpu.memory_space<hbm>>) target(%arg9 : memref<8192xi32, #tpu.memory_space<vmem>>) target_semaphore(%arg18 : memref<!tpu.dma_semaphore, #tpu.memory_space<semaphore_mem>>)
          %dma_wait3A_176 = arith.constant 24576 : i32
          %dma_wait3A_177 = tpu.memref_slice %arg5[%select_n3A, %dma_wait3A_176] : memref<8x131072xi32, #tpu.memory_space<hbm>> -> memref<1x8192xi32, #tpu.memory_space<hbm>>
          %dma_wait3A_178 = tpu.memref_squeeze %dma_wait3A_177 : memref<1x8192xi32, #tpu.memory_space<hbm>> -> memref<8192xi32, #tpu.memory_space<hbm>>
          %dma_wait3A_179 = arith.constant 24576 : i32
          %dma_wait3A_180 = tpu.memref_slice %arg5[%select_n3A, %dma_wait3A_179] : memref<8x131072xi32, #tpu.memory_space<hbm>> -> memref<1x8192xi32, #tpu.memory_space<hbm>>
          %dma_wait3A_181 = tpu.memref_squeeze %dma_wait3A_180 : memref<1x8192xi32, #tpu.memory_space<hbm>> -> memref<8192xi32, #tpu.memory_space<hbm>>
          tpu.wait_dma2 semaphore(%arg19 : memref<!tpu.dma_semaphore, #tpu.memory_space<semaphore_mem>>) src(%dma_wait3A_181 : memref<8192xi32, #tpu.memory_space<hbm>>) dst(%arg10 : memref<8192xi32, #tpu.memory_space<vmem>>)
          %dma_wait3A_182 = arith.constant 8192 : i32
          %dma_wait3A_183 = tpu.memref_slice %arg7[%select_n3A, %sub3A_30, %dma_wait3A_182] : memref<8x3x131072xf32, #tpu.memory_space<hbm>> -> memref<1x1x8192xf32, #tpu.memory_space<hbm>>
          %dma_wait3A_184 = tpu.memref_squeeze %dma_wait3A_183 : memref<1x1x8192xf32, #tpu.memory_space<hbm>> -> memref<8192xf32, #tpu.memory_space<hbm>>
          %dma_wait3A_185 = arith.constant 8192 : i32
          %dma_wait3A_186 = tpu.memref_slice %arg7[%select_n3A, %sub3A_30, %dma_wait3A_185] : memref<8x3x131072xf32, #tpu.memory_space<hbm>> -> memref<1x1x8192xf32, #tpu.memory_space<hbm>>
          %dma_wait3A_187 = tpu.memref_squeeze %dma_wait3A_186 : memref<1x1x8192xf32, #tpu.memory_space<hbm>> -> memref<8192xf32, #tpu.memory_space<hbm>>
          tpu.wait_dma2 semaphore(%arg21 : memref<!tpu.dma_semaphore, #tpu.memory_space<semaphore_mem>>) src(%arg12 : memref<8192xf32, #tpu.memory_space<vmem>>) dst(%dma_wait3A_187 : memref<8192xf32, #tpu.memory_space<hbm>>)
          %dma_wait3A_188 = arith.constant 8192 : i32
          %dma_wait3A_189 = tpu.memref_slice %arg6[%select_n3A, %sub3A_30, %dma_wait3A_188] : memref<8x67x131072xf32, #tpu.memory_space<hbm>> -> memref<1x1x8192xf32, #tpu.memory_space<hbm>>
          %dma_wait3A_190 = tpu.memref_squeeze %dma_wait3A_189 : memref<1x1x8192xf32, #tpu.memory_space<hbm>> -> memref<8192xf32, #tpu.memory_space<hbm>>
          %dma_wait3A_191 = arith.constant 8192 : i32
          %dma_wait3A_192 = tpu.memref_slice %arg6[%select_n3A, %sub3A_30, %dma_wait3A_191] : memref<8x67x131072xf32, #tpu.memory_space<hbm>> -> memref<1x1x8192xf32, #tpu.memory_space<hbm>>
          %dma_wait3A_193 = tpu.memref_squeeze %dma_wait3A_192 : memref<1x1x8192xf32, #tpu.memory_space<hbm>> -> memref<8192xf32, #tpu.memory_space<hbm>>
          tpu.wait_dma2 semaphore(%arg23 : memref<!tpu.dma_semaphore, #tpu.memory_space<semaphore_mem>>) src(%arg14 : memref<8192xf32, #tpu.memory_space<vmem>>) dst(%dma_wait3A_193 : memref<8192xf32, #tpu.memory_space<hbm>>)
          %scan3A_194 = arith.constant 0 : i32
          %scan3A_195 = arith.constant 0 : i32
          %scan3A_196 = arith.constant 256 : i32
          %scan3A_197 = arith.addi %scan3A_195, %scan3A_196 : i32
          %scan3A_198 = arith.constant 1 : i32
          scf.for %scan3A_734 = %scan3A_195 to %scan3A_197 step %scan3A_198  : i32 {
            %add3A_735 = arith.constant 768 : i32
            %add3A_736 = arith.addi %add3A_735, %scan3A_734 : i32
            %broadcast_in_dim3A = vector.broadcast %add3A_736 : i32 to vector<16xi32>
            %gather3A = tpu.vector_load_idx %arg15[%broadcast_in_dim3A] : memref<4096xf32, #tpu.memory_space<vmem>>[vector<16xi32>], vector<16xf32>,
            %mul3A_737 = arith.constant 2 : i32
            %mul3A_738 = arith.muli %scan3A_734, %mul3A_737 : i32
            %add3A_739 = arith.constant 0 : i32
            %add3A_740 = arith.addi %mul3A_738, %add3A_739 : i32
            %mul3A_741 = arith.constant 16 : i32
            %mul3A_742 = arith.muli %add3A_740, %mul3A_741 : i32
            %get3A = arith.index_cast %mul3A_742 : i32 to index
            %get3A_743 = tpu.vector_load %arg10[%get3A] {strides = array<i32>} : memref<8192xi32, #tpu.memory_space<vmem>>, vector<16xi32>,
            %gather3A_744 = tpu.vector_load_idx %arg8[%get3A_743] : memref<65536xf32, #tpu.memory_space<vmem>>[vector<16xi32>], vector<16xf32>,
            %swap3A = arith.index_cast %mul3A_742 : i32 to index
            %swap3A_745 = tpu.vector_load %arg12[%swap3A] {strides = array<i32>} : memref<8192xf32, #tpu.memory_space<vmem>>, vector<16xf32>,
            tpu.vector_store %arg12[%swap3A], %gather3A_744 {strides = array<i32>} : memref<8192xf32, #tpu.memory_space<vmem>>, vector<16xf32>,
            %sub3A_746 = arith.subf %gather3A_744, %gather3A : vector<16xf32>
            %swap3A_747 = arith.index_cast %mul3A_742 : i32 to index
            %swap3A_748 = tpu.vector_load %arg14[%swap3A_747] {strides = array<i32>} : memref<8192xf32, #tpu.memory_space<vmem>>, vector<16xf32>,
            tpu.vector_store %arg14[%swap3A_747], %sub3A_746 {strides = array<i32>} : memref<8192xf32, #tpu.memory_space<vmem>>, vector<16xf32>,
            %mul3A_749 = arith.constant 2 : i32
            %mul3A_750 = arith.muli %scan3A_734, %mul3A_749 : i32
            %add3A_751 = arith.constant 1 : i32
            %add3A_752 = arith.addi %mul3A_750, %add3A_751 : i32
            %mul3A_753 = arith.constant 16 : i32
            %mul3A_754 = arith.muli %add3A_752, %mul3A_753 : i32
            %get3A_755 = arith.index_cast %mul3A_754 : i32 to index
            %get3A_756 = tpu.vector_load %arg10[%get3A_755] {strides = array<i32>} : memref<8192xi32, #tpu.memory_space<vmem>>, vector<16xi32>,
            %gather3A_757 = tpu.vector_load_idx %arg8[%get3A_756] : memref<65536xf32, #tpu.memory_space<vmem>>[vector<16xi32>], vector<16xf32>,
            %swap3A_758 = arith.index_cast %mul3A_754 : i32 to index
            %swap3A_759 = tpu.vector_load %arg12[%swap3A_758] {strides = array<i32>} : memref<8192xf32, #tpu.memory_space<vmem>>, vector<16xf32>,
            tpu.vector_store %arg12[%swap3A_758], %gather3A_757 {strides = array<i32>} : memref<8192xf32, #tpu.memory_space<vmem>>, vector<16xf32>,
            %sub3A_760 = arith.subf %gather3A_757, %gather3A : vector<16xf32>
            %swap3A_761 = arith.index_cast %mul3A_754 : i32 to index
            %swap3A_762 = tpu.vector_load %arg14[%swap3A_761] {strides = array<i32>} : memref<8192xf32, #tpu.memory_space<vmem>>, vector<16xf32>,
            tpu.vector_store %arg14[%swap3A_761], %sub3A_760 {strides = array<i32>} : memref<8192xf32, #tpu.memory_space<vmem>>, vector<16xf32>,
          }
          %scan3A_199 = arith.constant 256 : i32
          %dma_start3A_200 = arith.constant 24576 : i32
          %dma_start3A_201 = tpu.memref_slice %arg7[%select_n3A, %sub3A_30, %dma_start3A_200] : memref<8x3x131072xf32, #tpu.memory_space<hbm>> -> memref<1x1x8192xf32, #tpu.memory_space<hbm>>
          %dma_start3A_202 = tpu.memref_squeeze %dma_start3A_201 : memref<1x1x8192xf32, #tpu.memory_space<hbm>> -> memref<8192xf32, #tpu.memory_space<hbm>>
          %dma_start3A_203 = arith.constant 24576 : i32
          %dma_start3A_204 = tpu.memref_slice %arg7[%select_n3A, %sub3A_30, %dma_start3A_203] : memref<8x3x131072xf32, #tpu.memory_space<hbm>> -> memref<1x1x8192xf32, #tpu.memory_space<hbm>>
          %dma_start3A_205 = tpu.memref_squeeze %dma_start3A_204 : memref<1x1x8192xf32, #tpu.memory_space<hbm>> -> memref<8192xf32, #tpu.memory_space<hbm>>
          tpu.enqueue_dma source(%arg12 : memref<8192xf32, #tpu.memory_space<vmem>>) target(%dma_start3A_205 : memref<8192xf32, #tpu.memory_space<hbm>>) target_semaphore(%arg21 : memref<!tpu.dma_semaphore, #tpu.memory_space<semaphore_mem>>)
          %dma_start3A_206 = arith.constant 24576 : i32
          %dma_start3A_207 = tpu.memref_slice %arg6[%select_n3A, %sub3A_30, %dma_start3A_206] : memref<8x67x131072xf32, #tpu.memory_space<hbm>> -> memref<1x1x8192xf32, #tpu.memory_space<hbm>>
          %dma_start3A_208 = tpu.memref_squeeze %dma_start3A_207 : memref<1x1x8192xf32, #tpu.memory_space<hbm>> -> memref<8192xf32, #tpu.memory_space<hbm>>
          %dma_start3A_209 = arith.constant 24576 : i32
          %dma_start3A_210 = tpu.memref_slice %arg6[%select_n3A, %sub3A_30, %dma_start3A_209] : memref<8x67x131072xf32, #tpu.memory_space<hbm>> -> memref<1x1x8192xf32, #tpu.memory_space<hbm>>
          %dma_start3A_211 = tpu.memref_squeeze %dma_start3A_210 : memref<1x1x8192xf32, #tpu.memory_space<hbm>> -> memref<8192xf32, #tpu.memory_space<hbm>>
          tpu.enqueue_dma source(%arg14 : memref<8192xf32, #tpu.memory_space<vmem>>) target(%dma_start3A_211 : memref<8192xf32, #tpu.memory_space<hbm>>) target_semaphore(%arg23 : memref<!tpu.dma_semaphore, #tpu.memory_space<semaphore_mem>>)
          %dma_start3A_212 = arith.constant 40960 : i32
          %dma_start3A_213 = tpu.memref_slice %arg5[%select_n3A, %dma_start3A_212] : memref<8x131072xi32, #tpu.memory_space<hbm>> -> memref<1x8192xi32, #tpu.memory_space<hbm>>
          %dma_start3A_214 = tpu.memref_squeeze %dma_start3A_213 : memref<1x8192xi32, #tpu.memory_space<hbm>> -> memref<8192xi32, #tpu.memory_space<hbm>>
          %dma_start3A_215 = arith.constant 40960 : i32
          %dma_start3A_216 = tpu.memref_slice %arg5[%select_n3A, %dma_start3A_215] : memref<8x131072xi32, #tpu.memory_space<hbm>> -> memref<1x8192xi32, #tpu.memory_space<hbm>>
          %dma_start3A_217 = tpu.memref_squeeze %dma_start3A_216 : memref<1x8192xi32, #tpu.memory_space<hbm>> -> memref<8192xi32, #tpu.memory_space<hbm>>
          tpu.enqueue_dma source(%dma_start3A_217 : memref<8192xi32, #tpu.memory_space<hbm>>) target(%arg10 : memref<8192xi32, #tpu.memory_space<vmem>>) target_semaphore(%arg19 : memref<!tpu.dma_semaphore, #tpu.memory_space<semaphore_mem>>)
          %dma_wait3A_218 = arith.constant 32768 : i32
          %dma_wait3A_219 = tpu.memref_slice %arg5[%select_n3A, %dma_wait3A_218] : memref<8x131072xi32, #tpu.memory_space<hbm>> -> memref<1x8192xi32, #tpu.memory_space<hbm>>
          %dma_wait3A_220 = tpu.memref_squeeze %dma_wait3A_219 : memref<1x8192xi32, #tpu.memory_space<hbm>> -> memref<8192xi32, #tpu.memory_space<hbm>>
          %dma_wait3A_221 = arith.constant 32768 : i32
          %dma_wait3A_222 = tpu.memref_slice %arg5[%select_n3A, %dma_wait3A_221] : memref<8x131072xi32, #tpu.memory_space<hbm>> -> memref<1x8192xi32, #tpu.memory_space<hbm>>
          %dma_wait3A_223 = tpu.memref_squeeze %dma_wait3A_222 : memref<1x8192xi32, #tpu.memory_space<hbm>> -> memref<8192xi32, #tpu.memory_space<hbm>>
          tpu.wait_dma2 semaphore(%arg18 : memref<!tpu.dma_semaphore, #tpu.memory_space<semaphore_mem>>) src(%dma_wait3A_223 : memref<8192xi32, #tpu.memory_space<hbm>>) dst(%arg9 : memref<8192xi32, #tpu.memory_space<vmem>>)
          %dma_wait3A_224 = arith.constant 16384 : i32
          %dma_wait3A_225 = tpu.memref_slice %arg7[%select_n3A, %sub3A_30, %dma_wait3A_224] : memref<8x3x131072xf32, #tpu.memory_space<hbm>> -> memref<1x1x8192xf32, #tpu.memory_space<hbm>>
          %dma_wait3A_226 = tpu.memref_squeeze %dma_wait3A_225 : memref<1x1x8192xf32, #tpu.memory_space<hbm>> -> memref<8192xf32, #tpu.memory_space<hbm>>
          %dma_wait3A_227 = arith.constant 16384 : i32
          %dma_wait3A_228 = tpu.memref_slice %arg7[%select_n3A, %sub3A_30, %dma_wait3A_227] : memref<8x3x131072xf32, #tpu.memory_space<hbm>> -> memref<1x1x8192xf32, #tpu.memory_space<hbm>>
          %dma_wait3A_229 = tpu.memref_squeeze %dma_wait3A_228 : memref<1x1x8192xf32, #tpu.memory_space<hbm>> -> memref<8192xf32, #tpu.memory_space<hbm>>
          tpu.wait_dma2 semaphore(%arg20 : memref<!tpu.dma_semaphore, #tpu.memory_space<semaphore_mem>>) src(%arg11 : memref<8192xf32, #tpu.memory_space<vmem>>) dst(%dma_wait3A_229 : memref<8192xf32, #tpu.memory_space<hbm>>)
          %dma_wait3A_230 = arith.constant 16384 : i32
          %dma_wait3A_231 = tpu.memref_slice %arg6[%select_n3A, %sub3A_30, %dma_wait3A_230] : memref<8x67x131072xf32, #tpu.memory_space<hbm>> -> memref<1x1x8192xf32, #tpu.memory_space<hbm>>
          %dma_wait3A_232 = tpu.memref_squeeze %dma_wait3A_231 : memref<1x1x8192xf32, #tpu.memory_space<hbm>> -> memref<8192xf32, #tpu.memory_space<hbm>>
          %dma_wait3A_233 = arith.constant 16384 : i32
          %dma_wait3A_234 = tpu.memref_slice %arg6[%select_n3A, %sub3A_30, %dma_wait3A_233] : memref<8x67x131072xf32, #tpu.memory_space<hbm>> -> memref<1x1x8192xf32, #tpu.memory_space<hbm>>
          %dma_wait3A_235 = tpu.memref_squeeze %dma_wait3A_234 : memref<1x1x8192xf32, #tpu.memory_space<hbm>> -> memref<8192xf32, #tpu.memory_space<hbm>>
          tpu.wait_dma2 semaphore(%arg22 : memref<!tpu.dma_semaphore, #tpu.memory_space<semaphore_mem>>) src(%arg13 : memref<8192xf32, #tpu.memory_space<vmem>>) dst(%dma_wait3A_235 : memref<8192xf32, #tpu.memory_space<hbm>>)
          %scan3A_236 = arith.constant 0 : i32
          %scan3A_237 = arith.constant 0 : i32
          %scan3A_238 = arith.constant 256 : i32
          %scan3A_239 = arith.addi %scan3A_237, %scan3A_238 : i32
          %scan3A_240 = arith.constant 1 : i32
          scf.for %scan3A_734 = %scan3A_237 to %scan3A_239 step %scan3A_240  : i32 {
            %add3A_735 = arith.constant 1024 : i32
            %add3A_736 = arith.addi %add3A_735, %scan3A_734 : i32
            %broadcast_in_dim3A = vector.broadcast %add3A_736 : i32 to vector<16xi32>
            %gather3A = tpu.vector_load_idx %arg15[%broadcast_in_dim3A] : memref<4096xf32, #tpu.memory_space<vmem>>[vector<16xi32>], vector<16xf32>,
            %mul3A_737 = arith.constant 2 : i32
            %mul3A_738 = arith.muli %scan3A_734, %mul3A_737 : i32
            %add3A_739 = arith.constant 0 : i32
            %add3A_740 = arith.addi %mul3A_738, %add3A_739 : i32
            %mul3A_741 = arith.constant 16 : i32
            %mul3A_742 = arith.muli %add3A_740, %mul3A_741 : i32
            %get3A = arith.index_cast %mul3A_742 : i32 to index
            %get3A_743 = tpu.vector_load %arg9[%get3A] {strides = array<i32>} : memref<8192xi32, #tpu.memory_space<vmem>>, vector<16xi32>,
            %gather3A_744 = tpu.vector_load_idx %arg8[%get3A_743] : memref<65536xf32, #tpu.memory_space<vmem>>[vector<16xi32>], vector<16xf32>,
            %swap3A = arith.index_cast %mul3A_742 : i32 to index
            %swap3A_745 = tpu.vector_load %arg11[%swap3A] {strides = array<i32>} : memref<8192xf32, #tpu.memory_space<vmem>>, vector<16xf32>,
            tpu.vector_store %arg11[%swap3A], %gather3A_744 {strides = array<i32>} : memref<8192xf32, #tpu.memory_space<vmem>>, vector<16xf32>,
            %sub3A_746 = arith.subf %gather3A_744, %gather3A : vector<16xf32>
            %swap3A_747 = arith.index_cast %mul3A_742 : i32 to index
            %swap3A_748 = tpu.vector_load %arg13[%swap3A_747] {strides = array<i32>} : memref<8192xf32, #tpu.memory_space<vmem>>, vector<16xf32>,
            tpu.vector_store %arg13[%swap3A_747], %sub3A_746 {strides = array<i32>} : memref<8192xf32, #tpu.memory_space<vmem>>, vector<16xf32>,
            %mul3A_749 = arith.constant 2 : i32
            %mul3A_750 = arith.muli %scan3A_734, %mul3A_749 : i32
            %add3A_751 = arith.constant 1 : i32
            %add3A_752 = arith.addi %mul3A_750, %add3A_751 : i32
            %mul3A_753 = arith.constant 16 : i32
            %mul3A_754 = arith.muli %add3A_752, %mul3A_753 : i32
            %get3A_755 = arith.index_cast %mul3A_754 : i32 to index
            %get3A_756 = tpu.vector_load %arg9[%get3A_755] {strides = array<i32>} : memref<8192xi32, #tpu.memory_space<vmem>>, vector<16xi32>,
            %gather3A_757 = tpu.vector_load_idx %arg8[%get3A_756] : memref<65536xf32, #tpu.memory_space<vmem>>[vector<16xi32>], vector<16xf32>,
            %swap3A_758 = arith.index_cast %mul3A_754 : i32 to index
            %swap3A_759 = tpu.vector_load %arg11[%swap3A_758] {strides = array<i32>} : memref<8192xf32, #tpu.memory_space<vmem>>, vector<16xf32>,
            tpu.vector_store %arg11[%swap3A_758], %gather3A_757 {strides = array<i32>} : memref<8192xf32, #tpu.memory_space<vmem>>, vector<16xf32>,
            %sub3A_760 = arith.subf %gather3A_757, %gather3A : vector<16xf32>
            %swap3A_761 = arith.index_cast %mul3A_754 : i32 to index
            %swap3A_762 = tpu.vector_load %arg13[%swap3A_761] {strides = array<i32>} : memref<8192xf32, #tpu.memory_space<vmem>>, vector<16xf32>,
            tpu.vector_store %arg13[%swap3A_761], %sub3A_760 {strides = array<i32>} : memref<8192xf32, #tpu.memory_space<vmem>>, vector<16xf32>,
          }
          %scan3A_241 = arith.constant 256 : i32
          %dma_start3A_242 = arith.constant 32768 : i32
          %dma_start3A_243 = tpu.memref_slice %arg7[%select_n3A, %sub3A_30, %dma_start3A_242] : memref<8x3x131072xf32, #tpu.memory_space<hbm>> -> memref<1x1x8192xf32, #tpu.memory_space<hbm>>
          %dma_start3A_244 = tpu.memref_squeeze %dma_start3A_243 : memref<1x1x8192xf32, #tpu.memory_space<hbm>> -> memref<8192xf32, #tpu.memory_space<hbm>>
          %dma_start3A_245 = arith.constant 32768 : i32
          %dma_start3A_246 = tpu.memref_slice %arg7[%select_n3A, %sub3A_30, %dma_start3A_245] : memref<8x3x131072xf32, #tpu.memory_space<hbm>> -> memref<1x1x8192xf32, #tpu.memory_space<hbm>>
          %dma_start3A_247 = tpu.memref_squeeze %dma_start3A_246 : memref<1x1x8192xf32, #tpu.memory_space<hbm>> -> memref<8192xf32, #tpu.memory_space<hbm>>
          tpu.enqueue_dma source(%arg11 : memref<8192xf32, #tpu.memory_space<vmem>>) target(%dma_start3A_247 : memref<8192xf32, #tpu.memory_space<hbm>>) target_semaphore(%arg20 : memref<!tpu.dma_semaphore, #tpu.memory_space<semaphore_mem>>)
          %dma_start3A_248 = arith.constant 32768 : i32
          %dma_start3A_249 = tpu.memref_slice %arg6[%select_n3A, %sub3A_30, %dma_start3A_248] : memref<8x67x131072xf32, #tpu.memory_space<hbm>> -> memref<1x1x8192xf32, #tpu.memory_space<hbm>>
          %dma_start3A_250 = tpu.memref_squeeze %dma_start3A_249 : memref<1x1x8192xf32, #tpu.memory_space<hbm>> -> memref<8192xf32, #tpu.memory_space<hbm>>
          %dma_start3A_251 = arith.constant 32768 : i32
          %dma_start3A_252 = tpu.memref_slice %arg6[%select_n3A, %sub3A_30, %dma_start3A_251] : memref<8x67x131072xf32, #tpu.memory_space<hbm>> -> memref<1x1x8192xf32, #tpu.memory_space<hbm>>
          %dma_start3A_253 = tpu.memref_squeeze %dma_start3A_252 : memref<1x1x8192xf32, #tpu.memory_space<hbm>> -> memref<8192xf32, #tpu.memory_space<hbm>>
          tpu.enqueue_dma source(%arg13 : memref<8192xf32, #tpu.memory_space<vmem>>) target(%dma_start3A_253 : memref<8192xf32, #tpu.memory_space<hbm>>) target_semaphore(%arg22 : memref<!tpu.dma_semaphore, #tpu.memory_space<semaphore_mem>>)
          %dma_start3A_254 = arith.constant 49152 : i32
          %dma_start3A_255 = tpu.memref_slice %arg5[%select_n3A, %dma_start3A_254] : memref<8x131072xi32, #tpu.memory_space<hbm>> -> memref<1x8192xi32, #tpu.memory_space<hbm>>
          %dma_start3A_256 = tpu.memref_squeeze %dma_start3A_255 : memref<1x8192xi32, #tpu.memory_space<hbm>> -> memref<8192xi32, #tpu.memory_space<hbm>>
          %dma_start3A_257 = arith.constant 49152 : i32
          %dma_start3A_258 = tpu.memref_slice %arg5[%select_n3A, %dma_start3A_257] : memref<8x131072xi32, #tpu.memory_space<hbm>> -> memref<1x8192xi32, #tpu.memory_space<hbm>>
          %dma_start3A_259 = tpu.memref_squeeze %dma_start3A_258 : memref<1x8192xi32, #tpu.memory_space<hbm>> -> memref<8192xi32, #tpu.memory_space<hbm>>
          tpu.enqueue_dma source(%dma_start3A_259 : memref<8192xi32, #tpu.memory_space<hbm>>) target(%arg9 : memref<8192xi32, #tpu.memory_space<vmem>>) target_semaphore(%arg18 : memref<!tpu.dma_semaphore, #tpu.memory_space<semaphore_mem>>)
          %dma_wait3A_260 = arith.constant 40960 : i32
          %dma_wait3A_261 = tpu.memref_slice %arg5[%select_n3A, %dma_wait3A_260] : memref<8x131072xi32, #tpu.memory_space<hbm>> -> memref<1x8192xi32, #tpu.memory_space<hbm>>
          %dma_wait3A_262 = tpu.memref_squeeze %dma_wait3A_261 : memref<1x8192xi32, #tpu.memory_space<hbm>> -> memref<8192xi32, #tpu.memory_space<hbm>>
          %dma_wait3A_263 = arith.constant 40960 : i32
          %dma_wait3A_264 = tpu.memref_slice %arg5[%select_n3A, %dma_wait3A_263] : memref<8x131072xi32, #tpu.memory_space<hbm>> -> memref<1x8192xi32, #tpu.memory_space<hbm>>
          %dma_wait3A_265 = tpu.memref_squeeze %dma_wait3A_264 : memref<1x8192xi32, #tpu.memory_space<hbm>> -> memref<8192xi32, #tpu.memory_space<hbm>>
          tpu.wait_dma2 semaphore(%arg19 : memref<!tpu.dma_semaphore, #tpu.memory_space<semaphore_mem>>) src(%dma_wait3A_265 : memref<8192xi32, #tpu.memory_space<hbm>>) dst(%arg10 : memref<8192xi32, #tpu.memory_space<vmem>>)
          %dma_wait3A_266 = arith.constant 24576 : i32
          %dma_wait3A_267 = tpu.memref_slice %arg7[%select_n3A, %sub3A_30, %dma_wait3A_266] : memref<8x3x131072xf32, #tpu.memory_space<hbm>> -> memref<1x1x8192xf32, #tpu.memory_space<hbm>>
          %dma_wait3A_268 = tpu.memref_squeeze %dma_wait3A_267 : memref<1x1x8192xf32, #tpu.memory_space<hbm>> -> memref<8192xf32, #tpu.memory_space<hbm>>
          %dma_wait3A_269 = arith.constant 24576 : i32
          %dma_wait3A_270 = tpu.memref_slice %arg7[%select_n3A, %sub3A_30, %dma_wait3A_269] : memref<8x3x131072xf32, #tpu.memory_space<hbm>> -> memref<1x1x8192xf32, #tpu.memory_space<hbm>>
          %dma_wait3A_271 = tpu.memref_squeeze %dma_wait3A_270 : memref<1x1x8192xf32, #tpu.memory_space<hbm>> -> memref<8192xf32, #tpu.memory_space<hbm>>
          tpu.wait_dma2 semaphore(%arg21 : memref<!tpu.dma_semaphore, #tpu.memory_space<semaphore_mem>>) src(%arg12 : memref<8192xf32, #tpu.memory_space<vmem>>) dst(%dma_wait3A_271 : memref<8192xf32, #tpu.memory_space<hbm>>)
          %dma_wait3A_272 = arith.constant 24576 : i32
          %dma_wait3A_273 = tpu.memref_slice %arg6[%select_n3A, %sub3A_30, %dma_wait3A_272] : memref<8x67x131072xf32, #tpu.memory_space<hbm>> -> memref<1x1x8192xf32, #tpu.memory_space<hbm>>
          %dma_wait3A_274 = tpu.memref_squeeze %dma_wait3A_273 : memref<1x1x8192xf32, #tpu.memory_space<hbm>> -> memref<8192xf32, #tpu.memory_space<hbm>>
          %dma_wait3A_275 = arith.constant 24576 : i32
          %dma_wait3A_276 = tpu.memref_slice %arg6[%select_n3A, %sub3A_30, %dma_wait3A_275] : memref<8x67x131072xf32, #tpu.memory_space<hbm>> -> memref<1x1x8192xf32, #tpu.memory_space<hbm>>
          %dma_wait3A_277 = tpu.memref_squeeze %dma_wait3A_276 : memref<1x1x8192xf32, #tpu.memory_space<hbm>> -> memref<8192xf32, #tpu.memory_space<hbm>>
          tpu.wait_dma2 semaphore(%arg23 : memref<!tpu.dma_semaphore, #tpu.memory_space<semaphore_mem>>) src(%arg14 : memref<8192xf32, #tpu.memory_space<vmem>>) dst(%dma_wait3A_277 : memref<8192xf32, #tpu.memory_space<hbm>>)
          %scan3A_278 = arith.constant 0 : i32
          %scan3A_279 = arith.constant 0 : i32
          %scan3A_280 = arith.constant 256 : i32
          %scan3A_281 = arith.addi %scan3A_279, %scan3A_280 : i32
          %scan3A_282 = arith.constant 1 : i32
          scf.for %scan3A_734 = %scan3A_279 to %scan3A_281 step %scan3A_282  : i32 {
            %add3A_735 = arith.constant 1280 : i32
            %add3A_736 = arith.addi %add3A_735, %scan3A_734 : i32
            %broadcast_in_dim3A = vector.broadcast %add3A_736 : i32 to vector<16xi32>
            %gather3A = tpu.vector_load_idx %arg15[%broadcast_in_dim3A] : memref<4096xf32, #tpu.memory_space<vmem>>[vector<16xi32>], vector<16xf32>,
            %mul3A_737 = arith.constant 2 : i32
            %mul3A_738 = arith.muli %scan3A_734, %mul3A_737 : i32
            %add3A_739 = arith.constant 0 : i32
            %add3A_740 = arith.addi %mul3A_738, %add3A_739 : i32
            %mul3A_741 = arith.constant 16 : i32
            %mul3A_742 = arith.muli %add3A_740, %mul3A_741 : i32
            %get3A = arith.index_cast %mul3A_742 : i32 to index
            %get3A_743 = tpu.vector_load %arg10[%get3A] {strides = array<i32>} : memref<8192xi32, #tpu.memory_space<vmem>>, vector<16xi32>,
            %gather3A_744 = tpu.vector_load_idx %arg8[%get3A_743] : memref<65536xf32, #tpu.memory_space<vmem>>[vector<16xi32>], vector<16xf32>,
            %swap3A = arith.index_cast %mul3A_742 : i32 to index
            %swap3A_745 = tpu.vector_load %arg12[%swap3A] {strides = array<i32>} : memref<8192xf32, #tpu.memory_space<vmem>>, vector<16xf32>,
            tpu.vector_store %arg12[%swap3A], %gather3A_744 {strides = array<i32>} : memref<8192xf32, #tpu.memory_space<vmem>>, vector<16xf32>,
            %sub3A_746 = arith.subf %gather3A_744, %gather3A : vector<16xf32>
            %swap3A_747 = arith.index_cast %mul3A_742 : i32 to index
            %swap3A_748 = tpu.vector_load %arg14[%swap3A_747] {strides = array<i32>} : memref<8192xf32, #tpu.memory_space<vmem>>, vector<16xf32>,
            tpu.vector_store %arg14[%swap3A_747], %sub3A_746 {strides = array<i32>} : memref<8192xf32, #tpu.memory_space<vmem>>, vector<16xf32>,
            %mul3A_749 = arith.constant 2 : i32
            %mul3A_750 = arith.muli %scan3A_734, %mul3A_749 : i32
            %add3A_751 = arith.constant 1 : i32
            %add3A_752 = arith.addi %mul3A_750, %add3A_751 : i32
            %mul3A_753 = arith.constant 16 : i32
            %mul3A_754 = arith.muli %add3A_752, %mul3A_753 : i32
            %get3A_755 = arith.index_cast %mul3A_754 : i32 to index
            %get3A_756 = tpu.vector_load %arg10[%get3A_755] {strides = array<i32>} : memref<8192xi32, #tpu.memory_space<vmem>>, vector<16xi32>,
            %gather3A_757 = tpu.vector_load_idx %arg8[%get3A_756] : memref<65536xf32, #tpu.memory_space<vmem>>[vector<16xi32>], vector<16xf32>,
            %swap3A_758 = arith.index_cast %mul3A_754 : i32 to index
            %swap3A_759 = tpu.vector_load %arg12[%swap3A_758] {strides = array<i32>} : memref<8192xf32, #tpu.memory_space<vmem>>, vector<16xf32>,
            tpu.vector_store %arg12[%swap3A_758], %gather3A_757 {strides = array<i32>} : memref<8192xf32, #tpu.memory_space<vmem>>, vector<16xf32>,
            %sub3A_760 = arith.subf %gather3A_757, %gather3A : vector<16xf32>
            %swap3A_761 = arith.index_cast %mul3A_754 : i32 to index
            %swap3A_762 = tpu.vector_load %arg14[%swap3A_761] {strides = array<i32>} : memref<8192xf32, #tpu.memory_space<vmem>>, vector<16xf32>,
            tpu.vector_store %arg14[%swap3A_761], %sub3A_760 {strides = array<i32>} : memref<8192xf32, #tpu.memory_space<vmem>>, vector<16xf32>,
          }
          %scan3A_283 = arith.constant 256 : i32
          %dma_start3A_284 = arith.constant 40960 : i32
          %dma_start3A_285 = tpu.memref_slice %arg7[%select_n3A, %sub3A_30, %dma_start3A_284] : memref<8x3x131072xf32, #tpu.memory_space<hbm>> -> memref<1x1x8192xf32, #tpu.memory_space<hbm>>
          %dma_start3A_286 = tpu.memref_squeeze %dma_start3A_285 : memref<1x1x8192xf32, #tpu.memory_space<hbm>> -> memref<8192xf32, #tpu.memory_space<hbm>>
          %dma_start3A_287 = arith.constant 40960 : i32
          %dma_start3A_288 = tpu.memref_slice %arg7[%select_n3A, %sub3A_30, %dma_start3A_287] : memref<8x3x131072xf32, #tpu.memory_space<hbm>> -> memref<1x1x8192xf32, #tpu.memory_space<hbm>>
          %dma_start3A_289 = tpu.memref_squeeze %dma_start3A_288 : memref<1x1x8192xf32, #tpu.memory_space<hbm>> -> memref<8192xf32, #tpu.memory_space<hbm>>
          tpu.enqueue_dma source(%arg12 : memref<8192xf32, #tpu.memory_space<vmem>>) target(%dma_start3A_289 : memref<8192xf32, #tpu.memory_space<hbm>>) target_semaphore(%arg21 : memref<!tpu.dma_semaphore, #tpu.memory_space<semaphore_mem>>)
          %dma_start3A_290 = arith.constant 40960 : i32
          %dma_start3A_291 = tpu.memref_slice %arg6[%select_n3A, %sub3A_30, %dma_start3A_290] : memref<8x67x131072xf32, #tpu.memory_space<hbm>> -> memref<1x1x8192xf32, #tpu.memory_space<hbm>>
          %dma_start3A_292 = tpu.memref_squeeze %dma_start3A_291 : memref<1x1x8192xf32, #tpu.memory_space<hbm>> -> memref<8192xf32, #tpu.memory_space<hbm>>
          %dma_start3A_293 = arith.constant 40960 : i32
          %dma_start3A_294 = tpu.memref_slice %arg6[%select_n3A, %sub3A_30, %dma_start3A_293] : memref<8x67x131072xf32, #tpu.memory_space<hbm>> -> memref<1x1x8192xf32, #tpu.memory_space<hbm>>
          %dma_start3A_295 = tpu.memref_squeeze %dma_start3A_294 : memref<1x1x8192xf32, #tpu.memory_space<hbm>> -> memref<8192xf32, #tpu.memory_space<hbm>>
          tpu.enqueue_dma source(%arg14 : memref<8192xf32, #tpu.memory_space<vmem>>) target(%dma_start3A_295 : memref<8192xf32, #tpu.memory_space<hbm>>) target_semaphore(%arg23 : memref<!tpu.dma_semaphore, #tpu.memory_space<semaphore_mem>>)
          %dma_start3A_296 = arith.constant 57344 : i32
          %dma_start3A_297 = tpu.memref_slice %arg5[%select_n3A, %dma_start3A_296] : memref<8x131072xi32, #tpu.memory_space<hbm>> -> memref<1x8192xi32, #tpu.memory_space<hbm>>
          %dma_start3A_298 = tpu.memref_squeeze %dma_start3A_297 : memref<1x8192xi32, #tpu.memory_space<hbm>> -> memref<8192xi32, #tpu.memory_space<hbm>>
          %dma_start3A_299 = arith.constant 57344 : i32
          %dma_start3A_300 = tpu.memref_slice %arg5[%select_n3A, %dma_start3A_299] : memref<8x131072xi32, #tpu.memory_space<hbm>> -> memref<1x8192xi32, #tpu.memory_space<hbm>>
          %dma_start3A_301 = tpu.memref_squeeze %dma_start3A_300 : memref<1x8192xi32, #tpu.memory_space<hbm>> -> memref<8192xi32, #tpu.memory_space<hbm>>
          tpu.enqueue_dma source(%dma_start3A_301 : memref<8192xi32, #tpu.memory_space<hbm>>) target(%arg10 : memref<8192xi32, #tpu.memory_space<vmem>>) target_semaphore(%arg19 : memref<!tpu.dma_semaphore, #tpu.memory_space<semaphore_mem>>)
          %dma_wait3A_302 = arith.constant 49152 : i32
          %dma_wait3A_303 = tpu.memref_slice %arg5[%select_n3A, %dma_wait3A_302] : memref<8x131072xi32, #tpu.memory_space<hbm>> -> memref<1x8192xi32, #tpu.memory_space<hbm>>
          %dma_wait3A_304 = tpu.memref_squeeze %dma_wait3A_303 : memref<1x8192xi32, #tpu.memory_space<hbm>> -> memref<8192xi32, #tpu.memory_space<hbm>>
          %dma_wait3A_305 = arith.constant 49152 : i32
          %dma_wait3A_306 = tpu.memref_slice %arg5[%select_n3A, %dma_wait3A_305] : memref<8x131072xi32, #tpu.memory_space<hbm>> -> memref<1x8192xi32, #tpu.memory_space<hbm>>
          %dma_wait3A_307 = tpu.memref_squeeze %dma_wait3A_306 : memref<1x8192xi32, #tpu.memory_space<hbm>> -> memref<8192xi32, #tpu.memory_space<hbm>>
          tpu.wait_dma2 semaphore(%arg18 : memref<!tpu.dma_semaphore, #tpu.memory_space<semaphore_mem>>) src(%dma_wait3A_307 : memref<8192xi32, #tpu.memory_space<hbm>>) dst(%arg9 : memref<8192xi32, #tpu.memory_space<vmem>>)
          %dma_wait3A_308 = arith.constant 32768 : i32
          %dma_wait3A_309 = tpu.memref_slice %arg7[%select_n3A, %sub3A_30, %dma_wait3A_308] : memref<8x3x131072xf32, #tpu.memory_space<hbm>> -> memref<1x1x8192xf32, #tpu.memory_space<hbm>>
          %dma_wait3A_310 = tpu.memref_squeeze %dma_wait3A_309 : memref<1x1x8192xf32, #tpu.memory_space<hbm>> -> memref<8192xf32, #tpu.memory_space<hbm>>
          %dma_wait3A_311 = arith.constant 32768 : i32
          %dma_wait3A_312 = tpu.memref_slice %arg7[%select_n3A, %sub3A_30, %dma_wait3A_311] : memref<8x3x131072xf32, #tpu.memory_space<hbm>> -> memref<1x1x8192xf32, #tpu.memory_space<hbm>>
          %dma_wait3A_313 = tpu.memref_squeeze %dma_wait3A_312 : memref<1x1x8192xf32, #tpu.memory_space<hbm>> -> memref<8192xf32, #tpu.memory_space<hbm>>
          tpu.wait_dma2 semaphore(%arg20 : memref<!tpu.dma_semaphore, #tpu.memory_space<semaphore_mem>>) src(%arg11 : memref<8192xf32, #tpu.memory_space<vmem>>) dst(%dma_wait3A_313 : memref<8192xf32, #tpu.memory_space<hbm>>)
          %dma_wait3A_314 = arith.constant 32768 : i32
          %dma_wait3A_315 = tpu.memref_slice %arg6[%select_n3A, %sub3A_30, %dma_wait3A_314] : memref<8x67x131072xf32, #tpu.memory_space<hbm>> -> memref<1x1x8192xf32, #tpu.memory_space<hbm>>
          %dma_wait3A_316 = tpu.memref_squeeze %dma_wait3A_315 : memref<1x1x8192xf32, #tpu.memory_space<hbm>> -> memref<8192xf32, #tpu.memory_space<hbm>>
          %dma_wait3A_317 = arith.constant 32768 : i32
          %dma_wait3A_318 = tpu.memref_slice %arg6[%select_n3A, %sub3A_30, %dma_wait3A_317] : memref<8x67x131072xf32, #tpu.memory_space<hbm>> -> memref<1x1x8192xf32, #tpu.memory_space<hbm>>
          %dma_wait3A_319 = tpu.memref_squeeze %dma_wait3A_318 : memref<1x1x8192xf32, #tpu.memory_space<hbm>> -> memref<8192xf32, #tpu.memory_space<hbm>>
          tpu.wait_dma2 semaphore(%arg22 : memref<!tpu.dma_semaphore, #tpu.memory_space<semaphore_mem>>) src(%arg13 : memref<8192xf32, #tpu.memory_space<vmem>>) dst(%dma_wait3A_319 : memref<8192xf32, #tpu.memory_space<hbm>>)
          %scan3A_320 = arith.constant 0 : i32
          %scan3A_321 = arith.constant 0 : i32
          %scan3A_322 = arith.constant 256 : i32
          %scan3A_323 = arith.addi %scan3A_321, %scan3A_322 : i32
          %scan3A_324 = arith.constant 1 : i32
          scf.for %scan3A_734 = %scan3A_321 to %scan3A_323 step %scan3A_324  : i32 {
            %add3A_735 = arith.constant 1536 : i32
            %add3A_736 = arith.addi %add3A_735, %scan3A_734 : i32
            %broadcast_in_dim3A = vector.broadcast %add3A_736 : i32 to vector<16xi32>
            %gather3A = tpu.vector_load_idx %arg15[%broadcast_in_dim3A] : memref<4096xf32, #tpu.memory_space<vmem>>[vector<16xi32>], vector<16xf32>,
            %mul3A_737 = arith.constant 2 : i32
            %mul3A_738 = arith.muli %scan3A_734, %mul3A_737 : i32
            %add3A_739 = arith.constant 0 : i32
            %add3A_740 = arith.addi %mul3A_738, %add3A_739 : i32
            %mul3A_741 = arith.constant 16 : i32
            %mul3A_742 = arith.muli %add3A_740, %mul3A_741 : i32
            %get3A = arith.index_cast %mul3A_742 : i32 to index
            %get3A_743 = tpu.vector_load %arg9[%get3A] {strides = array<i32>} : memref<8192xi32, #tpu.memory_space<vmem>>, vector<16xi32>,
            %gather3A_744 = tpu.vector_load_idx %arg8[%get3A_743] : memref<65536xf32, #tpu.memory_space<vmem>>[vector<16xi32>], vector<16xf32>,
            %swap3A = arith.index_cast %mul3A_742 : i32 to index
            %swap3A_745 = tpu.vector_load %arg11[%swap3A] {strides = array<i32>} : memref<8192xf32, #tpu.memory_space<vmem>>, vector<16xf32>,
            tpu.vector_store %arg11[%swap3A], %gather3A_744 {strides = array<i32>} : memref<8192xf32, #tpu.memory_space<vmem>>, vector<16xf32>,
            %sub3A_746 = arith.subf %gather3A_744, %gather3A : vector<16xf32>
            %swap3A_747 = arith.index_cast %mul3A_742 : i32 to index
            %swap3A_748 = tpu.vector_load %arg13[%swap3A_747] {strides = array<i32>} : memref<8192xf32, #tpu.memory_space<vmem>>, vector<16xf32>,
            tpu.vector_store %arg13[%swap3A_747], %sub3A_746 {strides = array<i32>} : memref<8192xf32, #tpu.memory_space<vmem>>, vector<16xf32>,
            %mul3A_749 = arith.constant 2 : i32
            %mul3A_750 = arith.muli %scan3A_734, %mul3A_749 : i32
            %add3A_751 = arith.constant 1 : i32
            %add3A_752 = arith.addi %mul3A_750, %add3A_751 : i32
            %mul3A_753 = arith.constant 16 : i32
            %mul3A_754 = arith.muli %add3A_752, %mul3A_753 : i32
            %get3A_755 = arith.index_cast %mul3A_754 : i32 to index
            %get3A_756 = tpu.vector_load %arg9[%get3A_755] {strides = array<i32>} : memref<8192xi32, #tpu.memory_space<vmem>>, vector<16xi32>,
            %gather3A_757 = tpu.vector_load_idx %arg8[%get3A_756] : memref<65536xf32, #tpu.memory_space<vmem>>[vector<16xi32>], vector<16xf32>,
            %swap3A_758 = arith.index_cast %mul3A_754 : i32 to index
            %swap3A_759 = tpu.vector_load %arg11[%swap3A_758] {strides = array<i32>} : memref<8192xf32, #tpu.memory_space<vmem>>, vector<16xf32>,
            tpu.vector_store %arg11[%swap3A_758], %gather3A_757 {strides = array<i32>} : memref<8192xf32, #tpu.memory_space<vmem>>, vector<16xf32>,
            %sub3A_760 = arith.subf %gather3A_757, %gather3A : vector<16xf32>
            %swap3A_761 = arith.index_cast %mul3A_754 : i32 to index
            %swap3A_762 = tpu.vector_load %arg13[%swap3A_761] {strides = array<i32>} : memref<8192xf32, #tpu.memory_space<vmem>>, vector<16xf32>,
            tpu.vector_store %arg13[%swap3A_761], %sub3A_760 {strides = array<i32>} : memref<8192xf32, #tpu.memory_space<vmem>>, vector<16xf32>,
          }
          %scan3A_325 = arith.constant 256 : i32
          %dma_start3A_326 = arith.constant 49152 : i32
          %dma_start3A_327 = tpu.memref_slice %arg7[%select_n3A, %sub3A_30, %dma_start3A_326] : memref<8x3x131072xf32, #tpu.memory_space<hbm>> -> memref<1x1x8192xf32, #tpu.memory_space<hbm>>
          %dma_start3A_328 = tpu.memref_squeeze %dma_start3A_327 : memref<1x1x8192xf32, #tpu.memory_space<hbm>> -> memref<8192xf32, #tpu.memory_space<hbm>>
          %dma_start3A_329 = arith.constant 49152 : i32
          %dma_start3A_330 = tpu.memref_slice %arg7[%select_n3A, %sub3A_30, %dma_start3A_329] : memref<8x3x131072xf32, #tpu.memory_space<hbm>> -> memref<1x1x8192xf32, #tpu.memory_space<hbm>>
          %dma_start3A_331 = tpu.memref_squeeze %dma_start3A_330 : memref<1x1x8192xf32, #tpu.memory_space<hbm>> -> memref<8192xf32, #tpu.memory_space<hbm>>
          tpu.enqueue_dma source(%arg11 : memref<8192xf32, #tpu.memory_space<vmem>>) target(%dma_start3A_331 : memref<8192xf32, #tpu.memory_space<hbm>>) target_semaphore(%arg20 : memref<!tpu.dma_semaphore, #tpu.memory_space<semaphore_mem>>)
          %dma_start3A_332 = arith.constant 49152 : i32
          %dma_start3A_333 = tpu.memref_slice %arg6[%select_n3A, %sub3A_30, %dma_start3A_332] : memref<8x67x131072xf32, #tpu.memory_space<hbm>> -> memref<1x1x8192xf32, #tpu.memory_space<hbm>>
          %dma_start3A_334 = tpu.memref_squeeze %dma_start3A_333 : memref<1x1x8192xf32, #tpu.memory_space<hbm>> -> memref<8192xf32, #tpu.memory_space<hbm>>
          %dma_start3A_335 = arith.constant 49152 : i32
          %dma_start3A_336 = tpu.memref_slice %arg6[%select_n3A, %sub3A_30, %dma_start3A_335] : memref<8x67x131072xf32, #tpu.memory_space<hbm>> -> memref<1x1x8192xf32, #tpu.memory_space<hbm>>
          %dma_start3A_337 = tpu.memref_squeeze %dma_start3A_336 : memref<1x1x8192xf32, #tpu.memory_space<hbm>> -> memref<8192xf32, #tpu.memory_space<hbm>>
          tpu.enqueue_dma source(%arg13 : memref<8192xf32, #tpu.memory_space<vmem>>) target(%dma_start3A_337 : memref<8192xf32, #tpu.memory_space<hbm>>) target_semaphore(%arg22 : memref<!tpu.dma_semaphore, #tpu.memory_space<semaphore_mem>>)
          %dma_start3A_338 = arith.constant 65536 : i32
          %dma_start3A_339 = tpu.memref_slice %arg5[%select_n3A, %dma_start3A_338] : memref<8x131072xi32, #tpu.memory_space<hbm>> -> memref<1x8192xi32, #tpu.memory_space<hbm>>
          %dma_start3A_340 = tpu.memref_squeeze %dma_start3A_339 : memref<1x8192xi32, #tpu.memory_space<hbm>> -> memref<8192xi32, #tpu.memory_space<hbm>>
          %dma_start3A_341 = arith.constant 65536 : i32
          %dma_start3A_342 = tpu.memref_slice %arg5[%select_n3A, %dma_start3A_341] : memref<8x131072xi32, #tpu.memory_space<hbm>> -> memref<1x8192xi32, #tpu.memory_space<hbm>>
          %dma_start3A_343 = tpu.memref_squeeze %dma_start3A_342 : memref<1x8192xi32, #tpu.memory_space<hbm>> -> memref<8192xi32, #tpu.memory_space<hbm>>
          tpu.enqueue_dma source(%dma_start3A_343 : memref<8192xi32, #tpu.memory_space<hbm>>) target(%arg9 : memref<8192xi32, #tpu.memory_space<vmem>>) target_semaphore(%arg18 : memref<!tpu.dma_semaphore, #tpu.memory_space<semaphore_mem>>)
          %dma_wait3A_344 = arith.constant 57344 : i32
          %dma_wait3A_345 = tpu.memref_slice %arg5[%select_n3A, %dma_wait3A_344] : memref<8x131072xi32, #tpu.memory_space<hbm>> -> memref<1x8192xi32, #tpu.memory_space<hbm>>
          %dma_wait3A_346 = tpu.memref_squeeze %dma_wait3A_345 : memref<1x8192xi32, #tpu.memory_space<hbm>> -> memref<8192xi32, #tpu.memory_space<hbm>>
          %dma_wait3A_347 = arith.constant 57344 : i32
          %dma_wait3A_348 = tpu.memref_slice %arg5[%select_n3A, %dma_wait3A_347] : memref<8x131072xi32, #tpu.memory_space<hbm>> -> memref<1x8192xi32, #tpu.memory_space<hbm>>
          %dma_wait3A_349 = tpu.memref_squeeze %dma_wait3A_348 : memref<1x8192xi32, #tpu.memory_space<hbm>> -> memref<8192xi32, #tpu.memory_space<hbm>>
          tpu.wait_dma2 semaphore(%arg19 : memref<!tpu.dma_semaphore, #tpu.memory_space<semaphore_mem>>) src(%dma_wait3A_349 : memref<8192xi32, #tpu.memory_space<hbm>>) dst(%arg10 : memref<8192xi32, #tpu.memory_space<vmem>>)
          %dma_wait3A_350 = arith.constant 40960 : i32
          %dma_wait3A_351 = tpu.memref_slice %arg7[%select_n3A, %sub3A_30, %dma_wait3A_350] : memref<8x3x131072xf32, #tpu.memory_space<hbm>> -> memref<1x1x8192xf32, #tpu.memory_space<hbm>>
          %dma_wait3A_352 = tpu.memref_squeeze %dma_wait3A_351 : memref<1x1x8192xf32, #tpu.memory_space<hbm>> -> memref<8192xf32, #tpu.memory_space<hbm>>
          %dma_wait3A_353 = arith.constant 40960 : i32
          %dma_wait3A_354 = tpu.memref_slice %arg7[%select_n3A, %sub3A_30, %dma_wait3A_353] : memref<8x3x131072xf32, #tpu.memory_space<hbm>> -> memref<1x1x8192xf32, #tpu.memory_space<hbm>>
          %dma_wait3A_355 = tpu.memref_squeeze %dma_wait3A_354 : memref<1x1x8192xf32, #tpu.memory_space<hbm>> -> memref<8192xf32, #tpu.memory_space<hbm>>
          tpu.wait_dma2 semaphore(%arg21 : memref<!tpu.dma_semaphore, #tpu.memory_space<semaphore_mem>>) src(%arg12 : memref<8192xf32, #tpu.memory_space<vmem>>) dst(%dma_wait3A_355 : memref<8192xf32, #tpu.memory_space<hbm>>)
          %dma_wait3A_356 = arith.constant 40960 : i32
          %dma_wait3A_357 = tpu.memref_slice %arg6[%select_n3A, %sub3A_30, %dma_wait3A_356] : memref<8x67x131072xf32, #tpu.memory_space<hbm>> -> memref<1x1x8192xf32, #tpu.memory_space<hbm>>
          %dma_wait3A_358 = tpu.memref_squeeze %dma_wait3A_357 : memref<1x1x8192xf32, #tpu.memory_space<hbm>> -> memref<8192xf32, #tpu.memory_space<hbm>>
          %dma_wait3A_359 = arith.constant 40960 : i32
          %dma_wait3A_360 = tpu.memref_slice %arg6[%select_n3A, %sub3A_30, %dma_wait3A_359] : memref<8x67x131072xf32, #tpu.memory_space<hbm>> -> memref<1x1x8192xf32, #tpu.memory_space<hbm>>
          %dma_wait3A_361 = tpu.memref_squeeze %dma_wait3A_360 : memref<1x1x8192xf32, #tpu.memory_space<hbm>> -> memref<8192xf32, #tpu.memory_space<hbm>>
          tpu.wait_dma2 semaphore(%arg23 : memref<!tpu.dma_semaphore, #tpu.memory_space<semaphore_mem>>) src(%arg14 : memref<8192xf32, #tpu.memory_space<vmem>>) dst(%dma_wait3A_361 : memref<8192xf32, #tpu.memory_space<hbm>>)
          %scan3A_362 = arith.constant 0 : i32
          %scan3A_363 = arith.constant 0 : i32
          %scan3A_364 = arith.constant 256 : i32
          %scan3A_365 = arith.addi %scan3A_363, %scan3A_364 : i32
          %scan3A_366 = arith.constant 1 : i32
          scf.for %scan3A_734 = %scan3A_363 to %scan3A_365 step %scan3A_366  : i32 {
            %add3A_735 = arith.constant 1792 : i32
            %add3A_736 = arith.addi %add3A_735, %scan3A_734 : i32
            %broadcast_in_dim3A = vector.broadcast %add3A_736 : i32 to vector<16xi32>
            %gather3A = tpu.vector_load_idx %arg15[%broadcast_in_dim3A] : memref<4096xf32, #tpu.memory_space<vmem>>[vector<16xi32>], vector<16xf32>,
            %mul3A_737 = arith.constant 2 : i32
            %mul3A_738 = arith.muli %scan3A_734, %mul3A_737 : i32
            %add3A_739 = arith.constant 0 : i32
            %add3A_740 = arith.addi %mul3A_738, %add3A_739 : i32
            %mul3A_741 = arith.constant 16 : i32
            %mul3A_742 = arith.muli %add3A_740, %mul3A_741 : i32
            %get3A = arith.index_cast %mul3A_742 : i32 to index
            %get3A_743 = tpu.vector_load %arg10[%get3A] {strides = array<i32>} : memref<8192xi32, #tpu.memory_space<vmem>>, vector<16xi32>,
            %gather3A_744 = tpu.vector_load_idx %arg8[%get3A_743] : memref<65536xf32, #tpu.memory_space<vmem>>[vector<16xi32>], vector<16xf32>,
            %swap3A = arith.index_cast %mul3A_742 : i32 to index
            %swap3A_745 = tpu.vector_load %arg12[%swap3A] {strides = array<i32>} : memref<8192xf32, #tpu.memory_space<vmem>>, vector<16xf32>,
            tpu.vector_store %arg12[%swap3A], %gather3A_744 {strides = array<i32>} : memref<8192xf32, #tpu.memory_space<vmem>>, vector<16xf32>,
            %sub3A_746 = arith.subf %gather3A_744, %gather3A : vector<16xf32>
            %swap3A_747 = arith.index_cast %mul3A_742 : i32 to index
            %swap3A_748 = tpu.vector_load %arg14[%swap3A_747] {strides = array<i32>} : memref<8192xf32, #tpu.memory_space<vmem>>, vector<16xf32>,
            tpu.vector_store %arg14[%swap3A_747], %sub3A_746 {strides = array<i32>} : memref<8192xf32, #tpu.memory_space<vmem>>, vector<16xf32>,
            %mul3A_749 = arith.constant 2 : i32
            %mul3A_750 = arith.muli %scan3A_734, %mul3A_749 : i32
            %add3A_751 = arith.constant 1 : i32
            %add3A_752 = arith.addi %mul3A_750, %add3A_751 : i32
            %mul3A_753 = arith.constant 16 : i32
            %mul3A_754 = arith.muli %add3A_752, %mul3A_753 : i32
            %get3A_755 = arith.index_cast %mul3A_754 : i32 to index
            %get3A_756 = tpu.vector_load %arg10[%get3A_755] {strides = array<i32>} : memref<8192xi32, #tpu.memory_space<vmem>>, vector<16xi32>,
            %gather3A_757 = tpu.vector_load_idx %arg8[%get3A_756] : memref<65536xf32, #tpu.memory_space<vmem>>[vector<16xi32>], vector<16xf32>,
            %swap3A_758 = arith.index_cast %mul3A_754 : i32 to index
            %swap3A_759 = tpu.vector_load %arg12[%swap3A_758] {strides = array<i32>} : memref<8192xf32, #tpu.memory_space<vmem>>, vector<16xf32>,
            tpu.vector_store %arg12[%swap3A_758], %gather3A_757 {strides = array<i32>} : memref<8192xf32, #tpu.memory_space<vmem>>, vector<16xf32>,
            %sub3A_760 = arith.subf %gather3A_757, %gather3A : vector<16xf32>
            %swap3A_761 = arith.index_cast %mul3A_754 : i32 to index
            %swap3A_762 = tpu.vector_load %arg14[%swap3A_761] {strides = array<i32>} : memref<8192xf32, #tpu.memory_space<vmem>>, vector<16xf32>,
            tpu.vector_store %arg14[%swap3A_761], %sub3A_760 {strides = array<i32>} : memref<8192xf32, #tpu.memory_space<vmem>>, vector<16xf32>,
          }
          %scan3A_367 = arith.constant 256 : i32
          %dma_start3A_368 = arith.constant 57344 : i32
          %dma_start3A_369 = tpu.memref_slice %arg7[%select_n3A, %sub3A_30, %dma_start3A_368] : memref<8x3x131072xf32, #tpu.memory_space<hbm>> -> memref<1x1x8192xf32, #tpu.memory_space<hbm>>
          %dma_start3A_370 = tpu.memref_squeeze %dma_start3A_369 : memref<1x1x8192xf32, #tpu.memory_space<hbm>> -> memref<8192xf32, #tpu.memory_space<hbm>>
          %dma_start3A_371 = arith.constant 57344 : i32
          %dma_start3A_372 = tpu.memref_slice %arg7[%select_n3A, %sub3A_30, %dma_start3A_371] : memref<8x3x131072xf32, #tpu.memory_space<hbm>> -> memref<1x1x8192xf32, #tpu.memory_space<hbm>>
          %dma_start3A_373 = tpu.memref_squeeze %dma_start3A_372 : memref<1x1x8192xf32, #tpu.memory_space<hbm>> -> memref<8192xf32, #tpu.memory_space<hbm>>
          tpu.enqueue_dma source(%arg12 : memref<8192xf32, #tpu.memory_space<vmem>>) target(%dma_start3A_373 : memref<8192xf32, #tpu.memory_space<hbm>>) target_semaphore(%arg21 : memref<!tpu.dma_semaphore, #tpu.memory_space<semaphore_mem>>)
          %dma_start3A_374 = arith.constant 57344 : i32
          %dma_start3A_375 = tpu.memref_slice %arg6[%select_n3A, %sub3A_30, %dma_start3A_374] : memref<8x67x131072xf32, #tpu.memory_space<hbm>> -> memref<1x1x8192xf32, #tpu.memory_space<hbm>>
          %dma_start3A_376 = tpu.memref_squeeze %dma_start3A_375 : memref<1x1x8192xf32, #tpu.memory_space<hbm>> -> memref<8192xf32, #tpu.memory_space<hbm>>
          %dma_start3A_377 = arith.constant 57344 : i32
          %dma_start3A_378 = tpu.memref_slice %arg6[%select_n3A, %sub3A_30, %dma_start3A_377] : memref<8x67x131072xf32, #tpu.memory_space<hbm>> -> memref<1x1x8192xf32, #tpu.memory_space<hbm>>
          %dma_start3A_379 = tpu.memref_squeeze %dma_start3A_378 : memref<1x1x8192xf32, #tpu.memory_space<hbm>> -> memref<8192xf32, #tpu.memory_space<hbm>>
          tpu.enqueue_dma source(%arg14 : memref<8192xf32, #tpu.memory_space<vmem>>) target(%dma_start3A_379 : memref<8192xf32, #tpu.memory_space<hbm>>) target_semaphore(%arg23 : memref<!tpu.dma_semaphore, #tpu.memory_space<semaphore_mem>>)
          %dma_start3A_380 = arith.constant 73728 : i32
          %dma_start3A_381 = tpu.memref_slice %arg5[%select_n3A, %dma_start3A_380] : memref<8x131072xi32, #tpu.memory_space<hbm>> -> memref<1x8192xi32, #tpu.memory_space<hbm>>
          %dma_start3A_382 = tpu.memref_squeeze %dma_start3A_381 : memref<1x8192xi32, #tpu.memory_space<hbm>> -> memref<8192xi32, #tpu.memory_space<hbm>>
          %dma_start3A_383 = arith.constant 73728 : i32
          %dma_start3A_384 = tpu.memref_slice %arg5[%select_n3A, %dma_start3A_383] : memref<8x131072xi32, #tpu.memory_space<hbm>> -> memref<1x8192xi32, #tpu.memory_space<hbm>>
          %dma_start3A_385 = tpu.memref_squeeze %dma_start3A_384 : memref<1x8192xi32, #tpu.memory_space<hbm>> -> memref<8192xi32, #tpu.memory_space<hbm>>
          tpu.enqueue_dma source(%dma_start3A_385 : memref<8192xi32, #tpu.memory_space<hbm>>) target(%arg10 : memref<8192xi32, #tpu.memory_space<vmem>>) target_semaphore(%arg19 : memref<!tpu.dma_semaphore, #tpu.memory_space<semaphore_mem>>)
          %dma_wait3A_386 = arith.constant 65536 : i32
          %dma_wait3A_387 = tpu.memref_slice %arg5[%select_n3A, %dma_wait3A_386] : memref<8x131072xi32, #tpu.memory_space<hbm>> -> memref<1x8192xi32, #tpu.memory_space<hbm>>
          %dma_wait3A_388 = tpu.memref_squeeze %dma_wait3A_387 : memref<1x8192xi32, #tpu.memory_space<hbm>> -> memref<8192xi32, #tpu.memory_space<hbm>>
          %dma_wait3A_389 = arith.constant 65536 : i32
          %dma_wait3A_390 = tpu.memref_slice %arg5[%select_n3A, %dma_wait3A_389] : memref<8x131072xi32, #tpu.memory_space<hbm>> -> memref<1x8192xi32, #tpu.memory_space<hbm>>
          %dma_wait3A_391 = tpu.memref_squeeze %dma_wait3A_390 : memref<1x8192xi32, #tpu.memory_space<hbm>> -> memref<8192xi32, #tpu.memory_space<hbm>>
          tpu.wait_dma2 semaphore(%arg18 : memref<!tpu.dma_semaphore, #tpu.memory_space<semaphore_mem>>) src(%dma_wait3A_391 : memref<8192xi32, #tpu.memory_space<hbm>>) dst(%arg9 : memref<8192xi32, #tpu.memory_space<vmem>>)
          %dma_wait3A_392 = arith.constant 49152 : i32
          %dma_wait3A_393 = tpu.memref_slice %arg7[%select_n3A, %sub3A_30, %dma_wait3A_392] : memref<8x3x131072xf32, #tpu.memory_space<hbm>> -> memref<1x1x8192xf32, #tpu.memory_space<hbm>>
          %dma_wait3A_394 = tpu.memref_squeeze %dma_wait3A_393 : memref<1x1x8192xf32, #tpu.memory_space<hbm>> -> memref<8192xf32, #tpu.memory_space<hbm>>
          %dma_wait3A_395 = arith.constant 49152 : i32
          %dma_wait3A_396 = tpu.memref_slice %arg7[%select_n3A, %sub3A_30, %dma_wait3A_395] : memref<8x3x131072xf32, #tpu.memory_space<hbm>> -> memref<1x1x8192xf32, #tpu.memory_space<hbm>>
          %dma_wait3A_397 = tpu.memref_squeeze %dma_wait3A_396 : memref<1x1x8192xf32, #tpu.memory_space<hbm>> -> memref<8192xf32, #tpu.memory_space<hbm>>
          tpu.wait_dma2 semaphore(%arg20 : memref<!tpu.dma_semaphore, #tpu.memory_space<semaphore_mem>>) src(%arg11 : memref<8192xf32, #tpu.memory_space<vmem>>) dst(%dma_wait3A_397 : memref<8192xf32, #tpu.memory_space<hbm>>)
          %dma_wait3A_398 = arith.constant 49152 : i32
          %dma_wait3A_399 = tpu.memref_slice %arg6[%select_n3A, %sub3A_30, %dma_wait3A_398] : memref<8x67x131072xf32, #tpu.memory_space<hbm>> -> memref<1x1x8192xf32, #tpu.memory_space<hbm>>
          %dma_wait3A_400 = tpu.memref_squeeze %dma_wait3A_399 : memref<1x1x8192xf32, #tpu.memory_space<hbm>> -> memref<8192xf32, #tpu.memory_space<hbm>>
          %dma_wait3A_401 = arith.constant 49152 : i32
          %dma_wait3A_402 = tpu.memref_slice %arg6[%select_n3A, %sub3A_30, %dma_wait3A_401] : memref<8x67x131072xf32, #tpu.memory_space<hbm>> -> memref<1x1x8192xf32, #tpu.memory_space<hbm>>
          %dma_wait3A_403 = tpu.memref_squeeze %dma_wait3A_402 : memref<1x1x8192xf32, #tpu.memory_space<hbm>> -> memref<8192xf32, #tpu.memory_space<hbm>>
          tpu.wait_dma2 semaphore(%arg22 : memref<!tpu.dma_semaphore, #tpu.memory_space<semaphore_mem>>) src(%arg13 : memref<8192xf32, #tpu.memory_space<vmem>>) dst(%dma_wait3A_403 : memref<8192xf32, #tpu.memory_space<hbm>>)
          %scan3A_404 = arith.constant 0 : i32
          %scan3A_405 = arith.constant 0 : i32
          %scan3A_406 = arith.constant 256 : i32
          %scan3A_407 = arith.addi %scan3A_405, %scan3A_406 : i32
          %scan3A_408 = arith.constant 1 : i32
          scf.for %scan3A_734 = %scan3A_405 to %scan3A_407 step %scan3A_408  : i32 {
            %add3A_735 = arith.constant 2048 : i32
            %add3A_736 = arith.addi %add3A_735, %scan3A_734 : i32
            %broadcast_in_dim3A = vector.broadcast %add3A_736 : i32 to vector<16xi32>
            %gather3A = tpu.vector_load_idx %arg15[%broadcast_in_dim3A] : memref<4096xf32, #tpu.memory_space<vmem>>[vector<16xi32>], vector<16xf32>,
            %mul3A_737 = arith.constant 2 : i32
            %mul3A_738 = arith.muli %scan3A_734, %mul3A_737 : i32
            %add3A_739 = arith.constant 0 : i32
            %add3A_740 = arith.addi %mul3A_738, %add3A_739 : i32
            %mul3A_741 = arith.constant 16 : i32
            %mul3A_742 = arith.muli %add3A_740, %mul3A_741 : i32
            %get3A = arith.index_cast %mul3A_742 : i32 to index
            %get3A_743 = tpu.vector_load %arg9[%get3A] {strides = array<i32>} : memref<8192xi32, #tpu.memory_space<vmem>>, vector<16xi32>,
            %gather3A_744 = tpu.vector_load_idx %arg8[%get3A_743] : memref<65536xf32, #tpu.memory_space<vmem>>[vector<16xi32>], vector<16xf32>,
            %swap3A = arith.index_cast %mul3A_742 : i32 to index
            %swap3A_745 = tpu.vector_load %arg11[%swap3A] {strides = array<i32>} : memref<8192xf32, #tpu.memory_space<vmem>>, vector<16xf32>,
            tpu.vector_store %arg11[%swap3A], %gather3A_744 {strides = array<i32>} : memref<8192xf32, #tpu.memory_space<vmem>>, vector<16xf32>,
            %sub3A_746 = arith.subf %gather3A_744, %gather3A : vector<16xf32>
            %swap3A_747 = arith.index_cast %mul3A_742 : i32 to index
            %swap3A_748 = tpu.vector_load %arg13[%swap3A_747] {strides = array<i32>} : memref<8192xf32, #tpu.memory_space<vmem>>, vector<16xf32>,
            tpu.vector_store %arg13[%swap3A_747], %sub3A_746 {strides = array<i32>} : memref<8192xf32, #tpu.memory_space<vmem>>, vector<16xf32>,
            %mul3A_749 = arith.constant 2 : i32
            %mul3A_750 = arith.muli %scan3A_734, %mul3A_749 : i32
            %add3A_751 = arith.constant 1 : i32
            %add3A_752 = arith.addi %mul3A_750, %add3A_751 : i32
            %mul3A_753 = arith.constant 16 : i32
            %mul3A_754 = arith.muli %add3A_752, %mul3A_753 : i32
            %get3A_755 = arith.index_cast %mul3A_754 : i32 to index
            %get3A_756 = tpu.vector_load %arg9[%get3A_755] {strides = array<i32>} : memref<8192xi32, #tpu.memory_space<vmem>>, vector<16xi32>,
            %gather3A_757 = tpu.vector_load_idx %arg8[%get3A_756] : memref<65536xf32, #tpu.memory_space<vmem>>[vector<16xi32>], vector<16xf32>,
            %swap3A_758 = arith.index_cast %mul3A_754 : i32 to index
            %swap3A_759 = tpu.vector_load %arg11[%swap3A_758] {strides = array<i32>} : memref<8192xf32, #tpu.memory_space<vmem>>, vector<16xf32>,
            tpu.vector_store %arg11[%swap3A_758], %gather3A_757 {strides = array<i32>} : memref<8192xf32, #tpu.memory_space<vmem>>, vector<16xf32>,
            %sub3A_760 = arith.subf %gather3A_757, %gather3A : vector<16xf32>
            %swap3A_761 = arith.index_cast %mul3A_754 : i32 to index
            %swap3A_762 = tpu.vector_load %arg13[%swap3A_761] {strides = array<i32>} : memref<8192xf32, #tpu.memory_space<vmem>>, vector<16xf32>,
            tpu.vector_store %arg13[%swap3A_761], %sub3A_760 {strides = array<i32>} : memref<8192xf32, #tpu.memory_space<vmem>>, vector<16xf32>,
          }
          %scan3A_409 = arith.constant 256 : i32
          %dma_start3A_410 = arith.constant 65536 : i32
          %dma_start3A_411 = tpu.memref_slice %arg7[%select_n3A, %sub3A_30, %dma_start3A_410] : memref<8x3x131072xf32, #tpu.memory_space<hbm>> -> memref<1x1x8192xf32, #tpu.memory_space<hbm>>
          %dma_start3A_412 = tpu.memref_squeeze %dma_start3A_411 : memref<1x1x8192xf32, #tpu.memory_space<hbm>> -> memref<8192xf32, #tpu.memory_space<hbm>>
          %dma_start3A_413 = arith.constant 65536 : i32
          %dma_start3A_414 = tpu.memref_slice %arg7[%select_n3A, %sub3A_30, %dma_start3A_413] : memref<8x3x131072xf32, #tpu.memory_space<hbm>> -> memref<1x1x8192xf32, #tpu.memory_space<hbm>>
          %dma_start3A_415 = tpu.memref_squeeze %dma_start3A_414 : memref<1x1x8192xf32, #tpu.memory_space<hbm>> -> memref<8192xf32, #tpu.memory_space<hbm>>
          tpu.enqueue_dma source(%arg11 : memref<8192xf32, #tpu.memory_space<vmem>>) target(%dma_start3A_415 : memref<8192xf32, #tpu.memory_space<hbm>>) target_semaphore(%arg20 : memref<!tpu.dma_semaphore, #tpu.memory_space<semaphore_mem>>)
          %dma_start3A_416 = arith.constant 65536 : i32
          %dma_start3A_417 = tpu.memref_slice %arg6[%select_n3A, %sub3A_30, %dma_start3A_416] : memref<8x67x131072xf32, #tpu.memory_space<hbm>> -> memref<1x1x8192xf32, #tpu.memory_space<hbm>>
          %dma_start3A_418 = tpu.memref_squeeze %dma_start3A_417 : memref<1x1x8192xf32, #tpu.memory_space<hbm>> -> memref<8192xf32, #tpu.memory_space<hbm>>
          %dma_start3A_419 = arith.constant 65536 : i32
          %dma_start3A_420 = tpu.memref_slice %arg6[%select_n3A, %sub3A_30, %dma_start3A_419] : memref<8x67x131072xf32, #tpu.memory_space<hbm>> -> memref<1x1x8192xf32, #tpu.memory_space<hbm>>
          %dma_start3A_421 = tpu.memref_squeeze %dma_start3A_420 : memref<1x1x8192xf32, #tpu.memory_space<hbm>> -> memref<8192xf32, #tpu.memory_space<hbm>>
          tpu.enqueue_dma source(%arg13 : memref<8192xf32, #tpu.memory_space<vmem>>) target(%dma_start3A_421 : memref<8192xf32, #tpu.memory_space<hbm>>) target_semaphore(%arg22 : memref<!tpu.dma_semaphore, #tpu.memory_space<semaphore_mem>>)
          %dma_start3A_422 = arith.constant 81920 : i32
          %dma_start3A_423 = tpu.memref_slice %arg5[%select_n3A, %dma_start3A_422] : memref<8x131072xi32, #tpu.memory_space<hbm>> -> memref<1x8192xi32, #tpu.memory_space<hbm>>
          %dma_start3A_424 = tpu.memref_squeeze %dma_start3A_423 : memref<1x8192xi32, #tpu.memory_space<hbm>> -> memref<8192xi32, #tpu.memory_space<hbm>>
          %dma_start3A_425 = arith.constant 81920 : i32
          %dma_start3A_426 = tpu.memref_slice %arg5[%select_n3A, %dma_start3A_425] : memref<8x131072xi32, #tpu.memory_space<hbm>> -> memref<1x8192xi32, #tpu.memory_space<hbm>>
          %dma_start3A_427 = tpu.memref_squeeze %dma_start3A_426 : memref<1x8192xi32, #tpu.memory_space<hbm>> -> memref<8192xi32, #tpu.memory_space<hbm>>
          tpu.enqueue_dma source(%dma_start3A_427 : memref<8192xi32, #tpu.memory_space<hbm>>) target(%arg9 : memref<8192xi32, #tpu.memory_space<vmem>>) target_semaphore(%arg18 : memref<!tpu.dma_semaphore, #tpu.memory_space<semaphore_mem>>)
          %dma_wait3A_428 = arith.constant 73728 : i32
          %dma_wait3A_429 = tpu.memref_slice %arg5[%select_n3A, %dma_wait3A_428] : memref<8x131072xi32, #tpu.memory_space<hbm>> -> memref<1x8192xi32, #tpu.memory_space<hbm>>
          %dma_wait3A_430 = tpu.memref_squeeze %dma_wait3A_429 : memref<1x8192xi32, #tpu.memory_space<hbm>> -> memref<8192xi32, #tpu.memory_space<hbm>>
          %dma_wait3A_431 = arith.constant 73728 : i32
          %dma_wait3A_432 = tpu.memref_slice %arg5[%select_n3A, %dma_wait3A_431] : memref<8x131072xi32, #tpu.memory_space<hbm>> -> memref<1x8192xi32, #tpu.memory_space<hbm>>
          %dma_wait3A_433 = tpu.memref_squeeze %dma_wait3A_432 : memref<1x8192xi32, #tpu.memory_space<hbm>> -> memref<8192xi32, #tpu.memory_space<hbm>>
          tpu.wait_dma2 semaphore(%arg19 : memref<!tpu.dma_semaphore, #tpu.memory_space<semaphore_mem>>) src(%dma_wait3A_433 : memref<8192xi32, #tpu.memory_space<hbm>>) dst(%arg10 : memref<8192xi32, #tpu.memory_space<vmem>>)
          %dma_wait3A_434 = arith.constant 57344 : i32
          %dma_wait3A_435 = tpu.memref_slice %arg7[%select_n3A, %sub3A_30, %dma_wait3A_434] : memref<8x3x131072xf32, #tpu.memory_space<hbm>> -> memref<1x1x8192xf32, #tpu.memory_space<hbm>>
          %dma_wait3A_436 = tpu.memref_squeeze %dma_wait3A_435 : memref<1x1x8192xf32, #tpu.memory_space<hbm>> -> memref<8192xf32, #tpu.memory_space<hbm>>
          %dma_wait3A_437 = arith.constant 57344 : i32
          %dma_wait3A_438 = tpu.memref_slice %arg7[%select_n3A, %sub3A_30, %dma_wait3A_437] : memref<8x3x131072xf32, #tpu.memory_space<hbm>> -> memref<1x1x8192xf32, #tpu.memory_space<hbm>>
          %dma_wait3A_439 = tpu.memref_squeeze %dma_wait3A_438 : memref<1x1x8192xf32, #tpu.memory_space<hbm>> -> memref<8192xf32, #tpu.memory_space<hbm>>
          tpu.wait_dma2 semaphore(%arg21 : memref<!tpu.dma_semaphore, #tpu.memory_space<semaphore_mem>>) src(%arg12 : memref<8192xf32, #tpu.memory_space<vmem>>) dst(%dma_wait3A_439 : memref<8192xf32, #tpu.memory_space<hbm>>)
          %dma_wait3A_440 = arith.constant 57344 : i32
          %dma_wait3A_441 = tpu.memref_slice %arg6[%select_n3A, %sub3A_30, %dma_wait3A_440] : memref<8x67x131072xf32, #tpu.memory_space<hbm>> -> memref<1x1x8192xf32, #tpu.memory_space<hbm>>
          %dma_wait3A_442 = tpu.memref_squeeze %dma_wait3A_441 : memref<1x1x8192xf32, #tpu.memory_space<hbm>> -> memref<8192xf32, #tpu.memory_space<hbm>>
          %dma_wait3A_443 = arith.constant 57344 : i32
          %dma_wait3A_444 = tpu.memref_slice %arg6[%select_n3A, %sub3A_30, %dma_wait3A_443] : memref<8x67x131072xf32, #tpu.memory_space<hbm>> -> memref<1x1x8192xf32, #tpu.memory_space<hbm>>
          %dma_wait3A_445 = tpu.memref_squeeze %dma_wait3A_444 : memref<1x1x8192xf32, #tpu.memory_space<hbm>> -> memref<8192xf32, #tpu.memory_space<hbm>>
          tpu.wait_dma2 semaphore(%arg23 : memref<!tpu.dma_semaphore, #tpu.memory_space<semaphore_mem>>) src(%arg14 : memref<8192xf32, #tpu.memory_space<vmem>>) dst(%dma_wait3A_445 : memref<8192xf32, #tpu.memory_space<hbm>>)
          %scan3A_446 = arith.constant 0 : i32
          %scan3A_447 = arith.constant 0 : i32
          %scan3A_448 = arith.constant 256 : i32
          %scan3A_449 = arith.addi %scan3A_447, %scan3A_448 : i32
          %scan3A_450 = arith.constant 1 : i32
          scf.for %scan3A_734 = %scan3A_447 to %scan3A_449 step %scan3A_450  : i32 {
            %add3A_735 = arith.constant 2304 : i32
            %add3A_736 = arith.addi %add3A_735, %scan3A_734 : i32
            %broadcast_in_dim3A = vector.broadcast %add3A_736 : i32 to vector<16xi32>
            %gather3A = tpu.vector_load_idx %arg15[%broadcast_in_dim3A] : memref<4096xf32, #tpu.memory_space<vmem>>[vector<16xi32>], vector<16xf32>,
            %mul3A_737 = arith.constant 2 : i32
            %mul3A_738 = arith.muli %scan3A_734, %mul3A_737 : i32
            %add3A_739 = arith.constant 0 : i32
            %add3A_740 = arith.addi %mul3A_738, %add3A_739 : i32
            %mul3A_741 = arith.constant 16 : i32
            %mul3A_742 = arith.muli %add3A_740, %mul3A_741 : i32
            %get3A = arith.index_cast %mul3A_742 : i32 to index
            %get3A_743 = tpu.vector_load %arg10[%get3A] {strides = array<i32>} : memref<8192xi32, #tpu.memory_space<vmem>>, vector<16xi32>,
            %gather3A_744 = tpu.vector_load_idx %arg8[%get3A_743] : memref<65536xf32, #tpu.memory_space<vmem>>[vector<16xi32>], vector<16xf32>,
            %swap3A = arith.index_cast %mul3A_742 : i32 to index
            %swap3A_745 = tpu.vector_load %arg12[%swap3A] {strides = array<i32>} : memref<8192xf32, #tpu.memory_space<vmem>>, vector<16xf32>,
            tpu.vector_store %arg12[%swap3A], %gather3A_744 {strides = array<i32>} : memref<8192xf32, #tpu.memory_space<vmem>>, vector<16xf32>,
            %sub3A_746 = arith.subf %gather3A_744, %gather3A : vector<16xf32>
            %swap3A_747 = arith.index_cast %mul3A_742 : i32 to index
            %swap3A_748 = tpu.vector_load %arg14[%swap3A_747] {strides = array<i32>} : memref<8192xf32, #tpu.memory_space<vmem>>, vector<16xf32>,
            tpu.vector_store %arg14[%swap3A_747], %sub3A_746 {strides = array<i32>} : memref<8192xf32, #tpu.memory_space<vmem>>, vector<16xf32>,
            %mul3A_749 = arith.constant 2 : i32
            %mul3A_750 = arith.muli %scan3A_734, %mul3A_749 : i32
            %add3A_751 = arith.constant 1 : i32
            %add3A_752 = arith.addi %mul3A_750, %add3A_751 : i32
            %mul3A_753 = arith.constant 16 : i32
            %mul3A_754 = arith.muli %add3A_752, %mul3A_753 : i32
            %get3A_755 = arith.index_cast %mul3A_754 : i32 to index
            %get3A_756 = tpu.vector_load %arg10[%get3A_755] {strides = array<i32>} : memref<8192xi32, #tpu.memory_space<vmem>>, vector<16xi32>,
            %gather3A_757 = tpu.vector_load_idx %arg8[%get3A_756] : memref<65536xf32, #tpu.memory_space<vmem>>[vector<16xi32>], vector<16xf32>,
            %swap3A_758 = arith.index_cast %mul3A_754 : i32 to index
            %swap3A_759 = tpu.vector_load %arg12[%swap3A_758] {strides = array<i32>} : memref<8192xf32, #tpu.memory_space<vmem>>, vector<16xf32>,
            tpu.vector_store %arg12[%swap3A_758], %gather3A_757 {strides = array<i32>} : memref<8192xf32, #tpu.memory_space<vmem>>, vector<16xf32>,
            %sub3A_760 = arith.subf %gather3A_757, %gather3A : vector<16xf32>
            %swap3A_761 = arith.index_cast %mul3A_754 : i32 to index
            %swap3A_762 = tpu.vector_load %arg14[%swap3A_761] {strides = array<i32>} : memref<8192xf32, #tpu.memory_space<vmem>>, vector<16xf32>,
            tpu.vector_store %arg14[%swap3A_761], %sub3A_760 {strides = array<i32>} : memref<8192xf32, #tpu.memory_space<vmem>>, vector<16xf32>,
          }
          %scan3A_451 = arith.constant 256 : i32
          %dma_start3A_452 = arith.constant 73728 : i32
          %dma_start3A_453 = tpu.memref_slice %arg7[%select_n3A, %sub3A_30, %dma_start3A_452] : memref<8x3x131072xf32, #tpu.memory_space<hbm>> -> memref<1x1x8192xf32, #tpu.memory_space<hbm>>
          %dma_start3A_454 = tpu.memref_squeeze %dma_start3A_453 : memref<1x1x8192xf32, #tpu.memory_space<hbm>> -> memref<8192xf32, #tpu.memory_space<hbm>>
          %dma_start3A_455 = arith.constant 73728 : i32
          %dma_start3A_456 = tpu.memref_slice %arg7[%select_n3A, %sub3A_30, %dma_start3A_455] : memref<8x3x131072xf32, #tpu.memory_space<hbm>> -> memref<1x1x8192xf32, #tpu.memory_space<hbm>>
          %dma_start3A_457 = tpu.memref_squeeze %dma_start3A_456 : memref<1x1x8192xf32, #tpu.memory_space<hbm>> -> memref<8192xf32, #tpu.memory_space<hbm>>
          tpu.enqueue_dma source(%arg12 : memref<8192xf32, #tpu.memory_space<vmem>>) target(%dma_start3A_457 : memref<8192xf32, #tpu.memory_space<hbm>>) target_semaphore(%arg21 : memref<!tpu.dma_semaphore, #tpu.memory_space<semaphore_mem>>)
          %dma_start3A_458 = arith.constant 73728 : i32
          %dma_start3A_459 = tpu.memref_slice %arg6[%select_n3A, %sub3A_30, %dma_start3A_458] : memref<8x67x131072xf32, #tpu.memory_space<hbm>> -> memref<1x1x8192xf32, #tpu.memory_space<hbm>>
          %dma_start3A_460 = tpu.memref_squeeze %dma_start3A_459 : memref<1x1x8192xf32, #tpu.memory_space<hbm>> -> memref<8192xf32, #tpu.memory_space<hbm>>
          %dma_start3A_461 = arith.constant 73728 : i32
          %dma_start3A_462 = tpu.memref_slice %arg6[%select_n3A, %sub3A_30, %dma_start3A_461] : memref<8x67x131072xf32, #tpu.memory_space<hbm>> -> memref<1x1x8192xf32, #tpu.memory_space<hbm>>
          %dma_start3A_463 = tpu.memref_squeeze %dma_start3A_462 : memref<1x1x8192xf32, #tpu.memory_space<hbm>> -> memref<8192xf32, #tpu.memory_space<hbm>>
          tpu.enqueue_dma source(%arg14 : memref<8192xf32, #tpu.memory_space<vmem>>) target(%dma_start3A_463 : memref<8192xf32, #tpu.memory_space<hbm>>) target_semaphore(%arg23 : memref<!tpu.dma_semaphore, #tpu.memory_space<semaphore_mem>>)
          %dma_start3A_464 = arith.constant 90112 : i32
          %dma_start3A_465 = tpu.memref_slice %arg5[%select_n3A, %dma_start3A_464] : memref<8x131072xi32, #tpu.memory_space<hbm>> -> memref<1x8192xi32, #tpu.memory_space<hbm>>
          %dma_start3A_466 = tpu.memref_squeeze %dma_start3A_465 : memref<1x8192xi32, #tpu.memory_space<hbm>> -> memref<8192xi32, #tpu.memory_space<hbm>>
          %dma_start3A_467 = arith.constant 90112 : i32
          %dma_start3A_468 = tpu.memref_slice %arg5[%select_n3A, %dma_start3A_467] : memref<8x131072xi32, #tpu.memory_space<hbm>> -> memref<1x8192xi32, #tpu.memory_space<hbm>>
          %dma_start3A_469 = tpu.memref_squeeze %dma_start3A_468 : memref<1x8192xi32, #tpu.memory_space<hbm>> -> memref<8192xi32, #tpu.memory_space<hbm>>
          tpu.enqueue_dma source(%dma_start3A_469 : memref<8192xi32, #tpu.memory_space<hbm>>) target(%arg10 : memref<8192xi32, #tpu.memory_space<vmem>>) target_semaphore(%arg19 : memref<!tpu.dma_semaphore, #tpu.memory_space<semaphore_mem>>)
          %dma_wait3A_470 = arith.constant 81920 : i32
          %dma_wait3A_471 = tpu.memref_slice %arg5[%select_n3A, %dma_wait3A_470] : memref<8x131072xi32, #tpu.memory_space<hbm>> -> memref<1x8192xi32, #tpu.memory_space<hbm>>
          %dma_wait3A_472 = tpu.memref_squeeze %dma_wait3A_471 : memref<1x8192xi32, #tpu.memory_space<hbm>> -> memref<8192xi32, #tpu.memory_space<hbm>>
          %dma_wait3A_473 = arith.constant 81920 : i32
          %dma_wait3A_474 = tpu.memref_slice %arg5[%select_n3A, %dma_wait3A_473] : memref<8x131072xi32, #tpu.memory_space<hbm>> -> memref<1x8192xi32, #tpu.memory_space<hbm>>
          %dma_wait3A_475 = tpu.memref_squeeze %dma_wait3A_474 : memref<1x8192xi32, #tpu.memory_space<hbm>> -> memref<8192xi32, #tpu.memory_space<hbm>>
          tpu.wait_dma2 semaphore(%arg18 : memref<!tpu.dma_semaphore, #tpu.memory_space<semaphore_mem>>) src(%dma_wait3A_475 : memref<8192xi32, #tpu.memory_space<hbm>>) dst(%arg9 : memref<8192xi32, #tpu.memory_space<vmem>>)
          %dma_wait3A_476 = arith.constant 65536 : i32
          %dma_wait3A_477 = tpu.memref_slice %arg7[%select_n3A, %sub3A_30, %dma_wait3A_476] : memref<8x3x131072xf32, #tpu.memory_space<hbm>> -> memref<1x1x8192xf32, #tpu.memory_space<hbm>>
          %dma_wait3A_478 = tpu.memref_squeeze %dma_wait3A_477 : memref<1x1x8192xf32, #tpu.memory_space<hbm>> -> memref<8192xf32, #tpu.memory_space<hbm>>
          %dma_wait3A_479 = arith.constant 65536 : i32
          %dma_wait3A_480 = tpu.memref_slice %arg7[%select_n3A, %sub3A_30, %dma_wait3A_479] : memref<8x3x131072xf32, #tpu.memory_space<hbm>> -> memref<1x1x8192xf32, #tpu.memory_space<hbm>>
          %dma_wait3A_481 = tpu.memref_squeeze %dma_wait3A_480 : memref<1x1x8192xf32, #tpu.memory_space<hbm>> -> memref<8192xf32, #tpu.memory_space<hbm>>
          tpu.wait_dma2 semaphore(%arg20 : memref<!tpu.dma_semaphore, #tpu.memory_space<semaphore_mem>>) src(%arg11 : memref<8192xf32, #tpu.memory_space<vmem>>) dst(%dma_wait3A_481 : memref<8192xf32, #tpu.memory_space<hbm>>)
          %dma_wait3A_482 = arith.constant 65536 : i32
          %dma_wait3A_483 = tpu.memref_slice %arg6[%select_n3A, %sub3A_30, %dma_wait3A_482] : memref<8x67x131072xf32, #tpu.memory_space<hbm>> -> memref<1x1x8192xf32, #tpu.memory_space<hbm>>
          %dma_wait3A_484 = tpu.memref_squeeze %dma_wait3A_483 : memref<1x1x8192xf32, #tpu.memory_space<hbm>> -> memref<8192xf32, #tpu.memory_space<hbm>>
          %dma_wait3A_485 = arith.constant 65536 : i32
          %dma_wait3A_486 = tpu.memref_slice %arg6[%select_n3A, %sub3A_30, %dma_wait3A_485] : memref<8x67x131072xf32, #tpu.memory_space<hbm>> -> memref<1x1x8192xf32, #tpu.memory_space<hbm>>
          %dma_wait3A_487 = tpu.memref_squeeze %dma_wait3A_486 : memref<1x1x8192xf32, #tpu.memory_space<hbm>> -> memref<8192xf32, #tpu.memory_space<hbm>>
          tpu.wait_dma2 semaphore(%arg22 : memref<!tpu.dma_semaphore, #tpu.memory_space<semaphore_mem>>) src(%arg13 : memref<8192xf32, #tpu.memory_space<vmem>>) dst(%dma_wait3A_487 : memref<8192xf32, #tpu.memory_space<hbm>>)
          %scan3A_488 = arith.constant 0 : i32
          %scan3A_489 = arith.constant 0 : i32
          %scan3A_490 = arith.constant 256 : i32
          %scan3A_491 = arith.addi %scan3A_489, %scan3A_490 : i32
          %scan3A_492 = arith.constant 1 : i32
          scf.for %scan3A_734 = %scan3A_489 to %scan3A_491 step %scan3A_492  : i32 {
            %add3A_735 = arith.constant 2560 : i32
            %add3A_736 = arith.addi %add3A_735, %scan3A_734 : i32
            %broadcast_in_dim3A = vector.broadcast %add3A_736 : i32 to vector<16xi32>
            %gather3A = tpu.vector_load_idx %arg15[%broadcast_in_dim3A] : memref<4096xf32, #tpu.memory_space<vmem>>[vector<16xi32>], vector<16xf32>,
            %mul3A_737 = arith.constant 2 : i32
            %mul3A_738 = arith.muli %scan3A_734, %mul3A_737 : i32
            %add3A_739 = arith.constant 0 : i32
            %add3A_740 = arith.addi %mul3A_738, %add3A_739 : i32
            %mul3A_741 = arith.constant 16 : i32
            %mul3A_742 = arith.muli %add3A_740, %mul3A_741 : i32
            %get3A = arith.index_cast %mul3A_742 : i32 to index
            %get3A_743 = tpu.vector_load %arg9[%get3A] {strides = array<i32>} : memref<8192xi32, #tpu.memory_space<vmem>>, vector<16xi32>,
            %gather3A_744 = tpu.vector_load_idx %arg8[%get3A_743] : memref<65536xf32, #tpu.memory_space<vmem>>[vector<16xi32>], vector<16xf32>,
            %swap3A = arith.index_cast %mul3A_742 : i32 to index
            %swap3A_745 = tpu.vector_load %arg11[%swap3A] {strides = array<i32>} : memref<8192xf32, #tpu.memory_space<vmem>>, vector<16xf32>,
            tpu.vector_store %arg11[%swap3A], %gather3A_744 {strides = array<i32>} : memref<8192xf32, #tpu.memory_space<vmem>>, vector<16xf32>,
            %sub3A_746 = arith.subf %gather3A_744, %gather3A : vector<16xf32>
            %swap3A_747 = arith.index_cast %mul3A_742 : i32 to index
            %swap3A_748 = tpu.vector_load %arg13[%swap3A_747] {strides = array<i32>} : memref<8192xf32, #tpu.memory_space<vmem>>, vector<16xf32>,
            tpu.vector_store %arg13[%swap3A_747], %sub3A_746 {strides = array<i32>} : memref<8192xf32, #tpu.memory_space<vmem>>, vector<16xf32>,
            %mul3A_749 = arith.constant 2 : i32
            %mul3A_750 = arith.muli %scan3A_734, %mul3A_749 : i32
            %add3A_751 = arith.constant 1 : i32
            %add3A_752 = arith.addi %mul3A_750, %add3A_751 : i32
            %mul3A_753 = arith.constant 16 : i32
            %mul3A_754 = arith.muli %add3A_752, %mul3A_753 : i32
            %get3A_755 = arith.index_cast %mul3A_754 : i32 to index
            %get3A_756 = tpu.vector_load %arg9[%get3A_755] {strides = array<i32>} : memref<8192xi32, #tpu.memory_space<vmem>>, vector<16xi32>,
            %gather3A_757 = tpu.vector_load_idx %arg8[%get3A_756] : memref<65536xf32, #tpu.memory_space<vmem>>[vector<16xi32>], vector<16xf32>,
            %swap3A_758 = arith.index_cast %mul3A_754 : i32 to index
            %swap3A_759 = tpu.vector_load %arg11[%swap3A_758] {strides = array<i32>} : memref<8192xf32, #tpu.memory_space<vmem>>, vector<16xf32>,
            tpu.vector_store %arg11[%swap3A_758], %gather3A_757 {strides = array<i32>} : memref<8192xf32, #tpu.memory_space<vmem>>, vector<16xf32>,
            %sub3A_760 = arith.subf %gather3A_757, %gather3A : vector<16xf32>
            %swap3A_761 = arith.index_cast %mul3A_754 : i32 to index
            %swap3A_762 = tpu.vector_load %arg13[%swap3A_761] {strides = array<i32>} : memref<8192xf32, #tpu.memory_space<vmem>>, vector<16xf32>,
            tpu.vector_store %arg13[%swap3A_761], %sub3A_760 {strides = array<i32>} : memref<8192xf32, #tpu.memory_space<vmem>>, vector<16xf32>,
          }
          %scan3A_493 = arith.constant 256 : i32
          %dma_start3A_494 = arith.constant 81920 : i32
          %dma_start3A_495 = tpu.memref_slice %arg7[%select_n3A, %sub3A_30, %dma_start3A_494] : memref<8x3x131072xf32, #tpu.memory_space<hbm>> -> memref<1x1x8192xf32, #tpu.memory_space<hbm>>
          %dma_start3A_496 = tpu.memref_squeeze %dma_start3A_495 : memref<1x1x8192xf32, #tpu.memory_space<hbm>> -> memref<8192xf32, #tpu.memory_space<hbm>>
          %dma_start3A_497 = arith.constant 81920 : i32
          %dma_start3A_498 = tpu.memref_slice %arg7[%select_n3A, %sub3A_30, %dma_start3A_497] : memref<8x3x131072xf32, #tpu.memory_space<hbm>> -> memref<1x1x8192xf32, #tpu.memory_space<hbm>>
          %dma_start3A_499 = tpu.memref_squeeze %dma_start3A_498 : memref<1x1x8192xf32, #tpu.memory_space<hbm>> -> memref<8192xf32, #tpu.memory_space<hbm>>
          tpu.enqueue_dma source(%arg11 : memref<8192xf32, #tpu.memory_space<vmem>>) target(%dma_start3A_499 : memref<8192xf32, #tpu.memory_space<hbm>>) target_semaphore(%arg20 : memref<!tpu.dma_semaphore, #tpu.memory_space<semaphore_mem>>)
          %dma_start3A_500 = arith.constant 81920 : i32
          %dma_start3A_501 = tpu.memref_slice %arg6[%select_n3A, %sub3A_30, %dma_start3A_500] : memref<8x67x131072xf32, #tpu.memory_space<hbm>> -> memref<1x1x8192xf32, #tpu.memory_space<hbm>>
          %dma_start3A_502 = tpu.memref_squeeze %dma_start3A_501 : memref<1x1x8192xf32, #tpu.memory_space<hbm>> -> memref<8192xf32, #tpu.memory_space<hbm>>
          %dma_start3A_503 = arith.constant 81920 : i32
          %dma_start3A_504 = tpu.memref_slice %arg6[%select_n3A, %sub3A_30, %dma_start3A_503] : memref<8x67x131072xf32, #tpu.memory_space<hbm>> -> memref<1x1x8192xf32, #tpu.memory_space<hbm>>
          %dma_start3A_505 = tpu.memref_squeeze %dma_start3A_504 : memref<1x1x8192xf32, #tpu.memory_space<hbm>> -> memref<8192xf32, #tpu.memory_space<hbm>>
          tpu.enqueue_dma source(%arg13 : memref<8192xf32, #tpu.memory_space<vmem>>) target(%dma_start3A_505 : memref<8192xf32, #tpu.memory_space<hbm>>) target_semaphore(%arg22 : memref<!tpu.dma_semaphore, #tpu.memory_space<semaphore_mem>>)
          %dma_start3A_506 = arith.constant 98304 : i32
          %dma_start3A_507 = tpu.memref_slice %arg5[%select_n3A, %dma_start3A_506] : memref<8x131072xi32, #tpu.memory_space<hbm>> -> memref<1x8192xi32, #tpu.memory_space<hbm>>
          %dma_start3A_508 = tpu.memref_squeeze %dma_start3A_507 : memref<1x8192xi32, #tpu.memory_space<hbm>> -> memref<8192xi32, #tpu.memory_space<hbm>>
          %dma_start3A_509 = arith.constant 98304 : i32
          %dma_start3A_510 = tpu.memref_slice %arg5[%select_n3A, %dma_start3A_509] : memref<8x131072xi32, #tpu.memory_space<hbm>> -> memref<1x8192xi32, #tpu.memory_space<hbm>>
          %dma_start3A_511 = tpu.memref_squeeze %dma_start3A_510 : memref<1x8192xi32, #tpu.memory_space<hbm>> -> memref<8192xi32, #tpu.memory_space<hbm>>
          tpu.enqueue_dma source(%dma_start3A_511 : memref<8192xi32, #tpu.memory_space<hbm>>) target(%arg9 : memref<8192xi32, #tpu.memory_space<vmem>>) target_semaphore(%arg18 : memref<!tpu.dma_semaphore, #tpu.memory_space<semaphore_mem>>)
          %dma_wait3A_512 = arith.constant 90112 : i32
          %dma_wait3A_513 = tpu.memref_slice %arg5[%select_n3A, %dma_wait3A_512] : memref<8x131072xi32, #tpu.memory_space<hbm>> -> memref<1x8192xi32, #tpu.memory_space<hbm>>
          %dma_wait3A_514 = tpu.memref_squeeze %dma_wait3A_513 : memref<1x8192xi32, #tpu.memory_space<hbm>> -> memref<8192xi32, #tpu.memory_space<hbm>>
          %dma_wait3A_515 = arith.constant 90112 : i32
          %dma_wait3A_516 = tpu.memref_slice %arg5[%select_n3A, %dma_wait3A_515] : memref<8x131072xi32, #tpu.memory_space<hbm>> -> memref<1x8192xi32, #tpu.memory_space<hbm>>
          %dma_wait3A_517 = tpu.memref_squeeze %dma_wait3A_516 : memref<1x8192xi32, #tpu.memory_space<hbm>> -> memref<8192xi32, #tpu.memory_space<hbm>>
          tpu.wait_dma2 semaphore(%arg19 : memref<!tpu.dma_semaphore, #tpu.memory_space<semaphore_mem>>) src(%dma_wait3A_517 : memref<8192xi32, #tpu.memory_space<hbm>>) dst(%arg10 : memref<8192xi32, #tpu.memory_space<vmem>>)
          %dma_wait3A_518 = arith.constant 73728 : i32
          %dma_wait3A_519 = tpu.memref_slice %arg7[%select_n3A, %sub3A_30, %dma_wait3A_518] : memref<8x3x131072xf32, #tpu.memory_space<hbm>> -> memref<1x1x8192xf32, #tpu.memory_space<hbm>>
          %dma_wait3A_520 = tpu.memref_squeeze %dma_wait3A_519 : memref<1x1x8192xf32, #tpu.memory_space<hbm>> -> memref<8192xf32, #tpu.memory_space<hbm>>
          %dma_wait3A_521 = arith.constant 73728 : i32
          %dma_wait3A_522 = tpu.memref_slice %arg7[%select_n3A, %sub3A_30, %dma_wait3A_521] : memref<8x3x131072xf32, #tpu.memory_space<hbm>> -> memref<1x1x8192xf32, #tpu.memory_space<hbm>>
          %dma_wait3A_523 = tpu.memref_squeeze %dma_wait3A_522 : memref<1x1x8192xf32, #tpu.memory_space<hbm>> -> memref<8192xf32, #tpu.memory_space<hbm>>
          tpu.wait_dma2 semaphore(%arg21 : memref<!tpu.dma_semaphore, #tpu.memory_space<semaphore_mem>>) src(%arg12 : memref<8192xf32, #tpu.memory_space<vmem>>) dst(%dma_wait3A_523 : memref<8192xf32, #tpu.memory_space<hbm>>)
          %dma_wait3A_524 = arith.constant 73728 : i32
          %dma_wait3A_525 = tpu.memref_slice %arg6[%select_n3A, %sub3A_30, %dma_wait3A_524] : memref<8x67x131072xf32, #tpu.memory_space<hbm>> -> memref<1x1x8192xf32, #tpu.memory_space<hbm>>
          %dma_wait3A_526 = tpu.memref_squeeze %dma_wait3A_525 : memref<1x1x8192xf32, #tpu.memory_space<hbm>> -> memref<8192xf32, #tpu.memory_space<hbm>>
          %dma_wait3A_527 = arith.constant 73728 : i32
          %dma_wait3A_528 = tpu.memref_slice %arg6[%select_n3A, %sub3A_30, %dma_wait3A_527] : memref<8x67x131072xf32, #tpu.memory_space<hbm>> -> memref<1x1x8192xf32, #tpu.memory_space<hbm>>
          %dma_wait3A_529 = tpu.memref_squeeze %dma_wait3A_528 : memref<1x1x8192xf32, #tpu.memory_space<hbm>> -> memref<8192xf32, #tpu.memory_space<hbm>>
          tpu.wait_dma2 semaphore(%arg23 : memref<!tpu.dma_semaphore, #tpu.memory_space<semaphore_mem>>) src(%arg14 : memref<8192xf32, #tpu.memory_space<vmem>>) dst(%dma_wait3A_529 : memref<8192xf32, #tpu.memory_space<hbm>>)
          %scan3A_530 = arith.constant 0 : i32
          %scan3A_531 = arith.constant 0 : i32
          %scan3A_532 = arith.constant 256 : i32
          %scan3A_533 = arith.addi %scan3A_531, %scan3A_532 : i32
          %scan3A_534 = arith.constant 1 : i32
          scf.for %scan3A_734 = %scan3A_531 to %scan3A_533 step %scan3A_534  : i32 {
            %add3A_735 = arith.constant 2816 : i32
            %add3A_736 = arith.addi %add3A_735, %scan3A_734 : i32
            %broadcast_in_dim3A = vector.broadcast %add3A_736 : i32 to vector<16xi32>
            %gather3A = tpu.vector_load_idx %arg15[%broadcast_in_dim3A] : memref<4096xf32, #tpu.memory_space<vmem>>[vector<16xi32>], vector<16xf32>,
            %mul3A_737 = arith.constant 2 : i32
            %mul3A_738 = arith.muli %scan3A_734, %mul3A_737 : i32
            %add3A_739 = arith.constant 0 : i32
            %add3A_740 = arith.addi %mul3A_738, %add3A_739 : i32
            %mul3A_741 = arith.constant 16 : i32
            %mul3A_742 = arith.muli %add3A_740, %mul3A_741 : i32
            %get3A = arith.index_cast %mul3A_742 : i32 to index
            %get3A_743 = tpu.vector_load %arg10[%get3A] {strides = array<i32>} : memref<8192xi32, #tpu.memory_space<vmem>>, vector<16xi32>,
            %gather3A_744 = tpu.vector_load_idx %arg8[%get3A_743] : memref<65536xf32, #tpu.memory_space<vmem>>[vector<16xi32>], vector<16xf32>,
            %swap3A = arith.index_cast %mul3A_742 : i32 to index
            %swap3A_745 = tpu.vector_load %arg12[%swap3A] {strides = array<i32>} : memref<8192xf32, #tpu.memory_space<vmem>>, vector<16xf32>,
            tpu.vector_store %arg12[%swap3A], %gather3A_744 {strides = array<i32>} : memref<8192xf32, #tpu.memory_space<vmem>>, vector<16xf32>,
            %sub3A_746 = arith.subf %gather3A_744, %gather3A : vector<16xf32>
            %swap3A_747 = arith.index_cast %mul3A_742 : i32 to index
            %swap3A_748 = tpu.vector_load %arg14[%swap3A_747] {strides = array<i32>} : memref<8192xf32, #tpu.memory_space<vmem>>, vector<16xf32>,
            tpu.vector_store %arg14[%swap3A_747], %sub3A_746 {strides = array<i32>} : memref<8192xf32, #tpu.memory_space<vmem>>, vector<16xf32>,
            %mul3A_749 = arith.constant 2 : i32
            %mul3A_750 = arith.muli %scan3A_734, %mul3A_749 : i32
            %add3A_751 = arith.constant 1 : i32
            %add3A_752 = arith.addi %mul3A_750, %add3A_751 : i32
            %mul3A_753 = arith.constant 16 : i32
            %mul3A_754 = arith.muli %add3A_752, %mul3A_753 : i32
            %get3A_755 = arith.index_cast %mul3A_754 : i32 to index
            %get3A_756 = tpu.vector_load %arg10[%get3A_755] {strides = array<i32>} : memref<8192xi32, #tpu.memory_space<vmem>>, vector<16xi32>,
            %gather3A_757 = tpu.vector_load_idx %arg8[%get3A_756] : memref<65536xf32, #tpu.memory_space<vmem>>[vector<16xi32>], vector<16xf32>,
            %swap3A_758 = arith.index_cast %mul3A_754 : i32 to index
            %swap3A_759 = tpu.vector_load %arg12[%swap3A_758] {strides = array<i32>} : memref<8192xf32, #tpu.memory_space<vmem>>, vector<16xf32>,
            tpu.vector_store %arg12[%swap3A_758], %gather3A_757 {strides = array<i32>} : memref<8192xf32, #tpu.memory_space<vmem>>, vector<16xf32>,
            %sub3A_760 = arith.subf %gather3A_757, %gather3A : vector<16xf32>
            %swap3A_761 = arith.index_cast %mul3A_754 : i32 to index
            %swap3A_762 = tpu.vector_load %arg14[%swap3A_761] {strides = array<i32>} : memref<8192xf32, #tpu.memory_space<vmem>>, vector<16xf32>,
            tpu.vector_store %arg14[%swap3A_761], %sub3A_760 {strides = array<i32>} : memref<8192xf32, #tpu.memory_space<vmem>>, vector<16xf32>,
          }
          %scan3A_535 = arith.constant 256 : i32
          %dma_start3A_536 = arith.constant 90112 : i32
          %dma_start3A_537 = tpu.memref_slice %arg7[%select_n3A, %sub3A_30, %dma_start3A_536] : memref<8x3x131072xf32, #tpu.memory_space<hbm>> -> memref<1x1x8192xf32, #tpu.memory_space<hbm>>
          %dma_start3A_538 = tpu.memref_squeeze %dma_start3A_537 : memref<1x1x8192xf32, #tpu.memory_space<hbm>> -> memref<8192xf32, #tpu.memory_space<hbm>>
          %dma_start3A_539 = arith.constant 90112 : i32
          %dma_start3A_540 = tpu.memref_slice %arg7[%select_n3A, %sub3A_30, %dma_start3A_539] : memref<8x3x131072xf32, #tpu.memory_space<hbm>> -> memref<1x1x8192xf32, #tpu.memory_space<hbm>>
          %dma_start3A_541 = tpu.memref_squeeze %dma_start3A_540 : memref<1x1x8192xf32, #tpu.memory_space<hbm>> -> memref<8192xf32, #tpu.memory_space<hbm>>
          tpu.enqueue_dma source(%arg12 : memref<8192xf32, #tpu.memory_space<vmem>>) target(%dma_start3A_541 : memref<8192xf32, #tpu.memory_space<hbm>>) target_semaphore(%arg21 : memref<!tpu.dma_semaphore, #tpu.memory_space<semaphore_mem>>)
          %dma_start3A_542 = arith.constant 90112 : i32
          %dma_start3A_543 = tpu.memref_slice %arg6[%select_n3A, %sub3A_30, %dma_start3A_542] : memref<8x67x131072xf32, #tpu.memory_space<hbm>> -> memref<1x1x8192xf32, #tpu.memory_space<hbm>>
          %dma_start3A_544 = tpu.memref_squeeze %dma_start3A_543 : memref<1x1x8192xf32, #tpu.memory_space<hbm>> -> memref<8192xf32, #tpu.memory_space<hbm>>
          %dma_start3A_545 = arith.constant 90112 : i32
          %dma_start3A_546 = tpu.memref_slice %arg6[%select_n3A, %sub3A_30, %dma_start3A_545] : memref<8x67x131072xf32, #tpu.memory_space<hbm>> -> memref<1x1x8192xf32, #tpu.memory_space<hbm>>
          %dma_start3A_547 = tpu.memref_squeeze %dma_start3A_546 : memref<1x1x8192xf32, #tpu.memory_space<hbm>> -> memref<8192xf32, #tpu.memory_space<hbm>>
          tpu.enqueue_dma source(%arg14 : memref<8192xf32, #tpu.memory_space<vmem>>) target(%dma_start3A_547 : memref<8192xf32, #tpu.memory_space<hbm>>) target_semaphore(%arg23 : memref<!tpu.dma_semaphore, #tpu.memory_space<semaphore_mem>>)
          %dma_start3A_548 = arith.constant 106496 : i32
          %dma_start3A_549 = tpu.memref_slice %arg5[%select_n3A, %dma_start3A_548] : memref<8x131072xi32, #tpu.memory_space<hbm>> -> memref<1x8192xi32, #tpu.memory_space<hbm>>
          %dma_start3A_550 = tpu.memref_squeeze %dma_start3A_549 : memref<1x8192xi32, #tpu.memory_space<hbm>> -> memref<8192xi32, #tpu.memory_space<hbm>>
          %dma_start3A_551 = arith.constant 106496 : i32
          %dma_start3A_552 = tpu.memref_slice %arg5[%select_n3A, %dma_start3A_551] : memref<8x131072xi32, #tpu.memory_space<hbm>> -> memref<1x8192xi32, #tpu.memory_space<hbm>>
          %dma_start3A_553 = tpu.memref_squeeze %dma_start3A_552 : memref<1x8192xi32, #tpu.memory_space<hbm>> -> memref<8192xi32, #tpu.memory_space<hbm>>
          tpu.enqueue_dma source(%dma_start3A_553 : memref<8192xi32, #tpu.memory_space<hbm>>) target(%arg10 : memref<8192xi32, #tpu.memory_space<vmem>>) target_semaphore(%arg19 : memref<!tpu.dma_semaphore, #tpu.memory_space<semaphore_mem>>)
          %dma_wait3A_554 = arith.constant 98304 : i32
          %dma_wait3A_555 = tpu.memref_slice %arg5[%select_n3A, %dma_wait3A_554] : memref<8x131072xi32, #tpu.memory_space<hbm>> -> memref<1x8192xi32, #tpu.memory_space<hbm>>
          %dma_wait3A_556 = tpu.memref_squeeze %dma_wait3A_555 : memref<1x8192xi32, #tpu.memory_space<hbm>> -> memref<8192xi32, #tpu.memory_space<hbm>>
          %dma_wait3A_557 = arith.constant 98304 : i32
          %dma_wait3A_558 = tpu.memref_slice %arg5[%select_n3A, %dma_wait3A_557] : memref<8x131072xi32, #tpu.memory_space<hbm>> -> memref<1x8192xi32, #tpu.memory_space<hbm>>
          %dma_wait3A_559 = tpu.memref_squeeze %dma_wait3A_558 : memref<1x8192xi32, #tpu.memory_space<hbm>> -> memref<8192xi32, #tpu.memory_space<hbm>>
          tpu.wait_dma2 semaphore(%arg18 : memref<!tpu.dma_semaphore, #tpu.memory_space<semaphore_mem>>) src(%dma_wait3A_559 : memref<8192xi32, #tpu.memory_space<hbm>>) dst(%arg9 : memref<8192xi32, #tpu.memory_space<vmem>>)
          %dma_wait3A_560 = arith.constant 81920 : i32
          %dma_wait3A_561 = tpu.memref_slice %arg7[%select_n3A, %sub3A_30, %dma_wait3A_560] : memref<8x3x131072xf32, #tpu.memory_space<hbm>> -> memref<1x1x8192xf32, #tpu.memory_space<hbm>>
          %dma_wait3A_562 = tpu.memref_squeeze %dma_wait3A_561 : memref<1x1x8192xf32, #tpu.memory_space<hbm>> -> memref<8192xf32, #tpu.memory_space<hbm>>
          %dma_wait3A_563 = arith.constant 81920 : i32
          %dma_wait3A_564 = tpu.memref_slice %arg7[%select_n3A, %sub3A_30, %dma_wait3A_563] : memref<8x3x131072xf32, #tpu.memory_space<hbm>> -> memref<1x1x8192xf32, #tpu.memory_space<hbm>>
          %dma_wait3A_565 = tpu.memref_squeeze %dma_wait3A_564 : memref<1x1x8192xf32, #tpu.memory_space<hbm>> -> memref<8192xf32, #tpu.memory_space<hbm>>
          tpu.wait_dma2 semaphore(%arg20 : memref<!tpu.dma_semaphore, #tpu.memory_space<semaphore_mem>>) src(%arg11 : memref<8192xf32, #tpu.memory_space<vmem>>) dst(%dma_wait3A_565 : memref<8192xf32, #tpu.memory_space<hbm>>)
          %dma_wait3A_566 = arith.constant 81920 : i32
          %dma_wait3A_567 = tpu.memref_slice %arg6[%select_n3A, %sub3A_30, %dma_wait3A_566] : memref<8x67x131072xf32, #tpu.memory_space<hbm>> -> memref<1x1x8192xf32, #tpu.memory_space<hbm>>
          %dma_wait3A_568 = tpu.memref_squeeze %dma_wait3A_567 : memref<1x1x8192xf32, #tpu.memory_space<hbm>> -> memref<8192xf32, #tpu.memory_space<hbm>>
          %dma_wait3A_569 = arith.constant 81920 : i32
          %dma_wait3A_570 = tpu.memref_slice %arg6[%select_n3A, %sub3A_30, %dma_wait3A_569] : memref<8x67x131072xf32, #tpu.memory_space<hbm>> -> memref<1x1x8192xf32, #tpu.memory_space<hbm>>
          %dma_wait3A_571 = tpu.memref_squeeze %dma_wait3A_570 : memref<1x1x8192xf32, #tpu.memory_space<hbm>> -> memref<8192xf32, #tpu.memory_space<hbm>>
          tpu.wait_dma2 semaphore(%arg22 : memref<!tpu.dma_semaphore, #tpu.memory_space<semaphore_mem>>) src(%arg13 : memref<8192xf32, #tpu.memory_space<vmem>>) dst(%dma_wait3A_571 : memref<8192xf32, #tpu.memory_space<hbm>>)
          %scan3A_572 = arith.constant 0 : i32
          %scan3A_573 = arith.constant 0 : i32
          %scan3A_574 = arith.constant 256 : i32
          %scan3A_575 = arith.addi %scan3A_573, %scan3A_574 : i32
          %scan3A_576 = arith.constant 1 : i32
          scf.for %scan3A_734 = %scan3A_573 to %scan3A_575 step %scan3A_576  : i32 {
            %add3A_735 = arith.constant 3072 : i32
            %add3A_736 = arith.addi %add3A_735, %scan3A_734 : i32
            %broadcast_in_dim3A = vector.broadcast %add3A_736 : i32 to vector<16xi32>
            %gather3A = tpu.vector_load_idx %arg15[%broadcast_in_dim3A] : memref<4096xf32, #tpu.memory_space<vmem>>[vector<16xi32>], vector<16xf32>,
            %mul3A_737 = arith.constant 2 : i32
            %mul3A_738 = arith.muli %scan3A_734, %mul3A_737 : i32
            %add3A_739 = arith.constant 0 : i32
            %add3A_740 = arith.addi %mul3A_738, %add3A_739 : i32
            %mul3A_741 = arith.constant 16 : i32
            %mul3A_742 = arith.muli %add3A_740, %mul3A_741 : i32
            %get3A = arith.index_cast %mul3A_742 : i32 to index
            %get3A_743 = tpu.vector_load %arg9[%get3A] {strides = array<i32>} : memref<8192xi32, #tpu.memory_space<vmem>>, vector<16xi32>,
            %gather3A_744 = tpu.vector_load_idx %arg8[%get3A_743] : memref<65536xf32, #tpu.memory_space<vmem>>[vector<16xi32>], vector<16xf32>,
            %swap3A = arith.index_cast %mul3A_742 : i32 to index
            %swap3A_745 = tpu.vector_load %arg11[%swap3A] {strides = array<i32>} : memref<8192xf32, #tpu.memory_space<vmem>>, vector<16xf32>,
            tpu.vector_store %arg11[%swap3A], %gather3A_744 {strides = array<i32>} : memref<8192xf32, #tpu.memory_space<vmem>>, vector<16xf32>,
            %sub3A_746 = arith.subf %gather3A_744, %gather3A : vector<16xf32>
            %swap3A_747 = arith.index_cast %mul3A_742 : i32 to index
            %swap3A_748 = tpu.vector_load %arg13[%swap3A_747] {strides = array<i32>} : memref<8192xf32, #tpu.memory_space<vmem>>, vector<16xf32>,
            tpu.vector_store %arg13[%swap3A_747], %sub3A_746 {strides = array<i32>} : memref<8192xf32, #tpu.memory_space<vmem>>, vector<16xf32>,
            %mul3A_749 = arith.constant 2 : i32
            %mul3A_750 = arith.muli %scan3A_734, %mul3A_749 : i32
            %add3A_751 = arith.constant 1 : i32
            %add3A_752 = arith.addi %mul3A_750, %add3A_751 : i32
            %mul3A_753 = arith.constant 16 : i32
            %mul3A_754 = arith.muli %add3A_752, %mul3A_753 : i32
            %get3A_755 = arith.index_cast %mul3A_754 : i32 to index
            %get3A_756 = tpu.vector_load %arg9[%get3A_755] {strides = array<i32>} : memref<8192xi32, #tpu.memory_space<vmem>>, vector<16xi32>,
            %gather3A_757 = tpu.vector_load_idx %arg8[%get3A_756] : memref<65536xf32, #tpu.memory_space<vmem>>[vector<16xi32>], vector<16xf32>,
            %swap3A_758 = arith.index_cast %mul3A_754 : i32 to index
            %swap3A_759 = tpu.vector_load %arg11[%swap3A_758] {strides = array<i32>} : memref<8192xf32, #tpu.memory_space<vmem>>, vector<16xf32>,
            tpu.vector_store %arg11[%swap3A_758], %gather3A_757 {strides = array<i32>} : memref<8192xf32, #tpu.memory_space<vmem>>, vector<16xf32>,
            %sub3A_760 = arith.subf %gather3A_757, %gather3A : vector<16xf32>
            %swap3A_761 = arith.index_cast %mul3A_754 : i32 to index
            %swap3A_762 = tpu.vector_load %arg13[%swap3A_761] {strides = array<i32>} : memref<8192xf32, #tpu.memory_space<vmem>>, vector<16xf32>,
            tpu.vector_store %arg13[%swap3A_761], %sub3A_760 {strides = array<i32>} : memref<8192xf32, #tpu.memory_space<vmem>>, vector<16xf32>,
          }
          %scan3A_577 = arith.constant 256 : i32
          %dma_start3A_578 = arith.constant 98304 : i32
          %dma_start3A_579 = tpu.memref_slice %arg7[%select_n3A, %sub3A_30, %dma_start3A_578] : memref<8x3x131072xf32, #tpu.memory_space<hbm>> -> memref<1x1x8192xf32, #tpu.memory_space<hbm>>
          %dma_start3A_580 = tpu.memref_squeeze %dma_start3A_579 : memref<1x1x8192xf32, #tpu.memory_space<hbm>> -> memref<8192xf32, #tpu.memory_space<hbm>>
          %dma_start3A_581 = arith.constant 98304 : i32
          %dma_start3A_582 = tpu.memref_slice %arg7[%select_n3A, %sub3A_30, %dma_start3A_581] : memref<8x3x131072xf32, #tpu.memory_space<hbm>> -> memref<1x1x8192xf32, #tpu.memory_space<hbm>>
          %dma_start3A_583 = tpu.memref_squeeze %dma_start3A_582 : memref<1x1x8192xf32, #tpu.memory_space<hbm>> -> memref<8192xf32, #tpu.memory_space<hbm>>
          tpu.enqueue_dma source(%arg11 : memref<8192xf32, #tpu.memory_space<vmem>>) target(%dma_start3A_583 : memref<8192xf32, #tpu.memory_space<hbm>>) target_semaphore(%arg20 : memref<!tpu.dma_semaphore, #tpu.memory_space<semaphore_mem>>)
          %dma_start3A_584 = arith.constant 98304 : i32
          %dma_start3A_585 = tpu.memref_slice %arg6[%select_n3A, %sub3A_30, %dma_start3A_584] : memref<8x67x131072xf32, #tpu.memory_space<hbm>> -> memref<1x1x8192xf32, #tpu.memory_space<hbm>>
          %dma_start3A_586 = tpu.memref_squeeze %dma_start3A_585 : memref<1x1x8192xf32, #tpu.memory_space<hbm>> -> memref<8192xf32, #tpu.memory_space<hbm>>
          %dma_start3A_587 = arith.constant 98304 : i32
          %dma_start3A_588 = tpu.memref_slice %arg6[%select_n3A, %sub3A_30, %dma_start3A_587] : memref<8x67x131072xf32, #tpu.memory_space<hbm>> -> memref<1x1x8192xf32, #tpu.memory_space<hbm>>
          %dma_start3A_589 = tpu.memref_squeeze %dma_start3A_588 : memref<1x1x8192xf32, #tpu.memory_space<hbm>> -> memref<8192xf32, #tpu.memory_space<hbm>>
          tpu.enqueue_dma source(%arg13 : memref<8192xf32, #tpu.memory_space<vmem>>) target(%dma_start3A_589 : memref<8192xf32, #tpu.memory_space<hbm>>) target_semaphore(%arg22 : memref<!tpu.dma_semaphore, #tpu.memory_space<semaphore_mem>>)
          %dma_start3A_590 = arith.constant 114688 : i32
          %dma_start3A_591 = tpu.memref_slice %arg5[%select_n3A, %dma_start3A_590] : memref<8x131072xi32, #tpu.memory_space<hbm>> -> memref<1x8192xi32, #tpu.memory_space<hbm>>
          %dma_start3A_592 = tpu.memref_squeeze %dma_start3A_591 : memref<1x8192xi32, #tpu.memory_space<hbm>> -> memref<8192xi32, #tpu.memory_space<hbm>>
          %dma_start3A_593 = arith.constant 114688 : i32
          %dma_start3A_594 = tpu.memref_slice %arg5[%select_n3A, %dma_start3A_593] : memref<8x131072xi32, #tpu.memory_space<hbm>> -> memref<1x8192xi32, #tpu.memory_space<hbm>>
          %dma_start3A_595 = tpu.memref_squeeze %dma_start3A_594 : memref<1x8192xi32, #tpu.memory_space<hbm>> -> memref<8192xi32, #tpu.memory_space<hbm>>
          tpu.enqueue_dma source(%dma_start3A_595 : memref<8192xi32, #tpu.memory_space<hbm>>) target(%arg9 : memref<8192xi32, #tpu.memory_space<vmem>>) target_semaphore(%arg18 : memref<!tpu.dma_semaphore, #tpu.memory_space<semaphore_mem>>)
          %dma_wait3A_596 = arith.constant 106496 : i32
          %dma_wait3A_597 = tpu.memref_slice %arg5[%select_n3A, %dma_wait3A_596] : memref<8x131072xi32, #tpu.memory_space<hbm>> -> memref<1x8192xi32, #tpu.memory_space<hbm>>
          %dma_wait3A_598 = tpu.memref_squeeze %dma_wait3A_597 : memref<1x8192xi32, #tpu.memory_space<hbm>> -> memref<8192xi32, #tpu.memory_space<hbm>>
          %dma_wait3A_599 = arith.constant 106496 : i32
          %dma_wait3A_600 = tpu.memref_slice %arg5[%select_n3A, %dma_wait3A_599] : memref<8x131072xi32, #tpu.memory_space<hbm>> -> memref<1x8192xi32, #tpu.memory_space<hbm>>
          %dma_wait3A_601 = tpu.memref_squeeze %dma_wait3A_600 : memref<1x8192xi32, #tpu.memory_space<hbm>> -> memref<8192xi32, #tpu.memory_space<hbm>>
          tpu.wait_dma2 semaphore(%arg19 : memref<!tpu.dma_semaphore, #tpu.memory_space<semaphore_mem>>) src(%dma_wait3A_601 : memref<8192xi32, #tpu.memory_space<hbm>>) dst(%arg10 : memref<8192xi32, #tpu.memory_space<vmem>>)
          %dma_wait3A_602 = arith.constant 90112 : i32
          %dma_wait3A_603 = tpu.memref_slice %arg7[%select_n3A, %sub3A_30, %dma_wait3A_602] : memref<8x3x131072xf32, #tpu.memory_space<hbm>> -> memref<1x1x8192xf32, #tpu.memory_space<hbm>>
          %dma_wait3A_604 = tpu.memref_squeeze %dma_wait3A_603 : memref<1x1x8192xf32, #tpu.memory_space<hbm>> -> memref<8192xf32, #tpu.memory_space<hbm>>
          %dma_wait3A_605 = arith.constant 90112 : i32
          %dma_wait3A_606 = tpu.memref_slice %arg7[%select_n3A, %sub3A_30, %dma_wait3A_605] : memref<8x3x131072xf32, #tpu.memory_space<hbm>> -> memref<1x1x8192xf32, #tpu.memory_space<hbm>>
          %dma_wait3A_607 = tpu.memref_squeeze %dma_wait3A_606 : memref<1x1x8192xf32, #tpu.memory_space<hbm>> -> memref<8192xf32, #tpu.memory_space<hbm>>
          tpu.wait_dma2 semaphore(%arg21 : memref<!tpu.dma_semaphore, #tpu.memory_space<semaphore_mem>>) src(%arg12 : memref<8192xf32, #tpu.memory_space<vmem>>) dst(%dma_wait3A_607 : memref<8192xf32, #tpu.memory_space<hbm>>)
          %dma_wait3A_608 = arith.constant 90112 : i32
          %dma_wait3A_609 = tpu.memref_slice %arg6[%select_n3A, %sub3A_30, %dma_wait3A_608] : memref<8x67x131072xf32, #tpu.memory_space<hbm>> -> memref<1x1x8192xf32, #tpu.memory_space<hbm>>
          %dma_wait3A_610 = tpu.memref_squeeze %dma_wait3A_609 : memref<1x1x8192xf32, #tpu.memory_space<hbm>> -> memref<8192xf32, #tpu.memory_space<hbm>>
          %dma_wait3A_611 = arith.constant 90112 : i32
          %dma_wait3A_612 = tpu.memref_slice %arg6[%select_n3A, %sub3A_30, %dma_wait3A_611] : memref<8x67x131072xf32, #tpu.memory_space<hbm>> -> memref<1x1x8192xf32, #tpu.memory_space<hbm>>
          %dma_wait3A_613 = tpu.memref_squeeze %dma_wait3A_612 : memref<1x1x8192xf32, #tpu.memory_space<hbm>> -> memref<8192xf32, #tpu.memory_space<hbm>>
          tpu.wait_dma2 semaphore(%arg23 : memref<!tpu.dma_semaphore, #tpu.memory_space<semaphore_mem>>) src(%arg14 : memref<8192xf32, #tpu.memory_space<vmem>>) dst(%dma_wait3A_613 : memref<8192xf32, #tpu.memory_space<hbm>>)
          %scan3A_614 = arith.constant 0 : i32
          %scan3A_615 = arith.constant 0 : i32
          %scan3A_616 = arith.constant 256 : i32
          %scan3A_617 = arith.addi %scan3A_615, %scan3A_616 : i32
          %scan3A_618 = arith.constant 1 : i32
          scf.for %scan3A_734 = %scan3A_615 to %scan3A_617 step %scan3A_618  : i32 {
            %add3A_735 = arith.constant 3328 : i32
            %add3A_736 = arith.addi %add3A_735, %scan3A_734 : i32
            %broadcast_in_dim3A = vector.broadcast %add3A_736 : i32 to vector<16xi32>
            %gather3A = tpu.vector_load_idx %arg15[%broadcast_in_dim3A] : memref<4096xf32, #tpu.memory_space<vmem>>[vector<16xi32>], vector<16xf32>,
            %mul3A_737 = arith.constant 2 : i32
            %mul3A_738 = arith.muli %scan3A_734, %mul3A_737 : i32
            %add3A_739 = arith.constant 0 : i32
            %add3A_740 = arith.addi %mul3A_738, %add3A_739 : i32
            %mul3A_741 = arith.constant 16 : i32
            %mul3A_742 = arith.muli %add3A_740, %mul3A_741 : i32
            %get3A = arith.index_cast %mul3A_742 : i32 to index
            %get3A_743 = tpu.vector_load %arg10[%get3A] {strides = array<i32>} : memref<8192xi32, #tpu.memory_space<vmem>>, vector<16xi32>,
            %gather3A_744 = tpu.vector_load_idx %arg8[%get3A_743] : memref<65536xf32, #tpu.memory_space<vmem>>[vector<16xi32>], vector<16xf32>,
            %swap3A = arith.index_cast %mul3A_742 : i32 to index
            %swap3A_745 = tpu.vector_load %arg12[%swap3A] {strides = array<i32>} : memref<8192xf32, #tpu.memory_space<vmem>>, vector<16xf32>,
            tpu.vector_store %arg12[%swap3A], %gather3A_744 {strides = array<i32>} : memref<8192xf32, #tpu.memory_space<vmem>>, vector<16xf32>,
            %sub3A_746 = arith.subf %gather3A_744, %gather3A : vector<16xf32>
            %swap3A_747 = arith.index_cast %mul3A_742 : i32 to index
            %swap3A_748 = tpu.vector_load %arg14[%swap3A_747] {strides = array<i32>} : memref<8192xf32, #tpu.memory_space<vmem>>, vector<16xf32>,
            tpu.vector_store %arg14[%swap3A_747], %sub3A_746 {strides = array<i32>} : memref<8192xf32, #tpu.memory_space<vmem>>, vector<16xf32>,
            %mul3A_749 = arith.constant 2 : i32
            %mul3A_750 = arith.muli %scan3A_734, %mul3A_749 : i32
            %add3A_751 = arith.constant 1 : i32
            %add3A_752 = arith.addi %mul3A_750, %add3A_751 : i32
            %mul3A_753 = arith.constant 16 : i32
            %mul3A_754 = arith.muli %add3A_752, %mul3A_753 : i32
            %get3A_755 = arith.index_cast %mul3A_754 : i32 to index
            %get3A_756 = tpu.vector_load %arg10[%get3A_755] {strides = array<i32>} : memref<8192xi32, #tpu.memory_space<vmem>>, vector<16xi32>,
            %gather3A_757 = tpu.vector_load_idx %arg8[%get3A_756] : memref<65536xf32, #tpu.memory_space<vmem>>[vector<16xi32>], vector<16xf32>,
            %swap3A_758 = arith.index_cast %mul3A_754 : i32 to index
            %swap3A_759 = tpu.vector_load %arg12[%swap3A_758] {strides = array<i32>} : memref<8192xf32, #tpu.memory_space<vmem>>, vector<16xf32>,
            tpu.vector_store %arg12[%swap3A_758], %gather3A_757 {strides = array<i32>} : memref<8192xf32, #tpu.memory_space<vmem>>, vector<16xf32>,
            %sub3A_760 = arith.subf %gather3A_757, %gather3A : vector<16xf32>
            %swap3A_761 = arith.index_cast %mul3A_754 : i32 to index
            %swap3A_762 = tpu.vector_load %arg14[%swap3A_761] {strides = array<i32>} : memref<8192xf32, #tpu.memory_space<vmem>>, vector<16xf32>,
            tpu.vector_store %arg14[%swap3A_761], %sub3A_760 {strides = array<i32>} : memref<8192xf32, #tpu.memory_space<vmem>>, vector<16xf32>,
          }
          %scan3A_619 = arith.constant 256 : i32
          %dma_start3A_620 = arith.constant 106496 : i32
          %dma_start3A_621 = tpu.memref_slice %arg7[%select_n3A, %sub3A_30, %dma_start3A_620] : memref<8x3x131072xf32, #tpu.memory_space<hbm>> -> memref<1x1x8192xf32, #tpu.memory_space<hbm>>
          %dma_start3A_622 = tpu.memref_squeeze %dma_start3A_621 : memref<1x1x8192xf32, #tpu.memory_space<hbm>> -> memref<8192xf32, #tpu.memory_space<hbm>>
          %dma_start3A_623 = arith.constant 106496 : i32
          %dma_start3A_624 = tpu.memref_slice %arg7[%select_n3A, %sub3A_30, %dma_start3A_623] : memref<8x3x131072xf32, #tpu.memory_space<hbm>> -> memref<1x1x8192xf32, #tpu.memory_space<hbm>>
          %dma_start3A_625 = tpu.memref_squeeze %dma_start3A_624 : memref<1x1x8192xf32, #tpu.memory_space<hbm>> -> memref<8192xf32, #tpu.memory_space<hbm>>
          tpu.enqueue_dma source(%arg12 : memref<8192xf32, #tpu.memory_space<vmem>>) target(%dma_start3A_625 : memref<8192xf32, #tpu.memory_space<hbm>>) target_semaphore(%arg21 : memref<!tpu.dma_semaphore, #tpu.memory_space<semaphore_mem>>)
          %dma_start3A_626 = arith.constant 106496 : i32
          %dma_start3A_627 = tpu.memref_slice %arg6[%select_n3A, %sub3A_30, %dma_start3A_626] : memref<8x67x131072xf32, #tpu.memory_space<hbm>> -> memref<1x1x8192xf32, #tpu.memory_space<hbm>>
          %dma_start3A_628 = tpu.memref_squeeze %dma_start3A_627 : memref<1x1x8192xf32, #tpu.memory_space<hbm>> -> memref<8192xf32, #tpu.memory_space<hbm>>
          %dma_start3A_629 = arith.constant 106496 : i32
          %dma_start3A_630 = tpu.memref_slice %arg6[%select_n3A, %sub3A_30, %dma_start3A_629] : memref<8x67x131072xf32, #tpu.memory_space<hbm>> -> memref<1x1x8192xf32, #tpu.memory_space<hbm>>
          %dma_start3A_631 = tpu.memref_squeeze %dma_start3A_630 : memref<1x1x8192xf32, #tpu.memory_space<hbm>> -> memref<8192xf32, #tpu.memory_space<hbm>>
          tpu.enqueue_dma source(%arg14 : memref<8192xf32, #tpu.memory_space<vmem>>) target(%dma_start3A_631 : memref<8192xf32, #tpu.memory_space<hbm>>) target_semaphore(%arg23 : memref<!tpu.dma_semaphore, #tpu.memory_space<semaphore_mem>>)
          %dma_start3A_632 = arith.constant 122880 : i32
          %dma_start3A_633 = tpu.memref_slice %arg5[%select_n3A, %dma_start3A_632] : memref<8x131072xi32, #tpu.memory_space<hbm>> -> memref<1x8192xi32, #tpu.memory_space<hbm>>
          %dma_start3A_634 = tpu.memref_squeeze %dma_start3A_633 : memref<1x8192xi32, #tpu.memory_space<hbm>> -> memref<8192xi32, #tpu.memory_space<hbm>>
          %dma_start3A_635 = arith.constant 122880 : i32
          %dma_start3A_636 = tpu.memref_slice %arg5[%select_n3A, %dma_start3A_635] : memref<8x131072xi32, #tpu.memory_space<hbm>> -> memref<1x8192xi32, #tpu.memory_space<hbm>>
          %dma_start3A_637 = tpu.memref_squeeze %dma_start3A_636 : memref<1x8192xi32, #tpu.memory_space<hbm>> -> memref<8192xi32, #tpu.memory_space<hbm>>
          tpu.enqueue_dma source(%dma_start3A_637 : memref<8192xi32, #tpu.memory_space<hbm>>) target(%arg10 : memref<8192xi32, #tpu.memory_space<vmem>>) target_semaphore(%arg19 : memref<!tpu.dma_semaphore, #tpu.memory_space<semaphore_mem>>)
          %dma_wait3A_638 = arith.constant 114688 : i32
          %dma_wait3A_639 = tpu.memref_slice %arg5[%select_n3A, %dma_wait3A_638] : memref<8x131072xi32, #tpu.memory_space<hbm>> -> memref<1x8192xi32, #tpu.memory_space<hbm>>
          %dma_wait3A_640 = tpu.memref_squeeze %dma_wait3A_639 : memref<1x8192xi32, #tpu.memory_space<hbm>> -> memref<8192xi32, #tpu.memory_space<hbm>>
          %dma_wait3A_641 = arith.constant 114688 : i32
          %dma_wait3A_642 = tpu.memref_slice %arg5[%select_n3A, %dma_wait3A_641] : memref<8x131072xi32, #tpu.memory_space<hbm>> -> memref<1x8192xi32, #tpu.memory_space<hbm>>
          %dma_wait3A_643 = tpu.memref_squeeze %dma_wait3A_642 : memref<1x8192xi32, #tpu.memory_space<hbm>> -> memref<8192xi32, #tpu.memory_space<hbm>>
          tpu.wait_dma2 semaphore(%arg18 : memref<!tpu.dma_semaphore, #tpu.memory_space<semaphore_mem>>) src(%dma_wait3A_643 : memref<8192xi32, #tpu.memory_space<hbm>>) dst(%arg9 : memref<8192xi32, #tpu.memory_space<vmem>>)
          %dma_wait3A_644 = arith.constant 98304 : i32
          %dma_wait3A_645 = tpu.memref_slice %arg7[%select_n3A, %sub3A_30, %dma_wait3A_644] : memref<8x3x131072xf32, #tpu.memory_space<hbm>> -> memref<1x1x8192xf32, #tpu.memory_space<hbm>>
          %dma_wait3A_646 = tpu.memref_squeeze %dma_wait3A_645 : memref<1x1x8192xf32, #tpu.memory_space<hbm>> -> memref<8192xf32, #tpu.memory_space<hbm>>
          %dma_wait3A_647 = arith.constant 98304 : i32
          %dma_wait3A_648 = tpu.memref_slice %arg7[%select_n3A, %sub3A_30, %dma_wait3A_647] : memref<8x3x131072xf32, #tpu.memory_space<hbm>> -> memref<1x1x8192xf32, #tpu.memory_space<hbm>>
          %dma_wait3A_649 = tpu.memref_squeeze %dma_wait3A_648 : memref<1x1x8192xf32, #tpu.memory_space<hbm>> -> memref<8192xf32, #tpu.memory_space<hbm>>
          tpu.wait_dma2 semaphore(%arg20 : memref<!tpu.dma_semaphore, #tpu.memory_space<semaphore_mem>>) src(%arg11 : memref<8192xf32, #tpu.memory_space<vmem>>) dst(%dma_wait3A_649 : memref<8192xf32, #tpu.memory_space<hbm>>)
          %dma_wait3A_650 = arith.constant 98304 : i32
          %dma_wait3A_651 = tpu.memref_slice %arg6[%select_n3A, %sub3A_30, %dma_wait3A_650] : memref<8x67x131072xf32, #tpu.memory_space<hbm>> -> memref<1x1x8192xf32, #tpu.memory_space<hbm>>
          %dma_wait3A_652 = tpu.memref_squeeze %dma_wait3A_651 : memref<1x1x8192xf32, #tpu.memory_space<hbm>> -> memref<8192xf32, #tpu.memory_space<hbm>>
          %dma_wait3A_653 = arith.constant 98304 : i32
          %dma_wait3A_654 = tpu.memref_slice %arg6[%select_n3A, %sub3A_30, %dma_wait3A_653] : memref<8x67x131072xf32, #tpu.memory_space<hbm>> -> memref<1x1x8192xf32, #tpu.memory_space<hbm>>
          %dma_wait3A_655 = tpu.memref_squeeze %dma_wait3A_654 : memref<1x1x8192xf32, #tpu.memory_space<hbm>> -> memref<8192xf32, #tpu.memory_space<hbm>>
          tpu.wait_dma2 semaphore(%arg22 : memref<!tpu.dma_semaphore, #tpu.memory_space<semaphore_mem>>) src(%arg13 : memref<8192xf32, #tpu.memory_space<vmem>>) dst(%dma_wait3A_655 : memref<8192xf32, #tpu.memory_space<hbm>>)
          %scan3A_656 = arith.constant 0 : i32
          %scan3A_657 = arith.constant 0 : i32
          %scan3A_658 = arith.constant 256 : i32
          %scan3A_659 = arith.addi %scan3A_657, %scan3A_658 : i32
          %scan3A_660 = arith.constant 1 : i32
          scf.for %scan3A_734 = %scan3A_657 to %scan3A_659 step %scan3A_660  : i32 {
            %add3A_735 = arith.constant 3584 : i32
            %add3A_736 = arith.addi %add3A_735, %scan3A_734 : i32
            %broadcast_in_dim3A = vector.broadcast %add3A_736 : i32 to vector<16xi32>
            %gather3A = tpu.vector_load_idx %arg15[%broadcast_in_dim3A] : memref<4096xf32, #tpu.memory_space<vmem>>[vector<16xi32>], vector<16xf32>,
            %mul3A_737 = arith.constant 2 : i32
            %mul3A_738 = arith.muli %scan3A_734, %mul3A_737 : i32
            %add3A_739 = arith.constant 0 : i32
            %add3A_740 = arith.addi %mul3A_738, %add3A_739 : i32
            %mul3A_741 = arith.constant 16 : i32
            %mul3A_742 = arith.muli %add3A_740, %mul3A_741 : i32
            %get3A = arith.index_cast %mul3A_742 : i32 to index
            %get3A_743 = tpu.vector_load %arg9[%get3A] {strides = array<i32>} : memref<8192xi32, #tpu.memory_space<vmem>>, vector<16xi32>,
            %gather3A_744 = tpu.vector_load_idx %arg8[%get3A_743] : memref<65536xf32, #tpu.memory_space<vmem>>[vector<16xi32>], vector<16xf32>,
            %swap3A = arith.index_cast %mul3A_742 : i32 to index
            %swap3A_745 = tpu.vector_load %arg11[%swap3A] {strides = array<i32>} : memref<8192xf32, #tpu.memory_space<vmem>>, vector<16xf32>,
            tpu.vector_store %arg11[%swap3A], %gather3A_744 {strides = array<i32>} : memref<8192xf32, #tpu.memory_space<vmem>>, vector<16xf32>,
            %sub3A_746 = arith.subf %gather3A_744, %gather3A : vector<16xf32>
            %swap3A_747 = arith.index_cast %mul3A_742 : i32 to index
            %swap3A_748 = tpu.vector_load %arg13[%swap3A_747] {strides = array<i32>} : memref<8192xf32, #tpu.memory_space<vmem>>, vector<16xf32>,
            tpu.vector_store %arg13[%swap3A_747], %sub3A_746 {strides = array<i32>} : memref<8192xf32, #tpu.memory_space<vmem>>, vector<16xf32>,
            %mul3A_749 = arith.constant 2 : i32
            %mul3A_750 = arith.muli %scan3A_734, %mul3A_749 : i32
            %add3A_751 = arith.constant 1 : i32
            %add3A_752 = arith.addi %mul3A_750, %add3A_751 : i32
            %mul3A_753 = arith.constant 16 : i32
            %mul3A_754 = arith.muli %add3A_752, %mul3A_753 : i32
            %get3A_755 = arith.index_cast %mul3A_754 : i32 to index
            %get3A_756 = tpu.vector_load %arg9[%get3A_755] {strides = array<i32>} : memref<8192xi32, #tpu.memory_space<vmem>>, vector<16xi32>,
            %gather3A_757 = tpu.vector_load_idx %arg8[%get3A_756] : memref<65536xf32, #tpu.memory_space<vmem>>[vector<16xi32>], vector<16xf32>,
            %swap3A_758 = arith.index_cast %mul3A_754 : i32 to index
            %swap3A_759 = tpu.vector_load %arg11[%swap3A_758] {strides = array<i32>} : memref<8192xf32, #tpu.memory_space<vmem>>, vector<16xf32>,
            tpu.vector_store %arg11[%swap3A_758], %gather3A_757 {strides = array<i32>} : memref<8192xf32, #tpu.memory_space<vmem>>, vector<16xf32>,
            %sub3A_760 = arith.subf %gather3A_757, %gather3A : vector<16xf32>
            %swap3A_761 = arith.index_cast %mul3A_754 : i32 to index
            %swap3A_762 = tpu.vector_load %arg13[%swap3A_761] {strides = array<i32>} : memref<8192xf32, #tpu.memory_space<vmem>>, vector<16xf32>,
            tpu.vector_store %arg13[%swap3A_761], %sub3A_760 {strides = array<i32>} : memref<8192xf32, #tpu.memory_space<vmem>>, vector<16xf32>,
          }
          %scan3A_661 = arith.constant 256 : i32
          %dma_start3A_662 = arith.constant 114688 : i32
          %dma_start3A_663 = tpu.memref_slice %arg7[%select_n3A, %sub3A_30, %dma_start3A_662] : memref<8x3x131072xf32, #tpu.memory_space<hbm>> -> memref<1x1x8192xf32, #tpu.memory_space<hbm>>
          %dma_start3A_664 = tpu.memref_squeeze %dma_start3A_663 : memref<1x1x8192xf32, #tpu.memory_space<hbm>> -> memref<8192xf32, #tpu.memory_space<hbm>>
          %dma_start3A_665 = arith.constant 114688 : i32
          %dma_start3A_666 = tpu.memref_slice %arg7[%select_n3A, %sub3A_30, %dma_start3A_665] : memref<8x3x131072xf32, #tpu.memory_space<hbm>> -> memref<1x1x8192xf32, #tpu.memory_space<hbm>>
          %dma_start3A_667 = tpu.memref_squeeze %dma_start3A_666 : memref<1x1x8192xf32, #tpu.memory_space<hbm>> -> memref<8192xf32, #tpu.memory_space<hbm>>
          tpu.enqueue_dma source(%arg11 : memref<8192xf32, #tpu.memory_space<vmem>>) target(%dma_start3A_667 : memref<8192xf32, #tpu.memory_space<hbm>>) target_semaphore(%arg20 : memref<!tpu.dma_semaphore, #tpu.memory_space<semaphore_mem>>)
          %dma_start3A_668 = arith.constant 114688 : i32
          %dma_start3A_669 = tpu.memref_slice %arg6[%select_n3A, %sub3A_30, %dma_start3A_668] : memref<8x67x131072xf32, #tpu.memory_space<hbm>> -> memref<1x1x8192xf32, #tpu.memory_space<hbm>>
          %dma_start3A_670 = tpu.memref_squeeze %dma_start3A_669 : memref<1x1x8192xf32, #tpu.memory_space<hbm>> -> memref<8192xf32, #tpu.memory_space<hbm>>
          %dma_start3A_671 = arith.constant 114688 : i32
          %dma_start3A_672 = tpu.memref_slice %arg6[%select_n3A, %sub3A_30, %dma_start3A_671] : memref<8x67x131072xf32, #tpu.memory_space<hbm>> -> memref<1x1x8192xf32, #tpu.memory_space<hbm>>
          %dma_start3A_673 = tpu.memref_squeeze %dma_start3A_672 : memref<1x1x8192xf32, #tpu.memory_space<hbm>> -> memref<8192xf32, #tpu.memory_space<hbm>>
          tpu.enqueue_dma source(%arg13 : memref<8192xf32, #tpu.memory_space<vmem>>) target(%dma_start3A_673 : memref<8192xf32, #tpu.memory_space<hbm>>) target_semaphore(%arg22 : memref<!tpu.dma_semaphore, #tpu.memory_space<semaphore_mem>>)
          %dma_wait3A_674 = arith.constant 122880 : i32
          %dma_wait3A_675 = tpu.memref_slice %arg5[%select_n3A, %dma_wait3A_674] : memref<8x131072xi32, #tpu.memory_space<hbm>> -> memref<1x8192xi32, #tpu.memory_space<hbm>>
          %dma_wait3A_676 = tpu.memref_squeeze %dma_wait3A_675 : memref<1x8192xi32, #tpu.memory_space<hbm>> -> memref<8192xi32, #tpu.memory_space<hbm>>
          %dma_wait3A_677 = arith.constant 122880 : i32
          %dma_wait3A_678 = tpu.memref_slice %arg5[%select_n3A, %dma_wait3A_677] : memref<8x131072xi32, #tpu.memory_space<hbm>> -> memref<1x8192xi32, #tpu.memory_space<hbm>>
          %dma_wait3A_679 = tpu.memref_squeeze %dma_wait3A_678 : memref<1x8192xi32, #tpu.memory_space<hbm>> -> memref<8192xi32, #tpu.memory_space<hbm>>
          tpu.wait_dma2 semaphore(%arg19 : memref<!tpu.dma_semaphore, #tpu.memory_space<semaphore_mem>>) src(%dma_wait3A_679 : memref<8192xi32, #tpu.memory_space<hbm>>) dst(%arg10 : memref<8192xi32, #tpu.memory_space<vmem>>)
          %dma_wait3A_680 = arith.constant 106496 : i32
          %dma_wait3A_681 = tpu.memref_slice %arg7[%select_n3A, %sub3A_30, %dma_wait3A_680] : memref<8x3x131072xf32, #tpu.memory_space<hbm>> -> memref<1x1x8192xf32, #tpu.memory_space<hbm>>
          %dma_wait3A_682 = tpu.memref_squeeze %dma_wait3A_681 : memref<1x1x8192xf32, #tpu.memory_space<hbm>> -> memref<8192xf32, #tpu.memory_space<hbm>>
          %dma_wait3A_683 = arith.constant 106496 : i32
          %dma_wait3A_684 = tpu.memref_slice %arg7[%select_n3A, %sub3A_30, %dma_wait3A_683] : memref<8x3x131072xf32, #tpu.memory_space<hbm>> -> memref<1x1x8192xf32, #tpu.memory_space<hbm>>
          %dma_wait3A_685 = tpu.memref_squeeze %dma_wait3A_684 : memref<1x1x8192xf32, #tpu.memory_space<hbm>> -> memref<8192xf32, #tpu.memory_space<hbm>>
          tpu.wait_dma2 semaphore(%arg21 : memref<!tpu.dma_semaphore, #tpu.memory_space<semaphore_mem>>) src(%arg12 : memref<8192xf32, #tpu.memory_space<vmem>>) dst(%dma_wait3A_685 : memref<8192xf32, #tpu.memory_space<hbm>>)
          %dma_wait3A_686 = arith.constant 106496 : i32
          %dma_wait3A_687 = tpu.memref_slice %arg6[%select_n3A, %sub3A_30, %dma_wait3A_686] : memref<8x67x131072xf32, #tpu.memory_space<hbm>> -> memref<1x1x8192xf32, #tpu.memory_space<hbm>>
          %dma_wait3A_688 = tpu.memref_squeeze %dma_wait3A_687 : memref<1x1x8192xf32, #tpu.memory_space<hbm>> -> memref<8192xf32, #tpu.memory_space<hbm>>
          %dma_wait3A_689 = arith.constant 106496 : i32
          %dma_wait3A_690 = tpu.memref_slice %arg6[%select_n3A, %sub3A_30, %dma_wait3A_689] : memref<8x67x131072xf32, #tpu.memory_space<hbm>> -> memref<1x1x8192xf32, #tpu.memory_space<hbm>>
          %dma_wait3A_691 = tpu.memref_squeeze %dma_wait3A_690 : memref<1x1x8192xf32, #tpu.memory_space<hbm>> -> memref<8192xf32, #tpu.memory_space<hbm>>
          tpu.wait_dma2 semaphore(%arg23 : memref<!tpu.dma_semaphore, #tpu.memory_space<semaphore_mem>>) src(%arg14 : memref<8192xf32, #tpu.memory_space<vmem>>) dst(%dma_wait3A_691 : memref<8192xf32, #tpu.memory_space<hbm>>)
          %scan3A_692 = arith.constant 0 : i32
          %scan3A_693 = arith.constant 0 : i32
          %scan3A_694 = arith.constant 256 : i32
          %scan3A_695 = arith.addi %scan3A_693, %scan3A_694 : i32
          %scan3A_696 = arith.constant 1 : i32
          scf.for %scan3A_734 = %scan3A_693 to %scan3A_695 step %scan3A_696  : i32 {
            %add3A_735 = arith.constant 3840 : i32
            %add3A_736 = arith.addi %add3A_735, %scan3A_734 : i32
            %broadcast_in_dim3A = vector.broadcast %add3A_736 : i32 to vector<16xi32>
            %gather3A = tpu.vector_load_idx %arg15[%broadcast_in_dim3A] : memref<4096xf32, #tpu.memory_space<vmem>>[vector<16xi32>], vector<16xf32>,
            %mul3A_737 = arith.constant 2 : i32
            %mul3A_738 = arith.muli %scan3A_734, %mul3A_737 : i32
            %add3A_739 = arith.constant 0 : i32
            %add3A_740 = arith.addi %mul3A_738, %add3A_739 : i32
            %mul3A_741 = arith.constant 16 : i32
            %mul3A_742 = arith.muli %add3A_740, %mul3A_741 : i32
            %get3A = arith.index_cast %mul3A_742 : i32 to index
            %get3A_743 = tpu.vector_load %arg10[%get3A] {strides = array<i32>} : memref<8192xi32, #tpu.memory_space<vmem>>, vector<16xi32>,
            %gather3A_744 = tpu.vector_load_idx %arg8[%get3A_743] : memref<65536xf32, #tpu.memory_space<vmem>>[vector<16xi32>], vector<16xf32>,
            %swap3A = arith.index_cast %mul3A_742 : i32 to index
            %swap3A_745 = tpu.vector_load %arg12[%swap3A] {strides = array<i32>} : memref<8192xf32, #tpu.memory_space<vmem>>, vector<16xf32>,
            tpu.vector_store %arg12[%swap3A], %gather3A_744 {strides = array<i32>} : memref<8192xf32, #tpu.memory_space<vmem>>, vector<16xf32>,
            %sub3A_746 = arith.subf %gather3A_744, %gather3A : vector<16xf32>
            %swap3A_747 = arith.index_cast %mul3A_742 : i32 to index
            %swap3A_748 = tpu.vector_load %arg14[%swap3A_747] {strides = array<i32>} : memref<8192xf32, #tpu.memory_space<vmem>>, vector<16xf32>,
            tpu.vector_store %arg14[%swap3A_747], %sub3A_746 {strides = array<i32>} : memref<8192xf32, #tpu.memory_space<vmem>>, vector<16xf32>,
            %mul3A_749 = arith.constant 2 : i32
            %mul3A_750 = arith.muli %scan3A_734, %mul3A_749 : i32
            %add3A_751 = arith.constant 1 : i32
            %add3A_752 = arith.addi %mul3A_750, %add3A_751 : i32
            %mul3A_753 = arith.constant 16 : i32
            %mul3A_754 = arith.muli %add3A_752, %mul3A_753 : i32
            %get3A_755 = arith.index_cast %mul3A_754 : i32 to index
            %get3A_756 = tpu.vector_load %arg10[%get3A_755] {strides = array<i32>} : memref<8192xi32, #tpu.memory_space<vmem>>, vector<16xi32>,
            %gather3A_757 = tpu.vector_load_idx %arg8[%get3A_756] : memref<65536xf32, #tpu.memory_space<vmem>>[vector<16xi32>], vector<16xf32>,
            %swap3A_758 = arith.index_cast %mul3A_754 : i32 to index
            %swap3A_759 = tpu.vector_load %arg12[%swap3A_758] {strides = array<i32>} : memref<8192xf32, #tpu.memory_space<vmem>>, vector<16xf32>,
            tpu.vector_store %arg12[%swap3A_758], %gather3A_757 {strides = array<i32>} : memref<8192xf32, #tpu.memory_space<vmem>>, vector<16xf32>,
            %sub3A_760 = arith.subf %gather3A_757, %gather3A : vector<16xf32>
            %swap3A_761 = arith.index_cast %mul3A_754 : i32 to index
            %swap3A_762 = tpu.vector_load %arg14[%swap3A_761] {strides = array<i32>} : memref<8192xf32, #tpu.memory_space<vmem>>, vector<16xf32>,
            tpu.vector_store %arg14[%swap3A_761], %sub3A_760 {strides = array<i32>} : memref<8192xf32, #tpu.memory_space<vmem>>, vector<16xf32>,
          }
          %scan3A_697 = arith.constant 256 : i32
          %dma_start3A_698 = arith.constant 122880 : i32
          %dma_start3A_699 = tpu.memref_slice %arg7[%select_n3A, %sub3A_30, %dma_start3A_698] : memref<8x3x131072xf32, #tpu.memory_space<hbm>> -> memref<1x1x8192xf32, #tpu.memory_space<hbm>>
          %dma_start3A_700 = tpu.memref_squeeze %dma_start3A_699 : memref<1x1x8192xf32, #tpu.memory_space<hbm>> -> memref<8192xf32, #tpu.memory_space<hbm>>
          %dma_start3A_701 = arith.constant 122880 : i32
          %dma_start3A_702 = tpu.memref_slice %arg7[%select_n3A, %sub3A_30, %dma_start3A_701] : memref<8x3x131072xf32, #tpu.memory_space<hbm>> -> memref<1x1x8192xf32, #tpu.memory_space<hbm>>
          %dma_start3A_703 = tpu.memref_squeeze %dma_start3A_702 : memref<1x1x8192xf32, #tpu.memory_space<hbm>> -> memref<8192xf32, #tpu.memory_space<hbm>>
          tpu.enqueue_dma source(%arg12 : memref<8192xf32, #tpu.memory_space<vmem>>) target(%dma_start3A_703 : memref<8192xf32, #tpu.memory_space<hbm>>) target_semaphore(%arg21 : memref<!tpu.dma_semaphore, #tpu.memory_space<semaphore_mem>>)
          %dma_start3A_704 = arith.constant 122880 : i32
          %dma_start3A_705 = tpu.memref_slice %arg6[%select_n3A, %sub3A_30, %dma_start3A_704] : memref<8x67x131072xf32, #tpu.memory_space<hbm>> -> memref<1x1x8192xf32, #tpu.memory_space<hbm>>
          %dma_start3A_706 = tpu.memref_squeeze %dma_start3A_705 : memref<1x1x8192xf32, #tpu.memory_space<hbm>> -> memref<8192xf32, #tpu.memory_space<hbm>>
          %dma_start3A_707 = arith.constant 122880 : i32
          %dma_start3A_708 = tpu.memref_slice %arg6[%select_n3A, %sub3A_30, %dma_start3A_707] : memref<8x67x131072xf32, #tpu.memory_space<hbm>> -> memref<1x1x8192xf32, #tpu.memory_space<hbm>>
          %dma_start3A_709 = tpu.memref_squeeze %dma_start3A_708 : memref<1x1x8192xf32, #tpu.memory_space<hbm>> -> memref<8192xf32, #tpu.memory_space<hbm>>
          tpu.enqueue_dma source(%arg14 : memref<8192xf32, #tpu.memory_space<vmem>>) target(%dma_start3A_709 : memref<8192xf32, #tpu.memory_space<hbm>>) target_semaphore(%arg23 : memref<!tpu.dma_semaphore, #tpu.memory_space<semaphore_mem>>)
          %dma_wait3A_710 = arith.constant 114688 : i32
          %dma_wait3A_711 = tpu.memref_slice %arg7[%select_n3A, %sub3A_30, %dma_wait3A_710] : memref<8x3x131072xf32, #tpu.memory_space<hbm>> -> memref<1x1x8192xf32, #tpu.memory_space<hbm>>
          %dma_wait3A_712 = tpu.memref_squeeze %dma_wait3A_711 : memref<1x1x8192xf32, #tpu.memory_space<hbm>> -> memref<8192xf32, #tpu.memory_space<hbm>>
          %dma_wait3A_713 = arith.constant 114688 : i32
          %dma_wait3A_714 = tpu.memref_slice %arg7[%select_n3A, %sub3A_30, %dma_wait3A_713] : memref<8x3x131072xf32, #tpu.memory_space<hbm>> -> memref<1x1x8192xf32, #tpu.memory_space<hbm>>
          %dma_wait3A_715 = tpu.memref_squeeze %dma_wait3A_714 : memref<1x1x8192xf32, #tpu.memory_space<hbm>> -> memref<8192xf32, #tpu.memory_space<hbm>>
          tpu.wait_dma2 semaphore(%arg20 : memref<!tpu.dma_semaphore, #tpu.memory_space<semaphore_mem>>) src(%arg11 : memref<8192xf32, #tpu.memory_space<vmem>>) dst(%dma_wait3A_715 : memref<8192xf32, #tpu.memory_space<hbm>>)
          %dma_wait3A_716 = arith.constant 114688 : i32
          %dma_wait3A_717 = tpu.memref_slice %arg6[%select_n3A, %sub3A_30, %dma_wait3A_716] : memref<8x67x131072xf32, #tpu.memory_space<hbm>> -> memref<1x1x8192xf32, #tpu.memory_space<hbm>>
          %dma_wait3A_718 = tpu.memref_squeeze %dma_wait3A_717 : memref<1x1x8192xf32, #tpu.memory_space<hbm>> -> memref<8192xf32, #tpu.memory_space<hbm>>
          %dma_wait3A_719 = arith.constant 114688 : i32
          %dma_wait3A_720 = tpu.memref_slice %arg6[%select_n3A, %sub3A_30, %dma_wait3A_719] : memref<8x67x131072xf32, #tpu.memory_space<hbm>> -> memref<1x1x8192xf32, #tpu.memory_space<hbm>>
          %dma_wait3A_721 = tpu.memref_squeeze %dma_wait3A_720 : memref<1x1x8192xf32, #tpu.memory_space<hbm>> -> memref<8192xf32, #tpu.memory_space<hbm>>
          tpu.wait_dma2 semaphore(%arg22 : memref<!tpu.dma_semaphore, #tpu.memory_space<semaphore_mem>>) src(%arg13 : memref<8192xf32, #tpu.memory_space<vmem>>) dst(%dma_wait3A_721 : memref<8192xf32, #tpu.memory_space<hbm>>)
          %dma_wait3A_722 = arith.constant 122880 : i32
          %dma_wait3A_723 = tpu.memref_slice %arg7[%select_n3A, %sub3A_30, %dma_wait3A_722] : memref<8x3x131072xf32, #tpu.memory_space<hbm>> -> memref<1x1x8192xf32, #tpu.memory_space<hbm>>
          %dma_wait3A_724 = tpu.memref_squeeze %dma_wait3A_723 : memref<1x1x8192xf32, #tpu.memory_space<hbm>> -> memref<8192xf32, #tpu.memory_space<hbm>>
          %dma_wait3A_725 = arith.constant 122880 : i32
          %dma_wait3A_726 = tpu.memref_slice %arg7[%select_n3A, %sub3A_30, %dma_wait3A_725] : memref<8x3x131072xf32, #tpu.memory_space<hbm>> -> memref<1x1x8192xf32, #tpu.memory_space<hbm>>
          %dma_wait3A_727 = tpu.memref_squeeze %dma_wait3A_726 : memref<1x1x8192xf32, #tpu.memory_space<hbm>> -> memref<8192xf32, #tpu.memory_space<hbm>>
          tpu.wait_dma2 semaphore(%arg21 : memref<!tpu.dma_semaphore, #tpu.memory_space<semaphore_mem>>) src(%arg12 : memref<8192xf32, #tpu.memory_space<vmem>>) dst(%dma_wait3A_727 : memref<8192xf32, #tpu.memory_space<hbm>>)
          %dma_wait3A_728 = arith.constant 122880 : i32
          %dma_wait3A_729 = tpu.memref_slice %arg6[%select_n3A, %sub3A_30, %dma_wait3A_728] : memref<8x67x131072xf32, #tpu.memory_space<hbm>> -> memref<1x1x8192xf32, #tpu.memory_space<hbm>>
          %dma_wait3A_730 = tpu.memref_squeeze %dma_wait3A_729 : memref<1x1x8192xf32, #tpu.memory_space<hbm>> -> memref<8192xf32, #tpu.memory_space<hbm>>
          %dma_wait3A_731 = arith.constant 122880 : i32
          %dma_wait3A_732 = tpu.memref_slice %arg6[%select_n3A, %sub3A_30, %dma_wait3A_731] : memref<8x67x131072xf32, #tpu.memory_space<hbm>> -> memref<1x1x8192xf32, #tpu.memory_space<hbm>>
          %dma_wait3A_733 = tpu.memref_squeeze %dma_wait3A_732 : memref<1x1x8192xf32, #tpu.memory_space<hbm>> -> memref<8192xf32, #tpu.memory_space<hbm>>
          tpu.wait_dma2 semaphore(%arg23 : memref<!tpu.dma_semaphore, #tpu.memory_space<semaphore_mem>>) src(%arg14 : memref<8192xf32, #tpu.memory_space<vmem>>) dst(%dma_wait3A_733 : memref<8192xf32, #tpu.memory_space<hbm>>)
        } else {
        }
      } else {
      }
    }
    %scan3A_5 = arith.constant 17 : i32
    return
  }
}

</mosaic_0001>

<sc_bundles>
// kernel: kernel.3.cloned.1.call-start
scs
__scs_entry_jumppad:
0x0: {  	(pc) =	sbr.rel $0x88, $3  }
0x1: {  	(tag) =	ssettag $0x0;
	lr =	simm.s32 $0x1  }
0x2: {  	[smem:$0x3F9D] =	sst lr;
	_ =	strace $0xD0000000  }
0x3: {  	_ = 	snop  }
0x4: {  	_ = 	snop  }
0x5: {  	_ = 	snop  }
0x6: {  	_ = 	snop  }
0x7: {  	_ = 	snop  }
__scs_overlays_trampoline_lowered:
0x8: {  	[smem:$0x3FAC] =	sst s0  }
0x9: {  	[smem:$0x3FAD] =	sst s1  }
0xa: {  	[smem:$0x3FAE] =	sst s2  }
0xb: {  	[smem:$0x3FAF] =	sst s3  }
0xc: {  	[smem:$0x3FB0] =	sst s4  }
0xd: {  	[smem:$0x3FB1] =	sst s5  }
0xe: {  	[smem:$0x3FB2] =	sst s6  }
0xf: {  	[smem:$0x3FB3] =	sst s7  }
0x10: {  	[smem:$0x3FB4] =	sst s8  }
0x11: {  	[smem:$0x3FB5] =	sst s9;
	s0 =	simm.s32 @!p0 $0x0  }
0x12: {  	s1 =	sld [smem:$0x3F9B];
	s0 =	simm.s32 @p0 $0x1  }
0x13: {  	[smem:$0x3FB6] =	sst s0;
	s0 =	simm.s32 @!p1 $0x0  }
0x14: {  	s2 =	sld [smem:$0x3F9A];
	s0 =	simm.s32 @p1 $0x1  }
0x15: {  	[smem:$0x3FB7] =	sst s0;
	s0 =	simm.s32 @!p2 $0x0  }
0x16: {  	s3 =	sld [smem:$0x3FDB];
	s0 =	simm.s32 @p2 $0x1  }
0x17: {  	s4 =	simm.s32 $0x1BF5;
	[smem:$0x3FB9] =	sst s0  }
0x18: {  	s0 =	sld [smem:$0x3F9C];
	_ =	swait.ge [sflag:s4], $0x0  }
0x19: {  	s7 =	sld [smem:$0x3F9D]  }
0x1a: {  	s8 =	sadd.s32 $0xFFFFE003, lr  }
0x1b: {  	s9 =	sadd.s32 $0xFFFFFEF7, lr;
	s5 =	simm.s32 $0xFFFFFFFF;
	p2 =	slt.u32 s8, $0xFFFFF086  }
0x1c: {  	p1 =	slt.u32 s9, $0xF7A;
	s5 =	simm.s32 @!p2 $0x0  }
0x1d: {  	s5 =	simm.s32 @p1 $0x1;
	p0 =	seq.s32 s7, s2  }
0x1e: {  	s7 =	smul.u32 @!p0 $0xF7A, s2;
	p2 =	seq.s32 @!p0 s5, $0x0  }
0x1f: {  	s9 =	smul.u32 $0xF7A, s1;
	s8 =	simm.s32 @!p0 $0x1BF5;
	p2 =	por !p2, p0  }
0x20: {  	[sflag:s8] =	ssyncset.s32 @!p0 $0xFFFFF086;
	s6 =	sadd.s32 @!p0 s3, s7;
	s7 =	simm.s32 @!p0 $0x108  }
0x21: {  	s3 =	sadd.s32 s3, s9;
	s6 =	sadd.s32 @!p0 $0x88, s6;
	s7 =	simm.s32 @p2 $0x1082  }
0x22: {  	[simem:s7], [sflag:s8] =	dma.local @!p0 [hbm:s6], $0xF7A  }
0x23: {  	s9 =	sor.u32 $0xD0000000, s2;
	s6 =	simm.s32 $0x108;
	_ =	swait.ge @!p0 [sflag:s8], $0x0  }
0x24: {  	s3 =	sadd.s32 $0x88, s3;
	s6 =	simm.s32 @!p1 $0x1082;
	[sflag:s4] =	ssyncset.s32 $0xFFFFF086  }
0x25: {  	[simem:s6], [sflag:s4] =	dma.local [hbm:s3], $0xF7A  }
0x26: {  	[smem:$0x3F9D] =	sst s1;
	(tag) =	ssettag s2;
	_ =	strace s9  }
0x27: {  	s1 =	sld [smem:$0x3FAD]  }
0x28: {  	s2 =	sld [smem:$0x3FAE]  }
0x29: {  	s4 =	sld [smem:$0x3FB0]  }
0x2a: {  	p0 =	seq.s32 s5, $0x0;
	s5 =	sld [smem:$0x3FB1]  }
0x2b: {  	s6 =	sld [smem:$0x3FB2]  }
0x2c: {  	s7 =	sld [smem:$0x3FB3]  }
0x2d: {  	s3 =	simm.s32 $0x108;
	s8 =	sld [smem:$0x3FB4]  }
0x2e: {  	s3 =	simm.s32 @!p0 $0x1082;
	s9 =	sld [smem:$0x3FB5]  }
0x2f: {  	lr =	sadd.s32 s0, s3;
	s0 =	sld [smem:$0x3FAC]  }
0x30: {  	s3 =	sld [smem:$0x3FAF]  }
0x31: {  	[smem:$0x3FB8] =	sst s10  }
0x32: {  	s10 =	sld [smem:$0x3FB6];
	_ =	sdelay $0x3  }
0x33: {  	p0 =	seq.s32 s10, $0x1;
	s10 =	sld [smem:$0x3FB8];
	_ =	sdelay $0x3  }
0x34: {  	[smem:$0x3FB8] =	sst s10  }
0x35: {  	s10 =	sld [smem:$0x3FB7];
	_ =	sdelay $0x3  }
0x36: {  	p1 =	seq.s32 s10, $0x1;
	s10 =	sld [smem:$0x3FB8];
	_ =	sdelay $0x3  }
0x37: {  	[smem:$0x3FB8] =	sst s10  }
0x38: {  	s10 =	sld [smem:$0x3FB9]  }
0x39: {  	_ = 	snop;
	(pc) =	sbr.ind lr, $3  }
0x3a: {  	_ = 	snop  }
0x3b: {  	_ = 	snop  }
0x3c: {  	p2 =	seq.s32 s10, $0x1;
	s10 =	sld [smem:$0x3FB8]  }
0x3d: {  	_ =	shalt  }
0x3e: {  	_ =	shalt  }
0x3f: {  	_ =	shalt  }
0x40: {  	_ =	shalt  }
0x41: {  	_ =	shalt  }
0x42: {  	_ =	shalt  }
0x43: {  	_ =	shalt  }
0x44: {  	_ =	shalt  }
0x45: {  	_ =	shalt  }
0x46: {  	_ =	shalt  }
0x47: {  	_ =	shalt  }
0x48: {  	_ =	shalt  }
0x49: {  	_ =	shalt  }
0x4a: {  	_ =	shalt  }
0x4b: {  	_ =	shalt  }
0x4c: {  	_ =	shalt  }
0x4d: {  	_ =	shalt  }
0x4e: {  	_ =	shalt  }
0x4f: {  	_ =	shalt  }
0x50: {  	_ =	shalt  }
0x51: {  	_ =	shalt  }
0x52: {  	_ =	shalt  }
0x53: {  	_ =	shalt  }
0x54: {  	_ =	shalt  }
0x55: {  	_ =	shalt  }
0x56: {  	_ =	shalt  }
0x57: {  	_ =	shalt  }
0x58: {  	_ =	shalt  }
0x59: {  	_ =	shalt  }
0x5a: {  	_ =	shalt  }
0x5b: {  	_ =	shalt  }
0x5c: {  	_ =	shalt  }
0x5d: {  	_ =	shalt  }
0x5e: {  	_ =	shalt  }
0x5f: {  	_ =	shalt  }
0x60: {  	_ =	shalt  }
0x61: {  	_ =	shalt  }
0x62: {  	_ =	shalt  }
0x63: {  	_ =	shalt  }
0x64: {  	_ =	shalt  }
0x65: {  	_ =	shalt  }
0x66: {  	_ =	shalt  }
0x67: {  	_ =	shalt  }
0x68: {  	_ =	shalt  }
0x69: {  	_ =	shalt  }
0x6a: {  	_ =	shalt  }
0x6b: {  	_ =	shalt  }
0x6c: {  	_ =	shalt  }
0x6d: {  	_ =	shalt  }
0x6e: {  	_ =	shalt  }
0x6f: {  	_ =	shalt  }
0x70: {  	_ =	shalt  }
0x71: {  	_ =	shalt  }
0x72: {  	_ =	shalt  }
0x73: {  	_ =	shalt  }
0x74: {  	_ =	shalt  }
0x75: {  	_ =	shalt  }
0x76: {  	_ =	shalt  }
0x77: {  	_ =	shalt  }
0x78: {  	_ =	shalt  }
0x79: {  	_ =	shalt  }
0x7a: {  	_ =	shalt  }
0x7b: {  	_ =	shalt  }
0x7c: {  	_ =	shalt  }
0x7d: {  	_ =	shalt  }
0x7e: {  	_ =	shalt  }
0x7f: {  	_ =	shalt  }
0x80: {  	_ =	shalt  }
0x81: {  	_ =	shalt  }
0x82: {  	_ =	shalt  }
0x83: {  	_ =	shalt  }
0x84: {  	_ =	shalt  }
0x85: {  	_ =	shalt  }
0x86: {  	_ =	shalt  }
0x87: {  	_ =	shalt  }
.Lfunc_end0:
.L_simem_size_0:
called_computation.1_lowered:
.L_overlay_start_0:
0x88: {  	s2 =	sld [smem:$0x3FD9]  }
0x89: {  	s3 =	sld [smem:$0x3FFE];
	_ =	sdelay $0x1  }
0x8a: {  	s1 =	srdreg.scid  }
0x8b: {  	s0 =	sand.u32 $0x1, s1  }
0x8c: {  	s14 =	sshll.u32 s0, $0xA;
	s2 =	sadd.s32 s3, s2  }
0x8d: {  	s2 =	sadd.s32 s2, s14  }
0x8e: {  	[smem:$0x3FC4] =	sst s2  }
0x8f: {  	_ = 	snop  }
0x90: {  	s2 =	sld [smem:$0x3FD0];
	_ =	sdelay $0x2  }
0x91: {  	s4 =	simm.s32 $0xA;
	s5 =	simm.s32 $0x10;
	s15 =	sld [smem:$0x3FC7]  }
0x92: {  	[smem:s5], [sflag:s4] =	dma.local [hbm:s2], $0x1  }
0x93: {  	_ =	swait.eq [sflag:s4], $0x1  }
0x94: {  	[sflag:s4] =	ssyncset.done $0x0  }
0x95: {  	s16 =	sld [smem:$0x10];
	[sflag:s4] =	ssyncadd.s32 $0xFFFFFFFF  }
0x96: {  	s17 =	sld [smem:$0x11];
	(tm) =	ssettm $0x1  }
0x97: {  	s18 =	sld [smem:$0x3FFB];
	_ =	sdelay $0x3  }
0x98: {  	_ =	strace s18  }
0x99: {  	s5 =	sld [smem:$0x3FFC];
	_ =	sdelay $0x3  }
0x9a: {  	_ =	strace s5  }
0x9b: {  	s5 =	sld [smem:$0x3FFD];
	_ =	sdelay $0x3  }
0x9c: {  	_ =	strace s5  }
0x9d: {  	_ =	strace $0x8FFFFFFF  }
0x9e: {  	s19 =	sld [smem:$0x3FDB];
	_ =	sdelay $0x1  }
0x9f: {  	s6 =	simm.s32 $_scs_section_size  }
0xa0: {  	s7 =	simm.s32 $_size__tile_overlayer_lowered;
	s8 =	simm.s32 $_tile_overlayer_lowered  }
0xa1: {  	s22 =	simm.s32 $0x1BFF;
	s21 =	sshll.u32 s8, $0x1;
	s5 =	sadd.s32 s6, s19  }
0xa2: {  	s9 =	simm.s32 $0x0;
	s20 =	sshll.u32 s7, $0x1;
	s7 =	sadd.s32 s21, s5  }
0xa3: {  	[timem:s9], [sflag:s22] =	dma.local [hbm:s7], s20  }
0xa4: {  	_ =	swait.ge [sflag:s22], s20  }
0xa5: {  	s6 =	ssub.s32 $0x0, s20;
	[sflag:s22] =	ssyncset.done $0x0  }
0xa6: {  	[sflag:s22] =	ssyncadd.s32 s6;
	_ =	sdelay $0x1  }
0xa7: {  	s23 =	simm.s32 $0x1B8B  }
0xa8: {  	_ =	swait.ge [sflag:s23], $0x1  }
0xa9: {  	[sflag:s23] =	ssyncset.done $0x0  }
0xaa: {  	s25 =	simm.s32 $0x1B8E;
	s24 =	sld [smem:$0x3FFE];
	[sflag:s23] =	ssyncadd.s32 $0xFFFFFFFF  }
0xab: {  	s26 =	simm.s32 $execute0_lowered;
	[smem:$0x3FD2] =	sst s25  }
0xac: {  	s7 =	sshll.u32 s26, $0x1;
	_ =	strace $0x80000046;
	[dreg:$0x1] =	wrdreg $0xFFFFFFFF  }
0xad: {  	s28 =	simm.s32 $_size_execute0_lowered;
	s5 =	sadd.s32 s5, s7;
	[dreg:$0x0] =	wrdreg $0x0  }
0xae: {  	s7 =	sshll.u32 s28, $0x1;
	[dreg:$0x2] =	wrdreg s5  }
0xaf: {  	[dreg:$0x3] =	wrdreg s7  }
0xb0: {  	[dreg:$0x4] =	wrdreg $0xC0  }
0xb1: {  	_ =	task [dreg:s9], $0x5FFFF  }
0xb2: {  	[dreg:$0x1] =	wrdreg $0xFFFFFFFF  }
0xb3: {  	[dreg:$0x0] =	wrdreg $0x60  }
0xb4: {  	[dreg:$0x2] =	wrdreg s17  }
0xb5: {  	[dreg:$0x3] =	wrdreg s24  }
0xb6: {  	[dreg:$0x4] =	wrdreg s15  }
0xb7: {  	[dreg:$0x5] =	wrdreg s16  }
0xb8: {  	[dreg:$0x6] =	wrdreg $0x9  }
0xb9: {  	_ =	task.clear_ibuf [dreg:s9], $0x7FFFF;
	_ =	strace $0x90000046  }
0xba: {  	s29 =	simm.s32 $0x9;
	_ =	strace $0x80000048  }
0xbb: {  	_ =	swait.ge [sflag:s29], $0x1  }
0xbc: {  	[sflag:s29] =	ssyncadd.s32 $0xFFFFFFFF  }
0xbd: {  	_ =	strace $0x90000048  }
0xbe: {  	_ =	sfence  }
0xbf: {  	s30 =	sld [smem:$0x0];
	_ =	sdelay $0x2  }
0xc0: {  	s31 =	sshll.u32 s1, $0xD;
	s1 =	sshrl.u32 s1, $0x2  }
0xc1: {  	s3 =	sand.u32 $0x4000, s31;
	s1 =	sadd.s32 s1, s30  }
0xc2: {  	s0 =	sor.u32 s3, s0;
	s1 =	sshll.u32 s1, $0x11  }
0xc3: {  	s0 =	sor.u32 s1, s0  }
0xc4: {  	s0 =	sadd.s32 $0x8F2B, s0  }
0xc5: {  	[sflag:s0] =	ssyncadd.remote.s32 $0x1  }
0xc6: {  	_ =	sfence.sel $0xFFFF  }
0xc7: {  	[dreg:$0x0] =	wrdreg $0xFFFFFFFF;
	(pc) =	sbr.abs _section_cstart, $3  }
0xc8: {  	[dreg:$0x1] =	wrdreg $0xFFFFFFFF  }
0xc9: {  	_ =	task.clear_ibuf [dreg:s9], $0x2FFFF;
	_ =	strace $0x9FFFFFFF  }
0xca: {  	(tm) =	ssettm $0x7FFFFFFF  }
0xcb: {  	_ =	shalt  }
tec
execute0_lowered:
.L_overlay_start_1:
0x0: {  	(tag) =	ssettag $0x1  }
0x1: {  	s0 =	rddreg [dreg:$0x1]  }
0x2: {  	s16 =	rddreg [dreg:$0x3];
	s4 =	simm.s32 $0x0  }
0x3: {  	[smem:$0x7FF] =	sst s4;
	s25 =	sadd.s32 $0x1000, s0  }
0x4: {  	s2 =	sadd.s32 $0x5000, s0;
	_ =	strace $0x80000047;
	[dreg:$0x5] =	wrdreg s25  }
0x5: {  	s28 =	sadd.s32 $0x905000, s0;
	[dreg:$0x6] =	wrdreg s2  }
0x6: {  	s3 =	sadd.s32 $0x906000, s0;
	[dreg:$0x7] =	wrdreg s28  }
0x7: {  	s5 =	sadd.s32 $0x7000, s0;
	[dreg:$0x8] =	wrdreg s3  }
0x8: {  	s6 =	sadd.s32 $0x907000, s0;
	[dreg:$0x9] =	wrdreg s5  }
0x9: {  	s8 =	sadd.s32 $0x908000, s0;
	[dreg:$0xa] =	wrdreg s6  }
0xa: {  	s9 =	sadd.s32 $0x909000, s0;
	[dreg:$0xb] =	wrdreg s8  }
0xb: {  	s10 =	sadd.s32 $0x90A000, s0;
	[dreg:$0xd] =	wrdreg s9  }
0xc: {  	s11 =	sadd.s32 $0xF000, s0;
	[dreg:$0xe] =	wrdreg s10  }
0xd: {  	s12 =	sadd.s32 $0x90B000, s0;
	[dreg:$0xf] =	wrdreg s11  }
0xe: {  	s14 =	sadd.s32 $0x11000, s0;
	[dreg:$0x10] =	wrdreg s12  }
0xf: {  	s17 =	sadd.s32 $0x90C000, s0;
	[dreg:$0x11] =	wrdreg s14  }
0x10: {  	s18 =	sadd.s32 $0x13000, s0;
	[dreg:$0x12] =	wrdreg s17  }
0x11: {  	s19 =	sadd.s32 $0x90D000, s0;
	[dreg:$0x13] =	wrdreg s18  }
0x12: {  	s20 =	sadd.s32 $0x15000, s0;
	[dreg:$0x14] =	wrdreg s19  }
0x13: {  	s21 =	sadd.s32 $0x90E000, s0;
	[dreg:$0x15] =	wrdreg s20  }
0x14: {  	s22 =	sadd.s32 $0x17000, s0;
	[dreg:$0x16] =	wrdreg s21  }
0x15: {  	s23 =	sadd.s32 $0x90F000, s0;
	[dreg:$0x17] =	wrdreg s22  }
0x16: {  	s1 =	srdreg.scid;
	s24 =	sadd.s32 $0x19000, s0;
	[dreg:$0x18] =	wrdreg s23  }
0x17: {  	s7 =	sand.u32 $0x1, s1;
	[dreg:$0x19] =	wrdreg s24  }
0x18: {  	s25 =	sadd.s32 $0x910000, s0;
	[dreg:$0xc] =	wrdreg s7  }
0x19: {  	s28 =	sadd.s32 $0x911000, s0;
	[dreg:$0x1a] =	wrdreg s25  }
0x1a: {  	s3 =	sadd.s32 $0x912000, s0;
	[dreg:$0x1c] =	wrdreg s28  }
0x1b: {  	s5 =	sadd.s32 $0x1F000, s0;
	[dreg:$0x1e] =	wrdreg s3  }
0x1c: {  	s6 =	sadd.s32 $0x913000, s0;
	[dreg:$0x1f] =	wrdreg s5  }
0x1d: {  	s8 =	sadd.s32 $0x21000, s0;
	[smem:$0x7EB] =	sst s6  }
0x1e: {  	s10 =	sadd.s32 $0x914000, s0;
	[smem:$0x7EC] =	sst s8  }
0x1f: {  	s29 =	simm.s32 $0x5;
	s14 =	sadd.s32 $0x2000, s16;
	[smem:$0x7ED] =	sst s10  }
0x20: {  	s31 =	simm.s32 $0x6;
	s17 =	sadd.s32 $0x4000, s16;
	[smem:$0x7F0] =	sst s14  }
0x21: {  	s15 =	sadd.s32 $0x9000, s0;
	s18 =	sadd.s32 $0x6000, s16;
	[smem:$0x7F1] =	sst s17  }
0x22: {  	s13 =	sadd.s32 $0xB000, s0;
	s19 =	sadd.s32 $0x8000, s16;
	[smem:$0x7F2] =	sst s18  }
0x23: {  	s26 =	ssub.s32 $0x2, s7;
	s20 =	sadd.s32 $0xA000, s16;
	[smem:$0x7F3] =	sst s19  }
0x24: {  	s9 =	sadd.s32 $0xD000, s0;
	s21 =	sadd.s32 $0xC000, s16;
	[smem:$0x7F4] =	sst s20  }
0x25: {  	s12 =	stileid.u32;
	s22 =	sadd.s32 $0xE000, s16;
	[smem:$0x7F5] =	sst s21  }
0x26: {  	s23 =	sadd.s32 $0x10000, s16;
	s24 =	sadd.s32 $0x12000, s16;
	[smem:$0x7F6] =	sst s22  }
0x27: {  	s30 =	sshrl.u32 s26, $0x1;
	s2 =	sshll.u32 s12, $0x1;
	[smem:$0x7F7] =	sst s23  }
0x28: {  	[smem:$0x7F8] =	sst s24;
	s25 =	sadd.s32 $0x14000, s16;
	s28 =	sadd.s32 $0x18000, s16  }
0x29: {  	s10 =	simm.s32 $0x80;
	s12 =	simm.s32 $0x400;
	s14 =	simm.s32 $0x10000  }
0x2a: {  	s18 =	simm.s32 $0x12000;
	s20 =	simm.s32 $0x3;
	[smem:$0x7F9] =	sst s25  }
0x2b: {  	s22 =	simm.s32 $0x14000;
	s24 =	simm.s32 $0x4;
	[smem:$0x7FB] =	sst s28  }
0x2c: {  	s1 =	ssub.s32 s26, s30;
	s26 =	sadd.s32 $0x1B000, s0;
	[smem:$0x7FD] =	sst s2  }
0x2d: {  	s6 =	simm.s32 $0x1C000;
	s30 =	sadd.s32 $0x1D000, s0;
	[dreg:$0x1b] =	wrdreg s26  }
.Ltmp0:
0x2e: {  	s0 =	sadd.s32 $0x23000, s0;
	[dreg:$0x1d] =	wrdreg s30;
	(pc) =	sbr.rel .LBB2_1-.Ltmp0, $4  }
0x2f: {  	s17 =	simm.s32 $0x7;
	[smem:$0x7EE] =	sst s0;
	s11 =	smax.u32 s1, $0x1  }
0x30: {  	s19 =	simm.s32 $0x8;
	s26 =	sadd.s32 $0x16000, s16;
	[smem:$0x7EF] =	sst s11  }
0x31: {  	s3 =	simm.s32 $0x0;
	s30 =	sadd.s32 $0x1A000, s16;
	[smem:$0x7FA] =	sst s26  }
0x32: {  	s1 =	simm.s32 $0x200;
	[smem:$0x7FC] =	sst s30;
	s26 =	simm.s32 $0x16000  }
.LBB2_72:
0x33: {  	s3 =	sld [smem:$0x7EA]  }
0x34: {  	s0 =	sld [smem:$0x7EF];
	_ =	sdelay $0x1  }
0x35: {  	s3 =	sadd.s32 $0x1, s3  }
0x36: {  	p0 =	sne.s32 s3, s0  }
.Ltmp1:
0x37: {  	_ = 	snop;
	(pc) =	sbr.rel @!p0 .LBB2_73-.Ltmp1, $1  }
0x38: {  	_ =	sdelay $0x3  }
.LBB2_1:
.Ltmp2:
0x39: {  	(pc) =	sbr.rel .LBB2_2-.Ltmp2, $2  }
0x3a: {  	_ =	sdelay $0x2  }
0x3b: {  	[smem:$0x7EA] =	sst s3;
	s21 =	simm.s32 $0x0  }
.LBB2_70:
0x3c: {  	_ =	swait.ge [sflag:s2], $0x2000  }
0x3d: {  	[sflag:s2] =	ssyncset.done $0x0  }
0x3e: {  	[sflag:s2] =	ssyncadd.s32 $0xFFFFE000  }
0x3f: {  	_ =	swait.ge [sflag:s0], $0x2000  }
0x40: {  	[sflag:s0] =	ssyncset.done $0x0  }
0x41: {  	s2 =	sld [smem:$0x7FD];
	[sflag:s0] =	ssyncadd.s32 $0xFFFFE000  }
.LBB2_71:
0x42: {  	s21 =	sadd.s32 $0x1, s21  }
0x43: {  	p0 =	sne.s32 s21, $0x11  }
.Ltmp3:
0x44: {  	_ = 	snop;
	(pc) =	sbr.rel @!p0 .LBB2_72-.Ltmp3, $1  }
0x45: {  	_ =	sdelay $0x3  }
.LBB2_2:
0x46: {  	s0 =	sshll.u32 s21, $0x5  }
0x47: {  	s0 =	sor.u32 s2, s0  }
0x48: {  	p0 =	sgt.u32 s0, $0x217  }
.Ltmp4:
0x49: {  	_ = 	snop;
	(pc) =	sbr.rel @p0 .LBB2_71-.Ltmp4, $1  }
0x4a: {  	_ =	sdelay $0x3  }
0x4b: {  	s0 =	sor.u32 s7, s0  }
0x4c: {  	s2 =	smulhi.u32 $0x7A44C6B, s0;
	_ =	sdelay $0x1  }
0x4d: {  	s8 =	sshrl.u32 s2, $0x1  }
0x4e: {  	s2 =	smul.u32 $0xFFFFFFBD, s8;
	_ =	sdelay $0x1  }
0x4f: {  	s2 =	sadd.s32 s0, s2  }
0x50: {  	p0 =	slt.s32 s2, $0x3  }
.Ltmp5:
0x51: {  	_ = 	snop;
	(pc) =	sbr.rel @p0 .LBB2_37-.Ltmp5, $1  }
0x52: {  	_ =	sdelay $0x3  }
0x53: {  	s0 =	sadd.s32 $0xFFFFFFFD, s2  }
0x54: {  	s3 =	sshll.u32 s0, $0x10  }
0x55: {  	s5 =	sshll.u32 s8, $0x16;
	s0 =	sshll.u32 s0, $0x7;
	s3 =	sand.u32 $0x7FF80000, s3  }
0x56: {  	s0 =	sand.u32 $0x380, s0;
	s3 =	sadd.s32 s5, s3  }
0x57: {  	s25 =	sshll.u32 s8, $0x7;
	s0 =	sor.u32 s0, s3  }
0x58: {  	s23 =	rddreg [dreg:$0x2];
	s25 =	sand.u32 $0x380, s25;
	s0 =	sshrl.u32 s0, $0x3  }
0x59: {  	s30 =	sshrl.u32 s25, $0x3;
	s0 =	sadd.s32 s23, s0  }
0x5a: {  	[tilespmem:s4], [sflag:$0x1] =	stream.strided.gather [hbm4b:s0+s10], $0x10000, s12, s10, $0x38;
	[tilespmem:$0x1D000] =	vst v63  }
0x5b: {  	s5 =	simm.s32 $0x1;
	s3 =	sadd.s32 s16, s30  }
0x5c: {  	[tilespmem:s14], [sflag:$0x3] =	stream.strided.gather [hbm4b:s3+s10], $0x2000, s12, s10, $0x38;
	[tilespmem:$0x1D000] =	vst v63  }
0x5d: {  	_ =	swait.ge [sflag:s5], $0x10000  }
0x5e: {  	s11 =	sld [smem:$0x7F0];
	_ =	sdelay $0x1  }
0x5f: {  	[sflag:s5] =	ssyncset.done $0x0  }
0x60: {  	[sflag:s5] =	ssyncadd.s32 $0xFFFF0000;
	s0 =	sadd.s32 s30, s11  }
0x61: {  	[tilespmem:s18], [sflag:$0x4] =	stream.strided.gather [hbm4b:s0+s10], $0x2000, s12, s10, $0x38;
	[tilespmem:$0x1D000] =	vst v63  }
0x62: {  	_ =	swait.ge [sflag:s20], $0x2000  }
0x63: {  	[sflag:s20] =	ssyncset.done $0x0  }
0x64: {  	s23 =	simm.s32 $0x10040;
	[sflag:s20] =	ssyncadd.s32 $0xFFFFE000  }
0x65: {  	v0 =	vld [tilespmem:s23+$0x30]  }
0x66: {  	v1 =	vld [tilespmem:s23+$0xFFFFFFD0]  }
0x67: {  	v2 =	vld [tilespmem:s23+$0xFFFFFFE0]  }
0x68: {  	v3 =	vld [tilespmem:s23+$0xFFFFFFF0]  }
0x69: {  	v6 =	vld [tilespmem:s23+$0x0]  }
0x6a: {  	v7 =	vld [tilespmem:s23+$0x10]  }
0x6b: {  	v8 =	vld [tilespmem:s23+$0x20]  }
0x6c: {  	v9 =	vld [tilespmem:s23+$0xFFFFFFC0]  }
0x6d: {  	v10 =	vld.idx.msk [tilespmem:v0+s4+$0x0], $0xffff  }
0x6e: {  	v11 =	vld.idx.msk [tilespmem:v1+s4+$0x0], $0xffff  }
0x6f: {  	v5 =	vld.idx.msk [tilespmem:v2+s4+$0x0], $0xffff  }
0x70: {  	v4 =	vld.idx.msk [tilespmem:v3+s4+$0x0], $0xffff  }
0x71: {  	v3 =	vld.idx.msk [tilespmem:v6+s4+$0x0], $0xffff  }
0x72: {  	s0 =	simm.s32 $0x14040;
	v1 =	vld.idx.msk [tilespmem:v7+s4+$0x0], $0xffff  }
0x73: {  	v0 =	vld.idx.msk [tilespmem:v8+s4+$0x0], $0xffff;
	[tilespmem:s0+$0x30] =	vst v10  }
0x74: {  	s28 =	sshll.u32 s8, $0x11;
	s11 =	simm.s32 $0x0;
	s23 =	simm.s32 $0x100C0;
	v2 =	vld.idx.msk [tilespmem:v9+s4+$0x0], $0xffff;
	[tilespmem:s0+$0xFFFFFFD0] =	vst v11  }
.LBB2_5:
0x75: {  	v6 =	vld [tilespmem:s23+$0x30];
	s11 =	sadd.s32 $0x8, s11;
	[tilespmem:s0+$0xFFFFFFE0] =	vst v5  }
0x76: {  	v5 =	vld [tilespmem:s23+$0xFFFFFFD0];
	p0 =	slt.u32 s11, $0x1F8;
	[tilespmem:s0+$0xFFFFFFF0] =	vst v4  }
0x77: {  	v4 =	vld [tilespmem:s23+$0xFFFFFFE0];
	[tilespmem:s0+$0x0] =	vst v3  }
0x78: {  	v3 =	vld [tilespmem:s23+$0xFFFFFFF0];
	[tilespmem:s0+$0x10] =	vst v1  }
0x79: {  	v1 =	vld [tilespmem:s23+$0x0];
	[tilespmem:s0+$0x20] =	vst v0  }
0x7a: {  	v0 =	vld [tilespmem:s23+$0x10];
	[tilespmem:s0+$0xFFFFFFC0] =	vst v2  }
0x7b: {  	v2 =	vld [tilespmem:s23+$0x20]  }
0x7c: {  	v7 =	vld [tilespmem:s23+$0xFFFFFFC0]  }
0x7d: {  	v6 =	vld.idx.msk [tilespmem:v6+s4+$0x0], $0xffff  }
0x7e: {  	v8 =	vld.idx.msk [tilespmem:v5+s4+$0x0], $0xffff  }
0x7f: {  	v5 =	vld.idx.msk [tilespmem:v4+s4+$0x0], $0xffff  }
.Ltmp6:
0x80: {  	v4 =	vld.idx.msk [tilespmem:v3+s4+$0x0], $0xffff;
	(pc) =	sbr.rel @p0 .LBB2_5-.Ltmp6, $4  }
0x81: {  	v3 =	vld.idx.msk [tilespmem:v1+s4+$0x0], $0xffff  }
0x82: {  	s0 =	sadd.s32 $0x80, s0;
	v1 =	vld.idx.msk [tilespmem:v0+s4+$0x0], $0xffff  }
0x83: {  	v0 =	vld.idx.msk [tilespmem:v2+s4+$0x0], $0xffff;
	[tilespmem:s0+$0x30] =	vst v6  }
0x84: {  	s23 =	sadd.s32 $0x80, s23;
	v2 =	vld.idx.msk [tilespmem:v7+s4+$0x0], $0xffff;
	[tilespmem:s0+$0xFFFFFFD0] =	vst v8  }
0x85: {  	[tilespmem:s0+$0xFFFFFFE0] =	vst v5  }
0x86: {  	[tilespmem:s0+$0xFFFFFFF0] =	vst v4  }
0x87: {  	[tilespmem:s0+$0x0] =	vst v3  }
0x88: {  	s3 =	smul.u32 $0x900000, s8;
	s5 =	sshll.u32 s2, $0x11;
	[tilespmem:s0+$0x10] =	vst v1  }
0x89: {  	s23 =	sshll.u32 s2, $0x7;
	s5 =	sand.u32 $0x7FF00000, s5;
	[tilespmem:s0+$0x20] =	vst v0  }
0x8a: {  	s2 =	sand.u32 $0x380, s23;
	s3 =	sadd.s32 s3, s5;
	[tilespmem:s0+$0xFFFFFFC0] =	vst v2  }
0x8b: {  	s2 =	sor.u32 s2, s3;
	s0 =	rddreg [dreg:$0x6]  }
0x8c: {  	s23 =	sshrl.u32 s2, $0x3;
	s8 =	sld [smem:$0x7F1]  }
0x8d: {  	s0 =	sadd.s32 s0, s23  }
0x8e: {  	[hbm4b:s0+s10] =	stream.strided.scatter [tilespmem:s22], [sflag:$0x5], $0x2000, s12, s10, $0x38;
	[tilespmem:$0x1D000] =	vst v63  }
0x8f: {  	s0 =	sadd.s32 s30, s8  }
0x90: {  	[tilespmem:s14], [sflag:$0x3] =	stream.strided.gather [hbm4b:s0+s10], $0x2000, s12, s10, $0x38;
	[tilespmem:$0x1D000] =	vst v63  }
0x91: {  	_ =	swait.ge [sflag:s24], $0x2000  }
0x92: {  	[sflag:s24] =	ssyncset.done $0x0  }
0x93: {  	s11 =	simm.s32 $0x12040;
	[sflag:s24] =	ssyncadd.s32 $0xFFFFE000  }
0x94: {  	v0 =	vld [tilespmem:s11+$0x30]  }
0x95: {  	v1 =	vld [tilespmem:s11+$0xFFFFFFD0]  }
0x96: {  	v2 =	vld [tilespmem:s11+$0xFFFFFFE0]  }
0x97: {  	v3 =	vld [tilespmem:s11+$0xFFFFFFF0]  }
0x98: {  	v4 =	vld [tilespmem:s11+$0x0]  }
0x99: {  	v6 =	vld [tilespmem:s11+$0x10]  }
0x9a: {  	v7 =	vld [tilespmem:s11+$0x20]  }
0x9b: {  	v8 =	vld [tilespmem:s11+$0xFFFFFFC0]  }
0x9c: {  	v9 =	vld.idx.msk [tilespmem:v0+s4+$0x0], $0xffff  }
0x9d: {  	v10 =	vld.idx.msk [tilespmem:v1+s4+$0x0], $0xffff  }
0x9e: {  	v5 =	vld.idx.msk [tilespmem:v2+s4+$0x0], $0xffff  }
0x9f: {  	v3 =	vld.idx.msk [tilespmem:v3+s4+$0x0], $0xffff  }
0xa0: {  	v0 =	vld.idx.msk [tilespmem:v4+s4+$0x0], $0xffff  }
0xa1: {  	s0 =	simm.s32 $0x16040;
	v1 =	vld.idx.msk [tilespmem:v6+s4+$0x0], $0xffff  }
0xa2: {  	v2 =	vld.idx.msk [tilespmem:v7+s4+$0x0], $0xffff;
	[tilespmem:s0+$0x30] =	vst v9  }
0xa3: {  	s2 =	simm.s32 $0x0;
	s8 =	simm.s32 $0x120C0;
	v4 =	vld.idx.msk [tilespmem:v8+s4+$0x0], $0xffff;
	[tilespmem:s0+$0xFFFFFFD0] =	vst v10  }
.LBB2_7:
0xa4: {  	v6 =	vld [tilespmem:s8+$0x30];
	s2 =	sadd.s32 $0x8, s2;
	[tilespmem:s0+$0xFFFFFFE0] =	vst v5  }
0xa5: {  	v5 =	vld [tilespmem:s8+$0xFFFFFFD0];
	p0 =	slt.u32 s2, $0x1F8;
	[tilespmem:s0+$0xFFFFFFF0] =	vst v3  }
0xa6: {  	v3 =	vld [tilespmem:s8+$0xFFFFFFE0];
	[tilespmem:s0+$0x0] =	vst v0  }
0xa7: {  	v0 =	vld [tilespmem:s8+$0xFFFFFFF0];
	[tilespmem:s0+$0x10] =	vst v1  }
0xa8: {  	v1 =	vld [tilespmem:s8+$0x0];
	[tilespmem:s0+$0x20] =	vst v2  }
0xa9: {  	v2 =	vld [tilespmem:s8+$0x10];
	[tilespmem:s0+$0xFFFFFFC0] =	vst v4  }
0xaa: {  	v4 =	vld [tilespmem:s8+$0x20]  }
0xab: {  	v7 =	vld [tilespmem:s8+$0xFFFFFFC0]  }
0xac: {  	v6 =	vld.idx.msk [tilespmem:v6+s4+$0x0], $0xffff  }
0xad: {  	v8 =	vld.idx.msk [tilespmem:v5+s4+$0x0], $0xffff  }
0xae: {  	v5 =	vld.idx.msk [tilespmem:v3+s4+$0x0], $0xffff  }
.Ltmp7:
0xaf: {  	v3 =	vld.idx.msk [tilespmem:v0+s4+$0x0], $0xffff;
	(pc) =	sbr.rel @p0 .LBB2_7-.Ltmp7, $4  }
0xb0: {  	v0 =	vld.idx.msk [tilespmem:v1+s4+$0x0], $0xffff  }
0xb1: {  	s0 =	sadd.s32 $0x80, s0;
	v1 =	vld.idx.msk [tilespmem:v2+s4+$0x0], $0xffff  }
0xb2: {  	v2 =	vld.idx.msk [tilespmem:v4+s4+$0x0], $0xffff;
	[tilespmem:s0+$0x30] =	vst v6  }
0xb3: {  	s8 =	sadd.s32 $0x80, s8;
	v4 =	vld.idx.msk [tilespmem:v7+s4+$0x0], $0xffff;
	[tilespmem:s0+$0xFFFFFFD0] =	vst v8  }
0xb4: {  	[tilespmem:s0+$0xFFFFFFE0] =	vst v5  }
0xb5: {  	[tilespmem:s0+$0xFFFFFFF0] =	vst v3  }
0xb6: {  	[tilespmem:s0+$0x0] =	vst v0  }
0xb7: {  	[tilespmem:s0+$0x10] =	vst v1  }
0xb8: {  	[tilespmem:s0+$0x20] =	vst v2  }
0xb9: {  	[tilespmem:s0+$0xFFFFFFC0] =	vst v4  }
0xba: {  	s0 =	rddreg [dreg:$0x9]  }
0xbb: {  	s8 =	sld [smem:$0x7F2]  }
0xbc: {  	s0 =	sadd.s32 s23, s0  }
0xbd: {  	[hbm4b:s0+s10] =	stream.strided.scatter [tilespmem:s26], [sflag:$0x6], $0x2000, s12, s10, $0x38;
	[tilespmem:$0x1D000] =	vst v63  }
0xbe: {  	s0 =	sadd.s32 s30, s8  }
0xbf: {  	[tilespmem:s18], [sflag:$0x4] =	stream.strided.gather [hbm4b:s0+s10], $0x2000, s12, s10, $0x38;
	[tilespmem:$0x1D000] =	vst v63  }
0xc0: {  	_ =	swait.ge [sflag:s20], $0x2000  }
0xc1: {  	[sflag:s20] =	ssyncset.done $0x0  }
0xc2: {  	[sflag:s20] =	ssyncadd.s32 $0xFFFFE000  }
0xc3: {  	_ =	swait.ge [sflag:s29], $0x2000  }
0xc4: {  	[sflag:s29] =	ssyncset.done $0x0  }
0xc5: {  	s11 =	simm.s32 $0x10040;
	[sflag:s29] =	ssyncadd.s32 $0xFFFFE000  }
0xc6: {  	v0 =	vld [tilespmem:s11+$0x30]  }
0xc7: {  	v1 =	vld [tilespmem:s11+$0xFFFFFFD0]  }
0xc8: {  	v2 =	vld [tilespmem:s11+$0xFFFFFFE0]  }
0xc9: {  	v3 =	vld [tilespmem:s11+$0xFFFFFFF0]  }
0xca: {  	v4 =	vld [tilespmem:s11+$0x0]  }
0xcb: {  	v6 =	vld [tilespmem:s11+$0x10]  }
0xcc: {  	v7 =	vld [tilespmem:s11+$0x20]  }
0xcd: {  	v8 =	vld [tilespmem:s11+$0xFFFFFFC0]  }
0xce: {  	v9 =	vld.idx.msk [tilespmem:v0+s4+$0x0], $0xffff  }
0xcf: {  	v10 =	vld.idx.msk [tilespmem:v1+s4+$0x0], $0xffff  }
0xd0: {  	v5 =	vld.idx.msk [tilespmem:v2+s4+$0x0], $0xffff  }
0xd1: {  	v3 =	vld.idx.msk [tilespmem:v3+s4+$0x0], $0xffff  }
0xd2: {  	v0 =	vld.idx.msk [tilespmem:v4+s4+$0x0], $0xffff  }
0xd3: {  	s0 =	simm.s32 $0x14040;
	v1 =	vld.idx.msk [tilespmem:v6+s4+$0x0], $0xffff  }
0xd4: {  	v2 =	vld.idx.msk [tilespmem:v7+s4+$0x0], $0xffff;
	[tilespmem:s0+$0x30] =	vst v9  }
0xd5: {  	s2 =	simm.s32 $0x0;
	s8 =	simm.s32 $0x100C0;
	v4 =	vld.idx.msk [tilespmem:v8+s4+$0x0], $0xffff;
	[tilespmem:s0+$0xFFFFFFD0] =	vst v10  }
.LBB2_9:
0xd6: {  	v6 =	vld [tilespmem:s8+$0x30];
	s2 =	sadd.s32 $0x8, s2;
	[tilespmem:s0+$0xFFFFFFE0] =	vst v5  }
0xd7: {  	v5 =	vld [tilespmem:s8+$0xFFFFFFD0];
	p0 =	slt.u32 s2, $0x1F8;
	[tilespmem:s0+$0xFFFFFFF0] =	vst v3  }
0xd8: {  	v3 =	vld [tilespmem:s8+$0xFFFFFFE0];
	[tilespmem:s0+$0x0] =	vst v0  }
0xd9: {  	v0 =	vld [tilespmem:s8+$0xFFFFFFF0];
	[tilespmem:s0+$0x10] =	vst v1  }
0xda: {  	v1 =	vld [tilespmem:s8+$0x0];
	[tilespmem:s0+$0x20] =	vst v2  }
0xdb: {  	v2 =	vld [tilespmem:s8+$0x10];
	[tilespmem:s0+$0xFFFFFFC0] =	vst v4  }
0xdc: {  	v4 =	vld [tilespmem:s8+$0x20]  }
0xdd: {  	v7 =	vld [tilespmem:s8+$0xFFFFFFC0]  }
0xde: {  	v6 =	vld.idx.msk [tilespmem:v6+s4+$0x0], $0xffff  }
0xdf: {  	v8 =	vld.idx.msk [tilespmem:v5+s4+$0x0], $0xffff  }
0xe0: {  	v5 =	vld.idx.msk [tilespmem:v3+s4+$0x0], $0xffff  }
.Ltmp8:
0xe1: {  	v3 =	vld.idx.msk [tilespmem:v0+s4+$0x0], $0xffff;
	(pc) =	sbr.rel @p0 .LBB2_9-.Ltmp8, $4  }
0xe2: {  	v0 =	vld.idx.msk [tilespmem:v1+s4+$0x0], $0xffff  }
0xe3: {  	s0 =	sadd.s32 $0x80, s0;
	v1 =	vld.idx.msk [tilespmem:v2+s4+$0x0], $0xffff  }
0xe4: {  	v2 =	vld.idx.msk [tilespmem:v4+s4+$0x0], $0xffff;
	[tilespmem:s0+$0x30] =	vst v6  }
0xe5: {  	s8 =	sadd.s32 $0x80, s8;
	v4 =	vld.idx.msk [tilespmem:v7+s4+$0x0], $0xffff;
	[tilespmem:s0+$0xFFFFFFD0] =	vst v8  }
0xe6: {  	[tilespmem:s0+$0xFFFFFFE0] =	vst v5  }
0xe7: {  	[tilespmem:s0+$0xFFFFFFF0] =	vst v3  }
0xe8: {  	[tilespmem:s0+$0x0] =	vst v0  }
0xe9: {  	[tilespmem:s0+$0x10] =	vst v1  }
0xea: {  	[tilespmem:s0+$0x20] =	vst v2  }
0xeb: {  	[tilespmem:s0+$0xFFFFFFC0] =	vst v4  }
0xec: {  	s8 =	sld [smem:$0x7F3]  }
0xed: {  	s5 =	sadd.s32 s23, s15  }
0xee: {  	[hbm4b:s5+s10] =	stream.strided.scatter [tilespmem:s22], [sflag:$0x5], $0x2000, s12, s10, $0x38;
	[tilespmem:$0x1D000] =	vst v63  }
0xef: {  	s0 =	sadd.s32 s30, s8  }
0xf0: {  	[tilespmem:s14], [sflag:$0x3] =	stream.strided.gather [hbm4b:s0+s10], $0x2000, s12, s10, $0x38;
	[tilespmem:$0x1D000] =	vst v63  }
0xf1: {  	_ =	swait.ge [sflag:s24], $0x2000  }
0xf2: {  	[sflag:s24] =	ssyncset.done $0x0  }
0xf3: {  	[sflag:s24] =	ssyncadd.s32 $0xFFFFE000  }
0xf4: {  	_ =	swait.ge [sflag:s31], $0x2000  }
0xf5: {  	[sflag:s31] =	ssyncset.done $0x0  }
0xf6: {  	s11 =	simm.s32 $0x12040;
	[sflag:s31] =	ssyncadd.s32 $0xFFFFE000  }
0xf7: {  	v0 =	vld [tilespmem:s11+$0x30]  }
0xf8: {  	v1 =	vld [tilespmem:s11+$0xFFFFFFD0]  }
0xf9: {  	v2 =	vld [tilespmem:s11+$0xFFFFFFE0]  }
0xfa: {  	v3 =	vld [tilespmem:s11+$0xFFFFFFF0]  }
0xfb: {  	v4 =	vld [tilespmem:s11+$0x0]  }
0xfc: {  	v6 =	vld [tilespmem:s11+$0x10]  }
0xfd: {  	v7 =	vld [tilespmem:s11+$0x20]  }
0xfe: {  	v8 =	vld [tilespmem:s11+$0xFFFFFFC0]  }
0xff: {  	v9 =	vld.idx.msk [tilespmem:v0+s4+$0x0], $0xffff  }
0x100: {  	v10 =	vld.idx.msk [tilespmem:v1+s4+$0x0], $0xffff  }
0x101: {  	v5 =	vld.idx.msk [tilespmem:v2+s4+$0x0], $0xffff  }
0x102: {  	v3 =	vld.idx.msk [tilespmem:v3+s4+$0x0], $0xffff  }
0x103: {  	v0 =	vld.idx.msk [tilespmem:v4+s4+$0x0], $0xffff  }
0x104: {  	s0 =	simm.s32 $0x16040;
	v1 =	vld.idx.msk [tilespmem:v6+s4+$0x0], $0xffff  }
0x105: {  	v2 =	vld.idx.msk [tilespmem:v7+s4+$0x0], $0xffff;
	[tilespmem:s0+$0x30] =	vst v9  }
0x106: {  	s2 =	simm.s32 $0x0;
	s8 =	simm.s32 $0x120C0;
	v4 =	vld.idx.msk [tilespmem:v8+s4+$0x0], $0xffff;
	[tilespmem:s0+$0xFFFFFFD0] =	vst v10  }
.LBB2_11:
0x107: {  	v6 =	vld [tilespmem:s8+$0x30];
	s2 =	sadd.s32 $0x8, s2;
	[tilespmem:s0+$0xFFFFFFE0] =	vst v5  }
0x108: {  	v5 =	vld [tilespmem:s8+$0xFFFFFFD0];
	p0 =	slt.u32 s2, $0x1F8;
	[tilespmem:s0+$0xFFFFFFF0] =	vst v3  }
0x109: {  	v3 =	vld [tilespmem:s8+$0xFFFFFFE0];
	[tilespmem:s0+$0x0] =	vst v0  }
0x10a: {  	v0 =	vld [tilespmem:s8+$0xFFFFFFF0];
	[tilespmem:s0+$0x10] =	vst v1  }
0x10b: {  	v1 =	vld [tilespmem:s8+$0x0];
	[tilespmem:s0+$0x20] =	vst v2  }
0x10c: {  	v2 =	vld [tilespmem:s8+$0x10];
	[tilespmem:s0+$0xFFFFFFC0] =	vst v4  }
0x10d: {  	v4 =	vld [tilespmem:s8+$0x20]  }
0x10e: {  	v7 =	vld [tilespmem:s8+$0xFFFFFFC0]  }
0x10f: {  	v6 =	vld.idx.msk [tilespmem:v6+s4+$0x0], $0xffff  }
0x110: {  	v8 =	vld.idx.msk [tilespmem:v5+s4+$0x0], $0xffff  }
0x111: {  	v5 =	vld.idx.msk [tilespmem:v3+s4+$0x0], $0xffff  }
.Ltmp9:
0x112: {  	v3 =	vld.idx.msk [tilespmem:v0+s4+$0x0], $0xffff;
	(pc) =	sbr.rel @p0 .LBB2_11-.Ltmp9, $4  }
0x113: {  	v0 =	vld.idx.msk [tilespmem:v1+s4+$0x0], $0xffff  }
0x114: {  	s0 =	sadd.s32 $0x80, s0;
	v1 =	vld.idx.msk [tilespmem:v2+s4+$0x0], $0xffff  }
0x115: {  	v2 =	vld.idx.msk [tilespmem:v4+s4+$0x0], $0xffff;
	[tilespmem:s0+$0x30] =	vst v6  }
0x116: {  	s8 =	sadd.s32 $0x80, s8;
	v4 =	vld.idx.msk [tilespmem:v7+s4+$0x0], $0xffff;
	[tilespmem:s0+$0xFFFFFFD0] =	vst v8  }
0x117: {  	[tilespmem:s0+$0xFFFFFFE0] =	vst v5  }
0x118: {  	[tilespmem:s0+$0xFFFFFFF0] =	vst v3  }
0x119: {  	[tilespmem:s0+$0x0] =	vst v0  }
0x11a: {  	[tilespmem:s0+$0x10] =	vst v1  }
0x11b: {  	[tilespmem:s0+$0x20] =	vst v2  }
0x11c: {  	[tilespmem:s0+$0xFFFFFFC0] =	vst v4  }
0x11d: {  	s8 =	sld [smem:$0x7F4]  }
0x11e: {  	s5 =	sadd.s32 s23, s13  }
0x11f: {  	[hbm4b:s5+s10] =	stream.strided.scatter [tilespmem:s26], [sflag:$0x6], $0x2000, s12, s10, $0x38;
	[tilespmem:$0x1D000] =	vst v63  }
0x120: {  	s0 =	sadd.s32 s30, s8  }
0x121: {  	[tilespmem:s18], [sflag:$0x4] =	stream.strided.gather [hbm4b:s0+s10], $0x2000, s12, s10, $0x38;
	[tilespmem:$0x1D000] =	vst v63  }
0x122: {  	_ =	swait.ge [sflag:s20], $0x2000  }
0x123: {  	[sflag:s20] =	ssyncset.done $0x0  }
0x124: {  	[sflag:s20] =	ssyncadd.s32 $0xFFFFE000  }
0x125: {  	_ =	swait.ge [sflag:s29], $0x2000  }
0x126: {  	[sflag:s29] =	ssyncset.done $0x0  }
0x127: {  	s11 =	simm.s32 $0x10040;
	[sflag:s29] =	ssyncadd.s32 $0xFFFFE000  }
0x128: {  	v0 =	vld [tilespmem:s11+$0x30]  }
0x129: {  	v1 =	vld [tilespmem:s11+$0xFFFFFFD0]  }
0x12a: {  	v2 =	vld [tilespmem:s11+$0xFFFFFFE0]  }
0x12b: {  	v3 =	vld [tilespmem:s11+$0xFFFFFFF0]  }
0x12c: {  	v4 =	vld [tilespmem:s11+$0x0]  }
0x12d: {  	v6 =	vld [tilespmem:s11+$0x10]  }
0x12e: {  	v7 =	vld [tilespmem:s11+$0x20]  }
0x12f: {  	v8 =	vld [tilespmem:s11+$0xFFFFFFC0]  }
0x130: {  	v9 =	vld.idx.msk [tilespmem:v0+s4+$0x0], $0xffff  }
0x131: {  	v10 =	vld.idx.msk [tilespmem:v1+s4+$0x0], $0xffff  }
0x132: {  	v5 =	vld.idx.msk [tilespmem:v2+s4+$0x0], $0xffff  }
0x133: {  	v3 =	vld.idx.msk [tilespmem:v3+s4+$0x0], $0xffff  }
0x134: {  	v0 =	vld.idx.msk [tilespmem:v4+s4+$0x0], $0xffff  }
0x135: {  	s0 =	simm.s32 $0x14040;
	v1 =	vld.idx.msk [tilespmem:v6+s4+$0x0], $0xffff  }
0x136: {  	v2 =	vld.idx.msk [tilespmem:v7+s4+$0x0], $0xffff;
	[tilespmem:s0+$0x30] =	vst v9  }
0x137: {  	s2 =	simm.s32 $0x0;
	s8 =	simm.s32 $0x100C0;
	v4 =	vld.idx.msk [tilespmem:v8+s4+$0x0], $0xffff;
	[tilespmem:s0+$0xFFFFFFD0] =	vst v10  }
.LBB2_13:
0x138: {  	v6 =	vld [tilespmem:s8+$0x30];
	s2 =	sadd.s32 $0x8, s2;
	[tilespmem:s0+$0xFFFFFFE0] =	vst v5  }
0x139: {  	v5 =	vld [tilespmem:s8+$0xFFFFFFD0];
	p0 =	slt.u32 s2, $0x1F8;
	[tilespmem:s0+$0xFFFFFFF0] =	vst v3  }
0x13a: {  	v3 =	vld [tilespmem:s8+$0xFFFFFFE0];
	[tilespmem:s0+$0x0] =	vst v0  }
0x13b: {  	v0 =	vld [tilespmem:s8+$0xFFFFFFF0];
	[tilespmem:s0+$0x10] =	vst v1  }
0x13c: {  	v1 =	vld [tilespmem:s8+$0x0];
	[tilespmem:s0+$0x20] =	vst v2  }
0x13d: {  	v2 =	vld [tilespmem:s8+$0x10];
	[tilespmem:s0+$0xFFFFFFC0] =	vst v4  }
0x13e: {  	v4 =	vld [tilespmem:s8+$0x20]  }
0x13f: {  	v7 =	vld [tilespmem:s8+$0xFFFFFFC0]  }
0x140: {  	v6 =	vld.idx.msk [tilespmem:v6+s4+$0x0], $0xffff  }
0x141: {  	v8 =	vld.idx.msk [tilespmem:v5+s4+$0x0], $0xffff  }
0x142: {  	v5 =	vld.idx.msk [tilespmem:v3+s4+$0x0], $0xffff  }
.Ltmp10:
0x143: {  	v3 =	vld.idx.msk [tilespmem:v0+s4+$0x0], $0xffff;
	(pc) =	sbr.rel @p0 .LBB2_13-.Ltmp10, $4  }
0x144: {  	v0 =	vld.idx.msk [tilespmem:v1+s4+$0x0], $0xffff  }
0x145: {  	s0 =	sadd.s32 $0x80, s0;
	v1 =	vld.idx.msk [tilespmem:v2+s4+$0x0], $0xffff  }
0x146: {  	v2 =	vld.idx.msk [tilespmem:v4+s4+$0x0], $0xffff;
	[tilespmem:s0+$0x30] =	vst v6  }
0x147: {  	s8 =	sadd.s32 $0x80, s8;
	v4 =	vld.idx.msk [tilespmem:v7+s4+$0x0], $0xffff;
	[tilespmem:s0+$0xFFFFFFD0] =	vst v8  }
0x148: {  	[tilespmem:s0+$0xFFFFFFE0] =	vst v5  }
0x149: {  	[tilespmem:s0+$0xFFFFFFF0] =	vst v3  }
0x14a: {  	[tilespmem:s0+$0x0] =	vst v0  }
0x14b: {  	[tilespmem:s0+$0x10] =	vst v1  }
0x14c: {  	[tilespmem:s0+$0x20] =	vst v2  }
0x14d: {  	[tilespmem:s0+$0xFFFFFFC0] =	vst v4  }
0x14e: {  	s8 =	sld [smem:$0x7F5]  }
0x14f: {  	s5 =	sadd.s32 s23, s9  }
0x150: {  	[hbm4b:s5+s10] =	stream.strided.scatter [tilespmem:s22], [sflag:$0x5], $0x2000, s12, s10, $0x38;
	[tilespmem:$0x1D000] =	vst v63  }
0x151: {  	s0 =	sadd.s32 s30, s8  }
0x152: {  	[tilespmem:s14], [sflag:$0x3] =	stream.strided.gather [hbm4b:s0+s10], $0x2000, s12, s10, $0x38;
	[tilespmem:$0x1D000] =	vst v63  }
0x153: {  	_ =	swait.ge [sflag:s24], $0x2000  }
0x154: {  	[sflag:s24] =	ssyncset.done $0x0  }
0x155: {  	[sflag:s24] =	ssyncadd.s32 $0xFFFFE000  }
0x156: {  	_ =	swait.ge [sflag:s31], $0x2000  }
0x157: {  	[sflag:s31] =	ssyncset.done $0x0  }
0x158: {  	s11 =	simm.s32 $0x12040;
	[sflag:s31] =	ssyncadd.s32 $0xFFFFE000  }
0x159: {  	v0 =	vld [tilespmem:s11+$0x30]  }
0x15a: {  	v1 =	vld [tilespmem:s11+$0xFFFFFFD0]  }
0x15b: {  	v2 =	vld [tilespmem:s11+$0xFFFFFFE0]  }
0x15c: {  	v3 =	vld [tilespmem:s11+$0xFFFFFFF0]  }
0x15d: {  	v4 =	vld [tilespmem:s11+$0x0]  }
0x15e: {  	v6 =	vld [tilespmem:s11+$0x10]  }
0x15f: {  	v7 =	vld [tilespmem:s11+$0x20]  }
0x160: {  	v8 =	vld [tilespmem:s11+$0xFFFFFFC0]  }
0x161: {  	v9 =	vld.idx.msk [tilespmem:v0+s4+$0x0], $0xffff  }
0x162: {  	v10 =	vld.idx.msk [tilespmem:v1+s4+$0x0], $0xffff  }
0x163: {  	v5 =	vld.idx.msk [tilespmem:v2+s4+$0x0], $0xffff  }
0x164: {  	v3 =	vld.idx.msk [tilespmem:v3+s4+$0x0], $0xffff  }
0x165: {  	v0 =	vld.idx.msk [tilespmem:v4+s4+$0x0], $0xffff  }
0x166: {  	s0 =	simm.s32 $0x16040;
	v1 =	vld.idx.msk [tilespmem:v6+s4+$0x0], $0xffff  }
0x167: {  	v2 =	vld.idx.msk [tilespmem:v7+s4+$0x0], $0xffff;
	[tilespmem:s0+$0x30] =	vst v9  }
0x168: {  	s2 =	simm.s32 $0x0;
	s8 =	simm.s32 $0x120C0;
	v4 =	vld.idx.msk [tilespmem:v8+s4+$0x0], $0xffff;
	[tilespmem:s0+$0xFFFFFFD0] =	vst v10  }
.LBB2_15:
0x169: {  	v6 =	vld [tilespmem:s8+$0x30];
	s2 =	sadd.s32 $0x8, s2;
	[tilespmem:s0+$0xFFFFFFE0] =	vst v5  }
0x16a: {  	v5 =	vld [tilespmem:s8+$0xFFFFFFD0];
	p0 =	slt.u32 s2, $0x1F8;
	[tilespmem:s0+$0xFFFFFFF0] =	vst v3  }
0x16b: {  	v3 =	vld [tilespmem:s8+$0xFFFFFFE0];
	[tilespmem:s0+$0x0] =	vst v0  }
0x16c: {  	v0 =	vld [tilespmem:s8+$0xFFFFFFF0];
	[tilespmem:s0+$0x10] =	vst v1  }
0x16d: {  	v1 =	vld [tilespmem:s8+$0x0];
	[tilespmem:s0+$0x20] =	vst v2  }
0x16e: {  	v2 =	vld [tilespmem:s8+$0x10];
	[tilespmem:s0+$0xFFFFFFC0] =	vst v4  }
0x16f: {  	v4 =	vld [tilespmem:s8+$0x20]  }
0x170: {  	v7 =	vld [tilespmem:s8+$0xFFFFFFC0]  }
0x171: {  	v6 =	vld.idx.msk [tilespmem:v6+s4+$0x0], $0xffff  }
0x172: {  	v8 =	vld.idx.msk [tilespmem:v5+s4+$0x0], $0xffff  }
0x173: {  	v5 =	vld.idx.msk [tilespmem:v3+s4+$0x0], $0xffff  }
.Ltmp11:
0x174: {  	v3 =	vld.idx.msk [tilespmem:v0+s4+$0x0], $0xffff;
	(pc) =	sbr.rel @p0 .LBB2_15-.Ltmp11, $4  }
0x175: {  	v0 =	vld.idx.msk [tilespmem:v1+s4+$0x0], $0xffff  }
0x176: {  	s0 =	sadd.s32 $0x80, s0;
	v1 =	vld.idx.msk [tilespmem:v2+s4+$0x0], $0xffff  }
0x177: {  	v2 =	vld.idx.msk [tilespmem:v4+s4+$0x0], $0xffff;
	[tilespmem:s0+$0x30] =	vst v6  }
0x178: {  	s8 =	sadd.s32 $0x80, s8;
	v4 =	vld.idx.msk [tilespmem:v7+s4+$0x0], $0xffff;
	[tilespmem:s0+$0xFFFFFFD0] =	vst v8  }
0x179: {  	[tilespmem:s0+$0xFFFFFFE0] =	vst v5  }
0x17a: {  	[tilespmem:s0+$0xFFFFFFF0] =	vst v3  }
0x17b: {  	[tilespmem:s0+$0x0] =	vst v0  }
0x17c: {  	[tilespmem:s0+$0x10] =	vst v1  }
0x17d: {  	[tilespmem:s0+$0x20] =	vst v2  }
0x17e: {  	[tilespmem:s0+$0xFFFFFFC0] =	vst v4  }
0x17f: {  	s0 =	rddreg [dreg:$0xf]  }
0x180: {  	s8 =	sld [smem:$0x7F6]  }
0x181: {  	s0 =	sadd.s32 s23, s0  }
0x182: {  	[hbm4b:s0+s10] =	stream.strided.scatter [tilespmem:s26], [sflag:$0x6], $0x2000, s12, s10, $0x38;
	[tilespmem:$0x1D000] =	vst v63  }
0x183: {  	s0 =	sadd.s32 s30, s8  }
0x184: {  	[tilespmem:s18], [sflag:$0x4] =	stream.strided.gather [hbm4b:s0+s10], $0x2000, s12, s10, $0x38;
	[tilespmem:$0x1D000] =	vst v63  }
0x185: {  	_ =	swait.ge [sflag:s20], $0x2000  }
0x186: {  	[sflag:s20] =	ssyncset.done $0x0  }
0x187: {  	[sflag:s20] =	ssyncadd.s32 $0xFFFFE000  }
0x188: {  	_ =	swait.ge [sflag:s29], $0x2000  }
0x189: {  	[sflag:s29] =	ssyncset.done $0x0  }
0x18a: {  	s11 =	simm.s32 $0x10040;
	[sflag:s29] =	ssyncadd.s32 $0xFFFFE000  }
0x18b: {  	v0 =	vld [tilespmem:s11+$0x30]  }
0x18c: {  	v1 =	vld [tilespmem:s11+$0xFFFFFFD0]  }
0x18d: {  	v2 =	vld [tilespmem:s11+$0xFFFFFFE0]  }
0x18e: {  	v3 =	vld [tilespmem:s11+$0xFFFFFFF0]  }
0x18f: {  	v4 =	vld [tilespmem:s11+$0x0]  }
0x190: {  	v6 =	vld [tilespmem:s11+$0x10]  }
0x191: {  	v7 =	vld [tilespmem:s11+$0x20]  }
0x192: {  	v8 =	vld [tilespmem:s11+$0xFFFFFFC0]  }
0x193: {  	v9 =	vld.idx.msk [tilespmem:v0+s4+$0x0], $0xffff  }
0x194: {  	v10 =	vld.idx.msk [tilespmem:v1+s4+$0x0], $0xffff  }
0x195: {  	v5 =	vld.idx.msk [tilespmem:v2+s4+$0x0], $0xffff  }
0x196: {  	v3 =	vld.idx.msk [tilespmem:v3+s4+$0x0], $0xffff  }
0x197: {  	v0 =	vld.idx.msk [tilespmem:v4+s4+$0x0], $0xffff  }
0x198: {  	s0 =	simm.s32 $0x14040;
	v1 =	vld.idx.msk [tilespmem:v6+s4+$0x0], $0xffff  }
0x199: {  	v2 =	vld.idx.msk [tilespmem:v7+s4+$0x0], $0xffff;
	[tilespmem:s0+$0x30] =	vst v9  }
0x19a: {  	s2 =	simm.s32 $0x0;
	s8 =	simm.s32 $0x100C0;
	v4 =	vld.idx.msk [tilespmem:v8+s4+$0x0], $0xffff;
	[tilespmem:s0+$0xFFFFFFD0] =	vst v10  }
.LBB2_17:
0x19b: {  	v6 =	vld [tilespmem:s8+$0x30];
	s2 =	sadd.s32 $0x8, s2;
	[tilespmem:s0+$0xFFFFFFE0] =	vst v5  }
0x19c: {  	v5 =	vld [tilespmem:s8+$0xFFFFFFD0];
	p0 =	slt.u32 s2, $0x1F8;
	[tilespmem:s0+$0xFFFFFFF0] =	vst v3  }
0x19d: {  	v3 =	vld [tilespmem:s8+$0xFFFFFFE0];
	[tilespmem:s0+$0x0] =	vst v0  }
0x19e: {  	v0 =	vld [tilespmem:s8+$0xFFFFFFF0];
	[tilespmem:s0+$0x10] =	vst v1  }
0x19f: {  	v1 =	vld [tilespmem:s8+$0x0];
	[tilespmem:s0+$0x20] =	vst v2  }
0x1a0: {  	v2 =	vld [tilespmem:s8+$0x10];
	[tilespmem:s0+$0xFFFFFFC0] =	vst v4  }
0x1a1: {  	v4 =	vld [tilespmem:s8+$0x20]  }
0x1a2: {  	v7 =	vld [tilespmem:s8+$0xFFFFFFC0]  }
0x1a3: {  	v6 =	vld.idx.msk [tilespmem:v6+s4+$0x0], $0xffff  }
0x1a4: {  	v8 =	vld.idx.msk [tilespmem:v5+s4+$0x0], $0xffff  }
0x1a5: {  	v5 =	vld.idx.msk [tilespmem:v3+s4+$0x0], $0xffff  }
.Ltmp12:
0x1a6: {  	v3 =	vld.idx.msk [tilespmem:v0+s4+$0x0], $0xffff;
	(pc) =	sbr.rel @p0 .LBB2_17-.Ltmp12, $4  }
0x1a7: {  	v0 =	vld.idx.msk [tilespmem:v1+s4+$0x0], $0xffff  }
0x1a8: {  	s0 =	sadd.s32 $0x80, s0;
	v1 =	vld.idx.msk [tilespmem:v2+s4+$0x0], $0xffff  }
0x1a9: {  	v2 =	vld.idx.msk [tilespmem:v4+s4+$0x0], $0xffff;
	[tilespmem:s0+$0x30] =	vst v6  }
0x1aa: {  	s8 =	sadd.s32 $0x80, s8;
	v4 =	vld.idx.msk [tilespmem:v7+s4+$0x0], $0xffff;
	[tilespmem:s0+$0xFFFFFFD0] =	vst v8  }
0x1ab: {  	[tilespmem:s0+$0xFFFFFFE0] =	vst v5  }
0x1ac: {  	[tilespmem:s0+$0xFFFFFFF0] =	vst v3  }
0x1ad: {  	[tilespmem:s0+$0x0] =	vst v0  }
0x1ae: {  	[tilespmem:s0+$0x10] =	vst v1  }
0x1af: {  	[tilespmem:s0+$0x20] =	vst v2  }
0x1b0: {  	[tilespmem:s0+$0xFFFFFFC0] =	vst v4  }
0x1b1: {  	s0 =	rddreg [dreg:$0x11]  }
0x1b2: {  	s8 =	sld [smem:$0x7F7]  }
0x1b3: {  	s0 =	sadd.s32 s23, s0  }
0x1b4: {  	[hbm4b:s0+s10] =	stream.strided.scatter [tilespmem:s22], [sflag:$0x5], $0x2000, s12, s10, $0x38;
	[tilespmem:$0x1D000] =	vst v63  }
0x1b5: {  	s0 =	sadd.s32 s30, s8  }
0x1b6: {  	[tilespmem:s14], [sflag:$0x3] =	stream.strided.gather [hbm4b:s0+s10], $0x2000, s12, s10, $0x38;
	[tilespmem:$0x1D000] =	vst v63  }
0x1b7: {  	_ =	swait.ge [sflag:s24], $0x2000  }
0x1b8: {  	[sflag:s24] =	ssyncset.done $0x0  }
0x1b9: {  	[sflag:s24] =	ssyncadd.s32 $0xFFFFE000  }
0x1ba: {  	_ =	swait.ge [sflag:s31], $0x2000  }
0x1bb: {  	[sflag:s31] =	ssyncset.done $0x0  }
0x1bc: {  	s11 =	simm.s32 $0x12040;
	[sflag:s31] =	ssyncadd.s32 $0xFFFFE000  }
0x1bd: {  	v0 =	vld [tilespmem:s11+$0x30]  }
0x1be: {  	v1 =	vld [tilespmem:s11+$0xFFFFFFD0]  }
0x1bf: {  	v2 =	vld [tilespmem:s11+$0xFFFFFFE0]  }
0x1c0: {  	v3 =	vld [tilespmem:s11+$0xFFFFFFF0]  }
0x1c1: {  	v4 =	vld [tilespmem:s11+$0x0]  }
0x1c2: {  	v6 =	vld [tilespmem:s11+$0x10]  }
0x1c3: {  	v7 =	vld [tilespmem:s11+$0x20]  }
0x1c4: {  	v8 =	vld [tilespmem:s11+$0xFFFFFFC0]  }
0x1c5: {  	v9 =	vld.idx.msk [tilespmem:v0+s4+$0x0], $0xffff  }
0x1c6: {  	v10 =	vld.idx.msk [tilespmem:v1+s4+$0x0], $0xffff  }
0x1c7: {  	v5 =	vld.idx.msk [tilespmem:v2+s4+$0x0], $0xffff  }
0x1c8: {  	v3 =	vld.idx.msk [tilespmem:v3+s4+$0x0], $0xffff  }
0x1c9: {  	v0 =	vld.idx.msk [tilespmem:v4+s4+$0x0], $0xffff  }
0x1ca: {  	s0 =	simm.s32 $0x16040;
	v1 =	vld.idx.msk [tilespmem:v6+s4+$0x0], $0xffff  }
0x1cb: {  	v2 =	vld.idx.msk [tilespmem:v7+s4+$0x0], $0xffff;
	[tilespmem:s0+$0x30] =	vst v9  }
0x1cc: {  	s2 =	simm.s32 $0x0;
	s8 =	simm.s32 $0x120C0;
	v4 =	vld.idx.msk [tilespmem:v8+s4+$0x0], $0xffff;
	[tilespmem:s0+$0xFFFFFFD0] =	vst v10  }
.LBB2_19:
0x1cd: {  	v6 =	vld [tilespmem:s8+$0x30];
	s2 =	sadd.s32 $0x8, s2;
	[tilespmem:s0+$0xFFFFFFE0] =	vst v5  }
0x1ce: {  	v5 =	vld [tilespmem:s8+$0xFFFFFFD0];
	p0 =	slt.u32 s2, $0x1F8;
	[tilespmem:s0+$0xFFFFFFF0] =	vst v3  }
0x1cf: {  	v3 =	vld [tilespmem:s8+$0xFFFFFFE0];
	[tilespmem:s0+$0x0] =	vst v0  }
0x1d0: {  	v0 =	vld [tilespmem:s8+$0xFFFFFFF0];
	[tilespmem:s0+$0x10] =	vst v1  }
0x1d1: {  	v1 =	vld [tilespmem:s8+$0x0];
	[tilespmem:s0+$0x20] =	vst v2  }
0x1d2: {  	v2 =	vld [tilespmem:s8+$0x10];
	[tilespmem:s0+$0xFFFFFFC0] =	vst v4  }
0x1d3: {  	v4 =	vld [tilespmem:s8+$0x20]  }
0x1d4: {  	v7 =	vld [tilespmem:s8+$0xFFFFFFC0]  }
0x1d5: {  	v6 =	vld.idx.msk [tilespmem:v6+s4+$0x0], $0xffff  }
0x1d6: {  	v8 =	vld.idx.msk [tilespmem:v5+s4+$0x0], $0xffff  }
0x1d7: {  	v5 =	vld.idx.msk [tilespmem:v3+s4+$0x0], $0xffff  }
.Ltmp13:
0x1d8: {  	v3 =	vld.idx.msk [tilespmem:v0+s4+$0x0], $0xffff;
	(pc) =	sbr.rel @p0 .LBB2_19-.Ltmp13, $4  }
0x1d9: {  	v0 =	vld.idx.msk [tilespmem:v1+s4+$0x0], $0xffff  }
0x1da: {  	s0 =	sadd.s32 $0x80, s0;
	v1 =	vld.idx.msk [tilespmem:v2+s4+$0x0], $0xffff  }
0x1db: {  	v2 =	vld.idx.msk [tilespmem:v4+s4+$0x0], $0xffff;
	[tilespmem:s0+$0x30] =	vst v6  }
0x1dc: {  	s8 =	sadd.s32 $0x80, s8;
	v4 =	vld.idx.msk [tilespmem:v7+s4+$0x0], $0xffff;
	[tilespmem:s0+$0xFFFFFFD0] =	vst v8  }
0x1dd: {  	[tilespmem:s0+$0xFFFFFFE0] =	vst v5  }
0x1de: {  	[tilespmem:s0+$0xFFFFFFF0] =	vst v3  }
0x1df: {  	[tilespmem:s0+$0x0] =	vst v0  }
0x1e0: {  	[tilespmem:s0+$0x10] =	vst v1  }
0x1e1: {  	[tilespmem:s0+$0x20] =	vst v2  }
0x1e2: {  	[tilespmem:s0+$0xFFFFFFC0] =	vst v4  }
0x1e3: {  	s0 =	rddreg [dreg:$0x13]  }
0x1e4: {  	s8 =	sld [smem:$0x7F8]  }
0x1e5: {  	s0 =	sadd.s32 s23, s0  }
0x1e6: {  	[hbm4b:s0+s10] =	stream.strided.scatter [tilespmem:s26], [sflag:$0x6], $0x2000, s12, s10, $0x38;
	[tilespmem:$0x1D000] =	vst v63  }
0x1e7: {  	s0 =	sadd.s32 s30, s8  }
0x1e8: {  	[tilespmem:s18], [sflag:$0x4] =	stream.strided.gather [hbm4b:s0+s10], $0x2000, s12, s10, $0x38;
	[tilespmem:$0x1D000] =	vst v63  }
0x1e9: {  	_ =	swait.ge [sflag:s20], $0x2000  }
0x1ea: {  	[sflag:s20] =	ssyncset.done $0x0  }
0x1eb: {  	[sflag:s20] =	ssyncadd.s32 $0xFFFFE000  }
0x1ec: {  	_ =	swait.ge [sflag:s29], $0x2000  }
0x1ed: {  	[sflag:s29] =	ssyncset.done $0x0  }
0x1ee: {  	s11 =	simm.s32 $0x10040;
	[sflag:s29] =	ssyncadd.s32 $0xFFFFE000  }
0x1ef: {  	v0 =	vld [tilespmem:s11+$0x30]  }
0x1f0: {  	v1 =	vld [tilespmem:s11+$0xFFFFFFD0]  }
0x1f1: {  	v2 =	vld [tilespmem:s11+$0xFFFFFFE0]  }
0x1f2: {  	v3 =	vld [tilespmem:s11+$0xFFFFFFF0]  }
0x1f3: {  	v4 =	vld [tilespmem:s11+$0x0]  }
0x1f4: {  	v6 =	vld [tilespmem:s11+$0x10]  }
0x1f5: {  	v7 =	vld [tilespmem:s11+$0x20]  }
0x1f6: {  	v8 =	vld [tilespmem:s11+$0xFFFFFFC0]  }
0x1f7: {  	v9 =	vld.idx.msk [tilespmem:v0+s4+$0x0], $0xffff  }
0x1f8: {  	v10 =	vld.idx.msk [tilespmem:v1+s4+$0x0], $0xffff  }
0x1f9: {  	v5 =	vld.idx.msk [tilespmem:v2+s4+$0x0], $0xffff  }
0x1fa: {  	v3 =	vld.idx.msk [tilespmem:v3+s4+$0x0], $0xffff  }
0x1fb: {  	v0 =	vld.idx.msk [tilespmem:v4+s4+$0x0], $0xffff  }
0x1fc: {  	s0 =	simm.s32 $0x14040;
	v1 =	vld.idx.msk [tilespmem:v6+s4+$0x0], $0xffff  }
0x1fd: {  	v2 =	vld.idx.msk [tilespmem:v7+s4+$0x0], $0xffff;
	[tilespmem:s0+$0x30] =	vst v9  }
0x1fe: {  	s2 =	simm.s32 $0x0;
	s8 =	simm.s32 $0x100C0;
	v4 =	vld.idx.msk [tilespmem:v8+s4+$0x0], $0xffff;
	[tilespmem:s0+$0xFFFFFFD0] =	vst v10  }
.LBB2_21:
0x1ff: {  	v6 =	vld [tilespmem:s8+$0x30];
	s2 =	sadd.s32 $0x8, s2;
	[tilespmem:s0+$0xFFFFFFE0] =	vst v5  }
0x200: {  	v5 =	vld [tilespmem:s8+$0xFFFFFFD0];
	p0 =	slt.u32 s2, $0x1F8;
	[tilespmem:s0+$0xFFFFFFF0] =	vst v3  }
0x201: {  	v3 =	vld [tilespmem:s8+$0xFFFFFFE0];
	[tilespmem:s0+$0x0] =	vst v0  }
0x202: {  	v0 =	vld [tilespmem:s8+$0xFFFFFFF0];
	[tilespmem:s0+$0x10] =	vst v1  }
0x203: {  	v1 =	vld [tilespmem:s8+$0x0];
	[tilespmem:s0+$0x20] =	vst v2  }
0x204: {  	v2 =	vld [tilespmem:s8+$0x10];
	[tilespmem:s0+$0xFFFFFFC0] =	vst v4  }
0x205: {  	v4 =	vld [tilespmem:s8+$0x20]  }
0x206: {  	v7 =	vld [tilespmem:s8+$0xFFFFFFC0]  }
0x207: {  	v6 =	vld.idx.msk [tilespmem:v6+s4+$0x0], $0xffff  }
0x208: {  	v8 =	vld.idx.msk [tilespmem:v5+s4+$0x0], $0xffff  }
0x209: {  	v5 =	vld.idx.msk [tilespmem:v3+s4+$0x0], $0xffff  }
.Ltmp14:
0x20a: {  	v3 =	vld.idx.msk [tilespmem:v0+s4+$0x0], $0xffff;
	(pc) =	sbr.rel @p0 .LBB2_21-.Ltmp14, $4  }
0x20b: {  	v0 =	vld.idx.msk [tilespmem:v1+s4+$0x0], $0xffff  }
0x20c: {  	s0 =	sadd.s32 $0x80, s0;
	v1 =	vld.idx.msk [tilespmem:v2+s4+$0x0], $0xffff  }
0x20d: {  	v2 =	vld.idx.msk [tilespmem:v4+s4+$0x0], $0xffff;
	[tilespmem:s0+$0x30] =	vst v6  }
0x20e: {  	s8 =	sadd.s32 $0x80, s8;
	v4 =	vld.idx.msk [tilespmem:v7+s4+$0x0], $0xffff;
	[tilespmem:s0+$0xFFFFFFD0] =	vst v8  }
0x20f: {  	[tilespmem:s0+$0xFFFFFFE0] =	vst v5  }
0x210: {  	[tilespmem:s0+$0xFFFFFFF0] =	vst v3  }
0x211: {  	[tilespmem:s0+$0x0] =	vst v0  }
0x212: {  	[tilespmem:s0+$0x10] =	vst v1  }
0x213: {  	[tilespmem:s0+$0x20] =	vst v2  }
0x214: {  	[tilespmem:s0+$0xFFFFFFC0] =	vst v4  }
0x215: {  	s0 =	rddreg [dreg:$0x15]  }
0x216: {  	s8 =	sld [smem:$0x7F9]  }
0x217: {  	s0 =	sadd.s32 s23, s0  }
0x218: {  	[hbm4b:s0+s10] =	stream.strided.scatter [tilespmem:s22], [sflag:$0x5], $0x2000, s12, s10, $0x38;
	[tilespmem:$0x1D000] =	vst v63  }
0x219: {  	s0 =	sadd.s32 s30, s8  }
0x21a: {  	[tilespmem:s14], [sflag:$0x3] =	stream.strided.gather [hbm4b:s0+s10], $0x2000, s12, s10, $0x38;
	[tilespmem:$0x1D000] =	vst v63  }
0x21b: {  	_ =	swait.ge [sflag:s24], $0x2000  }
0x21c: {  	[sflag:s24] =	ssyncset.done $0x0  }
0x21d: {  	[sflag:s24] =	ssyncadd.s32 $0xFFFFE000  }
0x21e: {  	_ =	swait.ge [sflag:s31], $0x2000  }
0x21f: {  	[sflag:s31] =	ssyncset.done $0x0  }
0x220: {  	s11 =	simm.s32 $0x12040;
	[sflag:s31] =	ssyncadd.s32 $0xFFFFE000  }
0x221: {  	v0 =	vld [tilespmem:s11+$0x30]  }
0x222: {  	v1 =	vld [tilespmem:s11+$0xFFFFFFD0]  }
0x223: {  	v2 =	vld [tilespmem:s11+$0xFFFFFFE0]  }
0x224: {  	v3 =	vld [tilespmem:s11+$0xFFFFFFF0]  }
0x225: {  	v4 =	vld [tilespmem:s11+$0x0]  }
0x226: {  	v6 =	vld [tilespmem:s11+$0x10]  }
0x227: {  	v7 =	vld [tilespmem:s11+$0x20]  }
0x228: {  	v8 =	vld [tilespmem:s11+$0xFFFFFFC0]  }
0x229: {  	v9 =	vld.idx.msk [tilespmem:v0+s4+$0x0], $0xffff  }
0x22a: {  	v10 =	vld.idx.msk [tilespmem:v1+s4+$0x0], $0xffff  }
0x22b: {  	v5 =	vld.idx.msk [tilespmem:v2+s4+$0x0], $0xffff  }
0x22c: {  	v3 =	vld.idx.msk [tilespmem:v3+s4+$0x0], $0xffff  }
0x22d: {  	v0 =	vld.idx.msk [tilespmem:v4+s4+$0x0], $0xffff  }
0x22e: {  	s0 =	simm.s32 $0x16040;
	v1 =	vld.idx.msk [tilespmem:v6+s4+$0x0], $0xffff  }
0x22f: {  	v2 =	vld.idx.msk [tilespmem:v7+s4+$0x0], $0xffff;
	[tilespmem:s0+$0x30] =	vst v9  }
0x230: {  	s2 =	simm.s32 $0x0;
	s8 =	simm.s32 $0x120C0;
	v4 =	vld.idx.msk [tilespmem:v8+s4+$0x0], $0xffff;
	[tilespmem:s0+$0xFFFFFFD0] =	vst v10  }
.LBB2_23:
0x231: {  	v6 =	vld [tilespmem:s8+$0x30];
	s2 =	sadd.s32 $0x8, s2;
	[tilespmem:s0+$0xFFFFFFE0] =	vst v5  }
0x232: {  	v5 =	vld [tilespmem:s8+$0xFFFFFFD0];
	p0 =	slt.u32 s2, $0x1F8;
	[tilespmem:s0+$0xFFFFFFF0] =	vst v3  }
0x233: {  	v3 =	vld [tilespmem:s8+$0xFFFFFFE0];
	[tilespmem:s0+$0x0] =	vst v0  }
0x234: {  	v0 =	vld [tilespmem:s8+$0xFFFFFFF0];
	[tilespmem:s0+$0x10] =	vst v1  }
0x235: {  	v1 =	vld [tilespmem:s8+$0x0];
	[tilespmem:s0+$0x20] =	vst v2  }
0x236: {  	v2 =	vld [tilespmem:s8+$0x10];
	[tilespmem:s0+$0xFFFFFFC0] =	vst v4  }
0x237: {  	v4 =	vld [tilespmem:s8+$0x20]  }
0x238: {  	v7 =	vld [tilespmem:s8+$0xFFFFFFC0]  }
0x239: {  	v6 =	vld.idx.msk [tilespmem:v6+s4+$0x0], $0xffff  }
0x23a: {  	v8 =	vld.idx.msk [tilespmem:v5+s4+$0x0], $0xffff  }
0x23b: {  	v5 =	vld.idx.msk [tilespmem:v3+s4+$0x0], $0xffff  }
.Ltmp15:
0x23c: {  	v3 =	vld.idx.msk [tilespmem:v0+s4+$0x0], $0xffff;
	(pc) =	sbr.rel @p0 .LBB2_23-.Ltmp15, $4  }
0x23d: {  	v0 =	vld.idx.msk [tilespmem:v1+s4+$0x0], $0xffff  }
0x23e: {  	s0 =	sadd.s32 $0x80, s0;
	v1 =	vld.idx.msk [tilespmem:v2+s4+$0x0], $0xffff  }
0x23f: {  	v2 =	vld.idx.msk [tilespmem:v4+s4+$0x0], $0xffff;
	[tilespmem:s0+$0x30] =	vst v6  }
0x240: {  	s8 =	sadd.s32 $0x80, s8;
	v4 =	vld.idx.msk [tilespmem:v7+s4+$0x0], $0xffff;
	[tilespmem:s0+$0xFFFFFFD0] =	vst v8  }
0x241: {  	[tilespmem:s0+$0xFFFFFFE0] =	vst v5  }
0x242: {  	[tilespmem:s0+$0xFFFFFFF0] =	vst v3  }
0x243: {  	[tilespmem:s0+$0x0] =	vst v0  }
0x244: {  	[tilespmem:s0+$0x10] =	vst v1  }
0x245: {  	[tilespmem:s0+$0x20] =	vst v2  }
0x246: {  	[tilespmem:s0+$0xFFFFFFC0] =	vst v4  }
0x247: {  	s0 =	rddreg [dreg:$0x17]  }
0x248: {  	s8 =	sld [smem:$0x7FA]  }
0x249: {  	s0 =	sadd.s32 s23, s0  }
0x24a: {  	[hbm4b:s0+s10] =	stream.strided.scatter [tilespmem:s26], [sflag:$0x6], $0x2000, s12, s10, $0x38;
	[tilespmem:$0x1D000] =	vst v63  }
0x24b: {  	s0 =	sadd.s32 s30, s8  }
0x24c: {  	[tilespmem:s18], [sflag:$0x4] =	stream.strided.gather [hbm4b:s0+s10], $0x2000, s12, s10, $0x38;
	[tilespmem:$0x1D000] =	vst v63  }
0x24d: {  	_ =	swait.ge [sflag:s20], $0x2000  }
0x24e: {  	[sflag:s20] =	ssyncset.done $0x0  }
0x24f: {  	[sflag:s20] =	ssyncadd.s32 $0xFFFFE000  }
0x250: {  	_ =	swait.ge [sflag:s29], $0x2000  }
0x251: {  	[sflag:s29] =	ssyncset.done $0x0  }
0x252: {  	s11 =	simm.s32 $0x10040;
	[sflag:s29] =	ssyncadd.s32 $0xFFFFE000  }
0x253: {  	v0 =	vld [tilespmem:s11+$0x30]  }
0x254: {  	v1 =	vld [tilespmem:s11+$0xFFFFFFD0]  }
0x255: {  	v2 =	vld [tilespmem:s11+$0xFFFFFFE0]  }
0x256: {  	v3 =	vld [tilespmem:s11+$0xFFFFFFF0]  }
0x257: {  	v4 =	vld [tilespmem:s11+$0x0]  }
0x258: {  	v6 =	vld [tilespmem:s11+$0x10]  }
0x259: {  	v7 =	vld [tilespmem:s11+$0x20]  }
0x25a: {  	v8 =	vld [tilespmem:s11+$0xFFFFFFC0]  }
0x25b: {  	v9 =	vld.idx.msk [tilespmem:v0+s4+$0x0], $0xffff  }
0x25c: {  	v10 =	vld.idx.msk [tilespmem:v1+s4+$0x0], $0xffff  }
0x25d: {  	v5 =	vld.idx.msk [tilespmem:v2+s4+$0x0], $0xffff  }
0x25e: {  	v3 =	vld.idx.msk [tilespmem:v3+s4+$0x0], $0xffff  }
0x25f: {  	v0 =	vld.idx.msk [tilespmem:v4+s4+$0x0], $0xffff  }
0x260: {  	s0 =	simm.s32 $0x14040;
	v1 =	vld.idx.msk [tilespmem:v6+s4+$0x0], $0xffff  }
0x261: {  	v2 =	vld.idx.msk [tilespmem:v7+s4+$0x0], $0xffff;
	[tilespmem:s0+$0x30] =	vst v9  }
0x262: {  	s2 =	simm.s32 $0x0;
	s8 =	simm.s32 $0x100C0;
	v4 =	vld.idx.msk [tilespmem:v8+s4+$0x0], $0xffff;
	[tilespmem:s0+$0xFFFFFFD0] =	vst v10  }
.LBB2_25:
0x263: {  	v6 =	vld [tilespmem:s8+$0x30];
	s2 =	sadd.s32 $0x8, s2;
	[tilespmem:s0+$0xFFFFFFE0] =	vst v5  }
0x264: {  	v5 =	vld [tilespmem:s8+$0xFFFFFFD0];
	p0 =	slt.u32 s2, $0x1F8;
	[tilespmem:s0+$0xFFFFFFF0] =	vst v3  }
0x265: {  	v3 =	vld [tilespmem:s8+$0xFFFFFFE0];
	[tilespmem:s0+$0x0] =	vst v0  }
0x266: {  	v0 =	vld [tilespmem:s8+$0xFFFFFFF0];
	[tilespmem:s0+$0x10] =	vst v1  }
0x267: {  	v1 =	vld [tilespmem:s8+$0x0];
	[tilespmem:s0+$0x20] =	vst v2  }
0x268: {  	v2 =	vld [tilespmem:s8+$0x10];
	[tilespmem:s0+$0xFFFFFFC0] =	vst v4  }
0x269: {  	v4 =	vld [tilespmem:s8+$0x20]  }
0x26a: {  	v7 =	vld [tilespmem:s8+$0xFFFFFFC0]  }
0x26b: {  	v6 =	vld.idx.msk [tilespmem:v6+s4+$0x0], $0xffff  }
0x26c: {  	v8 =	vld.idx.msk [tilespmem:v5+s4+$0x0], $0xffff  }
0x26d: {  	v5 =	vld.idx.msk [tilespmem:v3+s4+$0x0], $0xffff  }
.Ltmp16:
0x26e: {  	v3 =	vld.idx.msk [tilespmem:v0+s4+$0x0], $0xffff;
	(pc) =	sbr.rel @p0 .LBB2_25-.Ltmp16, $4  }
0x26f: {  	v0 =	vld.idx.msk [tilespmem:v1+s4+$0x0], $0xffff  }
0x270: {  	s0 =	sadd.s32 $0x80, s0;
	v1 =	vld.idx.msk [tilespmem:v2+s4+$0x0], $0xffff  }
0x271: {  	v2 =	vld.idx.msk [tilespmem:v4+s4+$0x0], $0xffff;
	[tilespmem:s0+$0x30] =	vst v6  }
0x272: {  	s8 =	sadd.s32 $0x80, s8;
	v4 =	vld.idx.msk [tilespmem:v7+s4+$0x0], $0xffff;
	[tilespmem:s0+$0xFFFFFFD0] =	vst v8  }
0x273: {  	[tilespmem:s0+$0xFFFFFFE0] =	vst v5  }
0x274: {  	[tilespmem:s0+$0xFFFFFFF0] =	vst v3  }
0x275: {  	[tilespmem:s0+$0x0] =	vst v0  }
0x276: {  	[tilespmem:s0+$0x10] =	vst v1  }
0x277: {  	[tilespmem:s0+$0x20] =	vst v2  }
0x278: {  	[tilespmem:s0+$0xFFFFFFC0] =	vst v4  }
0x279: {  	s0 =	rddreg [dreg:$0x19]  }
0x27a: {  	s8 =	sld [smem:$0x7FB]  }
0x27b: {  	s0 =	sadd.s32 s23, s0  }
0x27c: {  	[hbm4b:s0+s10] =	stream.strided.scatter [tilespmem:s22], [sflag:$0x5], $0x2000, s12, s10, $0x38;
	[tilespmem:$0x1D000] =	vst v63  }
0x27d: {  	s0 =	sadd.s32 s30, s8  }
0x27e: {  	[tilespmem:s14], [sflag:$0x3] =	stream.strided.gather [hbm4b:s0+s10], $0x2000, s12, s10, $0x38;
	[tilespmem:$0x1D000] =	vst v63  }
0x27f: {  	_ =	swait.ge [sflag:s24], $0x2000  }
0x280: {  	[sflag:s24] =	ssyncset.done $0x0  }
0x281: {  	[sflag:s24] =	ssyncadd.s32 $0xFFFFE000  }
0x282: {  	_ =	swait.ge [sflag:s31], $0x2000  }
0x283: {  	[sflag:s31] =	ssyncset.done $0x0  }
0x284: {  	s11 =	simm.s32 $0x12040;
	[sflag:s31] =	ssyncadd.s32 $0xFFFFE000  }
0x285: {  	v0 =	vld [tilespmem:s11+$0x30]  }
0x286: {  	v1 =	vld [tilespmem:s11+$0xFFFFFFD0]  }
0x287: {  	v2 =	vld [tilespmem:s11+$0xFFFFFFE0]  }
0x288: {  	v3 =	vld [tilespmem:s11+$0xFFFFFFF0]  }
0x289: {  	v4 =	vld [tilespmem:s11+$0x0]  }
0x28a: {  	v6 =	vld [tilespmem:s11+$0x10]  }
0x28b: {  	v7 =	vld [tilespmem:s11+$0x20]  }
0x28c: {  	v8 =	vld [tilespmem:s11+$0xFFFFFFC0]  }
0x28d: {  	v9 =	vld.idx.msk [tilespmem:v0+s4+$0x0], $0xffff  }
0x28e: {  	v10 =	vld.idx.msk [tilespmem:v1+s4+$0x0], $0xffff  }
0x28f: {  	v5 =	vld.idx.msk [tilespmem:v2+s4+$0x0], $0xffff  }
0x290: {  	v3 =	vld.idx.msk [tilespmem:v3+s4+$0x0], $0xffff  }
0x291: {  	v0 =	vld.idx.msk [tilespmem:v4+s4+$0x0], $0xffff  }
0x292: {  	s0 =	simm.s32 $0x16040;
	v1 =	vld.idx.msk [tilespmem:v6+s4+$0x0], $0xffff  }
0x293: {  	v2 =	vld.idx.msk [tilespmem:v7+s4+$0x0], $0xffff;
	[tilespmem:s0+$0x30] =	vst v9  }
0x294: {  	s2 =	simm.s32 $0x0;
	s8 =	simm.s32 $0x120C0;
	v4 =	vld.idx.msk [tilespmem:v8+s4+$0x0], $0xffff;
	[tilespmem:s0+$0xFFFFFFD0] =	vst v10  }
.LBB2_27:
0x295: {  	v6 =	vld [tilespmem:s8+$0x30];
	s2 =	sadd.s32 $0x8, s2;
	[tilespmem:s0+$0xFFFFFFE0] =	vst v5  }
0x296: {  	v5 =	vld [tilespmem:s8+$0xFFFFFFD0];
	p0 =	slt.u32 s2, $0x1F8;
	[tilespmem:s0+$0xFFFFFFF0] =	vst v3  }
0x297: {  	v3 =	vld [tilespmem:s8+$0xFFFFFFE0];
	[tilespmem:s0+$0x0] =	vst v0  }
0x298: {  	v0 =	vld [tilespmem:s8+$0xFFFFFFF0];
	[tilespmem:s0+$0x10] =	vst v1  }
0x299: {  	v1 =	vld [tilespmem:s8+$0x0];
	[tilespmem:s0+$0x20] =	vst v2  }
0x29a: {  	v2 =	vld [tilespmem:s8+$0x10];
	[tilespmem:s0+$0xFFFFFFC0] =	vst v4  }
0x29b: {  	v4 =	vld [tilespmem:s8+$0x20]  }
0x29c: {  	v7 =	vld [tilespmem:s8+$0xFFFFFFC0]  }
0x29d: {  	v6 =	vld.idx.msk [tilespmem:v6+s4+$0x0], $0xffff  }
0x29e: {  	v8 =	vld.idx.msk [tilespmem:v5+s4+$0x0], $0xffff  }
0x29f: {  	v5 =	vld.idx.msk [tilespmem:v3+s4+$0x0], $0xffff  }
.Ltmp17:
0x2a0: {  	v3 =	vld.idx.msk [tilespmem:v0+s4+$0x0], $0xffff;
	(pc) =	sbr.rel @p0 .LBB2_27-.Ltmp17, $4  }
0x2a1: {  	v0 =	vld.idx.msk [tilespmem:v1+s4+$0x0], $0xffff  }
0x2a2: {  	s0 =	sadd.s32 $0x80, s0;
	v1 =	vld.idx.msk [tilespmem:v2+s4+$0x0], $0xffff  }
0x2a3: {  	v2 =	vld.idx.msk [tilespmem:v4+s4+$0x0], $0xffff;
	[tilespmem:s0+$0x30] =	vst v6  }
0x2a4: {  	s8 =	sadd.s32 $0x80, s8;
	v4 =	vld.idx.msk [tilespmem:v7+s4+$0x0], $0xffff;
	[tilespmem:s0+$0xFFFFFFD0] =	vst v8  }
0x2a5: {  	[tilespmem:s0+$0xFFFFFFE0] =	vst v5  }
0x2a6: {  	[tilespmem:s0+$0xFFFFFFF0] =	vst v3  }
0x2a7: {  	[tilespmem:s0+$0x0] =	vst v0  }
0x2a8: {  	[tilespmem:s0+$0x10] =	vst v1  }
0x2a9: {  	[tilespmem:s0+$0x20] =	vst v2  }
0x2aa: {  	[tilespmem:s0+$0xFFFFFFC0] =	vst v4  }
0x2ab: {  	s0 =	rddreg [dreg:$0x1b]  }
0x2ac: {  	s11 =	sld [smem:$0x7FC]  }
0x2ad: {  	s0 =	sadd.s32 s23, s0  }
0x2ae: {  	[hbm4b:s0+s10] =	stream.strided.scatter [tilespmem:s26], [sflag:$0x6], $0x2000, s12, s10, $0x38;
	[tilespmem:$0x1D000] =	vst v63  }
0x2af: {  	s0 =	sadd.s32 s30, s11  }
0x2b0: {  	[tilespmem:s18], [sflag:$0x4] =	stream.strided.gather [hbm4b:s0+s10], $0x2000, s12, s10, $0x38;
	[tilespmem:$0x1D000] =	vst v63  }
0x2b1: {  	_ =	swait.ge [sflag:s20], $0x2000  }
0x2b2: {  	[sflag:s20] =	ssyncset.done $0x0  }
0x2b3: {  	[sflag:s20] =	ssyncadd.s32 $0xFFFFE000  }
0x2b4: {  	_ =	swait.ge [sflag:s29], $0x2000  }
0x2b5: {  	[sflag:s29] =	ssyncset.done $0x0  }
0x2b6: {  	s30 =	simm.s32 $0x10040;
	[sflag:s29] =	ssyncadd.s32 $0xFFFFE000  }
0x2b7: {  	v0 =	vld [tilespmem:s30+$0x30]  }
0x2b8: {  	v1 =	vld [tilespmem:s30+$0xFFFFFFD0]  }
0x2b9: {  	v2 =	vld [tilespmem:s30+$0xFFFFFFE0]  }
0x2ba: {  	v3 =	vld [tilespmem:s30+$0xFFFFFFF0]  }
0x2bb: {  	v4 =	vld [tilespmem:s30+$0x0]  }
0x2bc: {  	v6 =	vld [tilespmem:s30+$0x10]  }
0x2bd: {  	v7 =	vld [tilespmem:s30+$0x20]  }
0x2be: {  	v8 =	vld [tilespmem:s30+$0xFFFFFFC0]  }
0x2bf: {  	v9 =	vld.idx.msk [tilespmem:v0+s4+$0x0], $0xffff  }
0x2c0: {  	v10 =	vld.idx.msk [tilespmem:v1+s4+$0x0], $0xffff  }
0x2c1: {  	v5 =	vld.idx.msk [tilespmem:v2+s4+$0x0], $0xffff  }
0x2c2: {  	v3 =	vld.idx.msk [tilespmem:v3+s4+$0x0], $0xffff  }
0x2c3: {  	v0 =	vld.idx.msk [tilespmem:v4+s4+$0x0], $0xffff  }
0x2c4: {  	s0 =	simm.s32 $0x14040;
	v1 =	vld.idx.msk [tilespmem:v6+s4+$0x0], $0xffff  }
0x2c5: {  	v2 =	vld.idx.msk [tilespmem:v7+s4+$0x0], $0xffff;
	[tilespmem:s0+$0x30] =	vst v9  }
0x2c6: {  	s2 =	simm.s32 $0x0;
	s8 =	simm.s32 $0x100C0;
	v4 =	vld.idx.msk [tilespmem:v8+s4+$0x0], $0xffff;
	[tilespmem:s0+$0xFFFFFFD0] =	vst v10  }
.LBB2_29:
0x2c7: {  	v6 =	vld [tilespmem:s8+$0x30];
	s2 =	sadd.s32 $0x8, s2;
	[tilespmem:s0+$0xFFFFFFE0] =	vst v5  }
0x2c8: {  	v5 =	vld [tilespmem:s8+$0xFFFFFFD0];
	p0 =	slt.u32 s2, $0x1F8;
	[tilespmem:s0+$0xFFFFFFF0] =	vst v3  }
0x2c9: {  	v3 =	vld [tilespmem:s8+$0xFFFFFFE0];
	[tilespmem:s0+$0x0] =	vst v0  }
0x2ca: {  	v0 =	vld [tilespmem:s8+$0xFFFFFFF0];
	[tilespmem:s0+$0x10] =	vst v1  }
0x2cb: {  	v1 =	vld [tilespmem:s8+$0x0];
	[tilespmem:s0+$0x20] =	vst v2  }
0x2cc: {  	v2 =	vld [tilespmem:s8+$0x10];
	[tilespmem:s0+$0xFFFFFFC0] =	vst v4  }
0x2cd: {  	v4 =	vld [tilespmem:s8+$0x20]  }
0x2ce: {  	v7 =	vld [tilespmem:s8+$0xFFFFFFC0]  }
0x2cf: {  	v6 =	vld.idx.msk [tilespmem:v6+s4+$0x0], $0xffff  }
0x2d0: {  	v8 =	vld.idx.msk [tilespmem:v5+s4+$0x0], $0xffff  }
0x2d1: {  	v5 =	vld.idx.msk [tilespmem:v3+s4+$0x0], $0xffff  }
.Ltmp18:
0x2d2: {  	v3 =	vld.idx.msk [tilespmem:v0+s4+$0x0], $0xffff;
	(pc) =	sbr.rel @p0 .LBB2_29-.Ltmp18, $4  }
0x2d3: {  	v0 =	vld.idx.msk [tilespmem:v1+s4+$0x0], $0xffff  }
0x2d4: {  	s0 =	sadd.s32 $0x80, s0;
	v1 =	vld.idx.msk [tilespmem:v2+s4+$0x0], $0xffff  }
0x2d5: {  	v2 =	vld.idx.msk [tilespmem:v4+s4+$0x0], $0xffff;
	[tilespmem:s0+$0x30] =	vst v6  }
0x2d6: {  	s8 =	sadd.s32 $0x80, s8;
	v4 =	vld.idx.msk [tilespmem:v7+s4+$0x0], $0xffff;
	[tilespmem:s0+$0xFFFFFFD0] =	vst v8  }
0x2d7: {  	[tilespmem:s0+$0xFFFFFFE0] =	vst v5  }
0x2d8: {  	[tilespmem:s0+$0xFFFFFFF0] =	vst v3  }
0x2d9: {  	[tilespmem:s0+$0x0] =	vst v0  }
0x2da: {  	[tilespmem:s0+$0x10] =	vst v1  }
0x2db: {  	[tilespmem:s0+$0x20] =	vst v2  }
0x2dc: {  	[tilespmem:s0+$0xFFFFFFC0] =	vst v4  }
0x2dd: {  	s0 =	rddreg [dreg:$0x1d]  }
0x2de: {  	s28 =	sor.u32 s28, s25;
	s0 =	sadd.s32 s23, s0  }
0x2df: {  	[hbm4b:s0+s10] =	stream.strided.scatter [tilespmem:s22], [sflag:$0x5], $0x2000, s12, s10, $0x38;
	[tilespmem:$0x1D000] =	vst v63  }
0x2e0: {  	s0 =	sshrl.u32 s28, $0x3  }
0x2e1: {  	s2 =	sor.u32 $0x1C000, s0  }
0x2e2: {  	s2 =	sadd.s32 s16, s2  }
0x2e3: {  	[tilespmem:s14], [sflag:$0x3] =	stream.strided.gather [hbm4b:s2+s10], $0x2000, s12, s10, $0x38;
	[tilespmem:$0x1D000] =	vst v63  }
0x2e4: {  	_ =	swait.ge [sflag:s24], $0x2000  }
0x2e5: {  	[sflag:s24] =	ssyncset.done $0x0  }
0x2e6: {  	[sflag:s24] =	ssyncadd.s32 $0xFFFFE000  }
0x2e7: {  	_ =	swait.ge [sflag:s31], $0x2000  }
0x2e8: {  	[sflag:s31] =	ssyncset.done $0x0  }
0x2e9: {  	s30 =	simm.s32 $0x12040;
	[sflag:s31] =	ssyncadd.s32 $0xFFFFE000  }
0x2ea: {  	v0 =	vld [tilespmem:s30+$0x30]  }
0x2eb: {  	v1 =	vld [tilespmem:s30+$0xFFFFFFD0]  }
0x2ec: {  	v2 =	vld [tilespmem:s30+$0xFFFFFFE0]  }
0x2ed: {  	v3 =	vld [tilespmem:s30+$0xFFFFFFF0]  }
0x2ee: {  	v4 =	vld [tilespmem:s30+$0x0]  }
0x2ef: {  	v6 =	vld [tilespmem:s30+$0x10]  }
0x2f0: {  	v7 =	vld [tilespmem:s30+$0x20]  }
0x2f1: {  	v8 =	vld [tilespmem:s30+$0xFFFFFFC0]  }
0x2f2: {  	v9 =	vld.idx.msk [tilespmem:v0+s4+$0x0], $0xffff  }
0x2f3: {  	v10 =	vld.idx.msk [tilespmem:v1+s4+$0x0], $0xffff  }
0x2f4: {  	v5 =	vld.idx.msk [tilespmem:v2+s4+$0x0], $0xffff  }
0x2f5: {  	v3 =	vld.idx.msk [tilespmem:v3+s4+$0x0], $0xffff  }
0x2f6: {  	v0 =	vld.idx.msk [tilespmem:v4+s4+$0x0], $0xffff  }
0x2f7: {  	s2 =	simm.s32 $0x16040;
	v1 =	vld.idx.msk [tilespmem:v6+s4+$0x0], $0xffff  }
0x2f8: {  	v2 =	vld.idx.msk [tilespmem:v7+s4+$0x0], $0xffff;
	[tilespmem:s2+$0x30] =	vst v9  }
0x2f9: {  	s8 =	simm.s32 $0x0;
	s11 =	simm.s32 $0x120C0;
	v4 =	vld.idx.msk [tilespmem:v8+s4+$0x0], $0xffff;
	[tilespmem:s2+$0xFFFFFFD0] =	vst v10  }
.LBB2_31:
0x2fa: {  	v6 =	vld [tilespmem:s11+$0x30];
	s8 =	sadd.s32 $0x8, s8;
	[tilespmem:s2+$0xFFFFFFE0] =	vst v5  }
0x2fb: {  	v5 =	vld [tilespmem:s11+$0xFFFFFFD0];
	p0 =	slt.u32 s8, $0x1F8;
	[tilespmem:s2+$0xFFFFFFF0] =	vst v3  }
0x2fc: {  	v3 =	vld [tilespmem:s11+$0xFFFFFFE0];
	[tilespmem:s2+$0x0] =	vst v0  }
0x2fd: {  	v0 =	vld [tilespmem:s11+$0xFFFFFFF0];
	[tilespmem:s2+$0x10] =	vst v1  }
0x2fe: {  	v1 =	vld [tilespmem:s11+$0x0];
	[tilespmem:s2+$0x20] =	vst v2  }
0x2ff: {  	v2 =	vld [tilespmem:s11+$0x10];
	[tilespmem:s2+$0xFFFFFFC0] =	vst v4  }
0x300: {  	v4 =	vld [tilespmem:s11+$0x20]  }
0x301: {  	v7 =	vld [tilespmem:s11+$0xFFFFFFC0]  }
0x302: {  	v6 =	vld.idx.msk [tilespmem:v6+s4+$0x0], $0xffff  }
0x303: {  	v8 =	vld.idx.msk [tilespmem:v5+s4+$0x0], $0xffff  }
0x304: {  	v5 =	vld.idx.msk [tilespmem:v3+s4+$0x0], $0xffff  }
.Ltmp19:
0x305: {  	v3 =	vld.idx.msk [tilespmem:v0+s4+$0x0], $0xffff;
	(pc) =	sbr.rel @p0 .LBB2_31-.Ltmp19, $4  }
0x306: {  	v0 =	vld.idx.msk [tilespmem:v1+s4+$0x0], $0xffff  }
0x307: {  	s2 =	sadd.s32 $0x80, s2;
	v1 =	vld.idx.msk [tilespmem:v2+s4+$0x0], $0xffff  }
0x308: {  	v2 =	vld.idx.msk [tilespmem:v4+s4+$0x0], $0xffff;
	[tilespmem:s2+$0x30] =	vst v6  }
0x309: {  	s11 =	sadd.s32 $0x80, s11;
	v4 =	vld.idx.msk [tilespmem:v7+s4+$0x0], $0xffff;
	[tilespmem:s2+$0xFFFFFFD0] =	vst v8  }
0x30a: {  	[tilespmem:s2+$0xFFFFFFE0] =	vst v5  }
0x30b: {  	[tilespmem:s2+$0xFFFFFFF0] =	vst v3  }
0x30c: {  	[tilespmem:s2+$0x0] =	vst v0  }
0x30d: {  	[tilespmem:s2+$0x10] =	vst v1  }
0x30e: {  	[tilespmem:s2+$0x20] =	vst v2  }
0x30f: {  	[tilespmem:s2+$0xFFFFFFC0] =	vst v4  }
0x310: {  	s2 =	rddreg [dreg:$0x1f]  }
0x311: {  	s0 =	sor.u32 $0x1E000, s0;
	s2 =	sadd.s32 s23, s2  }
0x312: {  	[hbm4b:s2+s10] =	stream.strided.scatter [tilespmem:s26], [sflag:$0x6], $0x2000, s12, s10, $0x38;
	[tilespmem:$0x1D000] =	vst v63  }
0x313: {  	s0 =	sadd.s32 s16, s0  }
0x314: {  	[tilespmem:s18], [sflag:$0x4] =	stream.strided.gather [hbm4b:s0+s10], $0x2000, s12, s10, $0x38;
	[tilespmem:$0x1D000] =	vst v63  }
0x315: {  	_ =	swait.ge [sflag:s20], $0x2000  }
0x316: {  	[sflag:s20] =	ssyncset.done $0x0  }
0x317: {  	[sflag:s20] =	ssyncadd.s32 $0xFFFFE000  }
0x318: {  	_ =	swait.ge [sflag:s29], $0x2000  }
0x319: {  	[sflag:s29] =	ssyncset.done $0x0  }
0x31a: {  	s30 =	simm.s32 $0x10040;
	[sflag:s29] =	ssyncadd.s32 $0xFFFFE000  }
0x31b: {  	v0 =	vld [tilespmem:s30+$0x30]  }
0x31c: {  	v1 =	vld [tilespmem:s30+$0xFFFFFFD0]  }
0x31d: {  	v2 =	vld [tilespmem:s30+$0xFFFFFFE0]  }
0x31e: {  	v3 =	vld [tilespmem:s30+$0xFFFFFFF0]  }
0x31f: {  	v4 =	vld [tilespmem:s30+$0x0]  }
0x320: {  	v6 =	vld [tilespmem:s30+$0x10]  }
0x321: {  	v7 =	vld [tilespmem:s30+$0x20]  }
0x322: {  	v8 =	vld [tilespmem:s30+$0xFFFFFFC0]  }
0x323: {  	v9 =	vld.idx.msk [tilespmem:v0+s4+$0x0], $0xffff  }
0x324: {  	v10 =	vld.idx.msk [tilespmem:v1+s4+$0x0], $0xffff  }
0x325: {  	v5 =	vld.idx.msk [tilespmem:v2+s4+$0x0], $0xffff  }
0x326: {  	v3 =	vld.idx.msk [tilespmem:v3+s4+$0x0], $0xffff  }
0x327: {  	v0 =	vld.idx.msk [tilespmem:v4+s4+$0x0], $0xffff  }
0x328: {  	s0 =	simm.s32 $0x14040;
	v1 =	vld.idx.msk [tilespmem:v6+s4+$0x0], $0xffff  }
0x329: {  	v2 =	vld.idx.msk [tilespmem:v7+s4+$0x0], $0xffff;
	[tilespmem:s0+$0x30] =	vst v9  }
0x32a: {  	s8 =	simm.s32 $0x100C0;
	s2 =	simm.s32 $0x0;
	v4 =	vld.idx.msk [tilespmem:v8+s4+$0x0], $0xffff;
	[tilespmem:s0+$0xFFFFFFD0] =	vst v10  }
.LBB2_33:
0x32b: {  	v6 =	vld [tilespmem:s8+$0x30];
	s2 =	sadd.s32 $0x8, s2;
	[tilespmem:s0+$0xFFFFFFE0] =	vst v5  }
0x32c: {  	v5 =	vld [tilespmem:s8+$0xFFFFFFD0];
	p0 =	slt.u32 s2, $0x1F8;
	[tilespmem:s0+$0xFFFFFFF0] =	vst v3  }
0x32d: {  	v3 =	vld [tilespmem:s8+$0xFFFFFFE0];
	[tilespmem:s0+$0x0] =	vst v0  }
0x32e: {  	v0 =	vld [tilespmem:s8+$0xFFFFFFF0];
	[tilespmem:s0+$0x10] =	vst v1  }
0x32f: {  	v1 =	vld [tilespmem:s8+$0x0];
	[tilespmem:s0+$0x20] =	vst v2  }
0x330: {  	v2 =	vld [tilespmem:s8+$0x10];
	[tilespmem:s0+$0xFFFFFFC0] =	vst v4  }
0x331: {  	v4 =	vld [tilespmem:s8+$0x20]  }
0x332: {  	v7 =	vld [tilespmem:s8+$0xFFFFFFC0]  }
0x333: {  	v6 =	vld.idx.msk [tilespmem:v6+s4+$0x0], $0xffff  }
0x334: {  	v8 =	vld.idx.msk [tilespmem:v5+s4+$0x0], $0xffff  }
0x335: {  	v5 =	vld.idx.msk [tilespmem:v3+s4+$0x0], $0xffff  }
.Ltmp20:
0x336: {  	v3 =	vld.idx.msk [tilespmem:v0+s4+$0x0], $0xffff;
	(pc) =	sbr.rel @p0 .LBB2_33-.Ltmp20, $4  }
0x337: {  	v0 =	vld.idx.msk [tilespmem:v1+s4+$0x0], $0xffff  }
0x338: {  	s0 =	sadd.s32 $0x80, s0;
	v1 =	vld.idx.msk [tilespmem:v2+s4+$0x0], $0xffff  }
0x339: {  	v2 =	vld.idx.msk [tilespmem:v4+s4+$0x0], $0xffff;
	[tilespmem:s0+$0x30] =	vst v6  }
0x33a: {  	s8 =	sadd.s32 $0x80, s8;
	v4 =	vld.idx.msk [tilespmem:v7+s4+$0x0], $0xffff;
	[tilespmem:s0+$0xFFFFFFD0] =	vst v8  }
0x33b: {  	[tilespmem:s0+$0xFFFFFFE0] =	vst v5  }
0x33c: {  	[tilespmem:s0+$0xFFFFFFF0] =	vst v3  }
0x33d: {  	[tilespmem:s0+$0x0] =	vst v0  }
0x33e: {  	[tilespmem:s0+$0x10] =	vst v1  }
0x33f: {  	[tilespmem:s0+$0x20] =	vst v2  }
0x340: {  	[tilespmem:s0+$0xFFFFFFC0] =	vst v4  }
0x341: {  	s0 =	sld [smem:$0x7EC];
	_ =	sdelay $0x2  }
0x342: {  	s0 =	sadd.s32 s23, s0  }
0x343: {  	[hbm4b:s0+s10] =	stream.strided.scatter [tilespmem:s22], [sflag:$0x5], $0x2000, s12, s10, $0x38;
	[tilespmem:$0x1D000] =	vst v63  }
0x344: {  	_ =	swait.ge [sflag:s24], $0x2000  }
0x345: {  	[sflag:s24] =	ssyncset.done $0x0  }
0x346: {  	[sflag:s24] =	ssyncadd.s32 $0xFFFFE000  }
0x347: {  	_ =	swait.ge [sflag:s31], $0x2000  }
0x348: {  	[sflag:s31] =	ssyncset.done $0x0  }
0x349: {  	s30 =	simm.s32 $0x12040;
	[sflag:s31] =	ssyncadd.s32 $0xFFFFE000  }
0x34a: {  	v0 =	vld [tilespmem:s30+$0x30]  }
0x34b: {  	v1 =	vld [tilespmem:s30+$0xFFFFFFD0]  }
0x34c: {  	v2 =	vld [tilespmem:s30+$0xFFFFFFE0]  }
0x34d: {  	v3 =	vld [tilespmem:s30+$0xFFFFFFF0]  }
0x34e: {  	v4 =	vld [tilespmem:s30+$0x0]  }
0x34f: {  	v6 =	vld [tilespmem:s30+$0x10]  }
0x350: {  	v7 =	vld [tilespmem:s30+$0x20]  }
0x351: {  	v8 =	vld [tilespmem:s30+$0xFFFFFFC0]  }
0x352: {  	v9 =	vld.idx.msk [tilespmem:v0+s4+$0x0], $0xffff  }
0x353: {  	v10 =	vld.idx.msk [tilespmem:v1+s4+$0x0], $0xffff  }
0x354: {  	v5 =	vld.idx.msk [tilespmem:v2+s4+$0x0], $0xffff  }
0x355: {  	v3 =	vld.idx.msk [tilespmem:v3+s4+$0x0], $0xffff  }
0x356: {  	v0 =	vld.idx.msk [tilespmem:v4+s4+$0x0], $0xffff  }
0x357: {  	s0 =	simm.s32 $0x16040;
	v1 =	vld.idx.msk [tilespmem:v6+s4+$0x0], $0xffff  }
0x358: {  	v2 =	vld.idx.msk [tilespmem:v7+s4+$0x0], $0xffff;
	[tilespmem:s0+$0x30] =	vst v9  }
0x359: {  	s2 =	simm.s32 $0x0;
	s8 =	simm.s32 $0x120C0;
	v4 =	vld.idx.msk [tilespmem:v8+s4+$0x0], $0xffff;
	[tilespmem:s0+$0xFFFFFFD0] =	vst v10  }
.LBB2_35:
0x35a: {  	v6 =	vld [tilespmem:s8+$0x30];
	s2 =	sadd.s32 $0x8, s2;
	[tilespmem:s0+$0xFFFFFFE0] =	vst v5  }
0x35b: {  	v5 =	vld [tilespmem:s8+$0xFFFFFFD0];
	p0 =	slt.u32 s2, $0x1F8;
	[tilespmem:s0+$0xFFFFFFF0] =	vst v3  }
0x35c: {  	v3 =	vld [tilespmem:s8+$0xFFFFFFE0];
	[tilespmem:s0+$0x0] =	vst v0  }
0x35d: {  	v0 =	vld [tilespmem:s8+$0xFFFFFFF0];
	[tilespmem:s0+$0x10] =	vst v1  }
0x35e: {  	v1 =	vld [tilespmem:s8+$0x0];
	[tilespmem:s0+$0x20] =	vst v2  }
0x35f: {  	v2 =	vld [tilespmem:s8+$0x10];
	[tilespmem:s0+$0xFFFFFFC0] =	vst v4  }
0x360: {  	v4 =	vld [tilespmem:s8+$0x20]  }
0x361: {  	v7 =	vld [tilespmem:s8+$0xFFFFFFC0]  }
0x362: {  	v6 =	vld.idx.msk [tilespmem:v6+s4+$0x0], $0xffff  }
0x363: {  	v8 =	vld.idx.msk [tilespmem:v5+s4+$0x0], $0xffff  }
0x364: {  	v5 =	vld.idx.msk [tilespmem:v3+s4+$0x0], $0xffff  }
.Ltmp21:
0x365: {  	v3 =	vld.idx.msk [tilespmem:v0+s4+$0x0], $0xffff;
	(pc) =	sbr.rel @p0 .LBB2_35-.Ltmp21, $4  }
0x366: {  	v0 =	vld.idx.msk [tilespmem:v1+s4+$0x0], $0xffff  }
0x367: {  	s0 =	sadd.s32 $0x80, s0;
	v1 =	vld.idx.msk [tilespmem:v2+s4+$0x0], $0xffff  }
0x368: {  	v2 =	vld.idx.msk [tilespmem:v4+s4+$0x0], $0xffff;
	[tilespmem:s0+$0x30] =	vst v6  }
0x369: {  	s8 =	sadd.s32 $0x80, s8;
	v4 =	vld.idx.msk [tilespmem:v7+s4+$0x0], $0xffff;
	[tilespmem:s0+$0xFFFFFFD0] =	vst v8  }
0x36a: {  	[tilespmem:s0+$0xFFFFFFE0] =	vst v5  }
0x36b: {  	[tilespmem:s0+$0xFFFFFFF0] =	vst v3  }
0x36c: {  	[tilespmem:s0+$0x0] =	vst v0  }
0x36d: {  	[tilespmem:s0+$0x10] =	vst v1  }
0x36e: {  	[tilespmem:s0+$0x20] =	vst v2  }
0x36f: {  	[tilespmem:s0+$0xFFFFFFC0] =	vst v4  }
0x370: {  	s0 =	sld [smem:$0x7EE]  }
.Ltmp22:
0x371: {  	_ = 	snop;
	(pc) =	sbr.rel .LBB2_70-.Ltmp22, $4  }
0x372: {  	_ = 	snop  }
0x373: {  	s0 =	sadd.s32 s23, s0  }
0x374: {  	[hbm4b:s0+s10] =	stream.strided.scatter [tilespmem:s26], [sflag:$0x6], $0x2000, s12, s10, $0x38;
	[tilespmem:$0x1D000] =	vst v63  }
0x375: {  	s2 =	simm.s32 $0x5;
	s0 =	simm.s32 $0x6  }
.LBB2_37:
0x376: {  	s0 =	sshrl.u32 s2, $0x2  }
0x377: {  	s25 =	sshll.u32 s2, $0x7;
	s11 =	sadd.s32 s8, s0  }
0x378: {  	s23 =	sand.u32 $0x180, s25;
	s0 =	sshll.u32 s11, $0x12  }
0x379: {  	s0 =	sor.u32 s23, s0  }
0x37a: {  	s30 =	smov.u32 s9;
	s3 =	rddreg [dreg:$0x0];
	s0 =	sshrl.u32 s0, $0x3  }
0x37b: {  	s7 =	simm.s32 $0x0;
	s0 =	sadd.s32 s3, s0;
	s3 =	sshll.u32 s11, $0xE  }
0x37c: {  	[tilespmem:s7], [sflag:$0x1] =	stream.strided.gather [hbm4b:s0+s10], $0x10000, s1, s10, $0x38;
	[tilespmem:$0x1D000] =	vst v63  }
0x37d: {  	s9 =	smov.u32 s13;
	s13 =	smov.u32 s15;
	s0 =	sor.u32 s23, s3  }
0x37e: {  	s5 =	rddreg [dreg:$0x5];
	s15 =	sshll.u32 s8, $0x7;
	s0 =	sshrl.u32 s0, $0x3  }
0x37f: {  	s28 =	sand.u32 $0x380, s15;
	s0 =	sadd.s32 s5, s0  }
0x380: {  	[tilespmem:s6], [sflag:$0x2] =	stream.strided.gather [hbm4b:s0+s10], $0x1000, s1, s10, $0x38;
	[tilespmem:$0x1D000] =	vst v63  }
0x381: {  	s0 =	sshrl.u32 s28, $0x3  }
0x382: {  	s15 =	smov.u32 s16;
	s5 =	simm.s32 $0x1;
	s16 =	sadd.s32 s16, s0  }
0x383: {  	[tilespmem:s14], [sflag:$0x3] =	stream.strided.gather [hbm4b:s16+s10], $0x2000, s12, s10, $0x38;
	[tilespmem:$0x1D000] =	vst v63  }
0x384: {  	_ =	swait.ge [sflag:s5], $0x10000  }
0x385: {  	[sflag:s5] =	ssyncset.done $0x0  }
0x386: {  	s16 =	simm.s32 $0x2;
	[sflag:s5] =	ssyncadd.s32 $0xFFFF0000  }
0x387: {  	_ =	swait.ge [sflag:s16], $0x1000  }
0x388: {  	s5 =	sld [smem:$0x7F0];
	_ =	sdelay $0x1  }
0x389: {  	[sflag:s16] =	ssyncset.done $0x0  }
0x38a: {  	[sflag:s16] =	ssyncadd.s32 $0xFFFFF000;
	s3 =	sadd.s32 s0, s5  }
0x38b: {  	[tilespmem:s18], [sflag:$0x4] =	stream.strided.gather [hbm4b:s3+s10], $0x2000, s12, s10, $0x38;
	[tilespmem:$0x1D000] =	vst v63  }
0x38c: {  	s16 =	sshll.u32 s8, $0x11;
	_ =	swait.ge [sflag:s20], $0x2000  }
0x38d: {  	s5 =	simm.s32 $0x18010;
	s3 =	simm.s32 $0x14010;
	[sflag:s20] =	ssyncset.done $0x0  }
0x38e: {  	[smem:$0x7E9] =	sst s16;
	s16 =	simm.s32 $0x10010;
	[sflag:s20] =	ssyncadd.s32 $0xFFFFE000  }
.LBB2_38:
0x38f: {  	v0 =	vld [tilespmem:s16+$0xFFFFFFF0];
	_ =	sdelay $0x1  }
0x390: {  	v1 =	vmov s7;
	_ =	sdelay $0x4  }
0x391: {  	v1 =	vld.idx.msk [tilespmem:v1+s6+$0x0], $0xffff  }
0x392: {  	v0 =	vld.idx.msk [tilespmem:v0+s4+$0x0], $0xffff;
	_ =	sdelay $0x4  }
0x393: {  	v2 =	vsub.f32 v0, v1  }
0x394: {  	[tilespmem:s3+$0xFFFFFFF0] =	vst v0  }
0x395: {  	[tilespmem:s5+$0xFFFFFFF0] =	vst v2  }
0x396: {  	v0 =	vld [tilespmem:s16+$0x0];
	_ =	sdelay $0x7  }
0x397: {  	v0 =	vld.idx.msk [tilespmem:v0+s4+$0x0], $0xffff;
	_ =	sdelay $0x1  }
0x398: {  	p0 =	sne.s32 s7, $0xFF  }
.Ltmp23:
0x399: {  	_ = 	snop;
	(pc) =	sbr.rel @p0 .LBB2_38-.Ltmp23, $4  }
0x39a: {  	_ = 	snop  }
0x39b: {  	v1 =	vsub.f32 v0, v1  }
0x39c: {  	s7 =	sadd.s32 $0x1, s7;
	[tilespmem:s3+$0x0] =	vst v0  }
0x39d: {  	s16 =	sadd.s32 $0x20, s16;
	s3 =	sadd.s32 $0x20, s3;
	[tilespmem:s5+$0x0] =	vst v1;
	s5 =	sadd.s32 $0x20, s5  }
0x39e: {  	s3 =	sshll.u32 s11, $0x13;
	s7 =	smul.u32 $0x900000, s8;
	s2 =	sshll.u32 s2, $0x11  }
0x39f: {  	s5 =	rddreg [dreg:$0x7];
	s3 =	sor.u32 s23, s3;
	s2 =	sand.u32 $0xFFF00000, s2  }
0x3a0: {  	s8 =	sand.u32 $0x380, s25;
	s23 =	sshrl.u32 s3, $0x3;
	s2 =	sadd.s32 s7, s2  }
0x3a1: {  	s11 =	rddreg [dreg:$0x6];
	s3 =	sadd.s32 s5, s23;
	s2 =	sor.u32 s8, s2  }
0x3a2: {  	[hbm4b:s3+s10] =	stream.strided.scatter [tilespmem:s22], [sflag:$0x5], $0x2000, s1, s10, $0x38;
	[tilespmem:$0x1D000] =	vst v63  }
0x3a3: {  	s16 =	sld [smem:$0x7F1];
	s25 =	sshrl.u32 s2, $0x3  }
0x3a4: {  	s8 =	simm.s32 $0x18000;
	s2 =	sadd.s32 s11, s25  }
0x3a5: {  	[hbm4b:s2+s10] =	stream.strided.scatter [tilespmem:s8], [sflag:$0x7], $0x2000, s12, s10, $0x38;
	[tilespmem:$0x1D000] =	vst v63  }
0x3a6: {  	s2 =	sadd.s32 s0, s16  }
0x3a7: {  	[tilespmem:s14], [sflag:$0x3] =	stream.strided.gather [hbm4b:s2+s10], $0x2000, s12, s10, $0x38;
	[tilespmem:$0x1D000] =	vst v63  }
0x3a8: {  	_ =	swait.ge [sflag:s24], $0x2000  }
0x3a9: {  	s7 =	simm.s32 $0x12010;
	s5 =	simm.s32 $0x1A010;
	[sflag:s24] =	ssyncset.done $0x0  }
0x3aa: {  	s3 =	simm.s32 $0x16010;
	s2 =	simm.s32 $0x100;
	[sflag:s24] =	ssyncadd.s32 $0xFFFFE000  }
.LBB2_40:
0x3ab: {  	v0 =	vld [tilespmem:s7+$0xFFFFFFF0];
	_ =	sdelay $0x1  }
0x3ac: {  	v1 =	vmov s2;
	_ =	sdelay $0x4  }
0x3ad: {  	v1 =	vld.idx.msk [tilespmem:v1+s6+$0x0], $0xffff  }
0x3ae: {  	v0 =	vld.idx.msk [tilespmem:v0+s4+$0x0], $0xffff;
	_ =	sdelay $0x4  }
0x3af: {  	v2 =	vsub.f32 v0, v1  }
0x3b0: {  	[tilespmem:s3+$0xFFFFFFF0] =	vst v0  }
0x3b1: {  	[tilespmem:s5+$0xFFFFFFF0] =	vst v2  }
0x3b2: {  	v0 =	vld [tilespmem:s7+$0x0];
	_ =	sdelay $0x7  }
0x3b3: {  	v0 =	vld.idx.msk [tilespmem:v0+s4+$0x0], $0xffff;
	_ =	sdelay $0x1  }
0x3b4: {  	p0 =	sne.s32 s2, $0x1FF  }
.Ltmp24:
0x3b5: {  	_ = 	snop;
	(pc) =	sbr.rel @p0 .LBB2_40-.Ltmp24, $4  }
0x3b6: {  	_ = 	snop  }
0x3b7: {  	v1 =	vsub.f32 v0, v1  }
0x3b8: {  	s2 =	sadd.s32 $0x1, s2;
	[tilespmem:s3+$0x0] =	vst v0  }
0x3b9: {  	s7 =	sadd.s32 $0x20, s7;
	s3 =	sadd.s32 $0x20, s3;
	[tilespmem:s5+$0x0] =	vst v1;
	s5 =	sadd.s32 $0x20, s5  }
0x3ba: {  	s2 =	rddreg [dreg:$0x8]  }
0x3bb: {  	s11 =	rddreg [dreg:$0x9]  }
0x3bc: {  	s16 =	sld [smem:$0x7F2];
	s3 =	sadd.s32 s23, s2;
	s2 =	simm.s32 $0x200  }
0x3bd: {  	[hbm4b:s3+s10] =	stream.strided.scatter [tilespmem:s26], [sflag:$0x6], $0x2000, s2, s10, $0x38;
	[tilespmem:$0x1D000] =	vst v63  }
0x3be: {  	s3 =	sadd.s32 s25, s11;
	s11 =	simm.s32 $0x1A000  }
0x3bf: {  	[hbm4b:s3+s10] =	stream.strided.scatter [tilespmem:s11], [sflag:$0x8], $0x2000, s12, s10, $0x38;
	[tilespmem:$0x1D000] =	vst v63  }
0x3c0: {  	s3 =	sadd.s32 s0, s16  }
0x3c1: {  	[tilespmem:s18], [sflag:$0x4] =	stream.strided.gather [hbm4b:s3+s10], $0x2000, s12, s10, $0x38;
	[tilespmem:$0x1D000] =	vst v63  }
0x3c2: {  	_ =	swait.ge [sflag:s20], $0x2000  }
0x3c3: {  	[sflag:s20] =	ssyncset.done $0x0  }
0x3c4: {  	[sflag:s20] =	ssyncadd.s32 $0xFFFFE000  }
0x3c5: {  	_ =	swait.ge [sflag:s29], $0x2000  }
0x3c6: {  	[sflag:s29] =	ssyncset.done $0x0  }
0x3c7: {  	[sflag:s29] =	ssyncadd.s32 $0xFFFFE000  }
0x3c8: {  	_ =	swait.ge [sflag:s17], $0x2000  }
0x3c9: {  	s5 =	simm.s32 $0x18010;
	s7 =	simm.s32 $0x10010;
	[sflag:s17] =	ssyncset.done $0x0  }
0x3ca: {  	s16 =	smov.u32 s15;
	s3 =	simm.s32 $0x14010;
	[sflag:s17] =	ssyncadd.s32 $0xFFFFE000  }
.LBB2_42:
0x3cb: {  	v0 =	vld [tilespmem:s7+$0xFFFFFFF0];
	_ =	sdelay $0x1  }
0x3cc: {  	v1 =	vmov s2;
	_ =	sdelay $0x4  }
0x3cd: {  	v1 =	vld.idx.msk [tilespmem:v1+s6+$0x0], $0xffff  }
0x3ce: {  	v0 =	vld.idx.msk [tilespmem:v0+s4+$0x0], $0xffff;
	_ =	sdelay $0x4  }
0x3cf: {  	v2 =	vsub.f32 v0, v1  }
0x3d0: {  	[tilespmem:s3+$0xFFFFFFF0] =	vst v0  }
0x3d1: {  	[tilespmem:s5+$0xFFFFFFF0] =	vst v2  }
0x3d2: {  	v0 =	vld [tilespmem:s7+$0x0];
	_ =	sdelay $0x7  }
0x3d3: {  	v0 =	vld.idx.msk [tilespmem:v0+s4+$0x0], $0xffff;
	_ =	sdelay $0x1  }
0x3d4: {  	p0 =	sne.s32 s2, $0x2FF  }
.Ltmp25:
0x3d5: {  	_ = 	snop;
	(pc) =	sbr.rel @p0 .LBB2_42-.Ltmp25, $4  }
0x3d6: {  	_ = 	snop  }
0x3d7: {  	v1 =	vsub.f32 v0, v1  }
0x3d8: {  	s2 =	sadd.s32 $0x1, s2;
	[tilespmem:s3+$0x0] =	vst v0  }
0x3d9: {  	s7 =	sadd.s32 $0x20, s7;
	s3 =	sadd.s32 $0x20, s3;
	[tilespmem:s5+$0x0] =	vst v1;
	s5 =	sadd.s32 $0x20, s5  }
0x3da: {  	s2 =	rddreg [dreg:$0xa];
	s15 =	smov.u32 s13  }
0x3db: {  	s7 =	sadd.s32 s25, s13;
	s13 =	sld [smem:$0x7F3];
	s2 =	sadd.s32 s23, s2  }
0x3dc: {  	[hbm4b:s2+s10] =	stream.strided.scatter [tilespmem:s22], [sflag:$0x5], $0x2000, s1, s10, $0x38;
	[tilespmem:$0x1D000] =	vst v63  }
0x3dd: {  	_ = 	snop  }
0x3de: {  	[hbm4b:s7+s10] =	stream.strided.scatter [tilespmem:s8], [sflag:$0x7], $0x2000, s12, s10, $0x38;
	[tilespmem:$0x1D000] =	vst v63  }
0x3df: {  	s2 =	sadd.s32 s0, s13  }
0x3e0: {  	[tilespmem:s14], [sflag:$0x3] =	stream.strided.gather [hbm4b:s2+s10], $0x2000, s12, s10, $0x38;
	[tilespmem:$0x1D000] =	vst v63  }
0x3e1: {  	_ =	swait.ge [sflag:s24], $0x2000  }
0x3e2: {  	[sflag:s24] =	ssyncset.done $0x0  }
0x3e3: {  	[sflag:s24] =	ssyncadd.s32 $0xFFFFE000  }
0x3e4: {  	_ =	swait.ge [sflag:s31], $0x2000  }
0x3e5: {  	[sflag:s31] =	ssyncset.done $0x0  }
0x3e6: {  	[sflag:s31] =	ssyncadd.s32 $0xFFFFE000  }
0x3e7: {  	_ =	swait.ge [sflag:s19], $0x2000  }
0x3e8: {  	s5 =	simm.s32 $0x1A010;
	s3 =	simm.s32 $0x16010;
	[sflag:s19] =	ssyncset.done $0x0  }
0x3e9: {  	s7 =	simm.s32 $0x12010;
	s2 =	simm.s32 $0x300;
	[sflag:s19] =	ssyncadd.s32 $0xFFFFE000  }
.LBB2_44:
0x3ea: {  	v0 =	vld [tilespmem:s7+$0xFFFFFFF0];
	_ =	sdelay $0x1  }
0x3eb: {  	v1 =	vmov s2;
	_ =	sdelay $0x4  }
0x3ec: {  	v1 =	vld.idx.msk [tilespmem:v1+s6+$0x0], $0xffff  }
0x3ed: {  	v0 =	vld.idx.msk [tilespmem:v0+s4+$0x0], $0xffff;
	_ =	sdelay $0x4  }
0x3ee: {  	v2 =	vsub.f32 v0, v1  }
0x3ef: {  	[tilespmem:s3+$0xFFFFFFF0] =	vst v0  }
0x3f0: {  	[tilespmem:s5+$0xFFFFFFF0] =	vst v2  }
0x3f1: {  	v0 =	vld [tilespmem:s7+$0x0];
	_ =	sdelay $0x7  }
0x3f2: {  	v0 =	vld.idx.msk [tilespmem:v0+s4+$0x0], $0xffff;
	_ =	sdelay $0x1  }
0x3f3: {  	p0 =	sne.s32 s2, $0x3FF  }
.Ltmp26:
0x3f4: {  	_ = 	snop;
	(pc) =	sbr.rel @p0 .LBB2_44-.Ltmp26, $4  }
0x3f5: {  	_ = 	snop  }
0x3f6: {  	v1 =	vsub.f32 v0, v1  }
0x3f7: {  	s2 =	sadd.s32 $0x1, s2;
	[tilespmem:s3+$0x0] =	vst v0  }
0x3f8: {  	s7 =	sadd.s32 $0x20, s7;
	s3 =	sadd.s32 $0x20, s3;
	[tilespmem:s5+$0x0] =	vst v1;
	s5 =	sadd.s32 $0x20, s5  }
0x3f9: {  	s2 =	rddreg [dreg:$0xb];
	s13 =	smov.u32 s9  }
0x3fa: {  	s3 =	sadd.s32 s25, s9;
	s9 =	sld [smem:$0x7F4];
	s2 =	sadd.s32 s23, s2  }
0x3fb: {  	[hbm4b:s2+s10] =	stream.strided.scatter [tilespmem:s26], [sflag:$0x6], $0x2000, s1, s10, $0x38;
	[tilespmem:$0x1D000] =	vst v63  }
0x3fc: {  	s2 =	simm.s32 $0x400  }
0x3fd: {  	[hbm4b:s3+s10] =	stream.strided.scatter [tilespmem:s11], [sflag:$0x8], $0x2000, s2, s10, $0x38;
	[tilespmem:$0x1D000] =	vst v63  }
0x3fe: {  	s3 =	sadd.s32 s0, s9  }
0x3ff: {  	[tilespmem:s18], [sflag:$0x4] =	stream.strided.gather [hbm4b:s3+s10], $0x2000, s2, s10, $0x38;
	[tilespmem:$0x1D000] =	vst v63  }
0x400: {  	_ =	swait.ge [sflag:s20], $0x2000  }
0x401: {  	[sflag:s20] =	ssyncset.done $0x0  }
0x402: {  	[sflag:s20] =	ssyncadd.s32 $0xFFFFE000  }
0x403: {  	_ =	swait.ge [sflag:s29], $0x2000  }
0x404: {  	[sflag:s29] =	ssyncset.done $0x0  }
0x405: {  	[sflag:s29] =	ssyncadd.s32 $0xFFFFE000  }
0x406: {  	_ =	swait.ge [sflag:s17], $0x2000  }
0x407: {  	s5 =	simm.s32 $0x18010;
	[sflag:s17] =	ssyncset.done $0x0  }
0x408: {  	s7 =	simm.s32 $0x10010;
	s3 =	simm.s32 $0x14010;
	[sflag:s17] =	ssyncadd.s32 $0xFFFFE000  }
.LBB2_46:
0x409: {  	v0 =	vld [tilespmem:s7+$0xFFFFFFF0];
	_ =	sdelay $0x1  }
0x40a: {  	v1 =	vmov s2;
	_ =	sdelay $0x4  }
0x40b: {  	v1 =	vld.idx.msk [tilespmem:v1+s6+$0x0], $0xffff  }
0x40c: {  	v0 =	vld.idx.msk [tilespmem:v0+s4+$0x0], $0xffff;
	_ =	sdelay $0x4  }
0x40d: {  	v2 =	vsub.f32 v0, v1  }
0x40e: {  	[tilespmem:s3+$0xFFFFFFF0] =	vst v0  }
0x40f: {  	[tilespmem:s5+$0xFFFFFFF0] =	vst v2  }
0x410: {  	v0 =	vld [tilespmem:s7+$0x0];
	_ =	sdelay $0x7  }
0x411: {  	v0 =	vld.idx.msk [tilespmem:v0+s4+$0x0], $0xffff;
	_ =	sdelay $0x1  }
0x412: {  	p0 =	sne.s32 s2, $0x4FF  }
.Ltmp27:
0x413: {  	_ = 	snop;
	(pc) =	sbr.rel @p0 .LBB2_46-.Ltmp27, $4  }
0x414: {  	_ = 	snop  }
0x415: {  	v1 =	vsub.f32 v0, v1  }
0x416: {  	s2 =	sadd.s32 $0x1, s2;
	[tilespmem:s3+$0x0] =	vst v0  }
0x417: {  	s7 =	sadd.s32 $0x20, s7;
	s3 =	sadd.s32 $0x20, s3;
	[tilespmem:s5+$0x0] =	vst v1;
	s5 =	sadd.s32 $0x20, s5  }
0x418: {  	s2 =	rddreg [dreg:$0xd];
	s9 =	smov.u32 s30  }
0x419: {  	s7 =	sadd.s32 s25, s30;
	s30 =	sld [smem:$0x7F5];
	s2 =	sadd.s32 s23, s2  }
0x41a: {  	[hbm4b:s2+s10] =	stream.strided.scatter [tilespmem:s22], [sflag:$0x5], $0x2000, s1, s10, $0x38;
	[tilespmem:$0x1D000] =	vst v63  }
0x41b: {  	_ = 	snop  }
0x41c: {  	[hbm4b:s7+s10] =	stream.strided.scatter [tilespmem:s8], [sflag:$0x7], $0x2000, s12, s10, $0x38;
	[tilespmem:$0x1D000] =	vst v63  }
0x41d: {  	s2 =	sadd.s32 s0, s30  }
0x41e: {  	[tilespmem:s14], [sflag:$0x3] =	stream.strided.gather [hbm4b:s2+s10], $0x2000, s12, s10, $0x38;
	[tilespmem:$0x1D000] =	vst v63  }
0x41f: {  	_ =	swait.ge [sflag:s24], $0x2000  }
0x420: {  	[sflag:s24] =	ssyncset.done $0x0  }
0x421: {  	[sflag:s24] =	ssyncadd.s32 $0xFFFFE000  }
0x422: {  	_ =	swait.ge [sflag:s31], $0x2000  }
0x423: {  	[sflag:s31] =	ssyncset.done $0x0  }
0x424: {  	[sflag:s31] =	ssyncadd.s32 $0xFFFFE000  }
0x425: {  	_ =	swait.ge [sflag:s19], $0x2000  }
0x426: {  	s5 =	simm.s32 $0x1A010;
	s3 =	simm.s32 $0x16010;
	[sflag:s19] =	ssyncset.done $0x0  }
0x427: {  	s7 =	simm.s32 $0x12010;
	s2 =	simm.s32 $0x500;
	[sflag:s19] =	ssyncadd.s32 $0xFFFFE000  }
.LBB2_48:
0x428: {  	v0 =	vld [tilespmem:s7+$0xFFFFFFF0];
	_ =	sdelay $0x1  }
0x429: {  	v1 =	vmov s2;
	_ =	sdelay $0x4  }
0x42a: {  	v1 =	vld.idx.msk [tilespmem:v1+s6+$0x0], $0xffff  }
0x42b: {  	v0 =	vld.idx.msk [tilespmem:v0+s4+$0x0], $0xffff;
	_ =	sdelay $0x4  }
0x42c: {  	v2 =	vsub.f32 v0, v1  }
0x42d: {  	[tilespmem:s3+$0xFFFFFFF0] =	vst v0  }
0x42e: {  	[tilespmem:s5+$0xFFFFFFF0] =	vst v2  }
0x42f: {  	v0 =	vld [tilespmem:s7+$0x0];
	_ =	sdelay $0x7  }
0x430: {  	v0 =	vld.idx.msk [tilespmem:v0+s4+$0x0], $0xffff;
	_ =	sdelay $0x1  }
0x431: {  	p0 =	sne.s32 s2, $0x5FF  }
.Ltmp28:
0x432: {  	_ = 	snop;
	(pc) =	sbr.rel @p0 .LBB2_48-.Ltmp28, $4  }
0x433: {  	_ = 	snop  }
0x434: {  	v1 =	vsub.f32 v0, v1  }
0x435: {  	s2 =	sadd.s32 $0x1, s2;
	[tilespmem:s3+$0x0] =	vst v0  }
0x436: {  	s7 =	sadd.s32 $0x20, s7;
	s3 =	sadd.s32 $0x20, s3;
	[tilespmem:s5+$0x0] =	vst v1;
	s5 =	sadd.s32 $0x20, s5  }
0x437: {  	s2 =	rddreg [dreg:$0xe]  }
0x438: {  	s7 =	rddreg [dreg:$0xf]  }
0x439: {  	s30 =	sld [smem:$0x7F6];
	s2 =	sadd.s32 s23, s2  }
0x43a: {  	[hbm4b:s2+s10] =	stream.strided.scatter [tilespmem:s26], [sflag:$0x6], $0x2000, s1, s10, $0x38;
	[tilespmem:$0x1D000] =	vst v63  }
0x43b: {  	s2 =	sadd.s32 s25, s7  }
0x43c: {  	[hbm4b:s2+s10] =	stream.strided.scatter [tilespmem:s11], [sflag:$0x8], $0x2000, s12, s10, $0x38;
	[tilespmem:$0x1D000] =	vst v63  }
0x43d: {  	s2 =	sadd.s32 s0, s30  }
0x43e: {  	[tilespmem:s18], [sflag:$0x4] =	stream.strided.gather [hbm4b:s2+s10], $0x2000, s12, s10, $0x38;
	[tilespmem:$0x1D000] =	vst v63  }
0x43f: {  	_ =	swait.ge [sflag:s20], $0x2000  }
0x440: {  	[sflag:s20] =	ssyncset.done $0x0  }
0x441: {  	[sflag:s20] =	ssyncadd.s32 $0xFFFFE000  }
0x442: {  	_ =	swait.ge [sflag:s29], $0x2000  }
0x443: {  	[sflag:s29] =	ssyncset.done $0x0  }
0x444: {  	[sflag:s29] =	ssyncadd.s32 $0xFFFFE000  }
0x445: {  	_ =	swait.ge [sflag:s17], $0x2000  }
0x446: {  	s5 =	simm.s32 $0x18010;
	s3 =	simm.s32 $0x14010;
	[sflag:s17] =	ssyncset.done $0x0  }
0x447: {  	s7 =	simm.s32 $0x10010;
	s2 =	simm.s32 $0x600;
	[sflag:s17] =	ssyncadd.s32 $0xFFFFE000  }
.LBB2_50:
0x448: {  	v0 =	vld [tilespmem:s7+$0xFFFFFFF0];
	_ =	sdelay $0x1  }
0x449: {  	v1 =	vmov s2;
	_ =	sdelay $0x4  }
0x44a: {  	v1 =	vld.idx.msk [tilespmem:v1+s6+$0x0], $0xffff  }
0x44b: {  	v0 =	vld.idx.msk [tilespmem:v0+s4+$0x0], $0xffff;
	_ =	sdelay $0x4  }
0x44c: {  	v2 =	vsub.f32 v0, v1  }
0x44d: {  	[tilespmem:s3+$0xFFFFFFF0] =	vst v0  }
0x44e: {  	[tilespmem:s5+$0xFFFFFFF0] =	vst v2  }
0x44f: {  	v0 =	vld [tilespmem:s7+$0x0];
	_ =	sdelay $0x7  }
0x450: {  	v0 =	vld.idx.msk [tilespmem:v0+s4+$0x0], $0xffff;
	_ =	sdelay $0x1  }
0x451: {  	p0 =	sne.s32 s2, $0x6FF  }
.Ltmp29:
0x452: {  	_ = 	snop;
	(pc) =	sbr.rel @p0 .LBB2_50-.Ltmp29, $4  }
0x453: {  	_ = 	snop  }
0x454: {  	v1 =	vsub.f32 v0, v1  }
0x455: {  	s2 =	sadd.s32 $0x1, s2;
	[tilespmem:s3+$0x0] =	vst v0  }
0x456: {  	s7 =	sadd.s32 $0x20, s7;
	s3 =	sadd.s32 $0x20, s3;
	[tilespmem:s5+$0x0] =	vst v1;
	s5 =	sadd.s32 $0x20, s5  }
0x457: {  	s2 =	rddreg [dreg:$0x10]  }
0x458: {  	s7 =	rddreg [dreg:$0x11]  }
0x459: {  	s30 =	sld [smem:$0x7F7];
	s2 =	sadd.s32 s23, s2  }
0x45a: {  	[hbm4b:s2+s10] =	stream.strided.scatter [tilespmem:s22], [sflag:$0x5], $0x2000, s1, s10, $0x38;
	[tilespmem:$0x1D000] =	vst v63  }
0x45b: {  	s2 =	sadd.s32 s25, s7  }
0x45c: {  	[hbm4b:s2+s10] =	stream.strided.scatter [tilespmem:s8], [sflag:$0x7], $0x2000, s12, s10, $0x38;
	[tilespmem:$0x1D000] =	vst v63  }
0x45d: {  	s2 =	sadd.s32 s0, s30  }
0x45e: {  	[tilespmem:s14], [sflag:$0x3] =	stream.strided.gather [hbm4b:s2+s10], $0x2000, s12, s10, $0x38;
	[tilespmem:$0x1D000] =	vst v63  }
0x45f: {  	_ =	swait.ge [sflag:s24], $0x2000  }
0x460: {  	[sflag:s24] =	ssyncset.done $0x0  }
0x461: {  	[sflag:s24] =	ssyncadd.s32 $0xFFFFE000  }
0x462: {  	_ =	swait.ge [sflag:s31], $0x2000  }
0x463: {  	[sflag:s31] =	ssyncset.done $0x0  }
0x464: {  	[sflag:s31] =	ssyncadd.s32 $0xFFFFE000  }
0x465: {  	_ =	swait.ge [sflag:s19], $0x2000  }
0x466: {  	s5 =	simm.s32 $0x1A010;
	s3 =	simm.s32 $0x16010;
	[sflag:s19] =	ssyncset.done $0x0  }
0x467: {  	s7 =	simm.s32 $0x12010;
	s2 =	simm.s32 $0x700;
	[sflag:s19] =	ssyncadd.s32 $0xFFFFE000  }
.LBB2_52:
0x468: {  	v0 =	vld [tilespmem:s7+$0xFFFFFFF0];
	_ =	sdelay $0x1  }
0x469: {  	v1 =	vmov s2;
	_ =	sdelay $0x4  }
0x46a: {  	v1 =	vld.idx.msk [tilespmem:v1+s6+$0x0], $0xffff  }
0x46b: {  	v0 =	vld.idx.msk [tilespmem:v0+s4+$0x0], $0xffff;
	_ =	sdelay $0x4  }
0x46c: {  	v2 =	vsub.f32 v0, v1  }
0x46d: {  	[tilespmem:s3+$0xFFFFFFF0] =	vst v0  }
0x46e: {  	[tilespmem:s5+$0xFFFFFFF0] =	vst v2  }
0x46f: {  	v0 =	vld [tilespmem:s7+$0x0];
	_ =	sdelay $0x7  }
0x470: {  	v0 =	vld.idx.msk [tilespmem:v0+s4+$0x0], $0xffff;
	_ =	sdelay $0x1  }
0x471: {  	p0 =	sne.s32 s2, $0x7FF  }
.Ltmp30:
0x472: {  	_ = 	snop;
	(pc) =	sbr.rel @p0 .LBB2_52-.Ltmp30, $4  }
0x473: {  	_ = 	snop  }
0x474: {  	v1 =	vsub.f32 v0, v1  }
0x475: {  	s2 =	sadd.s32 $0x1, s2;
	[tilespmem:s3+$0x0] =	vst v0  }
0x476: {  	s7 =	sadd.s32 $0x20, s7;
	s3 =	sadd.s32 $0x20, s3;
	[tilespmem:s5+$0x0] =	vst v1;
	s5 =	sadd.s32 $0x20, s5  }
0x477: {  	s2 =	rddreg [dreg:$0x12]  }
0x478: {  	s7 =	rddreg [dreg:$0x13]  }
0x479: {  	s30 =	sld [smem:$0x7F8];
	s2 =	sadd.s32 s23, s2  }
0x47a: {  	[hbm4b:s2+s10] =	stream.strided.scatter [tilespmem:s26], [sflag:$0x6], $0x2000, s1, s10, $0x38;
	[tilespmem:$0x1D000] =	vst v63  }
0x47b: {  	s2 =	sadd.s32 s25, s7  }
0x47c: {  	[hbm4b:s2+s10] =	stream.strided.scatter [tilespmem:s11], [sflag:$0x8], $0x2000, s12, s10, $0x38;
	[tilespmem:$0x1D000] =	vst v63  }
0x47d: {  	s2 =	sadd.s32 s0, s30  }
0x47e: {  	[tilespmem:s18], [sflag:$0x4] =	stream.strided.gather [hbm4b:s2+s10], $0x2000, s12, s10, $0x38;
	[tilespmem:$0x1D000] =	vst v63  }
0x47f: {  	_ =	swait.ge [sflag:s20], $0x2000  }
0x480: {  	[sflag:s20] =	ssyncset.done $0x0  }
0x481: {  	[sflag:s20] =	ssyncadd.s32 $0xFFFFE000  }
0x482: {  	_ =	swait.ge [sflag:s29], $0x2000  }
0x483: {  	[sflag:s29] =	ssyncset.done $0x0  }
0x484: {  	[sflag:s29] =	ssyncadd.s32 $0xFFFFE000  }
0x485: {  	_ =	swait.ge [sflag:s17], $0x2000  }
0x486: {  	s5 =	simm.s32 $0x18010;
	s3 =	simm.s32 $0x14010;
	[sflag:s17] =	ssyncset.done $0x0  }
0x487: {  	s7 =	simm.s32 $0x10010;
	s2 =	simm.s32 $0x800;
	[sflag:s17] =	ssyncadd.s32 $0xFFFFE000  }
.LBB2_54:
0x488: {  	v0 =	vld [tilespmem:s7+$0xFFFFFFF0];
	_ =	sdelay $0x1  }
0x489: {  	v1 =	vmov s2;
	_ =	sdelay $0x4  }
0x48a: {  	v1 =	vld.idx.msk [tilespmem:v1+s6+$0x0], $0xffff  }
0x48b: {  	v0 =	vld.idx.msk [tilespmem:v0+s4+$0x0], $0xffff;
	_ =	sdelay $0x4  }
0x48c: {  	v2 =	vsub.f32 v0, v1  }
0x48d: {  	[tilespmem:s3+$0xFFFFFFF0] =	vst v0  }
0x48e: {  	[tilespmem:s5+$0xFFFFFFF0] =	vst v2  }
0x48f: {  	v0 =	vld [tilespmem:s7+$0x0];
	_ =	sdelay $0x7  }
0x490: {  	v0 =	vld.idx.msk [tilespmem:v0+s4+$0x0], $0xffff;
	_ =	sdelay $0x1  }
0x491: {  	p0 =	sne.s32 s2, $0x8FF  }
.Ltmp31:
0x492: {  	_ = 	snop;
	(pc) =	sbr.rel @p0 .LBB2_54-.Ltmp31, $4  }
0x493: {  	_ = 	snop  }
0x494: {  	v1 =	vsub.f32 v0, v1  }
0x495: {  	s2 =	sadd.s32 $0x1, s2;
	[tilespmem:s3+$0x0] =	vst v0  }
0x496: {  	s7 =	sadd.s32 $0x20, s7;
	s3 =	sadd.s32 $0x20, s3;
	[tilespmem:s5+$0x0] =	vst v1;
	s5 =	sadd.s32 $0x20, s5  }
0x497: {  	s2 =	rddreg [dreg:$0x14]  }
0x498: {  	s7 =	rddreg [dreg:$0x15]  }
0x499: {  	s30 =	sld [smem:$0x7F9];
	s2 =	sadd.s32 s23, s2  }
0x49a: {  	[hbm4b:s2+s10] =	stream.strided.scatter [tilespmem:s22], [sflag:$0x5], $0x2000, s1, s10, $0x38;
	[tilespmem:$0x1D000] =	vst v63  }
0x49b: {  	s2 =	sadd.s32 s25, s7  }
0x49c: {  	[hbm4b:s2+s10] =	stream.strided.scatter [tilespmem:s8], [sflag:$0x7], $0x2000, s12, s10, $0x38;
	[tilespmem:$0x1D000] =	vst v63  }
0x49d: {  	s2 =	sadd.s32 s0, s30  }
0x49e: {  	[tilespmem:s14], [sflag:$0x3] =	stream.strided.gather [hbm4b:s2+s10], $0x2000, s12, s10, $0x38;
	[tilespmem:$0x1D000] =	vst v63  }
0x49f: {  	_ =	swait.ge [sflag:s24], $0x2000  }
0x4a0: {  	[sflag:s24] =	ssyncset.done $0x0  }
0x4a1: {  	[sflag:s24] =	ssyncadd.s32 $0xFFFFE000  }
0x4a2: {  	_ =	swait.ge [sflag:s31], $0x2000  }
0x4a3: {  	[sflag:s31] =	ssyncset.done $0x0  }
0x4a4: {  	[sflag:s31] =	ssyncadd.s32 $0xFFFFE000  }
0x4a5: {  	_ =	swait.ge [sflag:s19], $0x2000  }
0x4a6: {  	s5 =	simm.s32 $0x1A010;
	s3 =	simm.s32 $0x16010;
	[sflag:s19] =	ssyncset.done $0x0  }
0x4a7: {  	s7 =	simm.s32 $0x12010;
	s2 =	simm.s32 $0x900;
	[sflag:s19] =	ssyncadd.s32 $0xFFFFE000  }
.LBB2_56:
0x4a8: {  	v0 =	vld [tilespmem:s7+$0xFFFFFFF0];
	_ =	sdelay $0x1  }
0x4a9: {  	v1 =	vmov s2;
	_ =	sdelay $0x4  }
0x4aa: {  	v1 =	vld.idx.msk [tilespmem:v1+s6+$0x0], $0xffff  }
0x4ab: {  	v0 =	vld.idx.msk [tilespmem:v0+s4+$0x0], $0xffff;
	_ =	sdelay $0x4  }
0x4ac: {  	v2 =	vsub.f32 v0, v1  }
0x4ad: {  	[tilespmem:s3+$0xFFFFFFF0] =	vst v0  }
0x4ae: {  	[tilespmem:s5+$0xFFFFFFF0] =	vst v2  }
0x4af: {  	v0 =	vld [tilespmem:s7+$0x0];
	_ =	sdelay $0x7  }
0x4b0: {  	v0 =	vld.idx.msk [tilespmem:v0+s4+$0x0], $0xffff;
	_ =	sdelay $0x1  }
0x4b1: {  	p0 =	sne.s32 s2, $0x9FF  }
.Ltmp32:
0x4b2: {  	_ = 	snop;
	(pc) =	sbr.rel @p0 .LBB2_56-.Ltmp32, $4  }
0x4b3: {  	_ = 	snop  }
0x4b4: {  	v1 =	vsub.f32 v0, v1  }
0x4b5: {  	s2 =	sadd.s32 $0x1, s2;
	[tilespmem:s3+$0x0] =	vst v0  }
0x4b6: {  	s7 =	sadd.s32 $0x20, s7;
	s3 =	sadd.s32 $0x20, s3;
	[tilespmem:s5+$0x0] =	vst v1;
	s5 =	sadd.s32 $0x20, s5  }
0x4b7: {  	s2 =	rddreg [dreg:$0x16]  }
0x4b8: {  	s7 =	rddreg [dreg:$0x17]  }
0x4b9: {  	s30 =	sld [smem:$0x7FA];
	s2 =	sadd.s32 s23, s2  }
0x4ba: {  	[hbm4b:s2+s10] =	stream.strided.scatter [tilespmem:s26], [sflag:$0x6], $0x2000, s1, s10, $0x38;
	[tilespmem:$0x1D000] =	vst v63  }
0x4bb: {  	s2 =	sadd.s32 s25, s7  }
0x4bc: {  	[hbm4b:s2+s10] =	stream.strided.scatter [tilespmem:s11], [sflag:$0x8], $0x2000, s12, s10, $0x38;
	[tilespmem:$0x1D000] =	vst v63  }
0x4bd: {  	s2 =	sadd.s32 s0, s30  }
0x4be: {  	[tilespmem:s18], [sflag:$0x4] =	stream.strided.gather [hbm4b:s2+s10], $0x2000, s12, s10, $0x38;
	[tilespmem:$0x1D000] =	vst v63  }
0x4bf: {  	_ =	swait.ge [sflag:s20], $0x2000  }
0x4c0: {  	[sflag:s20] =	ssyncset.done $0x0  }
0x4c1: {  	[sflag:s20] =	ssyncadd.s32 $0xFFFFE000  }
0x4c2: {  	_ =	swait.ge [sflag:s29], $0x2000  }
0x4c3: {  	[sflag:s29] =	ssyncset.done $0x0  }
0x4c4: {  	[sflag:s29] =	ssyncadd.s32 $0xFFFFE000  }
0x4c5: {  	_ =	swait.ge [sflag:s17], $0x2000  }
0x4c6: {  	s5 =	simm.s32 $0x18010;
	s3 =	simm.s32 $0x14010;
	[sflag:s17] =	ssyncset.done $0x0  }
0x4c7: {  	s7 =	simm.s32 $0x10010;
	s2 =	simm.s32 $0xA00;
	[sflag:s17] =	ssyncadd.s32 $0xFFFFE000  }
.LBB2_58:
0x4c8: {  	v0 =	vld [tilespmem:s7+$0xFFFFFFF0];
	_ =	sdelay $0x1  }
0x4c9: {  	v1 =	vmov s2;
	_ =	sdelay $0x4  }
0x4ca: {  	v1 =	vld.idx.msk [tilespmem:v1+s6+$0x0], $0xffff  }
0x4cb: {  	v0 =	vld.idx.msk [tilespmem:v0+s4+$0x0], $0xffff;
	_ =	sdelay $0x4  }
0x4cc: {  	v2 =	vsub.f32 v0, v1  }
0x4cd: {  	[tilespmem:s3+$0xFFFFFFF0] =	vst v0  }
0x4ce: {  	[tilespmem:s5+$0xFFFFFFF0] =	vst v2  }
0x4cf: {  	v0 =	vld [tilespmem:s7+$0x0];
	_ =	sdelay $0x7  }
0x4d0: {  	v0 =	vld.idx.msk [tilespmem:v0+s4+$0x0], $0xffff;
	_ =	sdelay $0x1  }
0x4d1: {  	p0 =	sne.s32 s2, $0xAFF  }
.Ltmp33:
0x4d2: {  	_ = 	snop;
	(pc) =	sbr.rel @p0 .LBB2_58-.Ltmp33, $4  }
0x4d3: {  	_ = 	snop  }
0x4d4: {  	v1 =	vsub.f32 v0, v1  }
0x4d5: {  	s2 =	sadd.s32 $0x1, s2;
	[tilespmem:s3+$0x0] =	vst v0  }
0x4d6: {  	s7 =	sadd.s32 $0x20, s7;
	s3 =	sadd.s32 $0x20, s3;
	[tilespmem:s5+$0x0] =	vst v1;
	s5 =	sadd.s32 $0x20, s5  }
0x4d7: {  	s2 =	rddreg [dreg:$0x18]  }
0x4d8: {  	s7 =	rddreg [dreg:$0x19]  }
0x4d9: {  	s30 =	sld [smem:$0x7FB];
	s2 =	sadd.s32 s23, s2  }
0x4da: {  	[hbm4b:s2+s10] =	stream.strided.scatter [tilespmem:s22], [sflag:$0x5], $0x2000, s1, s10, $0x38;
	[tilespmem:$0x1D000] =	vst v63  }
0x4db: {  	s2 =	sadd.s32 s25, s7  }
0x4dc: {  	[hbm4b:s2+s10] =	stream.strided.scatter [tilespmem:s8], [sflag:$0x7], $0x2000, s12, s10, $0x38;
	[tilespmem:$0x1D000] =	vst v63  }
0x4dd: {  	s2 =	sadd.s32 s0, s30  }
0x4de: {  	[tilespmem:s14], [sflag:$0x3] =	stream.strided.gather [hbm4b:s2+s10], $0x2000, s12, s10, $0x38;
	[tilespmem:$0x1D000] =	vst v63  }
0x4df: {  	_ =	swait.ge [sflag:s24], $0x2000  }
0x4e0: {  	[sflag:s24] =	ssyncset.done $0x0  }
0x4e1: {  	[sflag:s24] =	ssyncadd.s32 $0xFFFFE000  }
0x4e2: {  	_ =	swait.ge [sflag:s31], $0x2000  }
0x4e3: {  	[sflag:s31] =	ssyncset.done $0x0  }
0x4e4: {  	[sflag:s31] =	ssyncadd.s32 $0xFFFFE000  }
0x4e5: {  	_ =	swait.ge [sflag:s19], $0x2000  }
0x4e6: {  	s5 =	simm.s32 $0x1A010;
	s3 =	simm.s32 $0x16010;
	[sflag:s19] =	ssyncset.done $0x0  }
0x4e7: {  	s7 =	simm.s32 $0x12010;
	s2 =	simm.s32 $0xB00;
	[sflag:s19] =	ssyncadd.s32 $0xFFFFE000  }
.LBB2_60:
0x4e8: {  	v0 =	vld [tilespmem:s7+$0xFFFFFFF0];
	_ =	sdelay $0x1  }
0x4e9: {  	v1 =	vmov s2;
	_ =	sdelay $0x4  }
0x4ea: {  	v1 =	vld.idx.msk [tilespmem:v1+s6+$0x0], $0xffff  }
0x4eb: {  	v0 =	vld.idx.msk [tilespmem:v0+s4+$0x0], $0xffff;
	_ =	sdelay $0x4  }
0x4ec: {  	v2 =	vsub.f32 v0, v1  }
0x4ed: {  	[tilespmem:s3+$0xFFFFFFF0] =	vst v0  }
0x4ee: {  	[tilespmem:s5+$0xFFFFFFF0] =	vst v2  }
0x4ef: {  	v0 =	vld [tilespmem:s7+$0x0];
	_ =	sdelay $0x7  }
0x4f0: {  	v0 =	vld.idx.msk [tilespmem:v0+s4+$0x0], $0xffff;
	_ =	sdelay $0x1  }
0x4f1: {  	p0 =	sne.s32 s2, $0xBFF  }
.Ltmp34:
0x4f2: {  	_ = 	snop;
	(pc) =	sbr.rel @p0 .LBB2_60-.Ltmp34, $4  }
0x4f3: {  	_ = 	snop  }
0x4f4: {  	v1 =	vsub.f32 v0, v1  }
0x4f5: {  	s2 =	sadd.s32 $0x1, s2;
	[tilespmem:s3+$0x0] =	vst v0  }
0x4f6: {  	s7 =	sadd.s32 $0x20, s7;
	s3 =	sadd.s32 $0x20, s3;
	[tilespmem:s5+$0x0] =	vst v1;
	s5 =	sadd.s32 $0x20, s5  }
0x4f7: {  	s2 =	rddreg [dreg:$0x1a]  }
0x4f8: {  	s7 =	rddreg [dreg:$0x1b]  }
0x4f9: {  	s30 =	sld [smem:$0x7FC];
	s2 =	sadd.s32 s23, s2  }
0x4fa: {  	[hbm4b:s2+s10] =	stream.strided.scatter [tilespmem:s26], [sflag:$0x6], $0x2000, s1, s10, $0x38;
	[tilespmem:$0x1D000] =	vst v63  }
0x4fb: {  	s2 =	sadd.s32 s25, s7  }
0x4fc: {  	[hbm4b:s2+s10] =	stream.strided.scatter [tilespmem:s11], [sflag:$0x8], $0x2000, s12, s10, $0x38;
	[tilespmem:$0x1D000] =	vst v63  }
0x4fd: {  	s0 =	sadd.s32 s0, s30  }
0x4fe: {  	[tilespmem:s18], [sflag:$0x4] =	stream.strided.gather [hbm4b:s0+s10], $0x2000, s12, s10, $0x38;
	[tilespmem:$0x1D000] =	vst v63  }
0x4ff: {  	_ =	swait.ge [sflag:s20], $0x2000  }
0x500: {  	[sflag:s20] =	ssyncset.done $0x0  }
0x501: {  	[sflag:s20] =	ssyncadd.s32 $0xFFFFE000  }
0x502: {  	_ =	swait.ge [sflag:s29], $0x2000  }
0x503: {  	[sflag:s29] =	ssyncset.done $0x0  }
0x504: {  	[sflag:s29] =	ssyncadd.s32 $0xFFFFE000  }
0x505: {  	_ =	swait.ge [sflag:s17], $0x2000  }
0x506: {  	s3 =	simm.s32 $0x14010;
	s5 =	simm.s32 $0x10010;
	[sflag:s17] =	ssyncset.done $0x0  }
0x507: {  	s2 =	simm.s32 $0x18010;
	s0 =	simm.s32 $0xC00;
	[sflag:s17] =	ssyncadd.s32 $0xFFFFE000  }
.LBB2_62:
0x508: {  	v0 =	vld [tilespmem:s5+$0xFFFFFFF0];
	_ =	sdelay $0x1  }
0x509: {  	v1 =	vmov s0;
	_ =	sdelay $0x4  }
0x50a: {  	v1 =	vld.idx.msk [tilespmem:v1+s6+$0x0], $0xffff  }
0x50b: {  	v0 =	vld.idx.msk [tilespmem:v0+s4+$0x0], $0xffff;
	_ =	sdelay $0x4  }
0x50c: {  	v2 =	vsub.f32 v0, v1  }
0x50d: {  	[tilespmem:s3+$0xFFFFFFF0] =	vst v0  }
0x50e: {  	[tilespmem:s2+$0xFFFFFFF0] =	vst v2  }
0x50f: {  	v0 =	vld [tilespmem:s5+$0x0];
	_ =	sdelay $0x7  }
0x510: {  	v0 =	vld.idx.msk [tilespmem:v0+s4+$0x0], $0xffff;
	_ =	sdelay $0x1  }
0x511: {  	p0 =	sne.s32 s0, $0xCFF  }
.Ltmp35:
0x512: {  	_ = 	snop;
	(pc) =	sbr.rel @p0 .LBB2_62-.Ltmp35, $4  }
0x513: {  	_ = 	snop  }
0x514: {  	v1 =	vsub.f32 v0, v1  }
0x515: {  	s0 =	sadd.s32 $0x1, s0;
	[tilespmem:s3+$0x0] =	vst v0  }
0x516: {  	s5 =	sadd.s32 $0x20, s5;
	s3 =	sadd.s32 $0x20, s3;
	[tilespmem:s2+$0x0] =	vst v1;
	s2 =	sadd.s32 $0x20, s2  }
0x517: {  	s0 =	rddreg [dreg:$0x1c]  }
0x518: {  	s7 =	rddreg [dreg:$0x1d]  }
0x519: {  	s30 =	sld [smem:$0x7E9];
	s0 =	sadd.s32 s23, s0  }
0x51a: {  	[hbm4b:s0+s10] =	stream.strided.scatter [tilespmem:s22], [sflag:$0x5], $0x2000, s1, s10, $0x38;
	[tilespmem:$0x1D000] =	vst v63  }
0x51b: {  	s0 =	sadd.s32 s25, s7  }
0x51c: {  	[hbm4b:s0+s10] =	stream.strided.scatter [tilespmem:s8], [sflag:$0x7], $0x2000, s12, s10, $0x38;
	[tilespmem:$0x1D000] =	vst v63  }
0x51d: {  	s0 =	sor.u32 s30, s28  }
0x51e: {  	s0 =	sshrl.u32 s0, $0x3  }
0x51f: {  	s2 =	sor.u32 $0x1C000, s0  }
0x520: {  	s2 =	sadd.s32 s16, s2  }
0x521: {  	[tilespmem:s14], [sflag:$0x3] =	stream.strided.gather [hbm4b:s2+s10], $0x2000, s12, s10, $0x38;
	[tilespmem:$0x1D000] =	vst v63  }
0x522: {  	_ =	swait.ge [sflag:s24], $0x2000  }
0x523: {  	[sflag:s24] =	ssyncset.done $0x0  }
0x524: {  	[sflag:s24] =	ssyncadd.s32 $0xFFFFE000  }
0x525: {  	_ =	swait.ge [sflag:s31], $0x2000  }
0x526: {  	[sflag:s31] =	ssyncset.done $0x0  }
0x527: {  	[sflag:s31] =	ssyncadd.s32 $0xFFFFE000  }
0x528: {  	_ =	swait.ge [sflag:s19], $0x2000  }
0x529: {  	s5 =	simm.s32 $0x1A010;
	s3 =	simm.s32 $0x16010;
	[sflag:s19] =	ssyncset.done $0x0  }
0x52a: {  	s7 =	simm.s32 $0x12010;
	s2 =	simm.s32 $0xD00;
	[sflag:s19] =	ssyncadd.s32 $0xFFFFE000  }
.LBB2_64:
0x52b: {  	v0 =	vld [tilespmem:s7+$0xFFFFFFF0];
	_ =	sdelay $0x1  }
0x52c: {  	v1 =	vmov s2;
	_ =	sdelay $0x4  }
0x52d: {  	v1 =	vld.idx.msk [tilespmem:v1+s6+$0x0], $0xffff  }
0x52e: {  	v0 =	vld.idx.msk [tilespmem:v0+s4+$0x0], $0xffff;
	_ =	sdelay $0x4  }
0x52f: {  	v2 =	vsub.f32 v0, v1  }
0x530: {  	[tilespmem:s3+$0xFFFFFFF0] =	vst v0  }
0x531: {  	[tilespmem:s5+$0xFFFFFFF0] =	vst v2  }
0x532: {  	v0 =	vld [tilespmem:s7+$0x0];
	_ =	sdelay $0x7  }
0x533: {  	v0 =	vld.idx.msk [tilespmem:v0+s4+$0x0], $0xffff;
	_ =	sdelay $0x1  }
0x534: {  	p0 =	sne.s32 s2, $0xDFF  }
.Ltmp36:
0x535: {  	_ = 	snop;
	(pc) =	sbr.rel @p0 .LBB2_64-.Ltmp36, $4  }
0x536: {  	_ = 	snop  }
0x537: {  	v1 =	vsub.f32 v0, v1  }
0x538: {  	s2 =	sadd.s32 $0x1, s2;
	[tilespmem:s3+$0x0] =	vst v0  }
0x539: {  	s7 =	sadd.s32 $0x20, s7;
	s3 =	sadd.s32 $0x20, s3;
	[tilespmem:s5+$0x0] =	vst v1;
	s5 =	sadd.s32 $0x20, s5  }
0x53a: {  	s2 =	rddreg [dreg:$0x1e]  }
0x53b: {  	s30 =	rddreg [dreg:$0x1f];
	s2 =	sadd.s32 s23, s2  }
0x53c: {  	[hbm4b:s2+s10] =	stream.strided.scatter [tilespmem:s26], [sflag:$0x6], $0x2000, s1, s10, $0x38;
	[tilespmem:$0x1D000] =	vst v63  }
0x53d: {  	s0 =	sor.u32 $0x1E000, s0;
	s2 =	sadd.s32 s25, s30  }
0x53e: {  	[hbm4b:s2+s10] =	stream.strided.scatter [tilespmem:s11], [sflag:$0x8], $0x2000, s12, s10, $0x38;
	[tilespmem:$0x1D000] =	vst v63  }
0x53f: {  	s0 =	sadd.s32 s16, s0  }
0x540: {  	[tilespmem:s18], [sflag:$0x4] =	stream.strided.gather [hbm4b:s0+s10], $0x2000, s12, s10, $0x38;
	[tilespmem:$0x1D000] =	vst v63  }
0x541: {  	_ =	swait.ge [sflag:s20], $0x2000  }
0x542: {  	[sflag:s20] =	ssyncset.done $0x0  }
0x543: {  	[sflag:s20] =	ssyncadd.s32 $0xFFFFE000  }
0x544: {  	_ =	swait.ge [sflag:s29], $0x2000  }
0x545: {  	[sflag:s29] =	ssyncset.done $0x0  }
0x546: {  	[sflag:s29] =	ssyncadd.s32 $0xFFFFE000  }
0x547: {  	_ =	swait.ge [sflag:s17], $0x2000  }
0x548: {  	s3 =	simm.s32 $0x14010;
	s5 =	simm.s32 $0x10010;
	[sflag:s17] =	ssyncset.done $0x0  }
0x549: {  	s2 =	simm.s32 $0x18010;
	s0 =	simm.s32 $0xE00;
	[sflag:s17] =	ssyncadd.s32 $0xFFFFE000  }
.LBB2_66:
0x54a: {  	v0 =	vld [tilespmem:s5+$0xFFFFFFF0];
	_ =	sdelay $0x1  }
0x54b: {  	v1 =	vmov s0;
	_ =	sdelay $0x4  }
0x54c: {  	v1 =	vld.idx.msk [tilespmem:v1+s6+$0x0], $0xffff  }
0x54d: {  	v0 =	vld.idx.msk [tilespmem:v0+s4+$0x0], $0xffff;
	_ =	sdelay $0x4  }
0x54e: {  	v2 =	vsub.f32 v0, v1  }
0x54f: {  	[tilespmem:s3+$0xFFFFFFF0] =	vst v0  }
0x550: {  	[tilespmem:s2+$0xFFFFFFF0] =	vst v2  }
0x551: {  	v0 =	vld [tilespmem:s5+$0x0];
	_ =	sdelay $0x7  }
0x552: {  	v0 =	vld.idx.msk [tilespmem:v0+s4+$0x0], $0xffff;
	_ =	sdelay $0x1  }
0x553: {  	p0 =	sne.s32 s0, $0xEFF  }
.Ltmp37:
0x554: {  	_ = 	snop;
	(pc) =	sbr.rel @p0 .LBB2_66-.Ltmp37, $4  }
0x555: {  	_ = 	snop  }
0x556: {  	v1 =	vsub.f32 v0, v1  }
0x557: {  	s0 =	sadd.s32 $0x1, s0;
	[tilespmem:s3+$0x0] =	vst v0  }
0x558: {  	s5 =	sadd.s32 $0x20, s5;
	s3 =	sadd.s32 $0x20, s3;
	[tilespmem:s2+$0x0] =	vst v1;
	s2 =	sadd.s32 $0x20, s2  }
0x559: {  	s0 =	sld [smem:$0x7EB];
	_ =	sdelay $0x1  }
0x55a: {  	s30 =	sld [smem:$0x7EC]  }
0x55b: {  	s0 =	sadd.s32 s23, s0  }
0x55c: {  	[hbm4b:s0+s10] =	stream.strided.scatter [tilespmem:s22], [sflag:$0x5], $0x2000, s1, s10, $0x38;
	[tilespmem:$0x1D000] =	vst v63  }
0x55d: {  	s0 =	sadd.s32 s25, s30  }
0x55e: {  	[hbm4b:s0+s10] =	stream.strided.scatter [tilespmem:s8], [sflag:$0x7], $0x2000, s12, s10, $0x38;
	[tilespmem:$0x1D000] =	vst v63  }
0x55f: {  	_ =	swait.ge [sflag:s24], $0x2000  }
0x560: {  	[sflag:s24] =	ssyncset.done $0x0  }
0x561: {  	[sflag:s24] =	ssyncadd.s32 $0xFFFFE000  }
0x562: {  	_ =	swait.ge [sflag:s31], $0x2000  }
0x563: {  	[sflag:s31] =	ssyncset.done $0x0  }
0x564: {  	[sflag:s31] =	ssyncadd.s32 $0xFFFFE000  }
0x565: {  	s2 =	simm.s32 $0x1A010;
	_ =	swait.ge [sflag:s19], $0x2000  }
0x566: {  	s3 =	simm.s32 $0x16010;
	s5 =	simm.s32 $0x12010;
	[sflag:s19] =	ssyncset.done $0x0  }
0x567: {  	s0 =	simm.s32 $0xF00;
	s7 =	rddreg [dreg:$0xc];
	[sflag:s19] =	ssyncadd.s32 $0xFFFFE000  }
.LBB2_68:
0x568: {  	v0 =	vld [tilespmem:s5+$0xFFFFFFF0];
	_ =	sdelay $0x1  }
0x569: {  	v1 =	vmov s0;
	_ =	sdelay $0x4  }
0x56a: {  	v1 =	vld.idx.msk [tilespmem:v1+s6+$0x0], $0xffff  }
0x56b: {  	v0 =	vld.idx.msk [tilespmem:v0+s4+$0x0], $0xffff;
	_ =	sdelay $0x4  }
0x56c: {  	v2 =	vsub.f32 v0, v1  }
0x56d: {  	[tilespmem:s3+$0xFFFFFFF0] =	vst v0  }
0x56e: {  	[tilespmem:s2+$0xFFFFFFF0] =	vst v2  }
0x56f: {  	v0 =	vld [tilespmem:s5+$0x0];
	_ =	sdelay $0x7  }
0x570: {  	v0 =	vld.idx.msk [tilespmem:v0+s4+$0x0], $0xffff;
	_ =	sdelay $0x1  }
0x571: {  	p0 =	sne.s32 s0, $0xFFF  }
.Ltmp38:
0x572: {  	_ = 	snop;
	(pc) =	sbr.rel @p0 .LBB2_68-.Ltmp38, $4  }
0x573: {  	_ = 	snop  }
0x574: {  	v1 =	vsub.f32 v0, v1  }
0x575: {  	s0 =	sadd.s32 $0x1, s0;
	[tilespmem:s3+$0x0] =	vst v0  }
0x576: {  	s5 =	sadd.s32 $0x20, s5;
	s3 =	sadd.s32 $0x20, s3;
	[tilespmem:s2+$0x0] =	vst v1;
	s2 =	sadd.s32 $0x20, s2  }
0x577: {  	s0 =	sld [smem:$0x7ED];
	_ =	sdelay $0x1  }
0x578: {  	s30 =	sld [smem:$0x7EE]  }
0x579: {  	s0 =	sadd.s32 s23, s0  }
0x57a: {  	[hbm4b:s0+s10] =	stream.strided.scatter [tilespmem:s26], [sflag:$0x6], $0x2000, s1, s10, $0x38;
	[tilespmem:$0x1D000] =	vst v63  }
0x57b: {  	s0 =	sadd.s32 s25, s30  }
0x57c: {  	[hbm4b:s0+s10] =	stream.strided.scatter [tilespmem:s11], [sflag:$0x8], $0x2000, s12, s10, $0x38;
	[tilespmem:$0x1D000] =	vst v63  }
0x57d: {  	_ =	swait.ge [sflag:s29], $0x2000  }
.Ltmp39:
0x57e: {  	[sflag:s29] =	ssyncset.done $0x0;
	(pc) =	sbr.rel .LBB2_70-.Ltmp39, $4  }
0x57f: {  	[sflag:s29] =	ssyncadd.s32 $0xFFFFE000  }
0x580: {  	_ =	swait.ge [sflag:s17], $0x2000  }
0x581: {  	[sflag:s17] =	ssyncset.done $0x0  }
0x582: {  	s2 =	simm.s32 $0x6;
	s0 =	simm.s32 $0x8;
	[sflag:s17] =	ssyncadd.s32 $0xFFFFE000  }
.LBB2_73:
0x583: {  	_ =	sfence.sel $0x180000  }
0x584: {  	[bflag:$0x0] =	sbarrier.arrive $0xFFFF  }
0x585: {  	_ =	strace $0x90000047  }
0x586: {  	s0 =	stileid.u32;
	[bflag:$0x2] =	sbarrier.arrive $0xFFFF  }
0x587: {  	p0 =	sne.s32 s0, $0x0;
	s0 =	rddreg [dreg:$0x4]  }
0x588: {  	s0 =	sadd.s32 @!p0 $0x100000, s0  }
0x589: {  	[sflag:s0] =	ssyncadd.tile.s32 @!p0 $0x1;
	_ =	shalt  }
.Lfunc_end2:
_tile_overlayer_lowered:
.L_overlay_start_2:
0x58a: {  	(tag) =	ssettag $0x2  }
0x58b: {  	s0 =	rddreg [dreg:$0x0];
	s2 =	stileid.u32  }
0x58c: {  	s1 =	rddreg [dreg:$0x1];
	p0 =	sne.s32 s2, $0x0  }
0x58d: {  	s3 =	rddreg [dreg:$0x2];
	[bflag:$0x3] =	sbarrier.arrive $0xFFFF;
	s2 =	simm.s32 @!p0 $0x1C09  }
0x58e: {  	[timem:s3], [sflag:s2] =	dma.local @!p0 [hbm:s0], s1  }
0x58f: {  	s0 =	simm.s32 @!p0 $0x9  }
0x590: {  	_ =	swait.ge @!p0 [sflag:s0], s1  }
0x591: {  	s1 =	ssub.s32 @!p0 $0x0, s1;
	[sflag:s0] =	ssyncset.done @!p0 $0x0  }
0x592: {  	[sflag:s0] =	ssyncadd.s32 @!p0 s1  }
0x593: {  	[bflag:$0x3] =	sbarrier.arrive $0xFFFF  }
0x594: {  	_ =	shalt  }

// kernel: sparse-core-data-format-call.cloned.1.call-start
scs
called_computation_lowered:
.L_overlay_start_0:
0x0: {  	s2 =	sld [smem:$0x3FD9]  }
0x1: {  	s3 =	sld [smem:$0x3FFE];
	_ =	sdelay $0x1  }
0x2: {  	s1 =	srdreg.scid  }
0x3: {  	s0 =	sand.u32 $0x1, s1  }
0x4: {  	s15 =	sshll.u32 s0, $0xA;
	s2 =	sadd.s32 s3, s2  }
0x5: {  	s2 =	sadd.s32 s2, s15  }
0x6: {  	[smem:$0x3FC4] =	sst s2  }
0x7: {  	_ = 	snop  }
0x8: {  	s2 =	sld [smem:$0x3FD0];
	_ =	sdelay $0x2  }
0x9: {  	s16 =	simm.s32 $0xA;
	s4 =	simm.s32 $0x10  }
0xa: {  	[smem:s4], [sflag:s16] =	dma.local [hbm:s2], $0x1  }
0xb: {  	_ =	swait.eq [sflag:s16], $0x1  }
0xc: {  	[sflag:s16] =	ssyncset.done $0x0  }
0xd: {  	[sflag:s16] =	ssyncadd.s32 $0xFFFFFFFF  }
0xe: {  	s17 =	sld [smem:$0x10];
	(tm) =	ssettm $0x1  }
0xf: {  	s18 =	sld [smem:$0x3FFB];
	_ =	sdelay $0x3  }
0x10: {  	_ =	strace s18  }
0x11: {  	s3 =	sld [smem:$0x3FFC];
	_ =	sdelay $0x3  }
0x12: {  	_ =	strace s3  }
0x13: {  	s3 =	sld [smem:$0x3FFD];
	_ =	sdelay $0x3  }
0x14: {  	_ =	strace s3  }
0x15: {  	_ =	strace $0x8FFFFFFF  }
0x16: {  	s19 =	sld [smem:$0x3FDB];
	_ =	sdelay $0x1  }
0x17: {  	s20 =	simm.s32 $_scs_section_size  }
0x18: {  	s5 =	simm.s32 $_size__tile_overlayer_lowered;
	s6 =	simm.s32 $_tile_overlayer_lowered  }
0x19: {  	s23 =	simm.s32 $0x1BFF;
	s22 =	sshll.u32 s6, $0x1;
	s3 =	sadd.s32 s20, s19  }
0x1a: {  	s7 =	simm.s32 $0x0;
	s21 =	sshll.u32 s5, $0x1;
	s5 =	sadd.s32 s22, s3  }
0x1b: {  	[timem:s7], [sflag:s23] =	dma.local [hbm:s5], s21  }
0x1c: {  	_ =	swait.ge [sflag:s23], s21  }
0x1d: {  	s4 =	ssub.s32 $0x0, s21;
	[sflag:s23] =	ssyncset.done $0x0  }
0x1e: {  	[sflag:s23] =	ssyncadd.s32 s4;
	_ =	sdelay $0x1  }
0x1f: {  	s24 =	simm.s32 $0x1B8B  }
0x20: {  	_ =	swait.ge [sflag:s24], $0x1  }
0x21: {  	[sflag:s24] =	ssyncset.done $0x0  }
0x22: {  	s26 =	simm.s32 $0x1B8E;
	s25 =	sld [smem:$0x3FFE];
	[sflag:s24] =	ssyncadd.s32 $0xFFFFFFFF  }
0x23: {  	s27 =	simm.s32 $execute0_lowered;
	[smem:$0x3FD2] =	sst s26  }
0x24: {  	s5 =	sshll.u32 s27, $0x1;
	_ =	strace $0x80000049;
	[dreg:$0x1] =	wrdreg $0xFFFFFFFF  }
0x25: {  	s28 =	simm.s32 $_size_execute0_lowered;
	s3 =	sadd.s32 s3, s5;
	[dreg:$0x0] =	wrdreg $0x0  }
0x26: {  	s5 =	sshll.u32 s28, $0x1;
	[dreg:$0x2] =	wrdreg s3  }
0x27: {  	[dreg:$0x3] =	wrdreg s5  }
0x28: {  	[dreg:$0x4] =	wrdreg $0xC0  }
0x29: {  	_ =	task [dreg:s7], $0x5FFFF  }
0x2a: {  	[dreg:$0x1] =	wrdreg $0xFFFFFFFF  }
0x2b: {  	[dreg:$0x0] =	wrdreg $0x60  }
0x2c: {  	[dreg:$0x2] =	wrdreg s25  }
0x2d: {  	[dreg:$0x3] =	wrdreg s17  }
0x2e: {  	[dreg:$0x4] =	wrdreg $0x9  }
0x2f: {  	_ =	task.clear_ibuf [dreg:s7], $0x5FFFF;
	_ =	strace $0x90000049  }
0x30: {  	s29 =	simm.s32 $0x9;
	_ =	strace $0x8000004B  }
0x31: {  	_ =	swait.ge [sflag:s29], $0x1  }
0x32: {  	[sflag:s29] =	ssyncadd.s32 $0xFFFFFFFF  }
0x33: {  	_ =	strace $0x9000004B  }
0x34: {  	_ =	sfence  }
0x35: {  	s30 =	sld [smem:$0x0];
	_ =	sdelay $0x2  }
0x36: {  	s31 =	sshll.u32 s1, $0xD;
	s1 =	sshrl.u32 s1, $0x2  }
0x37: {  	s3 =	sand.u32 $0x4000, s31;
	s1 =	sadd.s32 s1, s30  }
0x38: {  	s0 =	sor.u32 s3, s0;
	s1 =	sshll.u32 s1, $0x11  }
0x39: {  	s0 =	sor.u32 s1, s0  }
0x3a: {  	s0 =	sadd.s32 $0x8F2B, s0  }
0x3b: {  	[sflag:s0] =	ssyncadd.remote.s32 $0x1  }
0x3c: {  	_ =	sfence.sel $0xFFFF  }
0x3d: {  	[dreg:$0x0] =	wrdreg $0xFFFFFFFF;
	(pc) =	sbr.abs _section_cstart, $3  }
0x3e: {  	[dreg:$0x1] =	wrdreg $0xFFFFFFFF  }
0x3f: {  	_ =	task.clear_ibuf [dreg:s7], $0x2FFFF;
	_ =	strace $0x9FFFFFFF  }
0x40: {  	(tm) =	ssettm $0x7FFFFFFF  }
0x41: {  	_ =	shalt  }
tec
execute0_lowered:
.L_overlay_start_1:
0x0: {  	(tag) =	ssettag $0x1  }
0x1: {  	s0 =	stileid.u32;
	s4 =	rddreg [dreg:$0x0]  }
0x2: {  	s1 =	srdreg.scid;
	s3 =	rddreg [dreg:$0x1];
	s7 =	simm.s32 $0x1  }
0x3: {  	s31 =	simm.s32 $0x2;
	s17 =	simm.s32 $0x0;
	s9 =	simm.s32 $0x20000  }
0x4: {  	s18 =	simm.s32 $0x0;
	s2 =	sshll.u32 s0, $0x4;
	s1 =	sshll.u32 s1, $0x8  }
0x5: {  	s19 =	simm.s32 $0x0;
	s10 =	simm.s32 $0x0;
	s1 =	sor.u32 s2, s1  }
0x6: {  	s11 =	simm.s32 $0x0;
	s12 =	simm.s32 $0x0;
	s2 =	sand.u32 $0x180, s1  }
0x7: {  	s13 =	simm.s32 $0x0;
	s16 =	simm.s32 $0x0;
	s5 =	ssub.s32 $0x1000, s2  }
0x8: {  	s4 =	sadd.s32 $0x985000, s4;
	s1 =	rddreg [dreg:$0x2];
	s6 =	sand.u32 $0x180, s5  }
.Ltmp0:
0x9: {  	_ =	strace $0x8000004A;
	p0 =	sne.s32 s6, $0x0;
	(pc) =	sbr.rel .LBB1_1-.Ltmp0, $4  }
0xa: {  	s14 =	smov.u32 s2;
	s8 =	sshrl.u32 s5, $0x9;
	s7 =	simm.s32 @!p0 $0x0  }
0xb: {  	s5 =	sand.u32 $0x7, s0;
	s6 =	simm.s32 $0x1;
	s7 =	sadd.s32 s7, s8  }
0xc: {  	s15 =	smov.u32 s5;
	[sflag:s6] =	ssyncpa.u1 $0x0;
	s7 =	sshll.u32 s7, $0x5  }
0xd: {  	p0 =	por $0x0, $0x0;
	[sflag:s31] =	ssyncpa.u1 $0x0;
	s8 =	sor.u32 $0x1, s7  }
.LBB1_4:
0xe: {  	s25 =	sshll.u32 s10, $0xC;
	s24 =	sshra.s32 s24, $0x2;
	s26 =	sshll.u32 s11, $0x3  }
0xf: {  	p1 =	sgt.s32 s12, $0x7;
	s27 =	smov.u32 s12;
	s28 =	sshra.s32 s12, $0x1F  }
0x10: {  	p2 =	sgt.s32 s11, $0xF80;
	s30 =	sshra.s32 s11, $0x1F;
	s25 =	sand.u32 $0x18000, s25  }
0x11: {  	s29 =	sand.u32 $0x1FC00, s26;
	s27 =	simm.s32 @!p1 $0x7;
	s28 =	sand.u32 s28, s12  }
0x12: {  	s23 =	sadd.s32 s24, s23;
	s31 =	sand.u32 s30, s11;
	s30 =	sshra.s32 s10, $0x1F  }
0x13: {  	s26 =	sand.u32 $0xC00, s26;
	s24 =	sadd.s32 s29, s25;
	s25 =	ssub.s32 s27, s28  }
0x14: {  	s28 =	smov.u32 s11;
	s29 =	smov.u32 s10;
	s27 =	sadd.s32 $0xFFFFFFF9, s25  }
0x15: {  	v5 =	vld [tilespmem:s21+$0xFFFFFFD0];
	[tilespmem:s22+$0x2040 ss:$0x81] =	vst.msk $0xffff, v4;
	s28 =	simm.s32 @!p2 $0xF80;
	p2 =	sgt.s32 s10, $0x1F;
	s25 =	ssub.s32 $0x8, s25  }
0x16: {  	v58 =	vld [tilespmem:s21+$0xFFFFFFE0];
	[tilespmem:s22+$0x2850 ss:$0x81] =	vst.msk $0xffff, v3;
	s24 =	sshrl.u32 s24, $0x3;
	p1 =	sgt.s32 s27, $0x0;
	s27 =	ssub.s32 s28, s31  }
0x17: {  	v59 =	vld [tilespmem:s21+$0xFFFFFFF0];
	[tilespmem:s22+$0x3060 ss:$0x81] =	vst.msk $0xffff, v2;
	s29 =	simm.s32 @!p2 $0x1F;
	s28 =	sand.u32 s30, s10;
	s25 =	smul.u32 $0x43, s25  }
0x18: {  	[tilespmem:s22+$0x0 ss:$0x81] =	vst.msk $0xffff, v1;
	v60 =	vld [tilespmem:s21+$0x0];
	s24 =	sand.u32 $0x3E00, s24;
	s28 =	ssub.s32 s29, s28;
	s31 =	sadd.s32 $0xFFFFF080, s27  }
0x19: {  	v61 =	vld [tilespmem:s21+$0x10];
	[tilespmem:s23+$0x3870 ss:$0x81] =	vst.msk $0xffff, v0;
	s27 =	ssub.s32 $0x1000, s27;
	s29 =	sshll.u32 s10, $0x7;
	p2 =	sgt.s32 s31, $0x7F  }
0x1a: {  	v62 =	vld [tilespmem:s21+$0x20];
	[tilespmem:s23+$0x810 ss:$0x81] =	vst.msk $0xffff, v5;
	s30 =	sadd.s32 $0xFFFFFFE1, s28;
	s25 =	simm.s32 @p1 $0x0;
	s31 =	sand.u32 $0x78, s11  }
0x1b: {  	v63 =	vld [tilespmem:s21+$0xFFFFFFC0];
	[tilespmem:s23+$0x1020 ss:$0x81] =	vst.msk $0xffff, v58;
	s27 =	simm.s32 @p2 $0x0;
	s22 =	sor.u32 s31, s26;
	s31 =	smul.u32 $0x10C000, s12  }
0x1c: {  	[tilespmem:s23+$0x1830 ss:$0x81] =	vst.msk $0xffff, v59;
	p1 =	sgt.s32 s30, $0x0;
	s25 =	smul.u32 s25, s27;
	s27 =	ssub.s32 $0x20, s28  }
0x1d: {  	[tilespmem:s23+$0x2040 ss:$0x81] =	vst.msk $0xffff, v60;
	s30 =	sand.u32 $0x380, s29;
	s29 =	sand.u32 $0x7, s11;
	s27 =	simm.s32 @p1 $0x0  }
0x1e: {  	[tilespmem:s23+$0x2850 ss:$0x81] =	vst.msk $0xffff, v61;
	s21 =	sor.u32 s30, s22;
	s28 =	sadd.s32 s3, s31;
	s27 =	smul.u32 s27, s25  }
0x1f: {  	[tilespmem:s23+$0x3060 ss:$0x81] =	vst.msk $0xffff, v62;
	s30 =	sshll.u32 s29, $0x12;
	s21 =	sshrl.u32 s21, $0x3;
	s24 =	sadd.s32 s24, s28  }
0x20: {  	[tilespmem:s23+$0x0 ss:$0x81] =	vst.msk $0xffff, v63;
	s31 =	sor.u32 $0x80, s30;
	s21 =	sadd.s32 s21, s24;
	s22 =	sand.u32 $0x3FFFFFFF, s27  }
0x21: {  	[hbm4b:s21+s31] =	stream.strided.scatter [tilespmem:s20], [sflag:$0x2], s22, s9, s31, $0x20;
	[tilespmem:$0x10100] =	vst v63  }
.LBB1_5:
0x22: {  	p1 =	slt.u32 s16, $0x2  }
0x23: {  	p2 =	sgt.s32 @!p1 s19, $0x7  }
0x24: {  	s20 =	smov.u32 s19;
	s21 =	sshra.s32 @!p1 s19, $0x1F;
	p2 =	por !p2, p1  }
0x25: {  	p3 =	sgt.s32 @!p1 s18, $0xF80;
	s19 =	sand.u32 @!p1 s21, s19;
	s20 =	simm.s32 @p2 $0x7  }
0x26: {  	p3 =	por !p3, p1;
	s19 =	ssub.s32 @!p1 s20, s19  }
0x27: {  	s21 =	sshra.s32 @!p1 s18, $0x1F;
	s20 =	sadd.s32 @!p1 $0xFFFFFFF9, s19;
	s19 =	ssub.s32 @!p1 $0x8, s19  }
0x28: {  	p2 =	sgt.s32 @!p1 s20, $0x0;
	s19 =	smul.u32 @!p1 $0x43, s19;
	s20 =	smov.u32 s18  }
0x29: {  	s18 =	sand.u32 @!p1 s21, s18;
	s20 =	simm.s32 @p3 $0xF80;
	p3 =	sgt.s32 @!p1 s17, $0x1F  }
0x2a: {  	s21 =	smov.u32 s17;
	p2 =	por !p2, p1;
	p3 =	por !p3, p1  }
0x2b: {  	s18 =	ssub.s32 @!p1 s20, s18;
	s20 =	sshra.s32 @!p1 s17, $0x1F;
	s19 =	simm.s32 @!p2 $0x0  }
0x2c: {  	s21 =	simm.s32 @p3 $0x1F;
	s17 =	sand.u32 @!p1 s20, s17;
	s20 =	sadd.s32 @!p1 $0xFFFFF080, s18  }
0x2d: {  	s18 =	ssub.s32 @!p1 $0x1000, s18;
	s17 =	ssub.s32 @!p1 s21, s17;
	p2 =	sgt.s32 @!p1 s20, $0x7F  }
0x2e: {  	s21 =	smov.u32 s14;
	s20 =	sadd.s32 @!p1 $0xFFFFFFE1, s17;
	p2 =	por !p2, p1  }
0x2f: {  	s17 =	ssub.s32 @!p1 $0x20, s17;
	p3 =	sgt.s32 @!p1 s20, $0x0;
	s18 =	simm.s32 @!p2 $0x0  }
0x30: {  	s20 =	sadd.s32 $0x1, s13;
	p2 =	por !p3, p1;
	s18 =	smul.u32 @!p1 s19, s18  }
0x31: {  	s19 =	sadd.s32 $0x200, s14;
	s17 =	simm.s32 @!p2 $0x0;
	p2 =	sgt.s32 s20, $0x1F  }
0x32: {  	s22 =	smov.u32 s15;
	s21 =	smov.u32 @p2 s19  }
0x33: {  	s17 =	smul.u32 @!p1 s17, s18;
	s18 =	sadd.s32 $0x8, s15;
	p3 =	sgt.s32 s21, $0xFFF  }
0x34: {  	p0 =	por !p0, !p0;
	s23 =	simm.s32 @!p1 $0x2;
	s22 =	smov.u32 @p3 s18  }
0x35: {  	s20 =	simm.s32 @p2 $0x0;
	s19 =	smov.u32 s12;
	p2 =	sgt.s32 s22, $0x7  }
0x36: {  	s12 =	smov.u32 s15;
	s22 =	smov.u32 @p2 s5;
	p2 =	sne.s32 s16, s8  }
.Ltmp1:
0x37: {  	s17 =	sand.u32 @!p1 $0x3FFFFFFF, s17;
	s21 =	smov.u32 @p3 s2;
	(pc) =	sbr.rel @!p2 .LBB1_6-.Ltmp1, $4  }
0x38: {  	s18 =	smov.u32 s11;
	s11 =	smov.u32 s14;
	_ =	swait.ge @!p1 [sflag:s23], s17  }
0x39: {  	s24 =	ssub.s32 @!p1 $0x0, s17;
	s17 =	smov.u32 s10;
	s10 =	smov.u32 s13  }
0x3a: {  	s13 =	smov.u32 s20;
	s14 =	smov.u32 s21;
	[sflag:s23] =	ssyncset.done @!p1 $0x0  }
0x3b: {  	s16 =	sadd.s32 $0x1, s16;
	[sflag:s23] =	ssyncadd.s32 @!p1 s24;
	s15 =	smov.u32 s22  }
.LBB1_1:
0x3c: {  	p1 =	sge.u32 s16, s7;
	s31 =	sadd.s32 $0xFFFFFFFF, s16  }
0x3d: {  	s20 =	sxor.u32 @!p1 $0xFFFFFFFF, s16;
	s21 =	sshll.u32 @!p1 s15, $0x15;
	s22 =	sshll.u32 @!p1 s14, $0x9  }
0x3e: {  	s23 =	sshll.u32 @!p1 s13, $0x4;
	s20 =	sshll.u32 @!p1 s20, $0xE;
	s21 =	sadd.s32 @!p1 s4, s21  }
0x3f: {  	s23 =	sand.u32 @!p1 $0x1F0, s23;
	s20 =	sand.u32 @!p1 $0x4000, s20;
	s21 =	sadd.s32 @!p1 s22, s21  }
0x40: {  	s22 =	simm.s32 @!p1 $0x80;
	s21 =	sadd.s32 @!p1 s23, s21;
	s23 =	simm.s32 @!p1 $0x1000  }
0x41: {  	[tilespmem:s20], [sflag:$0x1] =	stream.strided.gather @!p1 [hbm4b:s21+s22], $0x4000, s23, s22, $0x38;
	[tilespmem:$0x10100] =	vst v63  }
0x42: {  	p1 =	sge.u32 s31, s7  }
.Ltmp2:
0x43: {  	_ = 	snop;
	(pc) =	sbr.rel @p1 .LBB1_5-.Ltmp2, $1  }
0x44: {  	_ =	sdelay $0x3  }
0x45: {  	s20 =	simm.s32 $0x1  }
0x46: {  	_ =	swait.ge [sflag:s6], $0x4000;
	s20 =	simm.s32 @!p0 $0x0  }
0x47: {  	[sflag:s6] =	ssyncset.done $0x0;
	s21 =	sshll.u32 s20, $0xE  }
0x48: {  	[sflag:s6] =	ssyncadd.s32 $0xFFFFC000;
	s21 =	sor.u32 $0x40, s21  }
0x49: {  	s20 =	smul.u32 $0x10200, s20;
	v0 =	vld [tilespmem:s21+$0x30]  }
0x4a: {  	v1 =	vld [tilespmem:s21+$0xFFFFFFD0]  }
0x4b: {  	s20 =	sshrl.u32 s20, $0x2;
	v5 =	vld [tilespmem:s21+$0xFFFFFFE0]  }
0x4c: {  	v6 =	vld [tilespmem:s21+$0xFFFFFFF0];
	s23 =	sor.u32 $0x8000, s20  }
0x4d: {  	s31 =	sand.u32 $0x1, s16;
	v4 =	vld [tilespmem:s21+$0x0];
	s22 =	sadd.s32 $0x0, s23  }
0x4e: {  	v3 =	vld [tilespmem:s21+$0x10];
	s20 =	smul.u32 $0x10200, s31;
	[tilespmem:s22+$0x3870 ss:$0x81] =	vst.msk $0xffff, v0  }
0x4f: {  	v2 =	vld [tilespmem:s21+$0x20];
	[tilespmem:s22+$0x810 ss:$0x81] =	vst.msk $0xffff, v1  }
0x50: {  	s20 =	sshrl.u32 s20, $0x2;
	v1 =	vld [tilespmem:s21+$0xFFFFFFC0];
	[tilespmem:s22+$0x1020 ss:$0x81] =	vst.msk $0xffff, v5;
	s21 =	sadd.s32 $0x80, s21  }
0x51: {  	s24 =	simm.s32 $0x4;
	s25 =	simm.s32 $0x8;
	s20 =	sor.u32 $0x8000, s20;
	[tilespmem:s22+$0x1830 ss:$0x81] =	vst.msk $0xffff, v6;
	v0 =	vld [tilespmem:s21+$0x30]  }
.LBB1_3:
0x52: {  	p1 =	sne.s32 s25, $0x1FC;
	v5 =	vld [tilespmem:s21+$0xFFFFFFD0];
	[tilespmem:s22+$0x2040 ss:$0x81] =	vst.msk $0xffff, v4  }
0x53: {  	v6 =	vld [tilespmem:s21+$0xFFFFFFE0];
	[tilespmem:s22+$0x2850 ss:$0x81] =	vst.msk $0xffff, v3  }
0x54: {  	s26 =	sshra.s32 s24, $0x2;
	s24 =	smov.u32 s25;
	v7 =	vld [tilespmem:s21+$0xFFFFFFF0];
	[tilespmem:s22+$0x3060 ss:$0x81] =	vst.msk $0xffff, v2  }
.Ltmp3:
0x55: {  	v4 =	vld [tilespmem:s21+$0x0];
	[tilespmem:s22+$0x0 ss:$0x81] =	vst.msk $0xffff, v1;
	s22 =	sadd.s32 s26, s23;
	(pc) =	sbr.rel @p1 .LBB1_3-.Ltmp3, $4  }
0x56: {  	v3 =	vld [tilespmem:s21+$0x10];
	[tilespmem:s22+$0x3870 ss:$0x81] =	vst.msk $0xffff, v0  }
0x57: {  	[tilespmem:s22+$0x810 ss:$0x81] =	vst.msk $0xffff, v5;
	v2 =	vld [tilespmem:s21+$0x20]  }
0x58: {  	v1 =	vld [tilespmem:s21+$0xFFFFFFC0];
	[tilespmem:s22+$0x1020 ss:$0x81] =	vst.msk $0xffff, v6;
	s21 =	sadd.s32 $0x80, s21  }
0x59: {  	s25 =	sadd.s32 $0x4, s25;
	v0 =	vld [tilespmem:s21+$0x30];
	[tilespmem:s22+$0x1830 ss:$0x81] =	vst.msk $0xffff, v7  }
.Ltmp4:
0x5a: {  	_ = 	snop;
	(pc) =	sbr.rel .LBB1_4-.Ltmp4, $1  }
0x5b: {  	_ =	sdelay $0x3  }
.LBB1_6:
0x5c: {  	_ =	sfence.sel $0x180000  }
0x5d: {  	s2 =	simm.s32 $0x1;
	[bflag:$0x0] =	sbarrier.arrive $0xFFFF  }
0x5e: {  	s31 =	simm.s32 $0x2;
	[sflag:s2] =	ssyncpa.u1 $0x1  }
0x5f: {  	[sflag:s31] =	ssyncpa.u1 $0x1  }
0x60: {  	p0 =	sne.s32 s0, $0x0;
	_ =	strace $0x9000004A  }
0x61: {  	s0 =	sadd.s32 @!p0 $0x100000, s1;
	[bflag:$0x2] =	sbarrier.arrive $0xFFFF  }
0x62: {  	[sflag:s0] =	ssyncadd.tile.s32 @!p0 $0x1;
	_ =	shalt  }
.Lfunc_end1:
_tile_overlayer_lowered:
.L_overlay_start_2:
0x63: {  	(tag) =	ssettag $0x2  }
0x64: {  	s0 =	rddreg [dreg:$0x0];
	s2 =	stileid.u32  }
0x65: {  	s1 =	rddreg [dreg:$0x1];
	p0 =	sne.s32 s2, $0x0  }
0x66: {  	s3 =	rddreg [dreg:$0x2];
	[bflag:$0x3] =	sbarrier.arrive $0xFFFF;
	s2 =	simm.s32 @!p0 $0x1C01  }
0x67: {  	[timem:s3], [sflag:s2] =	dma.local @!p0 [hbm:s0], s1  }
0x68: {  	s0 =	simm.s32 @!p0 $0x1  }
0x69: {  	_ =	swait.ge @!p0 [sflag:s0], s1  }
0x6a: {  	s1 =	ssub.s32 @!p0 $0x0, s1;
	[sflag:s0] =	ssyncset.done @!p0 $0x0  }
0x6b: {  	[sflag:s0] =	ssyncadd.s32 @!p0 s1  }
0x6c: {  	[bflag:$0x3] =	sbarrier.arrive $0xFFFF  }
0x6d: {  	_ =	shalt  }

</sc_bundles>
